<compile_context>
chip_gen: v7x
topology: tpu7x:2x2x1
jax: 0.10.2.dev20260603
libtpu: 0.0.44.dev20260713+nightly
codegen_flags: <defaults>
</compile_context>

<pallas_src>
import functools

import jax
import jax.numpy as jnp
from jax import lax
from jax.experimental import pallas as pl
from jax.experimental.pallas import tpu as pltpu
from jax.experimental.pallas import tpu_sc as plsc

N = 10000
D = 128
ND = 10240
DUMMY = 10048
B = 96
NTILES = 32
RPT = ND // 16


def _prep_body(e_total, n, orows, x_ref, w_ref, as_ref, ad_ref, e0_ref,
               e1_ref, h_ref, a0_ref, a1_ref, s_ref, d_ref):
    h = jnp.dot(x_ref[...], w_ref[...], preferred_element_type=jnp.float32)
    h_ref[...] = h
    a0_ref[...] = jnp.dot(h, as_ref[...], preferred_element_type=jnp.float32)
    a1_ref[...] = jnp.dot(h, ad_ref[...], preferred_element_type=jnp.float32)
    g = pl.program_id(0)
    row = lax.broadcasted_iota(jnp.int32, (orows, 128), 0)
    col = lax.broadcasted_iota(jnp.int32, (orows, 128), 1)
    gidx = g * (orows * 128) + row * 128 + col
    lo = gidx - e_total
    s_ref[...] = jnp.where(gidx < e_total, e0_ref[...],
                           jnp.where(lo < n, lo, 0))
    d_ref[...] = jnp.where(gidx < e_total, e1_ref[...],
                           jnp.where(lo < n, lo, DUMMY))


def _fin_body(p_ref, d0_ref, d1_ref, bias_ref, o_ref):
    num = p_ref[0] + p_ref[1]
    den = d0_ref[...] + d1_ref[...]
    o_ref[...] = num / (den + 1e-16) + bias_ref[...]


def _edge_body(nblk, asrc_hbm, adst_hbm, h_hbm, src_hbm, dst_hbm,
               feat_hbm, den0_hbm, den1_hbm,
               asrc_v, adst_v, si0, si1, si2, di0, di1, di2, w0, w1,
               r0, r1, zbuf, acc, den,
               gs0, gs1, ss0, ss1, is0, is1, is2):
    cid = lax.axis_index("c")
    sid = lax.axis_index("s")
    wid = sid * 2 + cid
    si = (si0, si1, si2)
    di = (di0, di1, di2)
    wb = (w0, w1)
    rows = (r0, r1)
    gsem = (gs0, gs1)
    ssem = (ss0, ss1)
    isem = (is0, is1, is2)

    nsrc = asrc_hbm.shape[0]
    pltpu.sync_copy(asrc_hbm, asrc_v.at[pl.ds(0, nsrc)])
    pltpu.sync_copy(adst_hbm, adst_v.at[pl.ds(0, nsrc)])

    def _zrow(j, carry):
        for r in range(D // 16):
            r0[j, pl.ds(r * 16, 16)] = jnp.zeros((16,), jnp.float32)
        return carry
    lax.fori_loop(0, B, _zrow, 0)
    for r in range(RPT // 16 + 1):
        zbuf[pl.ds(r * 16, 16)] = jnp.zeros((16,), jnp.float32)
    off = 0
    while off < RPT:
        nrow = min(B, RPT - off)
        pltpu.sync_copy(r0.at[pl.ds(0, nrow)],
                        acc.at[pl.ds(sid * RPT + off, nrow)])
        off += nrow
    pltpu.sync_copy(zbuf.at[pl.ds(0, RPT)], den.at[pl.ds(sid * RPT, RPT)])
    plsc.subcore_barrier()

    tile_base = wid * nblk * B

    def _issue_idx(b, s3):
        base = tile_base + b * B
        pltpu.async_copy(src_hbm.at[pl.ds(base, B)], si[s3], isem[s3])
        pltpu.async_copy(dst_hbm.at[pl.ds(base, B)], di[s3], isem[s3])

    def _wait_idx(s3):
        pltpu.make_async_copy(src_hbm.at[pl.ds(0, B)], si[s3],
                              isem[s3]).wait()
        pltpu.make_async_copy(dst_hbm.at[pl.ds(0, B)], di[s3],
                              isem[s3]).wait()

    def _compute_w(p2, s3):
        for i in range(B // 16):
            sids = si[s3][pl.ds(i * 16, 16)]
            dids = di[s3][pl.ds(i * 16, 16)]
            al = (plsc.load_gather(asrc_v, [sids])
                  + plsc.load_gather(adst_v, [dids]))
            al = jnp.where(al >= 0.0, al, 0.2 * al)
            wb[p2][pl.ds(i * 16, 16)] = jnp.exp(al)

    def _issue_scatter(p2, s3):
        pltpu.async_copy(rows[p2], acc.at[di[s3]], ssem[p2], add=True)
        pltpu.async_copy(wb[p2].at[pl.ds(0, B)], den.at[di[s3]], ssem[p2],
                         add=True)

    def _drain_scatter(p2, s3):
        pltpu.make_async_copy(rows[p2], acc.at[di[s3]], ssem[p2]).wait()
        pltpu.make_async_copy(wb[p2].at[pl.ds(0, B)], den.at[di[s3]],
                              ssem[p2]).wait()

    _issue_idx(0, 0)
    _issue_idx(1, 1)
    _wait_idx(0)
    pltpu.async_copy(h_hbm.at[si[0]], rows[0], gsem[0])

    nb6 = nblk // 6

    def _outer(b6, carry):
        for k in range(6):
            p2, q2, p3 = k % 2, 1 - k % 2, k % 3
            s_prev = (k + 2) % 3
            s_next = (k + 1) % 3
            b = b6 * 6 + k
            _compute_w(p2, p3)
            if k == 0:
                @pl.when(b6 > 0)
                def _():
                    _drain_scatter(q2, s_prev)
            else:
                _drain_scatter(q2, s_prev)
            if k < 4:
                _issue_idx(b + 2, s_prev)
            else:
                @pl.when(b6 < nb6 - 1)
                def _():
                    _issue_idx(b + 2, s_prev)
            if k < 5:
                _wait_idx(s_next)
                pltpu.async_copy(h_hbm.at[si[s_next]], rows[q2], gsem[q2])
            else:
                @pl.when(b6 < nb6 - 1)
                def _():
                    _wait_idx(s_next)
                    pltpu.async_copy(h_hbm.at[si[s_next]], rows[q2],
                                     gsem[q2])
            pltpu.make_async_copy(h_hbm.at[si[p3]], rows[p2],
                                  gsem[p2]).wait()

            @plsc.parallel_loop(0, B, unroll=8)
            def _(j):
                ws = wb[p2][pl.ds(j, 16)][0]
                for r in range(D // 16):
                    rows[p2][j, pl.ds(r * 16, 16)] = (
                        rows[p2][j, pl.ds(r * 16, 16)] * ws)

            _issue_scatter(p2, p3)
        return carry
    lax.fori_loop(0, nb6, _outer, 0)
    _drain_scatter(1, 2)

    plsc.subcore_barrier()
    pltpu.sync_copy(acc.at[pl.ds(sid * RPT, RPT)],
                    feat_hbm.at[cid, pl.ds(sid * RPT, RPT)])

    @pl.when(cid == 0)
    def _():
        pltpu.sync_copy(den.at[pl.ds(sid * RPT, RPT)],
                        den0_hbm.at[pl.ds(sid * RPT, RPT)])

    @pl.when(cid == 1)
    def _():
        pltpu.sync_copy(den.at[pl.ds(sid * RPT, RPT)],
                        den1_hbm.at[pl.ds(sid * RPT, RPT)])


def kernel(x, edge_index, W, att_src, att_dst, bias):
    n = x.shape[0]
    e = edge_index.shape[1]
    etot = e + n
    nblk = -(-etot // (NTILES * B))
    nblk += (-nblk) % 6
    ep = NTILES * nblk * B

    gprep = 2
    rb = n // gprep
    orows = ep // (gprep * 128)
    erows = e // 128
    e2d0 = edge_index[0].reshape(erows, 128)
    e2d1 = edge_index[1].reshape(erows, 128)
    h, a0, a1, src2d, dst2d = pl.pallas_call(
        functools.partial(_prep_body, e, n, orows),
        grid=(gprep,),
        in_specs=[
            pl.BlockSpec((rb, D), lambda i: (i, 0)),
            pl.BlockSpec((D, D), lambda i: (0, 0)),
            pl.BlockSpec((D, 1), lambda i: (0, 0)),
            pl.BlockSpec((D, 1), lambda i: (0, 0)),
            pl.BlockSpec((orows, 128), lambda i: (i, 0)),
            pl.BlockSpec((orows, 128), lambda i: (i, 0)),
        ],
        out_specs=[
            pl.BlockSpec((rb, D), lambda i: (i, 0)),
            pl.BlockSpec((rb, 1), lambda i: (i, 0)),
            pl.BlockSpec((rb, 1), lambda i: (i, 0)),
            pl.BlockSpec((orows, 128), lambda i: (i, 0)),
            pl.BlockSpec((orows, 128), lambda i: (i, 0)),
        ],
        out_shape=[
            jax.ShapeDtypeStruct((n, D), jnp.float32),
            jax.ShapeDtypeStruct((n, 1), jnp.float32),
            jax.ShapeDtypeStruct((n, 1), jnp.float32),
            jax.ShapeDtypeStruct((ep // 128, 128), jnp.int32),
            jax.ShapeDtypeStruct((ep // 128, 128), jnp.int32),
        ],
    )(x, W, att_src.reshape(D, 1), att_dst.reshape(D, 1), e2d0, e2d1)
    asrc = a0.reshape(n)
    adst = a1.reshape(n)
    src = src2d.reshape(ep)
    dst = dst2d.reshape(ep)

    mesh = plsc.VectorSubcoreMesh(
        core_axis_name="c", subcore_axis_name="s", num_cores=2,
        num_subcores=16)
    feat, den0, den1 = pl.kernel(
        functools.partial(_edge_body, nblk),
        out_type=[
            jax.ShapeDtypeStruct((2, ND, D), jnp.float32),
            jax.ShapeDtypeStruct((ND,), jnp.float32),
            jax.ShapeDtypeStruct((ND,), jnp.float32),
        ],
        mesh=mesh,
        compiler_params=pltpu.CompilerParams(needs_layout_passes=False),
        scratch_types=[
            pltpu.VMEM((ND,), jnp.float32),
            pltpu.VMEM((ND,), jnp.float32),
            pltpu.VMEM((B,), jnp.int32),
            pltpu.VMEM((B,), jnp.int32),
            pltpu.VMEM((B,), jnp.int32),
            pltpu.VMEM((B,), jnp.int32),
            pltpu.VMEM((B,), jnp.int32),
            pltpu.VMEM((B,), jnp.int32),
            pltpu.VMEM((B + 16,), jnp.float32),
            pltpu.VMEM((B + 16,), jnp.float32),
            pltpu.VMEM((B, D), jnp.float32),
            pltpu.VMEM((B, D), jnp.float32),
            pltpu.VMEM((RPT + 16,), jnp.float32),
            pltpu.VMEM_SHARED((ND, D), jnp.float32),
            pltpu.VMEM_SHARED((ND,), jnp.float32),
            pltpu.SemaphoreType.DMA,
            pltpu.SemaphoreType.DMA,
            pltpu.SemaphoreType.DMA,
            pltpu.SemaphoreType.DMA,
            pltpu.SemaphoreType.DMA,
            pltpu.SemaphoreType.DMA,
            pltpu.SemaphoreType.DMA,
        ],
    )(asrc, adst, h, src, dst)

    gfin = 10
    fb = n // gfin
    out = pl.pallas_call(
        _fin_body,
        grid=(gfin,),
        in_specs=[
            pl.BlockSpec((2, fb, D), lambda i: (0, i, 0)),
            pl.BlockSpec((fb, 1), lambda i: (i, 0)),
            pl.BlockSpec((fb, 1), lambda i: (i, 0)),
            pl.BlockSpec((1, D), lambda i: (0, 0)),
        ],
        out_specs=pl.BlockSpec((fb, D), lambda i: (i, 0)),
        out_shape=jax.ShapeDtypeStruct((n, D), jnp.float32),
    )(feat, den0.reshape(ND, 1), den1.reshape(ND, 1), bias.reshape(1, D))
    return out

# --- scband reference (transcript-rebuilt; emitter-appended) ---
"""Pipeline reference for scband-cgat-30270929502514 (READ-ONLY COPY).

The authoritative reference and input builder live on the scoring server;
editing this copy changes nothing except your own understanding.
"""

import jax, jax.numpy as jnp
import numpy as np

N = 10000
E = 320000
DIN = 128
DOUT = 128


def setup_inputs(seed: int = 0) -> dict:
    key = jax.random.key(seed)
    k1, k2, k3, k4, k5 = jax.random.split(key, 5)
    x = jax.random.normal(k1, (N, DIN), dtype=jnp.float32)
    edge_index = jax.random.randint(k2, (2, E), 0, N, dtype=jnp.int32)
    # GATConv parameters (heads=1): lin weight, attention vectors, bias
    W = jax.random.normal(k3, (DIN, DOUT), dtype=jnp.float32) * (1.0 / np.sqrt(DIN))
    att_src = jax.random.normal(k4, (DOUT,), dtype=jnp.float32) * 0.1
    att_dst = jax.random.normal(k5, (DOUT,), dtype=jnp.float32) * 0.1
    bias = jnp.zeros((DOUT,), dtype=jnp.float32)
    return {"x": x, "edge_index": edge_index, "W": W, "att_src": att_src, "att_dst": att_dst, "bias": bias}


def reference(x, edge_index, W, att_src, att_dst, bias):
    n = x.shape[0]
    h = x @ W  # [N, DOUT]
    # add self-loops (PyG GATConv default add_self_loops=True)
    loops = jnp.arange(n, dtype=edge_index.dtype)
    src = jnp.concatenate([edge_index[0], loops])
    dst = jnp.concatenate([edge_index[1], loops])
    # per-node attention logits
    a_src = h @ att_src  # [N]
    a_dst = h @ att_dst  # [N]
    alpha = a_src[src] + a_dst[dst]  # [E+N]
    alpha = jax.nn.leaky_relu(alpha, negative_slope=0.2)
    # segment softmax over incoming edges of each dst node
    m = jax.ops.segment_max(alpha, dst, num_segments=n)
    m = jnp.where(jnp.isfinite(m), m, 0.0)
    e = jnp.exp(alpha - m[dst])
    denom = jax.ops.segment_sum(e, dst, num_segments=n)
    coef = e / (denom[dst] + 1e-16)
    # weighted message aggregation (scatter-add by dst)
    out = jax.ops.segment_sum(h[src] * coef[:, None], dst, num_segments=n)
    return out + bias

if __name__ == "__main__":
    import jax
    _d = setup_inputs()
    print(jax.jit(kernel)(*tuple(_d.values())))

</pallas_src>

<mosaic_0001>
#map = affine_map<(d0, d1) -> (0)>
#map1 = affine_map<(d0, d1) -> (0, 0)>
#map2 = affine_map<(d0, d1) -> (0, 0, 0)>
module attributes {stable_mosaic.version = 14 : i64} {
  func.func @_edge_body(%arg0: i32, %arg1: i32, %arg2: memref<10000xf32, #tpu.memory_space<hbm>>, %arg3: memref<10000xf32, #tpu.memory_space<hbm>>, %arg4: memref<10000x128xf32, #tpu.memory_space<hbm>>, %arg5: memref<331776xi32, #tpu.memory_space<hbm>>, %arg6: memref<331776xi32, #tpu.memory_space<hbm>>, %arg7: memref<2x10240x128xf32, #tpu.memory_space<hbm>>, %arg8: memref<10240xf32, #tpu.memory_space<hbm>>, %arg9: memref<10240xf32, #tpu.memory_space<hbm>>, %arg10: memref<10240xf32, #tpu.memory_space<vmem>>, %arg11: memref<10240xf32, #tpu.memory_space<vmem>>, %arg12: memref<96xi32, #tpu.memory_space<vmem>>, %arg13: memref<96xi32, #tpu.memory_space<vmem>>, %arg14: memref<96xi32, #tpu.memory_space<vmem>>, %arg15: memref<96xi32, #tpu.memory_space<vmem>>, %arg16: memref<96xi32, #tpu.memory_space<vmem>>, %arg17: memref<96xi32, #tpu.memory_space<vmem>>, %arg18: memref<112xf32, #tpu.memory_space<vmem>>, %arg19: memref<112xf32, #tpu.memory_space<vmem>>, %arg20: memref<96x128xf32, #tpu.memory_space<vmem>>, %arg21: memref<96x128xf32, #tpu.memory_space<vmem>>, %arg22: memref<656xf32, #tpu.memory_space<vmem>>, %arg23: memref<10240x128xf32, #tpu.memory_space<vmem_shared>>, %arg24: memref<10240xf32, #tpu.memory_space<vmem_shared>>, %arg25: memref<!tpu.dma_semaphore, #tpu.memory_space<semaphore_mem>>, %arg26: memref<!tpu.dma_semaphore, #tpu.memory_space<semaphore_mem>>, %arg27: memref<!tpu.dma_semaphore, #tpu.memory_space<semaphore_mem>>, %arg28: memref<!tpu.dma_semaphore, #tpu.memory_space<semaphore_mem>>, %arg29: memref<!tpu.dma_semaphore, #tpu.memory_space<semaphore_mem>>, %arg30: memref<!tpu.dma_semaphore, #tpu.memory_space<semaphore_mem>>, %arg31: memref<!tpu.dma_semaphore, #tpu.memory_space<semaphore_mem>>) attributes {dimension_semantics = [#tpu.dimension_semantics<core_parallel>, #tpu.dimension_semantics<subcore_parallel>], iteration_bounds = array<i64: 2, 16>, scalar_prefetch = 0 : i64, scratch_operands = 22 : i64, tpu.core_type = #tpu.core_type<sc_vector_subcore>, window_params = [{transform_indices = #map}, {transform_indices = #map}, {transform_indices = #map1}, {transform_indices = #map}, {transform_indices = #map}, {transform_indices = #map2}, {transform_indices = #map}, {transform_indices = #map}]} {
    %mul3A = arith.constant 2 : i32
    %mul3A_0 = arith.muli %arg1, %mul3A : i32
    %add3A = arith.addi %mul3A_0, %arg0 : i32
    "tpu.region"() ({
      %run_scoped3A = tpu.sem_alloc : memref<!tpu.dma_semaphore, #tpu.memory_space<semaphore_mem>>
      %dma_start3A_248 = arith.constant 0 : i32
      %dma_start3A_249 = tpu.memref_slice %arg10[%dma_start3A_248] : memref<10240xf32, #tpu.memory_space<vmem>> -> memref<10000xf32, #tpu.memory_space<vmem>>
      %dma_start3A_250 = arith.constant 0 : i32
      %dma_start3A_251 = tpu.memref_slice %arg10[%dma_start3A_250] : memref<10240xf32, #tpu.memory_space<vmem>> -> memref<10000xf32, #tpu.memory_space<vmem>>
      tpu.enqueue_dma source(%arg2 : memref<10000xf32, #tpu.memory_space<hbm>>) target(%dma_start3A_251 : memref<10000xf32, #tpu.memory_space<vmem>>) target_semaphore(%run_scoped3A : memref<!tpu.dma_semaphore, #tpu.memory_space<semaphore_mem>>)
      %dma_wait3A_252 = arith.constant 0 : i32
      %dma_wait3A_253 = tpu.memref_slice %arg10[%dma_wait3A_252] : memref<10240xf32, #tpu.memory_space<vmem>> -> memref<10000xf32, #tpu.memory_space<vmem>>
      %dma_wait3A_254 = arith.constant 0 : i32
      %dma_wait3A_255 = tpu.memref_slice %arg10[%dma_wait3A_254] : memref<10240xf32, #tpu.memory_space<vmem>> -> memref<10000xf32, #tpu.memory_space<vmem>>
      tpu.wait_dma2 semaphore(%run_scoped3A : memref<!tpu.dma_semaphore, #tpu.memory_space<semaphore_mem>>) src(%arg2 : memref<10000xf32, #tpu.memory_space<hbm>>) dst(%dma_wait3A_255 : memref<10000xf32, #tpu.memory_space<vmem>>)
      tpu.yield
    }) : () -> ()
    "tpu.region"() ({
      %run_scoped3A = tpu.sem_alloc : memref<!tpu.dma_semaphore, #tpu.memory_space<semaphore_mem>>
      %dma_start3A_248 = arith.constant 0 : i32
      %dma_start3A_249 = tpu.memref_slice %arg11[%dma_start3A_248] : memref<10240xf32, #tpu.memory_space<vmem>> -> memref<10000xf32, #tpu.memory_space<vmem>>
      %dma_start3A_250 = arith.constant 0 : i32
      %dma_start3A_251 = tpu.memref_slice %arg11[%dma_start3A_250] : memref<10240xf32, #tpu.memory_space<vmem>> -> memref<10000xf32, #tpu.memory_space<vmem>>
      tpu.enqueue_dma source(%arg3 : memref<10000xf32, #tpu.memory_space<hbm>>) target(%dma_start3A_251 : memref<10000xf32, #tpu.memory_space<vmem>>) target_semaphore(%run_scoped3A : memref<!tpu.dma_semaphore, #tpu.memory_space<semaphore_mem>>)
      %dma_wait3A_252 = arith.constant 0 : i32
      %dma_wait3A_253 = tpu.memref_slice %arg11[%dma_wait3A_252] : memref<10240xf32, #tpu.memory_space<vmem>> -> memref<10000xf32, #tpu.memory_space<vmem>>
      %dma_wait3A_254 = arith.constant 0 : i32
      %dma_wait3A_255 = tpu.memref_slice %arg11[%dma_wait3A_254] : memref<10240xf32, #tpu.memory_space<vmem>> -> memref<10000xf32, #tpu.memory_space<vmem>>
      tpu.wait_dma2 semaphore(%run_scoped3A : memref<!tpu.dma_semaphore, #tpu.memory_space<semaphore_mem>>) src(%arg3 : memref<10000xf32, #tpu.memory_space<hbm>>) dst(%dma_wait3A_255 : memref<10000xf32, #tpu.memory_space<vmem>>)
      tpu.yield
    }) : () -> ()
    %scan3A = arith.constant 0 : i32
    %scan3A_1 = arith.constant 0 : i32
    %scan3A_2 = arith.constant 96 : i32
    %scan3A_3 = arith.addi %scan3A_1, %scan3A_2 : i32
    %scan3A_4 = arith.constant 1 : i32
    scf.for %scan3A_248 = %scan3A_1 to %scan3A_3 step %scan3A_4  : i32 {
      %broadcast_in_dim3A_249 = arith.constant 0.000000e+00 : f32
      %broadcast_in_dim3A_250 = vector.broadcast %broadcast_in_dim3A_249 : f32 to vector<16xf32>
      %swap3A_251 = arith.index_cast %scan3A_248 : i32 to index
      %swap3A_252 = arith.constant 0 : index
      %swap3A_253 = tpu.vector_load %arg20[%swap3A_251, %swap3A_252] {strides = array<i32>} : memref<96x128xf32, #tpu.memory_space<vmem>>, vector<16xf32>,
      tpu.vector_store %arg20[%swap3A_251, %swap3A_252], %broadcast_in_dim3A_250 {strides = array<i32>} : memref<96x128xf32, #tpu.memory_space<vmem>>, vector<16xf32>,
      %broadcast_in_dim3A_254 = arith.constant 0.000000e+00 : f32
      %broadcast_in_dim3A_255 = vector.broadcast %broadcast_in_dim3A_254 : f32 to vector<16xf32>
      %swap3A_256 = arith.index_cast %scan3A_248 : i32 to index
      %swap3A_257 = arith.constant 16 : index
      %swap3A_258 = tpu.vector_load %arg20[%swap3A_256, %swap3A_257] {strides = array<i32>} : memref<96x128xf32, #tpu.memory_space<vmem>>, vector<16xf32>,
      tpu.vector_store %arg20[%swap3A_256, %swap3A_257], %broadcast_in_dim3A_255 {strides = array<i32>} : memref<96x128xf32, #tpu.memory_space<vmem>>, vector<16xf32>,
      %broadcast_in_dim3A_259 = arith.constant 0.000000e+00 : f32
      %broadcast_in_dim3A_260 = vector.broadcast %broadcast_in_dim3A_259 : f32 to vector<16xf32>
      %swap3A_261 = arith.index_cast %scan3A_248 : i32 to index
      %swap3A_262 = arith.constant 32 : index
      %swap3A_263 = tpu.vector_load %arg20[%swap3A_261, %swap3A_262] {strides = array<i32>} : memref<96x128xf32, #tpu.memory_space<vmem>>, vector<16xf32>,
      tpu.vector_store %arg20[%swap3A_261, %swap3A_262], %broadcast_in_dim3A_260 {strides = array<i32>} : memref<96x128xf32, #tpu.memory_space<vmem>>, vector<16xf32>,
      %broadcast_in_dim3A_264 = arith.constant 0.000000e+00 : f32
      %broadcast_in_dim3A_265 = vector.broadcast %broadcast_in_dim3A_264 : f32 to vector<16xf32>
      %swap3A_266 = arith.index_cast %scan3A_248 : i32 to index
      %swap3A_267 = arith.constant 48 : index
      %swap3A_268 = tpu.vector_load %arg20[%swap3A_266, %swap3A_267] {strides = array<i32>} : memref<96x128xf32, #tpu.memory_space<vmem>>, vector<16xf32>,
      tpu.vector_store %arg20[%swap3A_266, %swap3A_267], %broadcast_in_dim3A_265 {strides = array<i32>} : memref<96x128xf32, #tpu.memory_space<vmem>>, vector<16xf32>,
      %broadcast_in_dim3A_269 = arith.constant 0.000000e+00 : f32
      %broadcast_in_dim3A_270 = vector.broadcast %broadcast_in_dim3A_269 : f32 to vector<16xf32>
      %swap3A_271 = arith.index_cast %scan3A_248 : i32 to index
      %swap3A_272 = arith.constant 64 : index
      %swap3A_273 = tpu.vector_load %arg20[%swap3A_271, %swap3A_272] {strides = array<i32>} : memref<96x128xf32, #tpu.memory_space<vmem>>, vector<16xf32>,
      tpu.vector_store %arg20[%swap3A_271, %swap3A_272], %broadcast_in_dim3A_270 {strides = array<i32>} : memref<96x128xf32, #tpu.memory_space<vmem>>, vector<16xf32>,
      %broadcast_in_dim3A_274 = arith.constant 0.000000e+00 : f32
      %broadcast_in_dim3A_275 = vector.broadcast %broadcast_in_dim3A_274 : f32 to vector<16xf32>
      %swap3A_276 = arith.index_cast %scan3A_248 : i32 to index
      %swap3A_277 = arith.constant 80 : index
      %swap3A_278 = tpu.vector_load %arg20[%swap3A_276, %swap3A_277] {strides = array<i32>} : memref<96x128xf32, #tpu.memory_space<vmem>>, vector<16xf32>,
      tpu.vector_store %arg20[%swap3A_276, %swap3A_277], %broadcast_in_dim3A_275 {strides = array<i32>} : memref<96x128xf32, #tpu.memory_space<vmem>>, vector<16xf32>,
      %broadcast_in_dim3A_279 = arith.constant 0.000000e+00 : f32
      %broadcast_in_dim3A_280 = vector.broadcast %broadcast_in_dim3A_279 : f32 to vector<16xf32>
      %swap3A_281 = arith.index_cast %scan3A_248 : i32 to index
      %swap3A_282 = arith.constant 96 : index
      %swap3A_283 = tpu.vector_load %arg20[%swap3A_281, %swap3A_282] {strides = array<i32>} : memref<96x128xf32, #tpu.memory_space<vmem>>, vector<16xf32>,
      tpu.vector_store %arg20[%swap3A_281, %swap3A_282], %broadcast_in_dim3A_280 {strides = array<i32>} : memref<96x128xf32, #tpu.memory_space<vmem>>, vector<16xf32>,
      %broadcast_in_dim3A_284 = arith.constant 0.000000e+00 : f32
      %broadcast_in_dim3A_285 = vector.broadcast %broadcast_in_dim3A_284 : f32 to vector<16xf32>
      %swap3A_286 = arith.index_cast %scan3A_248 : i32 to index
      %swap3A_287 = arith.constant 112 : index
      %swap3A_288 = tpu.vector_load %arg20[%swap3A_286, %swap3A_287] {strides = array<i32>} : memref<96x128xf32, #tpu.memory_space<vmem>>, vector<16xf32>,
      tpu.vector_store %arg20[%swap3A_286, %swap3A_287], %broadcast_in_dim3A_285 {strides = array<i32>} : memref<96x128xf32, #tpu.memory_space<vmem>>, vector<16xf32>,
    }
    %scan3A_5 = arith.constant 96 : i32
    %broadcast_in_dim3A = arith.constant 0.000000e+00 : f32
    %broadcast_in_dim3A_6 = vector.broadcast %broadcast_in_dim3A : f32 to vector<16xf32>
    %swap3A = arith.constant 0 : index
    %swap3A_7 = tpu.vector_load %arg22[%swap3A] {strides = array<i32>} : memref<656xf32, #tpu.memory_space<vmem>>, vector<16xf32>,
    tpu.vector_store %arg22[%swap3A], %broadcast_in_dim3A_6 {strides = array<i32>} : memref<656xf32, #tpu.memory_space<vmem>>, vector<16xf32>,
    %broadcast_in_dim3A_8 = arith.constant 0.000000e+00 : f32
    %broadcast_in_dim3A_9 = vector.broadcast %broadcast_in_dim3A_8 : f32 to vector<16xf32>
    %swap3A_10 = arith.constant 16 : index
    %swap3A_11 = tpu.vector_load %arg22[%swap3A_10] {strides = array<i32>} : memref<656xf32, #tpu.memory_space<vmem>>, vector<16xf32>,
    tpu.vector_store %arg22[%swap3A_10], %broadcast_in_dim3A_9 {strides = array<i32>} : memref<656xf32, #tpu.memory_space<vmem>>, vector<16xf32>,
    %broadcast_in_dim3A_12 = arith.constant 0.000000e+00 : f32
    %broadcast_in_dim3A_13 = vector.broadcast %broadcast_in_dim3A_12 : f32 to vector<16xf32>
    %swap3A_14 = arith.constant 32 : index
    %swap3A_15 = tpu.vector_load %arg22[%swap3A_14] {strides = array<i32>} : memref<656xf32, #tpu.memory_space<vmem>>, vector<16xf32>,
    tpu.vector_store %arg22[%swap3A_14], %broadcast_in_dim3A_13 {strides = array<i32>} : memref<656xf32, #tpu.memory_space<vmem>>, vector<16xf32>,
    %broadcast_in_dim3A_16 = arith.constant 0.000000e+00 : f32
    %broadcast_in_dim3A_17 = vector.broadcast %broadcast_in_dim3A_16 : f32 to vector<16xf32>
    %swap3A_18 = arith.constant 48 : index
    %swap3A_19 = tpu.vector_load %arg22[%swap3A_18] {strides = array<i32>} : memref<656xf32, #tpu.memory_space<vmem>>, vector<16xf32>,
    tpu.vector_store %arg22[%swap3A_18], %broadcast_in_dim3A_17 {strides = array<i32>} : memref<656xf32, #tpu.memory_space<vmem>>, vector<16xf32>,
    %broadcast_in_dim3A_20 = arith.constant 0.000000e+00 : f32
    %broadcast_in_dim3A_21 = vector.broadcast %broadcast_in_dim3A_20 : f32 to vector<16xf32>
    %swap3A_22 = arith.constant 64 : index
    %swap3A_23 = tpu.vector_load %arg22[%swap3A_22] {strides = array<i32>} : memref<656xf32, #tpu.memory_space<vmem>>, vector<16xf32>,
    tpu.vector_store %arg22[%swap3A_22], %broadcast_in_dim3A_21 {strides = array<i32>} : memref<656xf32, #tpu.memory_space<vmem>>, vector<16xf32>,
    %broadcast_in_dim3A_24 = arith.constant 0.000000e+00 : f32
    %broadcast_in_dim3A_25 = vector.broadcast %broadcast_in_dim3A_24 : f32 to vector<16xf32>
    %swap3A_26 = arith.constant 80 : index
    %swap3A_27 = tpu.vector_load %arg22[%swap3A_26] {strides = array<i32>} : memref<656xf32, #tpu.memory_space<vmem>>, vector<16xf32>,
    tpu.vector_store %arg22[%swap3A_26], %broadcast_in_dim3A_25 {strides = array<i32>} : memref<656xf32, #tpu.memory_space<vmem>>, vector<16xf32>,
    %broadcast_in_dim3A_28 = arith.constant 0.000000e+00 : f32
    %broadcast_in_dim3A_29 = vector.broadcast %broadcast_in_dim3A_28 : f32 to vector<16xf32>
    %swap3A_30 = arith.constant 96 : index
    %swap3A_31 = tpu.vector_load %arg22[%swap3A_30] {strides = array<i32>} : memref<656xf32, #tpu.memory_space<vmem>>, vector<16xf32>,
    tpu.vector_store %arg22[%swap3A_30], %broadcast_in_dim3A_29 {strides = array<i32>} : memref<656xf32, #tpu.memory_space<vmem>>, vector<16xf32>,
    %broadcast_in_dim3A_32 = arith.constant 0.000000e+00 : f32
    %broadcast_in_dim3A_33 = vector.broadcast %broadcast_in_dim3A_32 : f32 to vector<16xf32>
    %swap3A_34 = arith.constant 112 : index
    %swap3A_35 = tpu.vector_load %arg22[%swap3A_34] {strides = array<i32>} : memref<656xf32, #tpu.memory_space<vmem>>, vector<16xf32>,
    tpu.vector_store %arg22[%swap3A_34], %broadcast_in_dim3A_33 {strides = array<i32>} : memref<656xf32, #tpu.memory_space<vmem>>, vector<16xf32>,
    %broadcast_in_dim3A_36 = arith.constant 0.000000e+00 : f32
    %broadcast_in_dim3A_37 = vector.broadcast %broadcast_in_dim3A_36 : f32 to vector<16xf32>
    %swap3A_38 = arith.constant 128 : index
    %swap3A_39 = tpu.vector_load %arg22[%swap3A_38] {strides = array<i32>} : memref<656xf32, #tpu.memory_space<vmem>>, vector<16xf32>,
    tpu.vector_store %arg22[%swap3A_38], %broadcast_in_dim3A_37 {strides = array<i32>} : memref<656xf32, #tpu.memory_space<vmem>>, vector<16xf32>,
    %broadcast_in_dim3A_40 = arith.constant 0.000000e+00 : f32
    %broadcast_in_dim3A_41 = vector.broadcast %broadcast_in_dim3A_40 : f32 to vector<16xf32>
    %swap3A_42 = arith.constant 144 : index
    %swap3A_43 = tpu.vector_load %arg22[%swap3A_42] {strides = array<i32>} : memref<656xf32, #tpu.memory_space<vmem>>, vector<16xf32>,
    tpu.vector_store %arg22[%swap3A_42], %broadcast_in_dim3A_41 {strides = array<i32>} : memref<656xf32, #tpu.memory_space<vmem>>, vector<16xf32>,
    %broadcast_in_dim3A_44 = arith.constant 0.000000e+00 : f32
    %broadcast_in_dim3A_45 = vector.broadcast %broadcast_in_dim3A_44 : f32 to vector<16xf32>
    %swap3A_46 = arith.constant 160 : index
    %swap3A_47 = tpu.vector_load %arg22[%swap3A_46] {strides = array<i32>} : memref<656xf32, #tpu.memory_space<vmem>>, vector<16xf32>,
    tpu.vector_store %arg22[%swap3A_46], %broadcast_in_dim3A_45 {strides = array<i32>} : memref<656xf32, #tpu.memory_space<vmem>>, vector<16xf32>,
    %broadcast_in_dim3A_48 = arith.constant 0.000000e+00 : f32
    %broadcast_in_dim3A_49 = vector.broadcast %broadcast_in_dim3A_48 : f32 to vector<16xf32>
    %swap3A_50 = arith.constant 176 : index
    %swap3A_51 = tpu.vector_load %arg22[%swap3A_50] {strides = array<i32>} : memref<656xf32, #tpu.memory_space<vmem>>, vector<16xf32>,
    tpu.vector_store %arg22[%swap3A_50], %broadcast_in_dim3A_49 {strides = array<i32>} : memref<656xf32, #tpu.memory_space<vmem>>, vector<16xf32>,
    %broadcast_in_dim3A_52 = arith.constant 0.000000e+00 : f32
    %broadcast_in_dim3A_53 = vector.broadcast %broadcast_in_dim3A_52 : f32 to vector<16xf32>
    %swap3A_54 = arith.constant 192 : index
    %swap3A_55 = tpu.vector_load %arg22[%swap3A_54] {strides = array<i32>} : memref<656xf32, #tpu.memory_space<vmem>>, vector<16xf32>,
    tpu.vector_store %arg22[%swap3A_54], %broadcast_in_dim3A_53 {strides = array<i32>} : memref<656xf32, #tpu.memory_space<vmem>>, vector<16xf32>,
    %broadcast_in_dim3A_56 = arith.constant 0.000000e+00 : f32
    %broadcast_in_dim3A_57 = vector.broadcast %broadcast_in_dim3A_56 : f32 to vector<16xf32>
    %swap3A_58 = arith.constant 208 : index
    %swap3A_59 = tpu.vector_load %arg22[%swap3A_58] {strides = array<i32>} : memref<656xf32, #tpu.memory_space<vmem>>, vector<16xf32>,
    tpu.vector_store %arg22[%swap3A_58], %broadcast_in_dim3A_57 {strides = array<i32>} : memref<656xf32, #tpu.memory_space<vmem>>, vector<16xf32>,
    %broadcast_in_dim3A_60 = arith.constant 0.000000e+00 : f32
    %broadcast_in_dim3A_61 = vector.broadcast %broadcast_in_dim3A_60 : f32 to vector<16xf32>
    %swap3A_62 = arith.constant 224 : index
    %swap3A_63 = tpu.vector_load %arg22[%swap3A_62] {strides = array<i32>} : memref<656xf32, #tpu.memory_space<vmem>>, vector<16xf32>,
    tpu.vector_store %arg22[%swap3A_62], %broadcast_in_dim3A_61 {strides = array<i32>} : memref<656xf32, #tpu.memory_space<vmem>>, vector<16xf32>,
    %broadcast_in_dim3A_64 = arith.constant 0.000000e+00 : f32
    %broadcast_in_dim3A_65 = vector.broadcast %broadcast_in_dim3A_64 : f32 to vector<16xf32>
    %swap3A_66 = arith.constant 240 : index
    %swap3A_67 = tpu.vector_load %arg22[%swap3A_66] {strides = array<i32>} : memref<656xf32, #tpu.memory_space<vmem>>, vector<16xf32>,
    tpu.vector_store %arg22[%swap3A_66], %broadcast_in_dim3A_65 {strides = array<i32>} : memref<656xf32, #tpu.memory_space<vmem>>, vector<16xf32>,
    %broadcast_in_dim3A_68 = arith.constant 0.000000e+00 : f32
    %broadcast_in_dim3A_69 = vector.broadcast %broadcast_in_dim3A_68 : f32 to vector<16xf32>
    %swap3A_70 = arith.constant 256 : index
    %swap3A_71 = tpu.vector_load %arg22[%swap3A_70] {strides = array<i32>} : memref<656xf32, #tpu.memory_space<vmem>>, vector<16xf32>,
    tpu.vector_store %arg22[%swap3A_70], %broadcast_in_dim3A_69 {strides = array<i32>} : memref<656xf32, #tpu.memory_space<vmem>>, vector<16xf32>,
    %broadcast_in_dim3A_72 = arith.constant 0.000000e+00 : f32
    %broadcast_in_dim3A_73 = vector.broadcast %broadcast_in_dim3A_72 : f32 to vector<16xf32>
    %swap3A_74 = arith.constant 272 : index
    %swap3A_75 = tpu.vector_load %arg22[%swap3A_74] {strides = array<i32>} : memref<656xf32, #tpu.memory_space<vmem>>, vector<16xf32>,
    tpu.vector_store %arg22[%swap3A_74], %broadcast_in_dim3A_73 {strides = array<i32>} : memref<656xf32, #tpu.memory_space<vmem>>, vector<16xf32>,
    %broadcast_in_dim3A_76 = arith.constant 0.000000e+00 : f32
    %broadcast_in_dim3A_77 = vector.broadcast %broadcast_in_dim3A_76 : f32 to vector<16xf32>
    %swap3A_78 = arith.constant 288 : index
    %swap3A_79 = tpu.vector_load %arg22[%swap3A_78] {strides = array<i32>} : memref<656xf32, #tpu.memory_space<vmem>>, vector<16xf32>,
    tpu.vector_store %arg22[%swap3A_78], %broadcast_in_dim3A_77 {strides = array<i32>} : memref<656xf32, #tpu.memory_space<vmem>>, vector<16xf32>,
    %broadcast_in_dim3A_80 = arith.constant 0.000000e+00 : f32
    %broadcast_in_dim3A_81 = vector.broadcast %broadcast_in_dim3A_80 : f32 to vector<16xf32>
    %swap3A_82 = arith.constant 304 : index
    %swap3A_83 = tpu.vector_load %arg22[%swap3A_82] {strides = array<i32>} : memref<656xf32, #tpu.memory_space<vmem>>, vector<16xf32>,
    tpu.vector_store %arg22[%swap3A_82], %broadcast_in_dim3A_81 {strides = array<i32>} : memref<656xf32, #tpu.memory_space<vmem>>, vector<16xf32>,
    %broadcast_in_dim3A_84 = arith.constant 0.000000e+00 : f32
    %broadcast_in_dim3A_85 = vector.broadcast %broadcast_in_dim3A_84 : f32 to vector<16xf32>
    %swap3A_86 = arith.constant 320 : index
    %swap3A_87 = tpu.vector_load %arg22[%swap3A_86] {strides = array<i32>} : memref<656xf32, #tpu.memory_space<vmem>>, vector<16xf32>,
    tpu.vector_store %arg22[%swap3A_86], %broadcast_in_dim3A_85 {strides = array<i32>} : memref<656xf32, #tpu.memory_space<vmem>>, vector<16xf32>,
    %broadcast_in_dim3A_88 = arith.constant 0.000000e+00 : f32
    %broadcast_in_dim3A_89 = vector.broadcast %broadcast_in_dim3A_88 : f32 to vector<16xf32>
    %swap3A_90 = arith.constant 336 : index
    %swap3A_91 = tpu.vector_load %arg22[%swap3A_90] {strides = array<i32>} : memref<656xf32, #tpu.memory_space<vmem>>, vector<16xf32>,
    tpu.vector_store %arg22[%swap3A_90], %broadcast_in_dim3A_89 {strides = array<i32>} : memref<656xf32, #tpu.memory_space<vmem>>, vector<16xf32>,
    %broadcast_in_dim3A_92 = arith.constant 0.000000e+00 : f32
    %broadcast_in_dim3A_93 = vector.broadcast %broadcast_in_dim3A_92 : f32 to vector<16xf32>
    %swap3A_94 = arith.constant 352 : index
    %swap3A_95 = tpu.vector_load %arg22[%swap3A_94] {strides = array<i32>} : memref<656xf32, #tpu.memory_space<vmem>>, vector<16xf32>,
    tpu.vector_store %arg22[%swap3A_94], %broadcast_in_dim3A_93 {strides = array<i32>} : memref<656xf32, #tpu.memory_space<vmem>>, vector<16xf32>,
    %broadcast_in_dim3A_96 = arith.constant 0.000000e+00 : f32
    %broadcast_in_dim3A_97 = vector.broadcast %broadcast_in_dim3A_96 : f32 to vector<16xf32>
    %swap3A_98 = arith.constant 368 : index
    %swap3A_99 = tpu.vector_load %arg22[%swap3A_98] {strides = array<i32>} : memref<656xf32, #tpu.memory_space<vmem>>, vector<16xf32>,
    tpu.vector_store %arg22[%swap3A_98], %broadcast_in_dim3A_97 {strides = array<i32>} : memref<656xf32, #tpu.memory_space<vmem>>, vector<16xf32>,
    %broadcast_in_dim3A_100 = arith.constant 0.000000e+00 : f32
    %broadcast_in_dim3A_101 = vector.broadcast %broadcast_in_dim3A_100 : f32 to vector<16xf32>
    %swap3A_102 = arith.constant 384 : index
    %swap3A_103 = tpu.vector_load %arg22[%swap3A_102] {strides = array<i32>} : memref<656xf32, #tpu.memory_space<vmem>>, vector<16xf32>,
    tpu.vector_store %arg22[%swap3A_102], %broadcast_in_dim3A_101 {strides = array<i32>} : memref<656xf32, #tpu.memory_space<vmem>>, vector<16xf32>,
    %broadcast_in_dim3A_104 = arith.constant 0.000000e+00 : f32
    %broadcast_in_dim3A_105 = vector.broadcast %broadcast_in_dim3A_104 : f32 to vector<16xf32>
    %swap3A_106 = arith.constant 400 : index
    %swap3A_107 = tpu.vector_load %arg22[%swap3A_106] {strides = array<i32>} : memref<656xf32, #tpu.memory_space<vmem>>, vector<16xf32>,
    tpu.vector_store %arg22[%swap3A_106], %broadcast_in_dim3A_105 {strides = array<i32>} : memref<656xf32, #tpu.memory_space<vmem>>, vector<16xf32>,
    %broadcast_in_dim3A_108 = arith.constant 0.000000e+00 : f32
    %broadcast_in_dim3A_109 = vector.broadcast %broadcast_in_dim3A_108 : f32 to vector<16xf32>
    %swap3A_110 = arith.constant 416 : index
    %swap3A_111 = tpu.vector_load %arg22[%swap3A_110] {strides = array<i32>} : memref<656xf32, #tpu.memory_space<vmem>>, vector<16xf32>,
    tpu.vector_store %arg22[%swap3A_110], %broadcast_in_dim3A_109 {strides = array<i32>} : memref<656xf32, #tpu.memory_space<vmem>>, vector<16xf32>,
    %broadcast_in_dim3A_112 = arith.constant 0.000000e+00 : f32
    %broadcast_in_dim3A_113 = vector.broadcast %broadcast_in_dim3A_112 : f32 to vector<16xf32>
    %swap3A_114 = arith.constant 432 : index
    %swap3A_115 = tpu.vector_load %arg22[%swap3A_114] {strides = array<i32>} : memref<656xf32, #tpu.memory_space<vmem>>, vector<16xf32>,
    tpu.vector_store %arg22[%swap3A_114], %broadcast_in_dim3A_113 {strides = array<i32>} : memref<656xf32, #tpu.memory_space<vmem>>, vector<16xf32>,
    %broadcast_in_dim3A_116 = arith.constant 0.000000e+00 : f32
    %broadcast_in_dim3A_117 = vector.broadcast %broadcast_in_dim3A_116 : f32 to vector<16xf32>
    %swap3A_118 = arith.constant 448 : index
    %swap3A_119 = tpu.vector_load %arg22[%swap3A_118] {strides = array<i32>} : memref<656xf32, #tpu.memory_space<vmem>>, vector<16xf32>,
    tpu.vector_store %arg22[%swap3A_118], %broadcast_in_dim3A_117 {strides = array<i32>} : memref<656xf32, #tpu.memory_space<vmem>>, vector<16xf32>,
    %broadcast_in_dim3A_120 = arith.constant 0.000000e+00 : f32
    %broadcast_in_dim3A_121 = vector.broadcast %broadcast_in_dim3A_120 : f32 to vector<16xf32>
    %swap3A_122 = arith.constant 464 : index
    %swap3A_123 = tpu.vector_load %arg22[%swap3A_122] {strides = array<i32>} : memref<656xf32, #tpu.memory_space<vmem>>, vector<16xf32>,
    tpu.vector_store %arg22[%swap3A_122], %broadcast_in_dim3A_121 {strides = array<i32>} : memref<656xf32, #tpu.memory_space<vmem>>, vector<16xf32>,
    %broadcast_in_dim3A_124 = arith.constant 0.000000e+00 : f32
    %broadcast_in_dim3A_125 = vector.broadcast %broadcast_in_dim3A_124 : f32 to vector<16xf32>
    %swap3A_126 = arith.constant 480 : index
    %swap3A_127 = tpu.vector_load %arg22[%swap3A_126] {strides = array<i32>} : memref<656xf32, #tpu.memory_space<vmem>>, vector<16xf32>,
    tpu.vector_store %arg22[%swap3A_126], %broadcast_in_dim3A_125 {strides = array<i32>} : memref<656xf32, #tpu.memory_space<vmem>>, vector<16xf32>,
    %broadcast_in_dim3A_128 = arith.constant 0.000000e+00 : f32
    %broadcast_in_dim3A_129 = vector.broadcast %broadcast_in_dim3A_128 : f32 to vector<16xf32>
    %swap3A_130 = arith.constant 496 : index
    %swap3A_131 = tpu.vector_load %arg22[%swap3A_130] {strides = array<i32>} : memref<656xf32, #tpu.memory_space<vmem>>, vector<16xf32>,
    tpu.vector_store %arg22[%swap3A_130], %broadcast_in_dim3A_129 {strides = array<i32>} : memref<656xf32, #tpu.memory_space<vmem>>, vector<16xf32>,
    %broadcast_in_dim3A_132 = arith.constant 0.000000e+00 : f32
    %broadcast_in_dim3A_133 = vector.broadcast %broadcast_in_dim3A_132 : f32 to vector<16xf32>
    %swap3A_134 = arith.constant 512 : index
    %swap3A_135 = tpu.vector_load %arg22[%swap3A_134] {strides = array<i32>} : memref<656xf32, #tpu.memory_space<vmem>>, vector<16xf32>,
    tpu.vector_store %arg22[%swap3A_134], %broadcast_in_dim3A_133 {strides = array<i32>} : memref<656xf32, #tpu.memory_space<vmem>>, vector<16xf32>,
    %broadcast_in_dim3A_136 = arith.constant 0.000000e+00 : f32
    %broadcast_in_dim3A_137 = vector.broadcast %broadcast_in_dim3A_136 : f32 to vector<16xf32>
    %swap3A_138 = arith.constant 528 : index
    %swap3A_139 = tpu.vector_load %arg22[%swap3A_138] {strides = array<i32>} : memref<656xf32, #tpu.memory_space<vmem>>, vector<16xf32>,
    tpu.vector_store %arg22[%swap3A_138], %broadcast_in_dim3A_137 {strides = array<i32>} : memref<656xf32, #tpu.memory_space<vmem>>, vector<16xf32>,
    %broadcast_in_dim3A_140 = arith.constant 0.000000e+00 : f32
    %broadcast_in_dim3A_141 = vector.broadcast %broadcast_in_dim3A_140 : f32 to vector<16xf32>
    %swap3A_142 = arith.constant 544 : index
    %swap3A_143 = tpu.vector_load %arg22[%swap3A_142] {strides = array<i32>} : memref<656xf32, #tpu.memory_space<vmem>>, vector<16xf32>,
    tpu.vector_store %arg22[%swap3A_142], %broadcast_in_dim3A_141 {strides = array<i32>} : memref<656xf32, #tpu.memory_space<vmem>>, vector<16xf32>,
    %broadcast_in_dim3A_144 = arith.constant 0.000000e+00 : f32
    %broadcast_in_dim3A_145 = vector.broadcast %broadcast_in_dim3A_144 : f32 to vector<16xf32>
    %swap3A_146 = arith.constant 560 : index
    %swap3A_147 = tpu.vector_load %arg22[%swap3A_146] {strides = array<i32>} : memref<656xf32, #tpu.memory_space<vmem>>, vector<16xf32>,
    tpu.vector_store %arg22[%swap3A_146], %broadcast_in_dim3A_145 {strides = array<i32>} : memref<656xf32, #tpu.memory_space<vmem>>, vector<16xf32>,
    %broadcast_in_dim3A_148 = arith.constant 0.000000e+00 : f32
    %broadcast_in_dim3A_149 = vector.broadcast %broadcast_in_dim3A_148 : f32 to vector<16xf32>
    %swap3A_150 = arith.constant 576 : index
    %swap3A_151 = tpu.vector_load %arg22[%swap3A_150] {strides = array<i32>} : memref<656xf32, #tpu.memory_space<vmem>>, vector<16xf32>,
    tpu.vector_store %arg22[%swap3A_150], %broadcast_in_dim3A_149 {strides = array<i32>} : memref<656xf32, #tpu.memory_space<vmem>>, vector<16xf32>,
    %broadcast_in_dim3A_152 = arith.constant 0.000000e+00 : f32
    %broadcast_in_dim3A_153 = vector.broadcast %broadcast_in_dim3A_152 : f32 to vector<16xf32>
    %swap3A_154 = arith.constant 592 : index
    %swap3A_155 = tpu.vector_load %arg22[%swap3A_154] {strides = array<i32>} : memref<656xf32, #tpu.memory_space<vmem>>, vector<16xf32>,
    tpu.vector_store %arg22[%swap3A_154], %broadcast_in_dim3A_153 {strides = array<i32>} : memref<656xf32, #tpu.memory_space<vmem>>, vector<16xf32>,
    %broadcast_in_dim3A_156 = arith.constant 0.000000e+00 : f32
    %broadcast_in_dim3A_157 = vector.broadcast %broadcast_in_dim3A_156 : f32 to vector<16xf32>
    %swap3A_158 = arith.constant 608 : index
    %swap3A_159 = tpu.vector_load %arg22[%swap3A_158] {strides = array<i32>} : memref<656xf32, #tpu.memory_space<vmem>>, vector<16xf32>,
    tpu.vector_store %arg22[%swap3A_158], %broadcast_in_dim3A_157 {strides = array<i32>} : memref<656xf32, #tpu.memory_space<vmem>>, vector<16xf32>,
    %broadcast_in_dim3A_160 = arith.constant 0.000000e+00 : f32
    %broadcast_in_dim3A_161 = vector.broadcast %broadcast_in_dim3A_160 : f32 to vector<16xf32>
    %swap3A_162 = arith.constant 624 : index
    %swap3A_163 = tpu.vector_load %arg22[%swap3A_162] {strides = array<i32>} : memref<656xf32, #tpu.memory_space<vmem>>, vector<16xf32>,
    tpu.vector_store %arg22[%swap3A_162], %broadcast_in_dim3A_161 {strides = array<i32>} : memref<656xf32, #tpu.memory_space<vmem>>, vector<16xf32>,
    %broadcast_in_dim3A_164 = arith.constant 0.000000e+00 : f32
    %broadcast_in_dim3A_165 = vector.broadcast %broadcast_in_dim3A_164 : f32 to vector<16xf32>
    %swap3A_166 = arith.constant 640 : index
    %swap3A_167 = tpu.vector_load %arg22[%swap3A_166] {strides = array<i32>} : memref<656xf32, #tpu.memory_space<vmem>>, vector<16xf32>,
    tpu.vector_store %arg22[%swap3A_166], %broadcast_in_dim3A_165 {strides = array<i32>} : memref<656xf32, #tpu.memory_space<vmem>>, vector<16xf32>,
    %mul3A_168 = arith.constant 640 : i32
    %mul3A_169 = arith.muli %arg1, %mul3A_168 : i32
    %add3A_170 = arith.constant 0 : i32
    %add3A_171 = arith.addi %mul3A_169, %add3A_170 : i32
    "tpu.region"() ({
      %run_scoped3A = tpu.sem_alloc : memref<!tpu.dma_semaphore, #tpu.memory_space<semaphore_mem>>
      %dma_start3A_248 = arith.constant 0 : i32
      %dma_start3A_249 = arith.constant 0 : i32
      %dma_start3A_250 = tpu.memref_slice %arg20[%dma_start3A_248, %dma_start3A_249] : memref<96x128xf32, #tpu.memory_space<vmem>> -> memref<96x128xf32, #tpu.memory_space<vmem>>
      %dma_start3A_251 = arith.constant 0 : i32
      %dma_start3A_252 = tpu.memref_slice %arg23[%add3A_171, %dma_start3A_251] : memref<10240x128xf32, #tpu.memory_space<vmem_shared>> -> memref<96x128xf32, #tpu.memory_space<vmem_shared>>
      %dma_start3A_253 = arith.constant 0 : i32
      %dma_start3A_254 = tpu.memref_slice %arg23[%add3A_171, %dma_start3A_253] : memref<10240x128xf32, #tpu.memory_space<vmem_shared>> -> memref<96x128xf32, #tpu.memory_space<vmem_shared>>
      %dma_start3A_255 = arith.constant 0 : i32
      %dma_start3A_256 = arith.constant 0 : i32
      %dma_start3A_257 = tpu.memref_slice %arg20[%dma_start3A_255, %dma_start3A_256] : memref<96x128xf32, #tpu.memory_space<vmem>> -> memref<96x128xf32, #tpu.memory_space<vmem>>
      tpu.enqueue_dma source(%dma_start3A_257 : memref<96x128xf32, #tpu.memory_space<vmem>>) target(%dma_start3A_254 : memref<96x128xf32, #tpu.memory_space<vmem_shared>>) target_semaphore(%run_scoped3A : memref<!tpu.dma_semaphore, #tpu.memory_space<semaphore_mem>>)
      %dma_wait3A_258 = arith.constant 0 : i32
      %dma_wait3A_259 = arith.constant 0 : i32
      %dma_wait3A_260 = tpu.memref_slice %arg20[%dma_wait3A_258, %dma_wait3A_259] : memref<96x128xf32, #tpu.memory_space<vmem>> -> memref<96x128xf32, #tpu.memory_space<vmem>>
      %dma_wait3A_261 = arith.constant 0 : i32
      %dma_wait3A_262 = tpu.memref_slice %arg23[%add3A_171, %dma_wait3A_261] : memref<10240x128xf32, #tpu.memory_space<vmem_shared>> -> memref<96x128xf32, #tpu.memory_space<vmem_shared>>
      %dma_wait3A_263 = arith.constant 0 : i32
      %dma_wait3A_264 = tpu.memref_slice %arg23[%add3A_171, %dma_wait3A_263] : memref<10240x128xf32, #tpu.memory_space<vmem_shared>> -> memref<96x128xf32, #tpu.memory_space<vmem_shared>>
      %dma_wait3A_265 = arith.constant 0 : i32
      %dma_wait3A_266 = arith.constant 0 : i32
      %dma_wait3A_267 = tpu.memref_slice %arg20[%dma_wait3A_265, %dma_wait3A_266] : memref<96x128xf32, #tpu.memory_space<vmem>> -> memref<96x128xf32, #tpu.memory_space<vmem>>
      tpu.wait_dma2 semaphore(%run_scoped3A : memref<!tpu.dma_semaphore, #tpu.memory_space<semaphore_mem>>) src(%dma_wait3A_267 : memref<96x128xf32, #tpu.memory_space<vmem>>) dst(%dma_wait3A_264 : memref<96x128xf32, #tpu.memory_space<vmem_shared>>)
      tpu.yield
    }) : () -> ()
    %mul3A_172 = arith.constant 640 : i32
    %mul3A_173 = arith.muli %arg1, %mul3A_172 : i32
    %add3A_174 = arith.constant 96 : i32
    %add3A_175 = arith.addi %mul3A_173, %add3A_174 : i32
    "tpu.region"() ({
      %run_scoped3A = tpu.sem_alloc : memref<!tpu.dma_semaphore, #tpu.memory_space<semaphore_mem>>
      %dma_start3A_248 = arith.constant 0 : i32
      %dma_start3A_249 = arith.constant 0 : i32
      %dma_start3A_250 = tpu.memref_slice %arg20[%dma_start3A_248, %dma_start3A_249] : memref<96x128xf32, #tpu.memory_space<vmem>> -> memref<96x128xf32, #tpu.memory_space<vmem>>
      %dma_start3A_251 = arith.constant 0 : i32
      %dma_start3A_252 = tpu.memref_slice %arg23[%add3A_175, %dma_start3A_251] : memref<10240x128xf32, #tpu.memory_space<vmem_shared>> -> memref<96x128xf32, #tpu.memory_space<vmem_shared>>
      %dma_start3A_253 = arith.constant 0 : i32
      %dma_start3A_254 = tpu.memref_slice %arg23[%add3A_175, %dma_start3A_253] : memref<10240x128xf32, #tpu.memory_space<vmem_shared>> -> memref<96x128xf32, #tpu.memory_space<vmem_shared>>
      %dma_start3A_255 = arith.constant 0 : i32
      %dma_start3A_256 = arith.constant 0 : i32
      %dma_start3A_257 = tpu.memref_slice %arg20[%dma_start3A_255, %dma_start3A_256] : memref<96x128xf32, #tpu.memory_space<vmem>> -> memref<96x128xf32, #tpu.memory_space<vmem>>
      tpu.enqueue_dma source(%dma_start3A_257 : memref<96x128xf32, #tpu.memory_space<vmem>>) target(%dma_start3A_254 : memref<96x128xf32, #tpu.memory_space<vmem_shared>>) target_semaphore(%run_scoped3A : memref<!tpu.dma_semaphore, #tpu.memory_space<semaphore_mem>>)
      %dma_wait3A_258 = arith.constant 0 : i32
      %dma_wait3A_259 = arith.constant 0 : i32
      %dma_wait3A_260 = tpu.memref_slice %arg20[%dma_wait3A_258, %dma_wait3A_259] : memref<96x128xf32, #tpu.memory_space<vmem>> -> memref<96x128xf32, #tpu.memory_space<vmem>>
      %dma_wait3A_261 = arith.constant 0 : i32
      %dma_wait3A_262 = tpu.memref_slice %arg23[%add3A_175, %dma_wait3A_261] : memref<10240x128xf32, #tpu.memory_space<vmem_shared>> -> memref<96x128xf32, #tpu.memory_space<vmem_shared>>
      %dma_wait3A_263 = arith.constant 0 : i32
      %dma_wait3A_264 = tpu.memref_slice %arg23[%add3A_175, %dma_wait3A_263] : memref<10240x128xf32, #tpu.memory_space<vmem_shared>> -> memref<96x128xf32, #tpu.memory_space<vmem_shared>>
      %dma_wait3A_265 = arith.constant 0 : i32
      %dma_wait3A_266 = arith.constant 0 : i32
      %dma_wait3A_267 = tpu.memref_slice %arg20[%dma_wait3A_265, %dma_wait3A_266] : memref<96x128xf32, #tpu.memory_space<vmem>> -> memref<96x128xf32, #tpu.memory_space<vmem>>
      tpu.wait_dma2 semaphore(%run_scoped3A : memref<!tpu.dma_semaphore, #tpu.memory_space<semaphore_mem>>) src(%dma_wait3A_267 : memref<96x128xf32, #tpu.memory_space<vmem>>) dst(%dma_wait3A_264 : memref<96x128xf32, #tpu.memory_space<vmem_shared>>)
      tpu.yield
    }) : () -> ()
    %mul3A_176 = arith.constant 640 : i32
    %mul3A_177 = arith.muli %arg1, %mul3A_176 : i32
    %add3A_178 = arith.constant 192 : i32
    %add3A_179 = arith.addi %mul3A_177, %add3A_178 : i32
    "tpu.region"() ({
      %run_scoped3A = tpu.sem_alloc : memref<!tpu.dma_semaphore, #tpu.memory_space<semaphore_mem>>
      %dma_start3A_248 = arith.constant 0 : i32
      %dma_start3A_249 = arith.constant 0 : i32
      %dma_start3A_250 = tpu.memref_slice %arg20[%dma_start3A_248, %dma_start3A_249] : memref<96x128xf32, #tpu.memory_space<vmem>> -> memref<96x128xf32, #tpu.memory_space<vmem>>
      %dma_start3A_251 = arith.constant 0 : i32
      %dma_start3A_252 = tpu.memref_slice %arg23[%add3A_179, %dma_start3A_251] : memref<10240x128xf32, #tpu.memory_space<vmem_shared>> -> memref<96x128xf32, #tpu.memory_space<vmem_shared>>
      %dma_start3A_253 = arith.constant 0 : i32
      %dma_start3A_254 = tpu.memref_slice %arg23[%add3A_179, %dma_start3A_253] : memref<10240x128xf32, #tpu.memory_space<vmem_shared>> -> memref<96x128xf32, #tpu.memory_space<vmem_shared>>
      %dma_start3A_255 = arith.constant 0 : i32
      %dma_start3A_256 = arith.constant 0 : i32
      %dma_start3A_257 = tpu.memref_slice %arg20[%dma_start3A_255, %dma_start3A_256] : memref<96x128xf32, #tpu.memory_space<vmem>> -> memref<96x128xf32, #tpu.memory_space<vmem>>
      tpu.enqueue_dma source(%dma_start3A_257 : memref<96x128xf32, #tpu.memory_space<vmem>>) target(%dma_start3A_254 : memref<96x128xf32, #tpu.memory_space<vmem_shared>>) target_semaphore(%run_scoped3A : memref<!tpu.dma_semaphore, #tpu.memory_space<semaphore_mem>>)
      %dma_wait3A_258 = arith.constant 0 : i32
      %dma_wait3A_259 = arith.constant 0 : i32
      %dma_wait3A_260 = tpu.memref_slice %arg20[%dma_wait3A_258, %dma_wait3A_259] : memref<96x128xf32, #tpu.memory_space<vmem>> -> memref<96x128xf32, #tpu.memory_space<vmem>>
      %dma_wait3A_261 = arith.constant 0 : i32
      %dma_wait3A_262 = tpu.memref_slice %arg23[%add3A_179, %dma_wait3A_261] : memref<10240x128xf32, #tpu.memory_space<vmem_shared>> -> memref<96x128xf32, #tpu.memory_space<vmem_shared>>
      %dma_wait3A_263 = arith.constant 0 : i32
      %dma_wait3A_264 = tpu.memref_slice %arg23[%add3A_179, %dma_wait3A_263] : memref<10240x128xf32, #tpu.memory_space<vmem_shared>> -> memref<96x128xf32, #tpu.memory_space<vmem_shared>>
      %dma_wait3A_265 = arith.constant 0 : i32
      %dma_wait3A_266 = arith.constant 0 : i32
      %dma_wait3A_267 = tpu.memref_slice %arg20[%dma_wait3A_265, %dma_wait3A_266] : memref<96x128xf32, #tpu.memory_space<vmem>> -> memref<96x128xf32, #tpu.memory_space<vmem>>
      tpu.wait_dma2 semaphore(%run_scoped3A : memref<!tpu.dma_semaphore, #tpu.memory_space<semaphore_mem>>) src(%dma_wait3A_267 : memref<96x128xf32, #tpu.memory_space<vmem>>) dst(%dma_wait3A_264 : memref<96x128xf32, #tpu.memory_space<vmem_shared>>)
      tpu.yield
    }) : () -> ()
    %mul3A_180 = arith.constant 640 : i32
    %mul3A_181 = arith.muli %arg1, %mul3A_180 : i32
    %add3A_182 = arith.constant 288 : i32
    %add3A_183 = arith.addi %mul3A_181, %add3A_182 : i32
    "tpu.region"() ({
      %run_scoped3A = tpu.sem_alloc : memref<!tpu.dma_semaphore, #tpu.memory_space<semaphore_mem>>
      %dma_start3A_248 = arith.constant 0 : i32
      %dma_start3A_249 = arith.constant 0 : i32
      %dma_start3A_250 = tpu.memref_slice %arg20[%dma_start3A_248, %dma_start3A_249] : memref<96x128xf32, #tpu.memory_space<vmem>> -> memref<96x128xf32, #tpu.memory_space<vmem>>
      %dma_start3A_251 = arith.constant 0 : i32
      %dma_start3A_252 = tpu.memref_slice %arg23[%add3A_183, %dma_start3A_251] : memref<10240x128xf32, #tpu.memory_space<vmem_shared>> -> memref<96x128xf32, #tpu.memory_space<vmem_shared>>
      %dma_start3A_253 = arith.constant 0 : i32
      %dma_start3A_254 = tpu.memref_slice %arg23[%add3A_183, %dma_start3A_253] : memref<10240x128xf32, #tpu.memory_space<vmem_shared>> -> memref<96x128xf32, #tpu.memory_space<vmem_shared>>
      %dma_start3A_255 = arith.constant 0 : i32
      %dma_start3A_256 = arith.constant 0 : i32
      %dma_start3A_257 = tpu.memref_slice %arg20[%dma_start3A_255, %dma_start3A_256] : memref<96x128xf32, #tpu.memory_space<vmem>> -> memref<96x128xf32, #tpu.memory_space<vmem>>
      tpu.enqueue_dma source(%dma_start3A_257 : memref<96x128xf32, #tpu.memory_space<vmem>>) target(%dma_start3A_254 : memref<96x128xf32, #tpu.memory_space<vmem_shared>>) target_semaphore(%run_scoped3A : memref<!tpu.dma_semaphore, #tpu.memory_space<semaphore_mem>>)
      %dma_wait3A_258 = arith.constant 0 : i32
      %dma_wait3A_259 = arith.constant 0 : i32
      %dma_wait3A_260 = tpu.memref_slice %arg20[%dma_wait3A_258, %dma_wait3A_259] : memref<96x128xf32, #tpu.memory_space<vmem>> -> memref<96x128xf32, #tpu.memory_space<vmem>>
      %dma_wait3A_261 = arith.constant 0 : i32
      %dma_wait3A_262 = tpu.memref_slice %arg23[%add3A_183, %dma_wait3A_261] : memref<10240x128xf32, #tpu.memory_space<vmem_shared>> -> memref<96x128xf32, #tpu.memory_space<vmem_shared>>
      %dma_wait3A_263 = arith.constant 0 : i32
      %dma_wait3A_264 = tpu.memref_slice %arg23[%add3A_183, %dma_wait3A_263] : memref<10240x128xf32, #tpu.memory_space<vmem_shared>> -> memref<96x128xf32, #tpu.memory_space<vmem_shared>>
      %dma_wait3A_265 = arith.constant 0 : i32
      %dma_wait3A_266 = arith.constant 0 : i32
      %dma_wait3A_267 = tpu.memref_slice %arg20[%dma_wait3A_265, %dma_wait3A_266] : memref<96x128xf32, #tpu.memory_space<vmem>> -> memref<96x128xf32, #tpu.memory_space<vmem>>
      tpu.wait_dma2 semaphore(%run_scoped3A : memref<!tpu.dma_semaphore, #tpu.memory_space<semaphore_mem>>) src(%dma_wait3A_267 : memref<96x128xf32, #tpu.memory_space<vmem>>) dst(%dma_wait3A_264 : memref<96x128xf32, #tpu.memory_space<vmem_shared>>)
      tpu.yield
    }) : () -> ()
    %mul3A_184 = arith.constant 640 : i32
    %mul3A_185 = arith.muli %arg1, %mul3A_184 : i32
    %add3A_186 = arith.constant 384 : i32
    %add3A_187 = arith.addi %mul3A_185, %add3A_186 : i32
    "tpu.region"() ({
      %run_scoped3A = tpu.sem_alloc : memref<!tpu.dma_semaphore, #tpu.memory_space<semaphore_mem>>
      %dma_start3A_248 = arith.constant 0 : i32
      %dma_start3A_249 = arith.constant 0 : i32
      %dma_start3A_250 = tpu.memref_slice %arg20[%dma_start3A_248, %dma_start3A_249] : memref<96x128xf32, #tpu.memory_space<vmem>> -> memref<96x128xf32, #tpu.memory_space<vmem>>
      %dma_start3A_251 = arith.constant 0 : i32
      %dma_start3A_252 = tpu.memref_slice %arg23[%add3A_187, %dma_start3A_251] : memref<10240x128xf32, #tpu.memory_space<vmem_shared>> -> memref<96x128xf32, #tpu.memory_space<vmem_shared>>
      %dma_start3A_253 = arith.constant 0 : i32
      %dma_start3A_254 = tpu.memref_slice %arg23[%add3A_187, %dma_start3A_253] : memref<10240x128xf32, #tpu.memory_space<vmem_shared>> -> memref<96x128xf32, #tpu.memory_space<vmem_shared>>
      %dma_start3A_255 = arith.constant 0 : i32
      %dma_start3A_256 = arith.constant 0 : i32
      %dma_start3A_257 = tpu.memref_slice %arg20[%dma_start3A_255, %dma_start3A_256] : memref<96x128xf32, #tpu.memory_space<vmem>> -> memref<96x128xf32, #tpu.memory_space<vmem>>
      tpu.enqueue_dma source(%dma_start3A_257 : memref<96x128xf32, #tpu.memory_space<vmem>>) target(%dma_start3A_254 : memref<96x128xf32, #tpu.memory_space<vmem_shared>>) target_semaphore(%run_scoped3A : memref<!tpu.dma_semaphore, #tpu.memory_space<semaphore_mem>>)
      %dma_wait3A_258 = arith.constant 0 : i32
      %dma_wait3A_259 = arith.constant 0 : i32
      %dma_wait3A_260 = tpu.memref_slice %arg20[%dma_wait3A_258, %dma_wait3A_259] : memref<96x128xf32, #tpu.memory_space<vmem>> -> memref<96x128xf32, #tpu.memory_space<vmem>>
      %dma_wait3A_261 = arith.constant 0 : i32
      %dma_wait3A_262 = tpu.memref_slice %arg23[%add3A_187, %dma_wait3A_261] : memref<10240x128xf32, #tpu.memory_space<vmem_shared>> -> memref<96x128xf32, #tpu.memory_space<vmem_shared>>
      %dma_wait3A_263 = arith.constant 0 : i32
      %dma_wait3A_264 = tpu.memref_slice %arg23[%add3A_187, %dma_wait3A_263] : memref<10240x128xf32, #tpu.memory_space<vmem_shared>> -> memref<96x128xf32, #tpu.memory_space<vmem_shared>>
      %dma_wait3A_265 = arith.constant 0 : i32
      %dma_wait3A_266 = arith.constant 0 : i32
      %dma_wait3A_267 = tpu.memref_slice %arg20[%dma_wait3A_265, %dma_wait3A_266] : memref<96x128xf32, #tpu.memory_space<vmem>> -> memref<96x128xf32, #tpu.memory_space<vmem>>
      tpu.wait_dma2 semaphore(%run_scoped3A : memref<!tpu.dma_semaphore, #tpu.memory_space<semaphore_mem>>) src(%dma_wait3A_267 : memref<96x128xf32, #tpu.memory_space<vmem>>) dst(%dma_wait3A_264 : memref<96x128xf32, #tpu.memory_space<vmem_shared>>)
      tpu.yield
    }) : () -> ()
    %mul3A_188 = arith.constant 640 : i32
    %mul3A_189 = arith.muli %arg1, %mul3A_188 : i32
    %add3A_190 = arith.constant 480 : i32
    %add3A_191 = arith.addi %mul3A_189, %add3A_190 : i32
    "tpu.region"() ({
      %run_scoped3A = tpu.sem_alloc : memref<!tpu.dma_semaphore, #tpu.memory_space<semaphore_mem>>
      %dma_start3A_248 = arith.constant 0 : i32
      %dma_start3A_249 = arith.constant 0 : i32
      %dma_start3A_250 = tpu.memref_slice %arg20[%dma_start3A_248, %dma_start3A_249] : memref<96x128xf32, #tpu.memory_space<vmem>> -> memref<96x128xf32, #tpu.memory_space<vmem>>
      %dma_start3A_251 = arith.constant 0 : i32
      %dma_start3A_252 = tpu.memref_slice %arg23[%add3A_191, %dma_start3A_251] : memref<10240x128xf32, #tpu.memory_space<vmem_shared>> -> memref<96x128xf32, #tpu.memory_space<vmem_shared>>
      %dma_start3A_253 = arith.constant 0 : i32
      %dma_start3A_254 = tpu.memref_slice %arg23[%add3A_191, %dma_start3A_253] : memref<10240x128xf32, #tpu.memory_space<vmem_shared>> -> memref<96x128xf32, #tpu.memory_space<vmem_shared>>
      %dma_start3A_255 = arith.constant 0 : i32
      %dma_start3A_256 = arith.constant 0 : i32
      %dma_start3A_257 = tpu.memref_slice %arg20[%dma_start3A_255, %dma_start3A_256] : memref<96x128xf32, #tpu.memory_space<vmem>> -> memref<96x128xf32, #tpu.memory_space<vmem>>
      tpu.enqueue_dma source(%dma_start3A_257 : memref<96x128xf32, #tpu.memory_space<vmem>>) target(%dma_start3A_254 : memref<96x128xf32, #tpu.memory_space<vmem_shared>>) target_semaphore(%run_scoped3A : memref<!tpu.dma_semaphore, #tpu.memory_space<semaphore_mem>>)
      %dma_wait3A_258 = arith.constant 0 : i32
      %dma_wait3A_259 = arith.constant 0 : i32
      %dma_wait3A_260 = tpu.memref_slice %arg20[%dma_wait3A_258, %dma_wait3A_259] : memref<96x128xf32, #tpu.memory_space<vmem>> -> memref<96x128xf32, #tpu.memory_space<vmem>>
      %dma_wait3A_261 = arith.constant 0 : i32
      %dma_wait3A_262 = tpu.memref_slice %arg23[%add3A_191, %dma_wait3A_261] : memref<10240x128xf32, #tpu.memory_space<vmem_shared>> -> memref<96x128xf32, #tpu.memory_space<vmem_shared>>
      %dma_wait3A_263 = arith.constant 0 : i32
      %dma_wait3A_264 = tpu.memref_slice %arg23[%add3A_191, %dma_wait3A_263] : memref<10240x128xf32, #tpu.memory_space<vmem_shared>> -> memref<96x128xf32, #tpu.memory_space<vmem_shared>>
      %dma_wait3A_265 = arith.constant 0 : i32
      %dma_wait3A_266 = arith.constant 0 : i32
      %dma_wait3A_267 = tpu.memref_slice %arg20[%dma_wait3A_265, %dma_wait3A_266] : memref<96x128xf32, #tpu.memory_space<vmem>> -> memref<96x128xf32, #tpu.memory_space<vmem>>
      tpu.wait_dma2 semaphore(%run_scoped3A : memref<!tpu.dma_semaphore, #tpu.memory_space<semaphore_mem>>) src(%dma_wait3A_267 : memref<96x128xf32, #tpu.memory_space<vmem>>) dst(%dma_wait3A_264 : memref<96x128xf32, #tpu.memory_space<vmem_shared>>)
      tpu.yield
    }) : () -> ()
    %mul3A_192 = arith.constant 640 : i32
    %mul3A_193 = arith.muli %arg1, %mul3A_192 : i32
    %add3A_194 = arith.constant 576 : i32
    %add3A_195 = arith.addi %mul3A_193, %add3A_194 : i32
    "tpu.region"() ({
      %run_scoped3A = tpu.sem_alloc : memref<!tpu.dma_semaphore, #tpu.memory_space<semaphore_mem>>
      %dma_start3A_248 = arith.constant 0 : i32
      %dma_start3A_249 = arith.constant 0 : i32
      %dma_start3A_250 = tpu.memref_slice %arg20[%dma_start3A_248, %dma_start3A_249] : memref<96x128xf32, #tpu.memory_space<vmem>> -> memref<64x128xf32, #tpu.memory_space<vmem>>
      %dma_start3A_251 = arith.constant 0 : i32
      %dma_start3A_252 = tpu.memref_slice %arg23[%add3A_195, %dma_start3A_251] : memref<10240x128xf32, #tpu.memory_space<vmem_shared>> -> memref<64x128xf32, #tpu.memory_space<vmem_shared>>
      %dma_start3A_253 = arith.constant 0 : i32
      %dma_start3A_254 = tpu.memref_slice %arg23[%add3A_195, %dma_start3A_253] : memref<10240x128xf32, #tpu.memory_space<vmem_shared>> -> memref<64x128xf32, #tpu.memory_space<vmem_shared>>
      %dma_start3A_255 = arith.constant 0 : i32
      %dma_start3A_256 = arith.constant 0 : i32
      %dma_start3A_257 = tpu.memref_slice %arg20[%dma_start3A_255, %dma_start3A_256] : memref<96x128xf32, #tpu.memory_space<vmem>> -> memref<64x128xf32, #tpu.memory_space<vmem>>
      tpu.enqueue_dma source(%dma_start3A_257 : memref<64x128xf32, #tpu.memory_space<vmem>>) target(%dma_start3A_254 : memref<64x128xf32, #tpu.memory_space<vmem_shared>>) target_semaphore(%run_scoped3A : memref<!tpu.dma_semaphore, #tpu.memory_space<semaphore_mem>>)
      %dma_wait3A_258 = arith.constant 0 : i32
      %dma_wait3A_259 = arith.constant 0 : i32
      %dma_wait3A_260 = tpu.memref_slice %arg20[%dma_wait3A_258, %dma_wait3A_259] : memref<96x128xf32, #tpu.memory_space<vmem>> -> memref<64x128xf32, #tpu.memory_space<vmem>>
      %dma_wait3A_261 = arith.constant 0 : i32
      %dma_wait3A_262 = tpu.memref_slice %arg23[%add3A_195, %dma_wait3A_261] : memref<10240x128xf32, #tpu.memory_space<vmem_shared>> -> memref<64x128xf32, #tpu.memory_space<vmem_shared>>
      %dma_wait3A_263 = arith.constant 0 : i32
      %dma_wait3A_264 = tpu.memref_slice %arg23[%add3A_195, %dma_wait3A_263] : memref<10240x128xf32, #tpu.memory_space<vmem_shared>> -> memref<64x128xf32, #tpu.memory_space<vmem_shared>>
      %dma_wait3A_265 = arith.constant 0 : i32
      %dma_wait3A_266 = arith.constant 0 : i32
      %dma_wait3A_267 = tpu.memref_slice %arg20[%dma_wait3A_265, %dma_wait3A_266] : memref<96x128xf32, #tpu.memory_space<vmem>> -> memref<64x128xf32, #tpu.memory_space<vmem>>
      tpu.wait_dma2 semaphore(%run_scoped3A : memref<!tpu.dma_semaphore, #tpu.memory_space<semaphore_mem>>) src(%dma_wait3A_267 : memref<64x128xf32, #tpu.memory_space<vmem>>) dst(%dma_wait3A_264 : memref<64x128xf32, #tpu.memory_space<vmem_shared>>)
      tpu.yield
    }) : () -> ()
    %mul3A_196 = arith.constant 640 : i32
    %mul3A_197 = arith.muli %arg1, %mul3A_196 : i32
    "tpu.region"() ({
      %run_scoped3A = tpu.sem_alloc : memref<!tpu.dma_semaphore, #tpu.memory_space<semaphore_mem>>
      %dma_start3A_248 = arith.constant 0 : i32
      %dma_start3A_249 = tpu.memref_slice %arg22[%dma_start3A_248] : memref<656xf32, #tpu.memory_space<vmem>> -> memref<640xf32, #tpu.memory_space<vmem>>
      %dma_start3A_250 = tpu.memref_slice %arg24[%mul3A_197] : memref<10240xf32, #tpu.memory_space<vmem_shared>> -> memref<640xf32, #tpu.memory_space<vmem_shared>>
      %dma_start3A_251 = tpu.memref_slice %arg24[%mul3A_197] : memref<10240xf32, #tpu.memory_space<vmem_shared>> -> memref<640xf32, #tpu.memory_space<vmem_shared>>
      %dma_start3A_252 = arith.constant 0 : i32
      %dma_start3A_253 = tpu.memref_slice %arg22[%dma_start3A_252] : memref<656xf32, #tpu.memory_space<vmem>> -> memref<640xf32, #tpu.memory_space<vmem>>
      tpu.enqueue_dma source(%dma_start3A_253 : memref<640xf32, #tpu.memory_space<vmem>>) target(%dma_start3A_251 : memref<640xf32, #tpu.memory_space<vmem_shared>>) target_semaphore(%run_scoped3A : memref<!tpu.dma_semaphore, #tpu.memory_space<semaphore_mem>>)
      %dma_wait3A_254 = arith.constant 0 : i32
      %dma_wait3A_255 = tpu.memref_slice %arg22[%dma_wait3A_254] : memref<656xf32, #tpu.memory_space<vmem>> -> memref<640xf32, #tpu.memory_space<vmem>>
      %dma_wait3A_256 = tpu.memref_slice %arg24[%mul3A_197] : memref<10240xf32, #tpu.memory_space<vmem_shared>> -> memref<640xf32, #tpu.memory_space<vmem_shared>>
      %dma_wait3A_257 = tpu.memref_slice %arg24[%mul3A_197] : memref<10240xf32, #tpu.memory_space<vmem_shared>> -> memref<640xf32, #tpu.memory_space<vmem_shared>>
      %dma_wait3A_258 = arith.constant 0 : i32
      %dma_wait3A_259 = tpu.memref_slice %arg22[%dma_wait3A_258] : memref<656xf32, #tpu.memory_space<vmem>> -> memref<640xf32, #tpu.memory_space<vmem>>
      tpu.wait_dma2 semaphore(%run_scoped3A : memref<!tpu.dma_semaphore, #tpu.memory_space<semaphore_mem>>) src(%dma_wait3A_259 : memref<640xf32, #tpu.memory_space<vmem>>) dst(%dma_wait3A_257 : memref<640xf32, #tpu.memory_space<vmem_shared>>)
      tpu.yield
    }) : () -> ()
    %barrier3A = arith.constant 0 : index
    tpu.barrier barrier_id(%barrier3A)
    %mul3A_198 = arith.constant 108 : i32
    %mul3A_199 = arith.muli %add3A, %mul3A_198 : i32
    %mul3A_200 = arith.constant 96 : i32
    %mul3A_201 = arith.muli %mul3A_199, %mul3A_200 : i32
    %add3A_202 = arith.constant 0 : i32
    %add3A_203 = arith.addi %mul3A_201, %add3A_202 : i32
    %dma_start3A = tpu.memref_slice %arg5[%add3A_203] : memref<331776xi32, #tpu.memory_space<hbm>> -> memref<96xi32, #tpu.memory_space<hbm>>
    %dma_start3A_204 = tpu.memref_slice %arg5[%add3A_203] : memref<331776xi32, #tpu.memory_space<hbm>> -> memref<96xi32, #tpu.memory_space<hbm>>
    tpu.enqueue_dma source(%dma_start3A_204 : memref<96xi32, #tpu.memory_space<hbm>>) target(%arg12 : memref<96xi32, #tpu.memory_space<vmem>>) target_semaphore(%arg29 : memref<!tpu.dma_semaphore, #tpu.memory_space<semaphore_mem>>)
    %dma_start3A_205 = tpu.memref_slice %arg6[%add3A_203] : memref<331776xi32, #tpu.memory_space<hbm>> -> memref<96xi32, #tpu.memory_space<hbm>>
    %dma_start3A_206 = tpu.memref_slice %arg6[%add3A_203] : memref<331776xi32, #tpu.memory_space<hbm>> -> memref<96xi32, #tpu.memory_space<hbm>>
    tpu.enqueue_dma source(%dma_start3A_206 : memref<96xi32, #tpu.memory_space<hbm>>) target(%arg15 : memref<96xi32, #tpu.memory_space<vmem>>) target_semaphore(%arg29 : memref<!tpu.dma_semaphore, #tpu.memory_space<semaphore_mem>>)
    %add3A_207 = arith.constant 96 : i32
    %add3A_208 = arith.addi %mul3A_201, %add3A_207 : i32
    %dma_start3A_209 = tpu.memref_slice %arg5[%add3A_208] : memref<331776xi32, #tpu.memory_space<hbm>> -> memref<96xi32, #tpu.memory_space<hbm>>
    %dma_start3A_210 = tpu.memref_slice %arg5[%add3A_208] : memref<331776xi32, #tpu.memory_space<hbm>> -> memref<96xi32, #tpu.memory_space<hbm>>
    tpu.enqueue_dma source(%dma_start3A_210 : memref<96xi32, #tpu.memory_space<hbm>>) target(%arg13 : memref<96xi32, #tpu.memory_space<vmem>>) target_semaphore(%arg30 : memref<!tpu.dma_semaphore, #tpu.memory_space<semaphore_mem>>)
    %dma_start3A_211 = tpu.memref_slice %arg6[%add3A_208] : memref<331776xi32, #tpu.memory_space<hbm>> -> memref<96xi32, #tpu.memory_space<hbm>>
    %dma_start3A_212 = tpu.memref_slice %arg6[%add3A_208] : memref<331776xi32, #tpu.memory_space<hbm>> -> memref<96xi32, #tpu.memory_space<hbm>>
    tpu.enqueue_dma source(%dma_start3A_212 : memref<96xi32, #tpu.memory_space<hbm>>) target(%arg16 : memref<96xi32, #tpu.memory_space<vmem>>) target_semaphore(%arg30 : memref<!tpu.dma_semaphore, #tpu.memory_space<semaphore_mem>>)
    %dma_wait3A = arith.constant 0 : i32
    %dma_wait3A_213 = tpu.memref_slice %arg5[%dma_wait3A] : memref<331776xi32, #tpu.memory_space<hbm>> -> memref<96xi32, #tpu.memory_space<hbm>>
    %dma_wait3A_214 = arith.constant 0 : i32
    %dma_wait3A_215 = tpu.memref_slice %arg5[%dma_wait3A_214] : memref<331776xi32, #tpu.memory_space<hbm>> -> memref<96xi32, #tpu.memory_space<hbm>>
    tpu.wait_dma2 semaphore(%arg29 : memref<!tpu.dma_semaphore, #tpu.memory_space<semaphore_mem>>) src(%dma_wait3A_215 : memref<96xi32, #tpu.memory_space<hbm>>) dst(%arg12 : memref<96xi32, #tpu.memory_space<vmem>>)
    %dma_wait3A_216 = arith.constant 0 : i32
    %dma_wait3A_217 = tpu.memref_slice %arg6[%dma_wait3A_216] : memref<331776xi32, #tpu.memory_space<hbm>> -> memref<96xi32, #tpu.memory_space<hbm>>
    %dma_wait3A_218 = arith.constant 0 : i32
    %dma_wait3A_219 = tpu.memref_slice %arg6[%dma_wait3A_218] : memref<331776xi32, #tpu.memory_space<hbm>> -> memref<96xi32, #tpu.memory_space<hbm>>
    tpu.wait_dma2 semaphore(%arg29 : memref<!tpu.dma_semaphore, #tpu.memory_space<semaphore_mem>>) src(%dma_wait3A_219 : memref<96xi32, #tpu.memory_space<hbm>>) dst(%arg15 : memref<96xi32, #tpu.memory_space<vmem>>)
    %dma_start3A_220 = arith.constant 0 : i32
    %dma_start3A_221 = arith.constant 0 : i32
    %dma_start3A_222 = tpu.memref_slice %arg4[%dma_start3A_220, %dma_start3A_221] : memref<10000x128xf32, #tpu.memory_space<hbm>> -> memref<10000x128xf32, #tpu.memory_space<hbm>>
    tpu.enqueue_indirect_dma source(%dma_start3A_222 : memref<10000x128xf32, #tpu.memory_space<hbm>>) target(%arg20 : memref<96x128xf32, #tpu.memory_space<vmem>>) offsets(%arg12 : memref<96xi32, #tpu.memory_space<vmem>>) semaphore(%arg25 : memref<!tpu.dma_semaphore, #tpu.memory_space<semaphore_mem>>)
    %scan3A_223 = arith.constant 0 : i32
    %scan3A_224 = arith.constant 0 : i32
    %scan3A_225 = arith.constant 18 : i32
    %scan3A_226 = arith.addi %scan3A_224, %scan3A_225 : i32
    %scan3A_227 = arith.constant 1 : i32
    scf.for %scan3A_248 = %scan3A_224 to %scan3A_226 step %scan3A_227  : i32 {
      %mul3A_249 = arith.constant 6 : i32
      %mul3A_250 = arith.muli %scan3A_248, %mul3A_249 : i32
      %add3A_251 = arith.constant 0 : i32
      %add3A_252 = arith.addi %mul3A_250, %add3A_251 : i32
      %get3A = arith.constant 0 : index
      %get3A_253 = tpu.vector_load %arg12[%get3A] {strides = array<i32>} : memref<96xi32, #tpu.memory_space<vmem>>, vector<16xi32>,
      %get3A_254 = arith.constant 0 : index
      %get3A_255 = tpu.vector_load %arg15[%get3A_254] {strides = array<i32>} : memref<96xi32, #tpu.memory_space<vmem>>, vector<16xi32>,
      %gather3A = tpu.vector_load_idx %arg10[%get3A_253] : memref<10240xf32, #tpu.memory_space<vmem>>[vector<16xi32>], vector<16xf32>,
      %gather3A_256 = tpu.vector_load_idx %arg11[%get3A_255] : memref<10240xf32, #tpu.memory_space<vmem>>[vector<16xi32>], vector<16xf32>,
      %add3A_257 = arith.addf %gather3A, %gather3A_256 : vector<16xf32>
      %ge3A = arith.constant 0.000000e+00 : f32
      %ge3A_258 = vector.broadcast %ge3A : f32 to vector<16xf32>
      %ge3A_259 = arith.cmpf oge, %add3A_257, %ge3A_258 : vector<16xf32>
      %mul3A_260 = arith.constant 2.000000e-01 : f32
      %mul3A_261 = vector.broadcast %mul3A_260 : f32 to vector<16xf32>
      %mul3A_262 = arith.mulf %mul3A_261, %add3A_257 : vector<16xf32>
      %select_n3A = arith.select %ge3A_259, %add3A_257, %mul3A_262 : vector<16xi1>, vector<16xf32>
      %exp3A = math.exp %select_n3A : vector<16xf32>
      %swap3A_263 = arith.constant 0 : index
      %swap3A_264 = tpu.vector_load %arg18[%swap3A_263] {strides = array<i32>} : memref<112xf32, #tpu.memory_space<vmem>>, vector<16xf32>,
      tpu.vector_store %arg18[%swap3A_263], %exp3A {strides = array<i32>} : memref<112xf32, #tpu.memory_space<vmem>>, vector<16xf32>,
      %get3A_265 = arith.constant 16 : index
      %get3A_266 = tpu.vector_load %arg12[%get3A_265] {strides = array<i32>} : memref<96xi32, #tpu.memory_space<vmem>>, vector<16xi32>,
      %get3A_267 = arith.constant 16 : index
      %get3A_268 = tpu.vector_load %arg15[%get3A_267] {strides = array<i32>} : memref<96xi32, #tpu.memory_space<vmem>>, vector<16xi32>,
      %gather3A_269 = tpu.vector_load_idx %arg10[%get3A_266] : memref<10240xf32, #tpu.memory_space<vmem>>[vector<16xi32>], vector<16xf32>,
      %gather3A_270 = tpu.vector_load_idx %arg11[%get3A_268] : memref<10240xf32, #tpu.memory_space<vmem>>[vector<16xi32>], vector<16xf32>,
      %add3A_271 = arith.addf %gather3A_269, %gather3A_270 : vector<16xf32>
      %ge3A_272 = arith.constant 0.000000e+00 : f32
      %ge3A_273 = vector.broadcast %ge3A_272 : f32 to vector<16xf32>
      %ge3A_274 = arith.cmpf oge, %add3A_271, %ge3A_273 : vector<16xf32>
      %mul3A_275 = arith.constant 2.000000e-01 : f32
      %mul3A_276 = vector.broadcast %mul3A_275 : f32 to vector<16xf32>
      %mul3A_277 = arith.mulf %mul3A_276, %add3A_271 : vector<16xf32>
      %select_n3A_278 = arith.select %ge3A_274, %add3A_271, %mul3A_277 : vector<16xi1>, vector<16xf32>
      %exp3A_279 = math.exp %select_n3A_278 : vector<16xf32>
      %swap3A_280 = arith.constant 16 : index
      %swap3A_281 = tpu.vector_load %arg18[%swap3A_280] {strides = array<i32>} : memref<112xf32, #tpu.memory_space<vmem>>, vector<16xf32>,
      tpu.vector_store %arg18[%swap3A_280], %exp3A_279 {strides = array<i32>} : memref<112xf32, #tpu.memory_space<vmem>>, vector<16xf32>,
      %get3A_282 = arith.constant 32 : index
      %get3A_283 = tpu.vector_load %arg12[%get3A_282] {strides = array<i32>} : memref<96xi32, #tpu.memory_space<vmem>>, vector<16xi32>,
      %get3A_284 = arith.constant 32 : index
      %get3A_285 = tpu.vector_load %arg15[%get3A_284] {strides = array<i32>} : memref<96xi32, #tpu.memory_space<vmem>>, vector<16xi32>,
      %gather3A_286 = tpu.vector_load_idx %arg10[%get3A_283] : memref<10240xf32, #tpu.memory_space<vmem>>[vector<16xi32>], vector<16xf32>,
      %gather3A_287 = tpu.vector_load_idx %arg11[%get3A_285] : memref<10240xf32, #tpu.memory_space<vmem>>[vector<16xi32>], vector<16xf32>,
      %add3A_288 = arith.addf %gather3A_286, %gather3A_287 : vector<16xf32>
      %ge3A_289 = arith.constant 0.000000e+00 : f32
      %ge3A_290 = vector.broadcast %ge3A_289 : f32 to vector<16xf32>
      %ge3A_291 = arith.cmpf oge, %add3A_288, %ge3A_290 : vector<16xf32>
      %mul3A_292 = arith.constant 2.000000e-01 : f32
      %mul3A_293 = vector.broadcast %mul3A_292 : f32 to vector<16xf32>
      %mul3A_294 = arith.mulf %mul3A_293, %add3A_288 : vector<16xf32>
      %select_n3A_295 = arith.select %ge3A_291, %add3A_288, %mul3A_294 : vector<16xi1>, vector<16xf32>
      %exp3A_296 = math.exp %select_n3A_295 : vector<16xf32>
      %swap3A_297 = arith.constant 32 : index
      %swap3A_298 = tpu.vector_load %arg18[%swap3A_297] {strides = array<i32>} : memref<112xf32, #tpu.memory_space<vmem>>, vector<16xf32>,
      tpu.vector_store %arg18[%swap3A_297], %exp3A_296 {strides = array<i32>} : memref<112xf32, #tpu.memory_space<vmem>>, vector<16xf32>,
      %get3A_299 = arith.constant 48 : index
      %get3A_300 = tpu.vector_load %arg12[%get3A_299] {strides = array<i32>} : memref<96xi32, #tpu.memory_space<vmem>>, vector<16xi32>,
      %get3A_301 = arith.constant 48 : index
      %get3A_302 = tpu.vector_load %arg15[%get3A_301] {strides = array<i32>} : memref<96xi32, #tpu.memory_space<vmem>>, vector<16xi32>,
      %gather3A_303 = tpu.vector_load_idx %arg10[%get3A_300] : memref<10240xf32, #tpu.memory_space<vmem>>[vector<16xi32>], vector<16xf32>,
      %gather3A_304 = tpu.vector_load_idx %arg11[%get3A_302] : memref<10240xf32, #tpu.memory_space<vmem>>[vector<16xi32>], vector<16xf32>,
      %add3A_305 = arith.addf %gather3A_303, %gather3A_304 : vector<16xf32>
      %ge3A_306 = arith.constant 0.000000e+00 : f32
      %ge3A_307 = vector.broadcast %ge3A_306 : f32 to vector<16xf32>
      %ge3A_308 = arith.cmpf oge, %add3A_305, %ge3A_307 : vector<16xf32>
      %mul3A_309 = arith.constant 2.000000e-01 : f32
      %mul3A_310 = vector.broadcast %mul3A_309 : f32 to vector<16xf32>
      %mul3A_311 = arith.mulf %mul3A_310, %add3A_305 : vector<16xf32>
      %select_n3A_312 = arith.select %ge3A_308, %add3A_305, %mul3A_311 : vector<16xi1>, vector<16xf32>
      %exp3A_313 = math.exp %select_n3A_312 : vector<16xf32>
      %swap3A_314 = arith.constant 48 : index
      %swap3A_315 = tpu.vector_load %arg18[%swap3A_314] {strides = array<i32>} : memref<112xf32, #tpu.memory_space<vmem>>, vector<16xf32>,
      tpu.vector_store %arg18[%swap3A_314], %exp3A_313 {strides = array<i32>} : memref<112xf32, #tpu.memory_space<vmem>>, vector<16xf32>,
      %get3A_316 = arith.constant 64 : index
      %get3A_317 = tpu.vector_load %arg12[%get3A_316] {strides = array<i32>} : memref<96xi32, #tpu.memory_space<vmem>>, vector<16xi32>,
      %get3A_318 = arith.constant 64 : index
      %get3A_319 = tpu.vector_load %arg15[%get3A_318] {strides = array<i32>} : memref<96xi32, #tpu.memory_space<vmem>>, vector<16xi32>,
      %gather3A_320 = tpu.vector_load_idx %arg10[%get3A_317] : memref<10240xf32, #tpu.memory_space<vmem>>[vector<16xi32>], vector<16xf32>,
      %gather3A_321 = tpu.vector_load_idx %arg11[%get3A_319] : memref<10240xf32, #tpu.memory_space<vmem>>[vector<16xi32>], vector<16xf32>,
      %add3A_322 = arith.addf %gather3A_320, %gather3A_321 : vector<16xf32>
      %ge3A_323 = arith.constant 0.000000e+00 : f32
      %ge3A_324 = vector.broadcast %ge3A_323 : f32 to vector<16xf32>
      %ge3A_325 = arith.cmpf oge, %add3A_322, %ge3A_324 : vector<16xf32>
      %mul3A_326 = arith.constant 2.000000e-01 : f32
      %mul3A_327 = vector.broadcast %mul3A_326 : f32 to vector<16xf32>
      %mul3A_328 = arith.mulf %mul3A_327, %add3A_322 : vector<16xf32>
      %select_n3A_329 = arith.select %ge3A_325, %add3A_322, %mul3A_328 : vector<16xi1>, vector<16xf32>
      %exp3A_330 = math.exp %select_n3A_329 : vector<16xf32>
      %swap3A_331 = arith.constant 64 : index
      %swap3A_332 = tpu.vector_load %arg18[%swap3A_331] {strides = array<i32>} : memref<112xf32, #tpu.memory_space<vmem>>, vector<16xf32>,
      tpu.vector_store %arg18[%swap3A_331], %exp3A_330 {strides = array<i32>} : memref<112xf32, #tpu.memory_space<vmem>>, vector<16xf32>,
      %get3A_333 = arith.constant 80 : index
      %get3A_334 = tpu.vector_load %arg12[%get3A_333] {strides = array<i32>} : memref<96xi32, #tpu.memory_space<vmem>>, vector<16xi32>,
      %get3A_335 = arith.constant 80 : index
      %get3A_336 = tpu.vector_load %arg15[%get3A_335] {strides = array<i32>} : memref<96xi32, #tpu.memory_space<vmem>>, vector<16xi32>,
      %gather3A_337 = tpu.vector_load_idx %arg10[%get3A_334] : memref<10240xf32, #tpu.memory_space<vmem>>[vector<16xi32>], vector<16xf32>,
      %gather3A_338 = tpu.vector_load_idx %arg11[%get3A_336] : memref<10240xf32, #tpu.memory_space<vmem>>[vector<16xi32>], vector<16xf32>,
      %add3A_339 = arith.addf %gather3A_337, %gather3A_338 : vector<16xf32>
      %ge3A_340 = arith.constant 0.000000e+00 : f32
      %ge3A_341 = vector.broadcast %ge3A_340 : f32 to vector<16xf32>
      %ge3A_342 = arith.cmpf oge, %add3A_339, %ge3A_341 : vector<16xf32>
      %mul3A_343 = arith.constant 2.000000e-01 : f32
      %mul3A_344 = vector.broadcast %mul3A_343 : f32 to vector<16xf32>
      %mul3A_345 = arith.mulf %mul3A_344, %add3A_339 : vector<16xf32>
      %select_n3A_346 = arith.select %ge3A_342, %add3A_339, %mul3A_345 : vector<16xi1>, vector<16xf32>
      %exp3A_347 = math.exp %select_n3A_346 : vector<16xf32>
      %swap3A_348 = arith.constant 80 : index
      %swap3A_349 = tpu.vector_load %arg18[%swap3A_348] {strides = array<i32>} : memref<112xf32, #tpu.memory_space<vmem>>, vector<16xf32>,
      tpu.vector_store %arg18[%swap3A_348], %exp3A_347 {strides = array<i32>} : memref<112xf32, #tpu.memory_space<vmem>>, vector<16xf32>,
      %gt3A = arith.constant 0 : i32
      %gt3A_350 = arith.cmpi sgt, %scan3A_248, %gt3A : i32
      %convert_element_type3A_351 = arith.extui %gt3A_350 : i1 to i32
      %cond3A_352 = arith.constant 0 : i32
      %cond3A_353 = arith.cmpi ne, %convert_element_type3A_351, %cond3A_352 : i32
      scf.if %cond3A_353 {
        %dma_wait3A_1101 = arith.constant 0 : i32
        %dma_wait3A_1102 = arith.constant 0 : i32
        %dma_wait3A_1103 = tpu.memref_slice %arg23[%dma_wait3A_1101, %dma_wait3A_1102] : memref<10240x128xf32, #tpu.memory_space<vmem_shared>> -> memref<10240x128xf32, #tpu.memory_space<vmem_shared>>
        tpu.wait_indirect_dma semaphore(%arg28 : memref<!tpu.dma_semaphore, #tpu.memory_space<semaphore_mem>>) src(%arg21 : memref<96x128xf32, #tpu.memory_space<vmem>>) dst(%dma_wait3A_1103 : memref<10240x128xf32, #tpu.memory_space<vmem_shared>>)
        %dma_wait3A_1104 = arith.constant 0 : i32
        %dma_wait3A_1105 = tpu.memref_slice %arg19[%dma_wait3A_1104] : memref<112xf32, #tpu.memory_space<vmem>> -> memref<96xf32, #tpu.memory_space<vmem>>
        %dma_wait3A_1106 = arith.constant 0 : i32
        %dma_wait3A_1107 = tpu.memref_slice %arg24[%dma_wait3A_1106] : memref<10240xf32, #tpu.memory_space<vmem_shared>> -> memref<10240xf32, #tpu.memory_space<vmem_shared>>
        tpu.wait_indirect_dma semaphore(%arg28 : memref<!tpu.dma_semaphore, #tpu.memory_space<semaphore_mem>>) src(%dma_wait3A_1105 : memref<96xf32, #tpu.memory_space<vmem>>) dst(%dma_wait3A_1107 : memref<10240xf32, #tpu.memory_space<vmem_shared>>)
      } else {
      }
      %add3A_354 = arith.constant 2 : i32
      %add3A_355 = arith.addi %add3A_252, %add3A_354 : i32
      %mul3A_356 = arith.constant 96 : i32
      %mul3A_357 = arith.muli %add3A_355, %mul3A_356 : i32
      %add3A_358 = arith.addi %mul3A_201, %mul3A_357 : i32
      %dma_start3A_359 = tpu.memref_slice %arg5[%add3A_358] : memref<331776xi32, #tpu.memory_space<hbm>> -> memref<96xi32, #tpu.memory_space<hbm>>
      %dma_start3A_360 = tpu.memref_slice %arg5[%add3A_358] : memref<331776xi32, #tpu.memory_space<hbm>> -> memref<96xi32, #tpu.memory_space<hbm>>
      tpu.enqueue_dma source(%dma_start3A_360 : memref<96xi32, #tpu.memory_space<hbm>>) target(%arg14 : memref<96xi32, #tpu.memory_space<vmem>>) target_semaphore(%arg31 : memref<!tpu.dma_semaphore, #tpu.memory_space<semaphore_mem>>)
      %dma_start3A_361 = tpu.memref_slice %arg6[%add3A_358] : memref<331776xi32, #tpu.memory_space<hbm>> -> memref<96xi32, #tpu.memory_space<hbm>>
      %dma_start3A_362 = tpu.memref_slice %arg6[%add3A_358] : memref<331776xi32, #tpu.memory_space<hbm>> -> memref<96xi32, #tpu.memory_space<hbm>>
      tpu.enqueue_dma source(%dma_start3A_362 : memref<96xi32, #tpu.memory_space<hbm>>) target(%arg17 : memref<96xi32, #tpu.memory_space<vmem>>) target_semaphore(%arg31 : memref<!tpu.dma_semaphore, #tpu.memory_space<semaphore_mem>>)
      %dma_wait3A_363 = arith.constant 0 : i32
      %dma_wait3A_364 = tpu.memref_slice %arg5[%dma_wait3A_363] : memref<331776xi32, #tpu.memory_space<hbm>> -> memref<96xi32, #tpu.memory_space<hbm>>
      %dma_wait3A_365 = arith.constant 0 : i32
      %dma_wait3A_366 = tpu.memref_slice %arg5[%dma_wait3A_365] : memref<331776xi32, #tpu.memory_space<hbm>> -> memref<96xi32, #tpu.memory_space<hbm>>
      tpu.wait_dma2 semaphore(%arg30 : memref<!tpu.dma_semaphore, #tpu.memory_space<semaphore_mem>>) src(%dma_wait3A_366 : memref<96xi32, #tpu.memory_space<hbm>>) dst(%arg13 : memref<96xi32, #tpu.memory_space<vmem>>)
      %dma_wait3A_367 = arith.constant 0 : i32
      %dma_wait3A_368 = tpu.memref_slice %arg6[%dma_wait3A_367] : memref<331776xi32, #tpu.memory_space<hbm>> -> memref<96xi32, #tpu.memory_space<hbm>>
      %dma_wait3A_369 = arith.constant 0 : i32
      %dma_wait3A_370 = tpu.memref_slice %arg6[%dma_wait3A_369] : memref<331776xi32, #tpu.memory_space<hbm>> -> memref<96xi32, #tpu.memory_space<hbm>>
      tpu.wait_dma2 semaphore(%arg30 : memref<!tpu.dma_semaphore, #tpu.memory_space<semaphore_mem>>) src(%dma_wait3A_370 : memref<96xi32, #tpu.memory_space<hbm>>) dst(%arg16 : memref<96xi32, #tpu.memory_space<vmem>>)
      %dma_start3A_371 = arith.constant 0 : i32
      %dma_start3A_372 = arith.constant 0 : i32
      %dma_start3A_373 = tpu.memref_slice %arg4[%dma_start3A_371, %dma_start3A_372] : memref<10000x128xf32, #tpu.memory_space<hbm>> -> memref<10000x128xf32, #tpu.memory_space<hbm>>
      tpu.enqueue_indirect_dma source(%dma_start3A_373 : memref<10000x128xf32, #tpu.memory_space<hbm>>) target(%arg21 : memref<96x128xf32, #tpu.memory_space<vmem>>) offsets(%arg13 : memref<96xi32, #tpu.memory_space<vmem>>) semaphore(%arg26 : memref<!tpu.dma_semaphore, #tpu.memory_space<semaphore_mem>>)
      %dma_wait3A_374 = arith.constant 0 : i32
      %dma_wait3A_375 = arith.constant 0 : i32
      %dma_wait3A_376 = tpu.memref_slice %arg4[%dma_wait3A_374, %dma_wait3A_375] : memref<10000x128xf32, #tpu.memory_space<hbm>> -> memref<10000x128xf32, #tpu.memory_space<hbm>>
      tpu.wait_indirect_dma semaphore(%arg25 : memref<!tpu.dma_semaphore, #tpu.memory_space<semaphore_mem>>) src(%dma_wait3A_376 : memref<10000x128xf32, #tpu.memory_space<hbm>>) dst(%arg20 : memref<96x128xf32, #tpu.memory_space<vmem>>)
      %parallel_loop3A = arith.constant 0 : i32
      %parallel_loop3A_377 = arith.constant 96 : i32
      %parallel_loop3A_378 = arith.constant 1 : i32
      scf.for %parallel_loop3A_1101 = %parallel_loop3A to %parallel_loop3A_377 step %parallel_loop3A_378  : i32 {
        %parallel_loop3A_1102 = arith.index_cast %parallel_loop3A_1101 : i32 to index
        %parallel_loop3A_1103 = tpu.vector_load %arg18[%parallel_loop3A_1102] {strides = array<i32>} : memref<112xf32, #tpu.memory_space<vmem>>, vector<16xf32>,
        %parallel_loop3A_1104 = vector.extract_strided_slice %parallel_loop3A_1103 {offsets = [0], sizes = [1], strides = [1]} : vector<16xf32> to vector<1xf32>
        %parallel_loop3A_1105 = vector.extract %parallel_loop3A_1104[0] : f32 from vector<1xf32>
        %parallel_loop3A_1106 = arith.index_cast %parallel_loop3A_1101 : i32 to index
        %parallel_loop3A_1107 = arith.constant 0 : index
        %parallel_loop3A_1108 = tpu.vector_load %arg20[%parallel_loop3A_1106, %parallel_loop3A_1107] {strides = array<i32>} : memref<96x128xf32, #tpu.memory_space<vmem>>, vector<16xf32>,
        %parallel_loop3A_1109 = vector.broadcast %parallel_loop3A_1105 : f32 to vector<16xf32>
        %parallel_loop3A_1110 = arith.mulf %parallel_loop3A_1108, %parallel_loop3A_1109 : vector<16xf32>
        %parallel_loop3A_1111 = arith.index_cast %parallel_loop3A_1101 : i32 to index
        %parallel_loop3A_1112 = arith.constant 0 : index
        %parallel_loop3A_1113 = tpu.vector_load %arg20[%parallel_loop3A_1111, %parallel_loop3A_1112] {strides = array<i32>} : memref<96x128xf32, #tpu.memory_space<vmem>>, vector<16xf32>,
        tpu.vector_store %arg20[%parallel_loop3A_1111, %parallel_loop3A_1112], %parallel_loop3A_1110 {strides = array<i32>} : memref<96x128xf32, #tpu.memory_space<vmem>>, vector<16xf32>,
        %parallel_loop3A_1114 = arith.index_cast %parallel_loop3A_1101 : i32 to index
        %parallel_loop3A_1115 = arith.constant 16 : index
        %parallel_loop3A_1116 = tpu.vector_load %arg20[%parallel_loop3A_1114, %parallel_loop3A_1115] {strides = array<i32>} : memref<96x128xf32, #tpu.memory_space<vmem>>, vector<16xf32>,
        %parallel_loop3A_1117 = vector.broadcast %parallel_loop3A_1105 : f32 to vector<16xf32>
        %parallel_loop3A_1118 = arith.mulf %parallel_loop3A_1116, %parallel_loop3A_1117 : vector<16xf32>
        %parallel_loop3A_1119 = arith.index_cast %parallel_loop3A_1101 : i32 to index
        %parallel_loop3A_1120 = arith.constant 16 : index
        %parallel_loop3A_1121 = tpu.vector_load %arg20[%parallel_loop3A_1119, %parallel_loop3A_1120] {strides = array<i32>} : memref<96x128xf32, #tpu.memory_space<vmem>>, vector<16xf32>,
        tpu.vector_store %arg20[%parallel_loop3A_1119, %parallel_loop3A_1120], %parallel_loop3A_1118 {strides = array<i32>} : memref<96x128xf32, #tpu.memory_space<vmem>>, vector<16xf32>,
        %parallel_loop3A_1122 = arith.index_cast %parallel_loop3A_1101 : i32 to index
        %parallel_loop3A_1123 = arith.constant 32 : index
        %parallel_loop3A_1124 = tpu.vector_load %arg20[%parallel_loop3A_1122, %parallel_loop3A_1123] {strides = array<i32>} : memref<96x128xf32, #tpu.memory_space<vmem>>, vector<16xf32>,
        %parallel_loop3A_1125 = vector.broadcast %parallel_loop3A_1105 : f32 to vector<16xf32>
        %parallel_loop3A_1126 = arith.mulf %parallel_loop3A_1124, %parallel_loop3A_1125 : vector<16xf32>
        %parallel_loop3A_1127 = arith.index_cast %parallel_loop3A_1101 : i32 to index
        %parallel_loop3A_1128 = arith.constant 32 : index
        %parallel_loop3A_1129 = tpu.vector_load %arg20[%parallel_loop3A_1127, %parallel_loop3A_1128] {strides = array<i32>} : memref<96x128xf32, #tpu.memory_space<vmem>>, vector<16xf32>,
        tpu.vector_store %arg20[%parallel_loop3A_1127, %parallel_loop3A_1128], %parallel_loop3A_1126 {strides = array<i32>} : memref<96x128xf32, #tpu.memory_space<vmem>>, vector<16xf32>,
        %parallel_loop3A_1130 = arith.index_cast %parallel_loop3A_1101 : i32 to index
        %parallel_loop3A_1131 = arith.constant 48 : index
        %parallel_loop3A_1132 = tpu.vector_load %arg20[%parallel_loop3A_1130, %parallel_loop3A_1131] {strides = array<i32>} : memref<96x128xf32, #tpu.memory_space<vmem>>, vector<16xf32>,
        %parallel_loop3A_1133 = vector.broadcast %parallel_loop3A_1105 : f32 to vector<16xf32>
        %parallel_loop3A_1134 = arith.mulf %parallel_loop3A_1132, %parallel_loop3A_1133 : vector<16xf32>
        %parallel_loop3A_1135 = arith.index_cast %parallel_loop3A_1101 : i32 to index
        %parallel_loop3A_1136 = arith.constant 48 : index
        %parallel_loop3A_1137 = tpu.vector_load %arg20[%parallel_loop3A_1135, %parallel_loop3A_1136] {strides = array<i32>} : memref<96x128xf32, #tpu.memory_space<vmem>>, vector<16xf32>,
        tpu.vector_store %arg20[%parallel_loop3A_1135, %parallel_loop3A_1136], %parallel_loop3A_1134 {strides = array<i32>} : memref<96x128xf32, #tpu.memory_space<vmem>>, vector<16xf32>,
        %parallel_loop3A_1138 = arith.index_cast %parallel_loop3A_1101 : i32 to index
        %parallel_loop3A_1139 = arith.constant 64 : index
        %parallel_loop3A_1140 = tpu.vector_load %arg20[%parallel_loop3A_1138, %parallel_loop3A_1139] {strides = array<i32>} : memref<96x128xf32, #tpu.memory_space<vmem>>, vector<16xf32>,
        %parallel_loop3A_1141 = vector.broadcast %parallel_loop3A_1105 : f32 to vector<16xf32>
        %parallel_loop3A_1142 = arith.mulf %parallel_loop3A_1140, %parallel_loop3A_1141 : vector<16xf32>
        %parallel_loop3A_1143 = arith.index_cast %parallel_loop3A_1101 : i32 to index
        %parallel_loop3A_1144 = arith.constant 64 : index
        %parallel_loop3A_1145 = tpu.vector_load %arg20[%parallel_loop3A_1143, %parallel_loop3A_1144] {strides = array<i32>} : memref<96x128xf32, #tpu.memory_space<vmem>>, vector<16xf32>,
        tpu.vector_store %arg20[%parallel_loop3A_1143, %parallel_loop3A_1144], %parallel_loop3A_1142 {strides = array<i32>} : memref<96x128xf32, #tpu.memory_space<vmem>>, vector<16xf32>,
        %parallel_loop3A_1146 = arith.index_cast %parallel_loop3A_1101 : i32 to index
        %parallel_loop3A_1147 = arith.constant 80 : index
        %parallel_loop3A_1148 = tpu.vector_load %arg20[%parallel_loop3A_1146, %parallel_loop3A_1147] {strides = array<i32>} : memref<96x128xf32, #tpu.memory_space<vmem>>, vector<16xf32>,
        %parallel_loop3A_1149 = vector.broadcast %parallel_loop3A_1105 : f32 to vector<16xf32>
        %parallel_loop3A_1150 = arith.mulf %parallel_loop3A_1148, %parallel_loop3A_1149 : vector<16xf32>
        %parallel_loop3A_1151 = arith.index_cast %parallel_loop3A_1101 : i32 to index
        %parallel_loop3A_1152 = arith.constant 80 : index
        %parallel_loop3A_1153 = tpu.vector_load %arg20[%parallel_loop3A_1151, %parallel_loop3A_1152] {strides = array<i32>} : memref<96x128xf32, #tpu.memory_space<vmem>>, vector<16xf32>,
        tpu.vector_store %arg20[%parallel_loop3A_1151, %parallel_loop3A_1152], %parallel_loop3A_1150 {strides = array<i32>} : memref<96x128xf32, #tpu.memory_space<vmem>>, vector<16xf32>,
        %parallel_loop3A_1154 = arith.index_cast %parallel_loop3A_1101 : i32 to index
        %parallel_loop3A_1155 = arith.constant 96 : index
        %parallel_loop3A_1156 = tpu.vector_load %arg20[%parallel_loop3A_1154, %parallel_loop3A_1155] {strides = array<i32>} : memref<96x128xf32, #tpu.memory_space<vmem>>, vector<16xf32>,
        %parallel_loop3A_1157 = vector.broadcast %parallel_loop3A_1105 : f32 to vector<16xf32>
        %parallel_loop3A_1158 = arith.mulf %parallel_loop3A_1156, %parallel_loop3A_1157 : vector<16xf32>
        %parallel_loop3A_1159 = arith.index_cast %parallel_loop3A_1101 : i32 to index
        %parallel_loop3A_1160 = arith.constant 96 : index
        %parallel_loop3A_1161 = tpu.vector_load %arg20[%parallel_loop3A_1159, %parallel_loop3A_1160] {strides = array<i32>} : memref<96x128xf32, #tpu.memory_space<vmem>>, vector<16xf32>,
        tpu.vector_store %arg20[%parallel_loop3A_1159, %parallel_loop3A_1160], %parallel_loop3A_1158 {strides = array<i32>} : memref<96x128xf32, #tpu.memory_space<vmem>>, vector<16xf32>,
        %parallel_loop3A_1162 = arith.index_cast %parallel_loop3A_1101 : i32 to index
        %parallel_loop3A_1163 = arith.constant 112 : index
        %parallel_loop3A_1164 = tpu.vector_load %arg20[%parallel_loop3A_1162, %parallel_loop3A_1163] {strides = array<i32>} : memref<96x128xf32, #tpu.memory_space<vmem>>, vector<16xf32>,
        %parallel_loop3A_1165 = vector.broadcast %parallel_loop3A_1105 : f32 to vector<16xf32>
        %parallel_loop3A_1166 = arith.mulf %parallel_loop3A_1164, %parallel_loop3A_1165 : vector<16xf32>
        %parallel_loop3A_1167 = arith.index_cast %parallel_loop3A_1101 : i32 to index
        %parallel_loop3A_1168 = arith.constant 112 : index
        %parallel_loop3A_1169 = tpu.vector_load %arg20[%parallel_loop3A_1167, %parallel_loop3A_1168] {strides = array<i32>} : memref<96x128xf32, #tpu.memory_space<vmem>>, vector<16xf32>,
        tpu.vector_store %arg20[%parallel_loop3A_1167, %parallel_loop3A_1168], %parallel_loop3A_1166 {strides = array<i32>} : memref<96x128xf32, #tpu.memory_space<vmem>>, vector<16xf32>,
      } {sc.loop_unroll_factor = 8 : i64, sc.parallel_access}
      %dma_start3A_379 = arith.constant 0 : i32
      %dma_start3A_380 = arith.constant 0 : i32
      %dma_start3A_381 = tpu.memref_slice %arg23[%dma_start3A_379, %dma_start3A_380] : memref<10240x128xf32, #tpu.memory_space<vmem_shared>> -> memref<10240x128xf32, #tpu.memory_space<vmem_shared>>
      tpu.enqueue_indirect_dma source(%arg20 : memref<96x128xf32, #tpu.memory_space<vmem>>) target(%dma_start3A_381 : memref<10240x128xf32, #tpu.memory_space<vmem_shared>>) offsets(%arg15 : memref<96xi32, #tpu.memory_space<vmem>>) semaphore(%arg27 : memref<!tpu.dma_semaphore, #tpu.memory_space<semaphore_mem>>) {add = true}
      %dma_start3A_382 = arith.constant 0 : i32
      %dma_start3A_383 = tpu.memref_slice %arg18[%dma_start3A_382] : memref<112xf32, #tpu.memory_space<vmem>> -> memref<96xf32, #tpu.memory_space<vmem>>
      %dma_start3A_384 = arith.constant 0 : i32
      %dma_start3A_385 = tpu.memref_slice %arg24[%dma_start3A_384] : memref<10240xf32, #tpu.memory_space<vmem_shared>> -> memref<10240xf32, #tpu.memory_space<vmem_shared>>
      tpu.enqueue_indirect_dma source(%dma_start3A_383 : memref<96xf32, #tpu.memory_space<vmem>>) target(%dma_start3A_385 : memref<10240xf32, #tpu.memory_space<vmem_shared>>) offsets(%arg15 : memref<96xi32, #tpu.memory_space<vmem>>) semaphore(%arg27 : memref<!tpu.dma_semaphore, #tpu.memory_space<semaphore_mem>>) {add = true}
      %mul3A_386 = arith.constant 6 : i32
      %mul3A_387 = arith.muli %scan3A_248, %mul3A_386 : i32
      %add3A_388 = arith.constant 1 : i32
      %add3A_389 = arith.addi %mul3A_387, %add3A_388 : i32
      %get3A_390 = arith.constant 0 : index
      %get3A_391 = tpu.vector_load %arg13[%get3A_390] {strides = array<i32>} : memref<96xi32, #tpu.memory_space<vmem>>, vector<16xi32>,
      %get3A_392 = arith.constant 0 : index
      %get3A_393 = tpu.vector_load %arg16[%get3A_392] {strides = array<i32>} : memref<96xi32, #tpu.memory_space<vmem>>, vector<16xi32>,
      %gather3A_394 = tpu.vector_load_idx %arg10[%get3A_391] : memref<10240xf32, #tpu.memory_space<vmem>>[vector<16xi32>], vector<16xf32>,
      %gather3A_395 = tpu.vector_load_idx %arg11[%get3A_393] : memref<10240xf32, #tpu.memory_space<vmem>>[vector<16xi32>], vector<16xf32>,
      %add3A_396 = arith.addf %gather3A_394, %gather3A_395 : vector<16xf32>
      %ge3A_397 = arith.constant 0.000000e+00 : f32
      %ge3A_398 = vector.broadcast %ge3A_397 : f32 to vector<16xf32>
      %ge3A_399 = arith.cmpf oge, %add3A_396, %ge3A_398 : vector<16xf32>
      %mul3A_400 = arith.constant 2.000000e-01 : f32
      %mul3A_401 = vector.broadcast %mul3A_400 : f32 to vector<16xf32>
      %mul3A_402 = arith.mulf %mul3A_401, %add3A_396 : vector<16xf32>
      %select_n3A_403 = arith.select %ge3A_399, %add3A_396, %mul3A_402 : vector<16xi1>, vector<16xf32>
      %exp3A_404 = math.exp %select_n3A_403 : vector<16xf32>
      %swap3A_405 = arith.constant 0 : index
      %swap3A_406 = tpu.vector_load %arg19[%swap3A_405] {strides = array<i32>} : memref<112xf32, #tpu.memory_space<vmem>>, vector<16xf32>,
      tpu.vector_store %arg19[%swap3A_405], %exp3A_404 {strides = array<i32>} : memref<112xf32, #tpu.memory_space<vmem>>, vector<16xf32>,
      %get3A_407 = arith.constant 16 : index
      %get3A_408 = tpu.vector_load %arg13[%get3A_407] {strides = array<i32>} : memref<96xi32, #tpu.memory_space<vmem>>, vector<16xi32>,
      %get3A_409 = arith.constant 16 : index
      %get3A_410 = tpu.vector_load %arg16[%get3A_409] {strides = array<i32>} : memref<96xi32, #tpu.memory_space<vmem>>, vector<16xi32>,
      %gather3A_411 = tpu.vector_load_idx %arg10[%get3A_408] : memref<10240xf32, #tpu.memory_space<vmem>>[vector<16xi32>], vector<16xf32>,
      %gather3A_412 = tpu.vector_load_idx %arg11[%get3A_410] : memref<10240xf32, #tpu.memory_space<vmem>>[vector<16xi32>], vector<16xf32>,
      %add3A_413 = arith.addf %gather3A_411, %gather3A_412 : vector<16xf32>
      %ge3A_414 = arith.constant 0.000000e+00 : f32
      %ge3A_415 = vector.broadcast %ge3A_414 : f32 to vector<16xf32>
      %ge3A_416 = arith.cmpf oge, %add3A_413, %ge3A_415 : vector<16xf32>
      %mul3A_417 = arith.constant 2.000000e-01 : f32
      %mul3A_418 = vector.broadcast %mul3A_417 : f32 to vector<16xf32>
      %mul3A_419 = arith.mulf %mul3A_418, %add3A_413 : vector<16xf32>
      %select_n3A_420 = arith.select %ge3A_416, %add3A_413, %mul3A_419 : vector<16xi1>, vector<16xf32>
      %exp3A_421 = math.exp %select_n3A_420 : vector<16xf32>
      %swap3A_422 = arith.constant 16 : index
      %swap3A_423 = tpu.vector_load %arg19[%swap3A_422] {strides = array<i32>} : memref<112xf32, #tpu.memory_space<vmem>>, vector<16xf32>,
      tpu.vector_store %arg19[%swap3A_422], %exp3A_421 {strides = array<i32>} : memref<112xf32, #tpu.memory_space<vmem>>, vector<16xf32>,
      %get3A_424 = arith.constant 32 : index
      %get3A_425 = tpu.vector_load %arg13[%get3A_424] {strides = array<i32>} : memref<96xi32, #tpu.memory_space<vmem>>, vector<16xi32>,
      %get3A_426 = arith.constant 32 : index
      %get3A_427 = tpu.vector_load %arg16[%get3A_426] {strides = array<i32>} : memref<96xi32, #tpu.memory_space<vmem>>, vector<16xi32>,
      %gather3A_428 = tpu.vector_load_idx %arg10[%get3A_425] : memref<10240xf32, #tpu.memory_space<vmem>>[vector<16xi32>], vector<16xf32>,
      %gather3A_429 = tpu.vector_load_idx %arg11[%get3A_427] : memref<10240xf32, #tpu.memory_space<vmem>>[vector<16xi32>], vector<16xf32>,
      %add3A_430 = arith.addf %gather3A_428, %gather3A_429 : vector<16xf32>
      %ge3A_431 = arith.constant 0.000000e+00 : f32
      %ge3A_432 = vector.broadcast %ge3A_431 : f32 to vector<16xf32>
      %ge3A_433 = arith.cmpf oge, %add3A_430, %ge3A_432 : vector<16xf32>
      %mul3A_434 = arith.constant 2.000000e-01 : f32
      %mul3A_435 = vector.broadcast %mul3A_434 : f32 to vector<16xf32>
      %mul3A_436 = arith.mulf %mul3A_435, %add3A_430 : vector<16xf32>
      %select_n3A_437 = arith.select %ge3A_433, %add3A_430, %mul3A_436 : vector<16xi1>, vector<16xf32>
      %exp3A_438 = math.exp %select_n3A_437 : vector<16xf32>
      %swap3A_439 = arith.constant 32 : index
      %swap3A_440 = tpu.vector_load %arg19[%swap3A_439] {strides = array<i32>} : memref<112xf32, #tpu.memory_space<vmem>>, vector<16xf32>,
      tpu.vector_store %arg19[%swap3A_439], %exp3A_438 {strides = array<i32>} : memref<112xf32, #tpu.memory_space<vmem>>, vector<16xf32>,
      %get3A_441 = arith.constant 48 : index
      %get3A_442 = tpu.vector_load %arg13[%get3A_441] {strides = array<i32>} : memref<96xi32, #tpu.memory_space<vmem>>, vector<16xi32>,
      %get3A_443 = arith.constant 48 : index
      %get3A_444 = tpu.vector_load %arg16[%get3A_443] {strides = array<i32>} : memref<96xi32, #tpu.memory_space<vmem>>, vector<16xi32>,
      %gather3A_445 = tpu.vector_load_idx %arg10[%get3A_442] : memref<10240xf32, #tpu.memory_space<vmem>>[vector<16xi32>], vector<16xf32>,
      %gather3A_446 = tpu.vector_load_idx %arg11[%get3A_444] : memref<10240xf32, #tpu.memory_space<vmem>>[vector<16xi32>], vector<16xf32>,
      %add3A_447 = arith.addf %gather3A_445, %gather3A_446 : vector<16xf32>
      %ge3A_448 = arith.constant 0.000000e+00 : f32
      %ge3A_449 = vector.broadcast %ge3A_448 : f32 to vector<16xf32>
      %ge3A_450 = arith.cmpf oge, %add3A_447, %ge3A_449 : vector<16xf32>
      %mul3A_451 = arith.constant 2.000000e-01 : f32
      %mul3A_452 = vector.broadcast %mul3A_451 : f32 to vector<16xf32>
      %mul3A_453 = arith.mulf %mul3A_452, %add3A_447 : vector<16xf32>
      %select_n3A_454 = arith.select %ge3A_450, %add3A_447, %mul3A_453 : vector<16xi1>, vector<16xf32>
      %exp3A_455 = math.exp %select_n3A_454 : vector<16xf32>
      %swap3A_456 = arith.constant 48 : index
      %swap3A_457 = tpu.vector_load %arg19[%swap3A_456] {strides = array<i32>} : memref<112xf32, #tpu.memory_space<vmem>>, vector<16xf32>,
      tpu.vector_store %arg19[%swap3A_456], %exp3A_455 {strides = array<i32>} : memref<112xf32, #tpu.memory_space<vmem>>, vector<16xf32>,
      %get3A_458 = arith.constant 64 : index
      %get3A_459 = tpu.vector_load %arg13[%get3A_458] {strides = array<i32>} : memref<96xi32, #tpu.memory_space<vmem>>, vector<16xi32>,
      %get3A_460 = arith.constant 64 : index
      %get3A_461 = tpu.vector_load %arg16[%get3A_460] {strides = array<i32>} : memref<96xi32, #tpu.memory_space<vmem>>, vector<16xi32>,
      %gather3A_462 = tpu.vector_load_idx %arg10[%get3A_459] : memref<10240xf32, #tpu.memory_space<vmem>>[vector<16xi32>], vector<16xf32>,
      %gather3A_463 = tpu.vector_load_idx %arg11[%get3A_461] : memref<10240xf32, #tpu.memory_space<vmem>>[vector<16xi32>], vector<16xf32>,
      %add3A_464 = arith.addf %gather3A_462, %gather3A_463 : vector<16xf32>
      %ge3A_465 = arith.constant 0.000000e+00 : f32
      %ge3A_466 = vector.broadcast %ge3A_465 : f32 to vector<16xf32>
      %ge3A_467 = arith.cmpf oge, %add3A_464, %ge3A_466 : vector<16xf32>
      %mul3A_468 = arith.constant 2.000000e-01 : f32
      %mul3A_469 = vector.broadcast %mul3A_468 : f32 to vector<16xf32>
      %mul3A_470 = arith.mulf %mul3A_469, %add3A_464 : vector<16xf32>
      %select_n3A_471 = arith.select %ge3A_467, %add3A_464, %mul3A_470 : vector<16xi1>, vector<16xf32>
      %exp3A_472 = math.exp %select_n3A_471 : vector<16xf32>
      %swap3A_473 = arith.constant 64 : index
      %swap3A_474 = tpu.vector_load %arg19[%swap3A_473] {strides = array<i32>} : memref<112xf32, #tpu.memory_space<vmem>>, vector<16xf32>,
      tpu.vector_store %arg19[%swap3A_473], %exp3A_472 {strides = array<i32>} : memref<112xf32, #tpu.memory_space<vmem>>, vector<16xf32>,
      %get3A_475 = arith.constant 80 : index
      %get3A_476 = tpu.vector_load %arg13[%get3A_475] {strides = array<i32>} : memref<96xi32, #tpu.memory_space<vmem>>, vector<16xi32>,
      %get3A_477 = arith.constant 80 : index
      %get3A_478 = tpu.vector_load %arg16[%get3A_477] {strides = array<i32>} : memref<96xi32, #tpu.memory_space<vmem>>, vector<16xi32>,
      %gather3A_479 = tpu.vector_load_idx %arg10[%get3A_476] : memref<10240xf32, #tpu.memory_space<vmem>>[vector<16xi32>], vector<16xf32>,
      %gather3A_480 = tpu.vector_load_idx %arg11[%get3A_478] : memref<10240xf32, #tpu.memory_space<vmem>>[vector<16xi32>], vector<16xf32>,
      %add3A_481 = arith.addf %gather3A_479, %gather3A_480 : vector<16xf32>
      %ge3A_482 = arith.constant 0.000000e+00 : f32
      %ge3A_483 = vector.broadcast %ge3A_482 : f32 to vector<16xf32>
      %ge3A_484 = arith.cmpf oge, %add3A_481, %ge3A_483 : vector<16xf32>
      %mul3A_485 = arith.constant 2.000000e-01 : f32
      %mul3A_486 = vector.broadcast %mul3A_485 : f32 to vector<16xf32>
      %mul3A_487 = arith.mulf %mul3A_486, %add3A_481 : vector<16xf32>
      %select_n3A_488 = arith.select %ge3A_484, %add3A_481, %mul3A_487 : vector<16xi1>, vector<16xf32>
      %exp3A_489 = math.exp %select_n3A_488 : vector<16xf32>
      %swap3A_490 = arith.constant 80 : index
      %swap3A_491 = tpu.vector_load %arg19[%swap3A_490] {strides = array<i32>} : memref<112xf32, #tpu.memory_space<vmem>>, vector<16xf32>,
      tpu.vector_store %arg19[%swap3A_490], %exp3A_489 {strides = array<i32>} : memref<112xf32, #tpu.memory_space<vmem>>, vector<16xf32>,
      %dma_wait3A_492 = arith.constant 0 : i32
      %dma_wait3A_493 = arith.constant 0 : i32
      %dma_wait3A_494 = tpu.memref_slice %arg23[%dma_wait3A_492, %dma_wait3A_493] : memref<10240x128xf32, #tpu.memory_space<vmem_shared>> -> memref<10240x128xf32, #tpu.memory_space<vmem_shared>>
      tpu.wait_indirect_dma semaphore(%arg27 : memref<!tpu.dma_semaphore, #tpu.memory_space<semaphore_mem>>) src(%arg20 : memref<96x128xf32, #tpu.memory_space<vmem>>) dst(%dma_wait3A_494 : memref<10240x128xf32, #tpu.memory_space<vmem_shared>>)
      %dma_wait3A_495 = arith.constant 0 : i32
      %dma_wait3A_496 = tpu.memref_slice %arg18[%dma_wait3A_495] : memref<112xf32, #tpu.memory_space<vmem>> -> memref<96xf32, #tpu.memory_space<vmem>>
      %dma_wait3A_497 = arith.constant 0 : i32
      %dma_wait3A_498 = tpu.memref_slice %arg24[%dma_wait3A_497] : memref<10240xf32, #tpu.memory_space<vmem_shared>> -> memref<10240xf32, #tpu.memory_space<vmem_shared>>
      tpu.wait_indirect_dma semaphore(%arg27 : memref<!tpu.dma_semaphore, #tpu.memory_space<semaphore_mem>>) src(%dma_wait3A_496 : memref<96xf32, #tpu.memory_space<vmem>>) dst(%dma_wait3A_498 : memref<10240xf32, #tpu.memory_space<vmem_shared>>)
      %add3A_499 = arith.constant 2 : i32
      %add3A_500 = arith.addi %add3A_389, %add3A_499 : i32
      %mul3A_501 = arith.constant 96 : i32
      %mul3A_502 = arith.muli %add3A_500, %mul3A_501 : i32
      %add3A_503 = arith.addi %mul3A_201, %mul3A_502 : i32
      %dma_start3A_504 = tpu.memref_slice %arg5[%add3A_503] : memref<331776xi32, #tpu.memory_space<hbm>> -> memref<96xi32, #tpu.memory_space<hbm>>
      %dma_start3A_505 = tpu.memref_slice %arg5[%add3A_503] : memref<331776xi32, #tpu.memory_space<hbm>> -> memref<96xi32, #tpu.memory_space<hbm>>
      tpu.enqueue_dma source(%dma_start3A_505 : memref<96xi32, #tpu.memory_space<hbm>>) target(%arg12 : memref<96xi32, #tpu.memory_space<vmem>>) target_semaphore(%arg29 : memref<!tpu.dma_semaphore, #tpu.memory_space<semaphore_mem>>)
      %dma_start3A_506 = tpu.memref_slice %arg6[%add3A_503] : memref<331776xi32, #tpu.memory_space<hbm>> -> memref<96xi32, #tpu.memory_space<hbm>>
      %dma_start3A_507 = tpu.memref_slice %arg6[%add3A_503] : memref<331776xi32, #tpu.memory_space<hbm>> -> memref<96xi32, #tpu.memory_space<hbm>>
      tpu.enqueue_dma source(%dma_start3A_507 : memref<96xi32, #tpu.memory_space<hbm>>) target(%arg15 : memref<96xi32, #tpu.memory_space<vmem>>) target_semaphore(%arg29 : memref<!tpu.dma_semaphore, #tpu.memory_space<semaphore_mem>>)
      %dma_wait3A_508 = arith.constant 0 : i32
      %dma_wait3A_509 = tpu.memref_slice %arg5[%dma_wait3A_508] : memref<331776xi32, #tpu.memory_space<hbm>> -> memref<96xi32, #tpu.memory_space<hbm>>
      %dma_wait3A_510 = arith.constant 0 : i32
      %dma_wait3A_511 = tpu.memref_slice %arg5[%dma_wait3A_510] : memref<331776xi32, #tpu.memory_space<hbm>> -> memref<96xi32, #tpu.memory_space<hbm>>
      tpu.wait_dma2 semaphore(%arg31 : memref<!tpu.dma_semaphore, #tpu.memory_space<semaphore_mem>>) src(%dma_wait3A_511 : memref<96xi32, #tpu.memory_space<hbm>>) dst(%arg14 : memref<96xi32, #tpu.memory_space<vmem>>)
      %dma_wait3A_512 = arith.constant 0 : i32
      %dma_wait3A_513 = tpu.memref_slice %arg6[%dma_wait3A_512] : memref<331776xi32, #tpu.memory_space<hbm>> -> memref<96xi32, #tpu.memory_space<hbm>>
      %dma_wait3A_514 = arith.constant 0 : i32
      %dma_wait3A_515 = tpu.memref_slice %arg6[%dma_wait3A_514] : memref<331776xi32, #tpu.memory_space<hbm>> -> memref<96xi32, #tpu.memory_space<hbm>>
      tpu.wait_dma2 semaphore(%arg31 : memref<!tpu.dma_semaphore, #tpu.memory_space<semaphore_mem>>) src(%dma_wait3A_515 : memref<96xi32, #tpu.memory_space<hbm>>) dst(%arg17 : memref<96xi32, #tpu.memory_space<vmem>>)
      %dma_start3A_516 = arith.constant 0 : i32
      %dma_start3A_517 = arith.constant 0 : i32
      %dma_start3A_518 = tpu.memref_slice %arg4[%dma_start3A_516, %dma_start3A_517] : memref<10000x128xf32, #tpu.memory_space<hbm>> -> memref<10000x128xf32, #tpu.memory_space<hbm>>
      tpu.enqueue_indirect_dma source(%dma_start3A_518 : memref<10000x128xf32, #tpu.memory_space<hbm>>) target(%arg20 : memref<96x128xf32, #tpu.memory_space<vmem>>) offsets(%arg14 : memref<96xi32, #tpu.memory_space<vmem>>) semaphore(%arg25 : memref<!tpu.dma_semaphore, #tpu.memory_space<semaphore_mem>>)
      %dma_wait3A_519 = arith.constant 0 : i32
      %dma_wait3A_520 = arith.constant 0 : i32
      %dma_wait3A_521 = tpu.memref_slice %arg4[%dma_wait3A_519, %dma_wait3A_520] : memref<10000x128xf32, #tpu.memory_space<hbm>> -> memref<10000x128xf32, #tpu.memory_space<hbm>>
      tpu.wait_indirect_dma semaphore(%arg26 : memref<!tpu.dma_semaphore, #tpu.memory_space<semaphore_mem>>) src(%dma_wait3A_521 : memref<10000x128xf32, #tpu.memory_space<hbm>>) dst(%arg21 : memref<96x128xf32, #tpu.memory_space<vmem>>)
      %parallel_loop3A_522 = arith.constant 0 : i32
      %parallel_loop3A_523 = arith.constant 96 : i32
      %parallel_loop3A_524 = arith.constant 1 : i32
      scf.for %parallel_loop3A_1101 = %parallel_loop3A_522 to %parallel_loop3A_523 step %parallel_loop3A_524  : i32 {
        %parallel_loop3A_1102 = arith.index_cast %parallel_loop3A_1101 : i32 to index
        %parallel_loop3A_1103 = tpu.vector_load %arg19[%parallel_loop3A_1102] {strides = array<i32>} : memref<112xf32, #tpu.memory_space<vmem>>, vector<16xf32>,
        %parallel_loop3A_1104 = vector.extract_strided_slice %parallel_loop3A_1103 {offsets = [0], sizes = [1], strides = [1]} : vector<16xf32> to vector<1xf32>
        %parallel_loop3A_1105 = vector.extract %parallel_loop3A_1104[0] : f32 from vector<1xf32>
        %parallel_loop3A_1106 = arith.index_cast %parallel_loop3A_1101 : i32 to index
        %parallel_loop3A_1107 = arith.constant 0 : index
        %parallel_loop3A_1108 = tpu.vector_load %arg21[%parallel_loop3A_1106, %parallel_loop3A_1107] {strides = array<i32>} : memref<96x128xf32, #tpu.memory_space<vmem>>, vector<16xf32>,
        %parallel_loop3A_1109 = vector.broadcast %parallel_loop3A_1105 : f32 to vector<16xf32>
        %parallel_loop3A_1110 = arith.mulf %parallel_loop3A_1108, %parallel_loop3A_1109 : vector<16xf32>
        %parallel_loop3A_1111 = arith.index_cast %parallel_loop3A_1101 : i32 to index
        %parallel_loop3A_1112 = arith.constant 0 : index
        %parallel_loop3A_1113 = tpu.vector_load %arg21[%parallel_loop3A_1111, %parallel_loop3A_1112] {strides = array<i32>} : memref<96x128xf32, #tpu.memory_space<vmem>>, vector<16xf32>,
        tpu.vector_store %arg21[%parallel_loop3A_1111, %parallel_loop3A_1112], %parallel_loop3A_1110 {strides = array<i32>} : memref<96x128xf32, #tpu.memory_space<vmem>>, vector<16xf32>,
        %parallel_loop3A_1114 = arith.index_cast %parallel_loop3A_1101 : i32 to index
        %parallel_loop3A_1115 = arith.constant 16 : index
        %parallel_loop3A_1116 = tpu.vector_load %arg21[%parallel_loop3A_1114, %parallel_loop3A_1115] {strides = array<i32>} : memref<96x128xf32, #tpu.memory_space<vmem>>, vector<16xf32>,
        %parallel_loop3A_1117 = vector.broadcast %parallel_loop3A_1105 : f32 to vector<16xf32>
        %parallel_loop3A_1118 = arith.mulf %parallel_loop3A_1116, %parallel_loop3A_1117 : vector<16xf32>
        %parallel_loop3A_1119 = arith.index_cast %parallel_loop3A_1101 : i32 to index
        %parallel_loop3A_1120 = arith.constant 16 : index
        %parallel_loop3A_1121 = tpu.vector_load %arg21[%parallel_loop3A_1119, %parallel_loop3A_1120] {strides = array<i32>} : memref<96x128xf32, #tpu.memory_space<vmem>>, vector<16xf32>,
        tpu.vector_store %arg21[%parallel_loop3A_1119, %parallel_loop3A_1120], %parallel_loop3A_1118 {strides = array<i32>} : memref<96x128xf32, #tpu.memory_space<vmem>>, vector<16xf32>,
        %parallel_loop3A_1122 = arith.index_cast %parallel_loop3A_1101 : i32 to index
        %parallel_loop3A_1123 = arith.constant 32 : index
        %parallel_loop3A_1124 = tpu.vector_load %arg21[%parallel_loop3A_1122, %parallel_loop3A_1123] {strides = array<i32>} : memref<96x128xf32, #tpu.memory_space<vmem>>, vector<16xf32>,
        %parallel_loop3A_1125 = vector.broadcast %parallel_loop3A_1105 : f32 to vector<16xf32>
        %parallel_loop3A_1126 = arith.mulf %parallel_loop3A_1124, %parallel_loop3A_1125 : vector<16xf32>
        %parallel_loop3A_1127 = arith.index_cast %parallel_loop3A_1101 : i32 to index
        %parallel_loop3A_1128 = arith.constant 32 : index
        %parallel_loop3A_1129 = tpu.vector_load %arg21[%parallel_loop3A_1127, %parallel_loop3A_1128] {strides = array<i32>} : memref<96x128xf32, #tpu.memory_space<vmem>>, vector<16xf32>,
        tpu.vector_store %arg21[%parallel_loop3A_1127, %parallel_loop3A_1128], %parallel_loop3A_1126 {strides = array<i32>} : memref<96x128xf32, #tpu.memory_space<vmem>>, vector<16xf32>,
        %parallel_loop3A_1130 = arith.index_cast %parallel_loop3A_1101 : i32 to index
        %parallel_loop3A_1131 = arith.constant 48 : index
        %parallel_loop3A_1132 = tpu.vector_load %arg21[%parallel_loop3A_1130, %parallel_loop3A_1131] {strides = array<i32>} : memref<96x128xf32, #tpu.memory_space<vmem>>, vector<16xf32>,
        %parallel_loop3A_1133 = vector.broadcast %parallel_loop3A_1105 : f32 to vector<16xf32>
        %parallel_loop3A_1134 = arith.mulf %parallel_loop3A_1132, %parallel_loop3A_1133 : vector<16xf32>
        %parallel_loop3A_1135 = arith.index_cast %parallel_loop3A_1101 : i32 to index
        %parallel_loop3A_1136 = arith.constant 48 : index
        %parallel_loop3A_1137 = tpu.vector_load %arg21[%parallel_loop3A_1135, %parallel_loop3A_1136] {strides = array<i32>} : memref<96x128xf32, #tpu.memory_space<vmem>>, vector<16xf32>,
        tpu.vector_store %arg21[%parallel_loop3A_1135, %parallel_loop3A_1136], %parallel_loop3A_1134 {strides = array<i32>} : memref<96x128xf32, #tpu.memory_space<vmem>>, vector<16xf32>,
        %parallel_loop3A_1138 = arith.index_cast %parallel_loop3A_1101 : i32 to index
        %parallel_loop3A_1139 = arith.constant 64 : index
        %parallel_loop3A_1140 = tpu.vector_load %arg21[%parallel_loop3A_1138, %parallel_loop3A_1139] {strides = array<i32>} : memref<96x128xf32, #tpu.memory_space<vmem>>, vector<16xf32>,
        %parallel_loop3A_1141 = vector.broadcast %parallel_loop3A_1105 : f32 to vector<16xf32>
        %parallel_loop3A_1142 = arith.mulf %parallel_loop3A_1140, %parallel_loop3A_1141 : vector<16xf32>
        %parallel_loop3A_1143 = arith.index_cast %parallel_loop3A_1101 : i32 to index
        %parallel_loop3A_1144 = arith.constant 64 : index
        %parallel_loop3A_1145 = tpu.vector_load %arg21[%parallel_loop3A_1143, %parallel_loop3A_1144] {strides = array<i32>} : memref<96x128xf32, #tpu.memory_space<vmem>>, vector<16xf32>,
        tpu.vector_store %arg21[%parallel_loop3A_1143, %parallel_loop3A_1144], %parallel_loop3A_1142 {strides = array<i32>} : memref<96x128xf32, #tpu.memory_space<vmem>>, vector<16xf32>,
        %parallel_loop3A_1146 = arith.index_cast %parallel_loop3A_1101 : i32 to index
        %parallel_loop3A_1147 = arith.constant 80 : index
        %parallel_loop3A_1148 = tpu.vector_load %arg21[%parallel_loop3A_1146, %parallel_loop3A_1147] {strides = array<i32>} : memref<96x128xf32, #tpu.memory_space<vmem>>, vector<16xf32>,
        %parallel_loop3A_1149 = vector.broadcast %parallel_loop3A_1105 : f32 to vector<16xf32>
        %parallel_loop3A_1150 = arith.mulf %parallel_loop3A_1148, %parallel_loop3A_1149 : vector<16xf32>
        %parallel_loop3A_1151 = arith.index_cast %parallel_loop3A_1101 : i32 to index
        %parallel_loop3A_1152 = arith.constant 80 : index
        %parallel_loop3A_1153 = tpu.vector_load %arg21[%parallel_loop3A_1151, %parallel_loop3A_1152] {strides = array<i32>} : memref<96x128xf32, #tpu.memory_space<vmem>>, vector<16xf32>,
        tpu.vector_store %arg21[%parallel_loop3A_1151, %parallel_loop3A_1152], %parallel_loop3A_1150 {strides = array<i32>} : memref<96x128xf32, #tpu.memory_space<vmem>>, vector<16xf32>,
        %parallel_loop3A_1154 = arith.index_cast %parallel_loop3A_1101 : i32 to index
        %parallel_loop3A_1155 = arith.constant 96 : index
        %parallel_loop3A_1156 = tpu.vector_load %arg21[%parallel_loop3A_1154, %parallel_loop3A_1155] {strides = array<i32>} : memref<96x128xf32, #tpu.memory_space<vmem>>, vector<16xf32>,
        %parallel_loop3A_1157 = vector.broadcast %parallel_loop3A_1105 : f32 to vector<16xf32>
        %parallel_loop3A_1158 = arith.mulf %parallel_loop3A_1156, %parallel_loop3A_1157 : vector<16xf32>
        %parallel_loop3A_1159 = arith.index_cast %parallel_loop3A_1101 : i32 to index
        %parallel_loop3A_1160 = arith.constant 96 : index
        %parallel_loop3A_1161 = tpu.vector_load %arg21[%parallel_loop3A_1159, %parallel_loop3A_1160] {strides = array<i32>} : memref<96x128xf32, #tpu.memory_space<vmem>>, vector<16xf32>,
        tpu.vector_store %arg21[%parallel_loop3A_1159, %parallel_loop3A_1160], %parallel_loop3A_1158 {strides = array<i32>} : memref<96x128xf32, #tpu.memory_space<vmem>>, vector<16xf32>,
        %parallel_loop3A_1162 = arith.index_cast %parallel_loop3A_1101 : i32 to index
        %parallel_loop3A_1163 = arith.constant 112 : index
        %parallel_loop3A_1164 = tpu.vector_load %arg21[%parallel_loop3A_1162, %parallel_loop3A_1163] {strides = array<i32>} : memref<96x128xf32, #tpu.memory_space<vmem>>, vector<16xf32>,
        %parallel_loop3A_1165 = vector.broadcast %parallel_loop3A_1105 : f32 to vector<16xf32>
        %parallel_loop3A_1166 = arith.mulf %parallel_loop3A_1164, %parallel_loop3A_1165 : vector<16xf32>
        %parallel_loop3A_1167 = arith.index_cast %parallel_loop3A_1101 : i32 to index
        %parallel_loop3A_1168 = arith.constant 112 : index
        %parallel_loop3A_1169 = tpu.vector_load %arg21[%parallel_loop3A_1167, %parallel_loop3A_1168] {strides = array<i32>} : memref<96x128xf32, #tpu.memory_space<vmem>>, vector<16xf32>,
        tpu.vector_store %arg21[%parallel_loop3A_1167, %parallel_loop3A_1168], %parallel_loop3A_1166 {strides = array<i32>} : memref<96x128xf32, #tpu.memory_space<vmem>>, vector<16xf32>,
      } {sc.loop_unroll_factor = 8 : i64, sc.parallel_access}
      %dma_start3A_525 = arith.constant 0 : i32
      %dma_start3A_526 = arith.constant 0 : i32
      %dma_start3A_527 = tpu.memref_slice %arg23[%dma_start3A_525, %dma_start3A_526] : memref<10240x128xf32, #tpu.memory_space<vmem_shared>> -> memref<10240x128xf32, #tpu.memory_space<vmem_shared>>
      tpu.enqueue_indirect_dma source(%arg21 : memref<96x128xf32, #tpu.memory_space<vmem>>) target(%dma_start3A_527 : memref<10240x128xf32, #tpu.memory_space<vmem_shared>>) offsets(%arg16 : memref<96xi32, #tpu.memory_space<vmem>>) semaphore(%arg28 : memref<!tpu.dma_semaphore, #tpu.memory_space<semaphore_mem>>) {add = true}
      %dma_start3A_528 = arith.constant 0 : i32
      %dma_start3A_529 = tpu.memref_slice %arg19[%dma_start3A_528] : memref<112xf32, #tpu.memory_space<vmem>> -> memref<96xf32, #tpu.memory_space<vmem>>
      %dma_start3A_530 = arith.constant 0 : i32
      %dma_start3A_531 = tpu.memref_slice %arg24[%dma_start3A_530] : memref<10240xf32, #tpu.memory_space<vmem_shared>> -> memref<10240xf32, #tpu.memory_space<vmem_shared>>
      tpu.enqueue_indirect_dma source(%dma_start3A_529 : memref<96xf32, #tpu.memory_space<vmem>>) target(%dma_start3A_531 : memref<10240xf32, #tpu.memory_space<vmem_shared>>) offsets(%arg16 : memref<96xi32, #tpu.memory_space<vmem>>) semaphore(%arg28 : memref<!tpu.dma_semaphore, #tpu.memory_space<semaphore_mem>>) {add = true}
      %mul3A_532 = arith.constant 6 : i32
      %mul3A_533 = arith.muli %scan3A_248, %mul3A_532 : i32
      %add3A_534 = arith.constant 2 : i32
      %add3A_535 = arith.addi %mul3A_533, %add3A_534 : i32
      %get3A_536 = arith.constant 0 : index
      %get3A_537 = tpu.vector_load %arg14[%get3A_536] {strides = array<i32>} : memref<96xi32, #tpu.memory_space<vmem>>, vector<16xi32>,
      %get3A_538 = arith.constant 0 : index
      %get3A_539 = tpu.vector_load %arg17[%get3A_538] {strides = array<i32>} : memref<96xi32, #tpu.memory_space<vmem>>, vector<16xi32>,
      %gather3A_540 = tpu.vector_load_idx %arg10[%get3A_537] : memref<10240xf32, #tpu.memory_space<vmem>>[vector<16xi32>], vector<16xf32>,
      %gather3A_541 = tpu.vector_load_idx %arg11[%get3A_539] : memref<10240xf32, #tpu.memory_space<vmem>>[vector<16xi32>], vector<16xf32>,
      %add3A_542 = arith.addf %gather3A_540, %gather3A_541 : vector<16xf32>
      %ge3A_543 = arith.constant 0.000000e+00 : f32
      %ge3A_544 = vector.broadcast %ge3A_543 : f32 to vector<16xf32>
      %ge3A_545 = arith.cmpf oge, %add3A_542, %ge3A_544 : vector<16xf32>
      %mul3A_546 = arith.constant 2.000000e-01 : f32
      %mul3A_547 = vector.broadcast %mul3A_546 : f32 to vector<16xf32>
      %mul3A_548 = arith.mulf %mul3A_547, %add3A_542 : vector<16xf32>
      %select_n3A_549 = arith.select %ge3A_545, %add3A_542, %mul3A_548 : vector<16xi1>, vector<16xf32>
      %exp3A_550 = math.exp %select_n3A_549 : vector<16xf32>
      %swap3A_551 = arith.constant 0 : index
      %swap3A_552 = tpu.vector_load %arg18[%swap3A_551] {strides = array<i32>} : memref<112xf32, #tpu.memory_space<vmem>>, vector<16xf32>,
      tpu.vector_store %arg18[%swap3A_551], %exp3A_550 {strides = array<i32>} : memref<112xf32, #tpu.memory_space<vmem>>, vector<16xf32>,
      %get3A_553 = arith.constant 16 : index
      %get3A_554 = tpu.vector_load %arg14[%get3A_553] {strides = array<i32>} : memref<96xi32, #tpu.memory_space<vmem>>, vector<16xi32>,
      %get3A_555 = arith.constant 16 : index
      %get3A_556 = tpu.vector_load %arg17[%get3A_555] {strides = array<i32>} : memref<96xi32, #tpu.memory_space<vmem>>, vector<16xi32>,
      %gather3A_557 = tpu.vector_load_idx %arg10[%get3A_554] : memref<10240xf32, #tpu.memory_space<vmem>>[vector<16xi32>], vector<16xf32>,
      %gather3A_558 = tpu.vector_load_idx %arg11[%get3A_556] : memref<10240xf32, #tpu.memory_space<vmem>>[vector<16xi32>], vector<16xf32>,
      %add3A_559 = arith.addf %gather3A_557, %gather3A_558 : vector<16xf32>
      %ge3A_560 = arith.constant 0.000000e+00 : f32
      %ge3A_561 = vector.broadcast %ge3A_560 : f32 to vector<16xf32>
      %ge3A_562 = arith.cmpf oge, %add3A_559, %ge3A_561 : vector<16xf32>
      %mul3A_563 = arith.constant 2.000000e-01 : f32
      %mul3A_564 = vector.broadcast %mul3A_563 : f32 to vector<16xf32>
      %mul3A_565 = arith.mulf %mul3A_564, %add3A_559 : vector<16xf32>
      %select_n3A_566 = arith.select %ge3A_562, %add3A_559, %mul3A_565 : vector<16xi1>, vector<16xf32>
      %exp3A_567 = math.exp %select_n3A_566 : vector<16xf32>
      %swap3A_568 = arith.constant 16 : index
      %swap3A_569 = tpu.vector_load %arg18[%swap3A_568] {strides = array<i32>} : memref<112xf32, #tpu.memory_space<vmem>>, vector<16xf32>,
      tpu.vector_store %arg18[%swap3A_568], %exp3A_567 {strides = array<i32>} : memref<112xf32, #tpu.memory_space<vmem>>, vector<16xf32>,
      %get3A_570 = arith.constant 32 : index
      %get3A_571 = tpu.vector_load %arg14[%get3A_570] {strides = array<i32>} : memref<96xi32, #tpu.memory_space<vmem>>, vector<16xi32>,
      %get3A_572 = arith.constant 32 : index
      %get3A_573 = tpu.vector_load %arg17[%get3A_572] {strides = array<i32>} : memref<96xi32, #tpu.memory_space<vmem>>, vector<16xi32>,
      %gather3A_574 = tpu.vector_load_idx %arg10[%get3A_571] : memref<10240xf32, #tpu.memory_space<vmem>>[vector<16xi32>], vector<16xf32>,
      %gather3A_575 = tpu.vector_load_idx %arg11[%get3A_573] : memref<10240xf32, #tpu.memory_space<vmem>>[vector<16xi32>], vector<16xf32>,
      %add3A_576 = arith.addf %gather3A_574, %gather3A_575 : vector<16xf32>
      %ge3A_577 = arith.constant 0.000000e+00 : f32
      %ge3A_578 = vector.broadcast %ge3A_577 : f32 to vector<16xf32>
      %ge3A_579 = arith.cmpf oge, %add3A_576, %ge3A_578 : vector<16xf32>
      %mul3A_580 = arith.constant 2.000000e-01 : f32
      %mul3A_581 = vector.broadcast %mul3A_580 : f32 to vector<16xf32>
      %mul3A_582 = arith.mulf %mul3A_581, %add3A_576 : vector<16xf32>
      %select_n3A_583 = arith.select %ge3A_579, %add3A_576, %mul3A_582 : vector<16xi1>, vector<16xf32>
      %exp3A_584 = math.exp %select_n3A_583 : vector<16xf32>
      %swap3A_585 = arith.constant 32 : index
      %swap3A_586 = tpu.vector_load %arg18[%swap3A_585] {strides = array<i32>} : memref<112xf32, #tpu.memory_space<vmem>>, vector<16xf32>,
      tpu.vector_store %arg18[%swap3A_585], %exp3A_584 {strides = array<i32>} : memref<112xf32, #tpu.memory_space<vmem>>, vector<16xf32>,
      %get3A_587 = arith.constant 48 : index
      %get3A_588 = tpu.vector_load %arg14[%get3A_587] {strides = array<i32>} : memref<96xi32, #tpu.memory_space<vmem>>, vector<16xi32>,
      %get3A_589 = arith.constant 48 : index
      %get3A_590 = tpu.vector_load %arg17[%get3A_589] {strides = array<i32>} : memref<96xi32, #tpu.memory_space<vmem>>, vector<16xi32>,
      %gather3A_591 = tpu.vector_load_idx %arg10[%get3A_588] : memref<10240xf32, #tpu.memory_space<vmem>>[vector<16xi32>], vector<16xf32>,
      %gather3A_592 = tpu.vector_load_idx %arg11[%get3A_590] : memref<10240xf32, #tpu.memory_space<vmem>>[vector<16xi32>], vector<16xf32>,
      %add3A_593 = arith.addf %gather3A_591, %gather3A_592 : vector<16xf32>
      %ge3A_594 = arith.constant 0.000000e+00 : f32
      %ge3A_595 = vector.broadcast %ge3A_594 : f32 to vector<16xf32>
      %ge3A_596 = arith.cmpf oge, %add3A_593, %ge3A_595 : vector<16xf32>
      %mul3A_597 = arith.constant 2.000000e-01 : f32
      %mul3A_598 = vector.broadcast %mul3A_597 : f32 to vector<16xf32>
      %mul3A_599 = arith.mulf %mul3A_598, %add3A_593 : vector<16xf32>
      %select_n3A_600 = arith.select %ge3A_596, %add3A_593, %mul3A_599 : vector<16xi1>, vector<16xf32>
      %exp3A_601 = math.exp %select_n3A_600 : vector<16xf32>
      %swap3A_602 = arith.constant 48 : index
      %swap3A_603 = tpu.vector_load %arg18[%swap3A_602] {strides = array<i32>} : memref<112xf32, #tpu.memory_space<vmem>>, vector<16xf32>,
      tpu.vector_store %arg18[%swap3A_602], %exp3A_601 {strides = array<i32>} : memref<112xf32, #tpu.memory_space<vmem>>, vector<16xf32>,
      %get3A_604 = arith.constant 64 : index
      %get3A_605 = tpu.vector_load %arg14[%get3A_604] {strides = array<i32>} : memref<96xi32, #tpu.memory_space<vmem>>, vector<16xi32>,
      %get3A_606 = arith.constant 64 : index
      %get3A_607 = tpu.vector_load %arg17[%get3A_606] {strides = array<i32>} : memref<96xi32, #tpu.memory_space<vmem>>, vector<16xi32>,
      %gather3A_608 = tpu.vector_load_idx %arg10[%get3A_605] : memref<10240xf32, #tpu.memory_space<vmem>>[vector<16xi32>], vector<16xf32>,
      %gather3A_609 = tpu.vector_load_idx %arg11[%get3A_607] : memref<10240xf32, #tpu.memory_space<vmem>>[vector<16xi32>], vector<16xf32>,
      %add3A_610 = arith.addf %gather3A_608, %gather3A_609 : vector<16xf32>
      %ge3A_611 = arith.constant 0.000000e+00 : f32
      %ge3A_612 = vector.broadcast %ge3A_611 : f32 to vector<16xf32>
      %ge3A_613 = arith.cmpf oge, %add3A_610, %ge3A_612 : vector<16xf32>
      %mul3A_614 = arith.constant 2.000000e-01 : f32
      %mul3A_615 = vector.broadcast %mul3A_614 : f32 to vector<16xf32>
      %mul3A_616 = arith.mulf %mul3A_615, %add3A_610 : vector<16xf32>
      %select_n3A_617 = arith.select %ge3A_613, %add3A_610, %mul3A_616 : vector<16xi1>, vector<16xf32>
      %exp3A_618 = math.exp %select_n3A_617 : vector<16xf32>
      %swap3A_619 = arith.constant 64 : index
      %swap3A_620 = tpu.vector_load %arg18[%swap3A_619] {strides = array<i32>} : memref<112xf32, #tpu.memory_space<vmem>>, vector<16xf32>,
      tpu.vector_store %arg18[%swap3A_619], %exp3A_618 {strides = array<i32>} : memref<112xf32, #tpu.memory_space<vmem>>, vector<16xf32>,
      %get3A_621 = arith.constant 80 : index
      %get3A_622 = tpu.vector_load %arg14[%get3A_621] {strides = array<i32>} : memref<96xi32, #tpu.memory_space<vmem>>, vector<16xi32>,
      %get3A_623 = arith.constant 80 : index
      %get3A_624 = tpu.vector_load %arg17[%get3A_623] {strides = array<i32>} : memref<96xi32, #tpu.memory_space<vmem>>, vector<16xi32>,
      %gather3A_625 = tpu.vector_load_idx %arg10[%get3A_622] : memref<10240xf32, #tpu.memory_space<vmem>>[vector<16xi32>], vector<16xf32>,
      %gather3A_626 = tpu.vector_load_idx %arg11[%get3A_624] : memref<10240xf32, #tpu.memory_space<vmem>>[vector<16xi32>], vector<16xf32>,
      %add3A_627 = arith.addf %gather3A_625, %gather3A_626 : vector<16xf32>
      %ge3A_628 = arith.constant 0.000000e+00 : f32
      %ge3A_629 = vector.broadcast %ge3A_628 : f32 to vector<16xf32>
      %ge3A_630 = arith.cmpf oge, %add3A_627, %ge3A_629 : vector<16xf32>
      %mul3A_631 = arith.constant 2.000000e-01 : f32
      %mul3A_632 = vector.broadcast %mul3A_631 : f32 to vector<16xf32>
      %mul3A_633 = arith.mulf %mul3A_632, %add3A_627 : vector<16xf32>
      %select_n3A_634 = arith.select %ge3A_630, %add3A_627, %mul3A_633 : vector<16xi1>, vector<16xf32>
      %exp3A_635 = math.exp %select_n3A_634 : vector<16xf32>
      %swap3A_636 = arith.constant 80 : index
      %swap3A_637 = tpu.vector_load %arg18[%swap3A_636] {strides = array<i32>} : memref<112xf32, #tpu.memory_space<vmem>>, vector<16xf32>,
      tpu.vector_store %arg18[%swap3A_636], %exp3A_635 {strides = array<i32>} : memref<112xf32, #tpu.memory_space<vmem>>, vector<16xf32>,
      %dma_wait3A_638 = arith.constant 0 : i32
      %dma_wait3A_639 = arith.constant 0 : i32
      %dma_wait3A_640 = tpu.memref_slice %arg23[%dma_wait3A_638, %dma_wait3A_639] : memref<10240x128xf32, #tpu.memory_space<vmem_shared>> -> memref<10240x128xf32, #tpu.memory_space<vmem_shared>>
      tpu.wait_indirect_dma semaphore(%arg28 : memref<!tpu.dma_semaphore, #tpu.memory_space<semaphore_mem>>) src(%arg21 : memref<96x128xf32, #tpu.memory_space<vmem>>) dst(%dma_wait3A_640 : memref<10240x128xf32, #tpu.memory_space<vmem_shared>>)
      %dma_wait3A_641 = arith.constant 0 : i32
      %dma_wait3A_642 = tpu.memref_slice %arg19[%dma_wait3A_641] : memref<112xf32, #tpu.memory_space<vmem>> -> memref<96xf32, #tpu.memory_space<vmem>>
      %dma_wait3A_643 = arith.constant 0 : i32
      %dma_wait3A_644 = tpu.memref_slice %arg24[%dma_wait3A_643] : memref<10240xf32, #tpu.memory_space<vmem_shared>> -> memref<10240xf32, #tpu.memory_space<vmem_shared>>
      tpu.wait_indirect_dma semaphore(%arg28 : memref<!tpu.dma_semaphore, #tpu.memory_space<semaphore_mem>>) src(%dma_wait3A_642 : memref<96xf32, #tpu.memory_space<vmem>>) dst(%dma_wait3A_644 : memref<10240xf32, #tpu.memory_space<vmem_shared>>)
      %add3A_645 = arith.constant 2 : i32
      %add3A_646 = arith.addi %add3A_535, %add3A_645 : i32
      %mul3A_647 = arith.constant 96 : i32
      %mul3A_648 = arith.muli %add3A_646, %mul3A_647 : i32
      %add3A_649 = arith.addi %mul3A_201, %mul3A_648 : i32
      %dma_start3A_650 = tpu.memref_slice %arg5[%add3A_649] : memref<331776xi32, #tpu.memory_space<hbm>> -> memref<96xi32, #tpu.memory_space<hbm>>
      %dma_start3A_651 = tpu.memref_slice %arg5[%add3A_649] : memref<331776xi32, #tpu.memory_space<hbm>> -> memref<96xi32, #tpu.memory_space<hbm>>
      tpu.enqueue_dma source(%dma_start3A_651 : memref<96xi32, #tpu.memory_space<hbm>>) target(%arg13 : memref<96xi32, #tpu.memory_space<vmem>>) target_semaphore(%arg30 : memref<!tpu.dma_semaphore, #tpu.memory_space<semaphore_mem>>)
      %dma_start3A_652 = tpu.memref_slice %arg6[%add3A_649] : memref<331776xi32, #tpu.memory_space<hbm>> -> memref<96xi32, #tpu.memory_space<hbm>>
      %dma_start3A_653 = tpu.memref_slice %arg6[%add3A_649] : memref<331776xi32, #tpu.memory_space<hbm>> -> memref<96xi32, #tpu.memory_space<hbm>>
      tpu.enqueue_dma source(%dma_start3A_653 : memref<96xi32, #tpu.memory_space<hbm>>) target(%arg16 : memref<96xi32, #tpu.memory_space<vmem>>) target_semaphore(%arg30 : memref<!tpu.dma_semaphore, #tpu.memory_space<semaphore_mem>>)
      %dma_wait3A_654 = arith.constant 0 : i32
      %dma_wait3A_655 = tpu.memref_slice %arg5[%dma_wait3A_654] : memref<331776xi32, #tpu.memory_space<hbm>> -> memref<96xi32, #tpu.memory_space<hbm>>
      %dma_wait3A_656 = arith.constant 0 : i32
      %dma_wait3A_657 = tpu.memref_slice %arg5[%dma_wait3A_656] : memref<331776xi32, #tpu.memory_space<hbm>> -> memref<96xi32, #tpu.memory_space<hbm>>
      tpu.wait_dma2 semaphore(%arg29 : memref<!tpu.dma_semaphore, #tpu.memory_space<semaphore_mem>>) src(%dma_wait3A_657 : memref<96xi32, #tpu.memory_space<hbm>>) dst(%arg12 : memref<96xi32, #tpu.memory_space<vmem>>)
      %dma_wait3A_658 = arith.constant 0 : i32
      %dma_wait3A_659 = tpu.memref_slice %arg6[%dma_wait3A_658] : memref<331776xi32, #tpu.memory_space<hbm>> -> memref<96xi32, #tpu.memory_space<hbm>>
      %dma_wait3A_660 = arith.constant 0 : i32
      %dma_wait3A_661 = tpu.memref_slice %arg6[%dma_wait3A_660] : memref<331776xi32, #tpu.memory_space<hbm>> -> memref<96xi32, #tpu.memory_space<hbm>>
      tpu.wait_dma2 semaphore(%arg29 : memref<!tpu.dma_semaphore, #tpu.memory_space<semaphore_mem>>) src(%dma_wait3A_661 : memref<96xi32, #tpu.memory_space<hbm>>) dst(%arg15 : memref<96xi32, #tpu.memory_space<vmem>>)
      %dma_start3A_662 = arith.constant 0 : i32
      %dma_start3A_663 = arith.constant 0 : i32
      %dma_start3A_664 = tpu.memref_slice %arg4[%dma_start3A_662, %dma_start3A_663] : memref<10000x128xf32, #tpu.memory_space<hbm>> -> memref<10000x128xf32, #tpu.memory_space<hbm>>
      tpu.enqueue_indirect_dma source(%dma_start3A_664 : memref<10000x128xf32, #tpu.memory_space<hbm>>) target(%arg21 : memref<96x128xf32, #tpu.memory_space<vmem>>) offsets(%arg12 : memref<96xi32, #tpu.memory_space<vmem>>) semaphore(%arg26 : memref<!tpu.dma_semaphore, #tpu.memory_space<semaphore_mem>>)
      %dma_wait3A_665 = arith.constant 0 : i32
      %dma_wait3A_666 = arith.constant 0 : i32
      %dma_wait3A_667 = tpu.memref_slice %arg4[%dma_wait3A_665, %dma_wait3A_666] : memref<10000x128xf32, #tpu.memory_space<hbm>> -> memref<10000x128xf32, #tpu.memory_space<hbm>>
      tpu.wait_indirect_dma semaphore(%arg25 : memref<!tpu.dma_semaphore, #tpu.memory_space<semaphore_mem>>) src(%dma_wait3A_667 : memref<10000x128xf32, #tpu.memory_space<hbm>>) dst(%arg20 : memref<96x128xf32, #tpu.memory_space<vmem>>)
      %parallel_loop3A_668 = arith.constant 0 : i32
      %parallel_loop3A_669 = arith.constant 96 : i32
      %parallel_loop3A_670 = arith.constant 1 : i32
      scf.for %parallel_loop3A_1101 = %parallel_loop3A_668 to %parallel_loop3A_669 step %parallel_loop3A_670  : i32 {
        %parallel_loop3A_1102 = arith.index_cast %parallel_loop3A_1101 : i32 to index
        %parallel_loop3A_1103 = tpu.vector_load %arg18[%parallel_loop3A_1102] {strides = array<i32>} : memref<112xf32, #tpu.memory_space<vmem>>, vector<16xf32>,
        %parallel_loop3A_1104 = vector.extract_strided_slice %parallel_loop3A_1103 {offsets = [0], sizes = [1], strides = [1]} : vector<16xf32> to vector<1xf32>
        %parallel_loop3A_1105 = vector.extract %parallel_loop3A_1104[0] : f32 from vector<1xf32>
        %parallel_loop3A_1106 = arith.index_cast %parallel_loop3A_1101 : i32 to index
        %parallel_loop3A_1107 = arith.constant 0 : index
        %parallel_loop3A_1108 = tpu.vector_load %arg20[%parallel_loop3A_1106, %parallel_loop3A_1107] {strides = array<i32>} : memref<96x128xf32, #tpu.memory_space<vmem>>, vector<16xf32>,
        %parallel_loop3A_1109 = vector.broadcast %parallel_loop3A_1105 : f32 to vector<16xf32>
        %parallel_loop3A_1110 = arith.mulf %parallel_loop3A_1108, %parallel_loop3A_1109 : vector<16xf32>
        %parallel_loop3A_1111 = arith.index_cast %parallel_loop3A_1101 : i32 to index
        %parallel_loop3A_1112 = arith.constant 0 : index
        %parallel_loop3A_1113 = tpu.vector_load %arg20[%parallel_loop3A_1111, %parallel_loop3A_1112] {strides = array<i32>} : memref<96x128xf32, #tpu.memory_space<vmem>>, vector<16xf32>,
        tpu.vector_store %arg20[%parallel_loop3A_1111, %parallel_loop3A_1112], %parallel_loop3A_1110 {strides = array<i32>} : memref<96x128xf32, #tpu.memory_space<vmem>>, vector<16xf32>,
        %parallel_loop3A_1114 = arith.index_cast %parallel_loop3A_1101 : i32 to index
        %parallel_loop3A_1115 = arith.constant 16 : index
        %parallel_loop3A_1116 = tpu.vector_load %arg20[%parallel_loop3A_1114, %parallel_loop3A_1115] {strides = array<i32>} : memref<96x128xf32, #tpu.memory_space<vmem>>, vector<16xf32>,
        %parallel_loop3A_1117 = vector.broadcast %parallel_loop3A_1105 : f32 to vector<16xf32>
        %parallel_loop3A_1118 = arith.mulf %parallel_loop3A_1116, %parallel_loop3A_1117 : vector<16xf32>
        %parallel_loop3A_1119 = arith.index_cast %parallel_loop3A_1101 : i32 to index
        %parallel_loop3A_1120 = arith.constant 16 : index
        %parallel_loop3A_1121 = tpu.vector_load %arg20[%parallel_loop3A_1119, %parallel_loop3A_1120] {strides = array<i32>} : memref<96x128xf32, #tpu.memory_space<vmem>>, vector<16xf32>,
        tpu.vector_store %arg20[%parallel_loop3A_1119, %parallel_loop3A_1120], %parallel_loop3A_1118 {strides = array<i32>} : memref<96x128xf32, #tpu.memory_space<vmem>>, vector<16xf32>,
        %parallel_loop3A_1122 = arith.index_cast %parallel_loop3A_1101 : i32 to index
        %parallel_loop3A_1123 = arith.constant 32 : index
        %parallel_loop3A_1124 = tpu.vector_load %arg20[%parallel_loop3A_1122, %parallel_loop3A_1123] {strides = array<i32>} : memref<96x128xf32, #tpu.memory_space<vmem>>, vector<16xf32>,
        %parallel_loop3A_1125 = vector.broadcast %parallel_loop3A_1105 : f32 to vector<16xf32>
        %parallel_loop3A_1126 = arith.mulf %parallel_loop3A_1124, %parallel_loop3A_1125 : vector<16xf32>
        %parallel_loop3A_1127 = arith.index_cast %parallel_loop3A_1101 : i32 to index
        %parallel_loop3A_1128 = arith.constant 32 : index
        %parallel_loop3A_1129 = tpu.vector_load %arg20[%parallel_loop3A_1127, %parallel_loop3A_1128] {strides = array<i32>} : memref<96x128xf32, #tpu.memory_space<vmem>>, vector<16xf32>,
        tpu.vector_store %arg20[%parallel_loop3A_1127, %parallel_loop3A_1128], %parallel_loop3A_1126 {strides = array<i32>} : memref<96x128xf32, #tpu.memory_space<vmem>>, vector<16xf32>,
        %parallel_loop3A_1130 = arith.index_cast %parallel_loop3A_1101 : i32 to index
        %parallel_loop3A_1131 = arith.constant 48 : index
        %parallel_loop3A_1132 = tpu.vector_load %arg20[%parallel_loop3A_1130, %parallel_loop3A_1131] {strides = array<i32>} : memref<96x128xf32, #tpu.memory_space<vmem>>, vector<16xf32>,
        %parallel_loop3A_1133 = vector.broadcast %parallel_loop3A_1105 : f32 to vector<16xf32>
        %parallel_loop3A_1134 = arith.mulf %parallel_loop3A_1132, %parallel_loop3A_1133 : vector<16xf32>
        %parallel_loop3A_1135 = arith.index_cast %parallel_loop3A_1101 : i32 to index
        %parallel_loop3A_1136 = arith.constant 48 : index
        %parallel_loop3A_1137 = tpu.vector_load %arg20[%parallel_loop3A_1135, %parallel_loop3A_1136] {strides = array<i32>} : memref<96x128xf32, #tpu.memory_space<vmem>>, vector<16xf32>,
        tpu.vector_store %arg20[%parallel_loop3A_1135, %parallel_loop3A_1136], %parallel_loop3A_1134 {strides = array<i32>} : memref<96x128xf32, #tpu.memory_space<vmem>>, vector<16xf32>,
        %parallel_loop3A_1138 = arith.index_cast %parallel_loop3A_1101 : i32 to index
        %parallel_loop3A_1139 = arith.constant 64 : index
        %parallel_loop3A_1140 = tpu.vector_load %arg20[%parallel_loop3A_1138, %parallel_loop3A_1139] {strides = array<i32>} : memref<96x128xf32, #tpu.memory_space<vmem>>, vector<16xf32>,
        %parallel_loop3A_1141 = vector.broadcast %parallel_loop3A_1105 : f32 to vector<16xf32>
        %parallel_loop3A_1142 = arith.mulf %parallel_loop3A_1140, %parallel_loop3A_1141 : vector<16xf32>
        %parallel_loop3A_1143 = arith.index_cast %parallel_loop3A_1101 : i32 to index
        %parallel_loop3A_1144 = arith.constant 64 : index
        %parallel_loop3A_1145 = tpu.vector_load %arg20[%parallel_loop3A_1143, %parallel_loop3A_1144] {strides = array<i32>} : memref<96x128xf32, #tpu.memory_space<vmem>>, vector<16xf32>,
        tpu.vector_store %arg20[%parallel_loop3A_1143, %parallel_loop3A_1144], %parallel_loop3A_1142 {strides = array<i32>} : memref<96x128xf32, #tpu.memory_space<vmem>>, vector<16xf32>,
        %parallel_loop3A_1146 = arith.index_cast %parallel_loop3A_1101 : i32 to index
        %parallel_loop3A_1147 = arith.constant 80 : index
        %parallel_loop3A_1148 = tpu.vector_load %arg20[%parallel_loop3A_1146, %parallel_loop3A_1147] {strides = array<i32>} : memref<96x128xf32, #tpu.memory_space<vmem>>, vector<16xf32>,
        %parallel_loop3A_1149 = vector.broadcast %parallel_loop3A_1105 : f32 to vector<16xf32>
        %parallel_loop3A_1150 = arith.mulf %parallel_loop3A_1148, %parallel_loop3A_1149 : vector<16xf32>
        %parallel_loop3A_1151 = arith.index_cast %parallel_loop3A_1101 : i32 to index
        %parallel_loop3A_1152 = arith.constant 80 : index
        %parallel_loop3A_1153 = tpu.vector_load %arg20[%parallel_loop3A_1151, %parallel_loop3A_1152] {strides = array<i32>} : memref<96x128xf32, #tpu.memory_space<vmem>>, vector<16xf32>,
        tpu.vector_store %arg20[%parallel_loop3A_1151, %parallel_loop3A_1152], %parallel_loop3A_1150 {strides = array<i32>} : memref<96x128xf32, #tpu.memory_space<vmem>>, vector<16xf32>,
        %parallel_loop3A_1154 = arith.index_cast %parallel_loop3A_1101 : i32 to index
        %parallel_loop3A_1155 = arith.constant 96 : index
        %parallel_loop3A_1156 = tpu.vector_load %arg20[%parallel_loop3A_1154, %parallel_loop3A_1155] {strides = array<i32>} : memref<96x128xf32, #tpu.memory_space<vmem>>, vector<16xf32>,
        %parallel_loop3A_1157 = vector.broadcast %parallel_loop3A_1105 : f32 to vector<16xf32>
        %parallel_loop3A_1158 = arith.mulf %parallel_loop3A_1156, %parallel_loop3A_1157 : vector<16xf32>
        %parallel_loop3A_1159 = arith.index_cast %parallel_loop3A_1101 : i32 to index
        %parallel_loop3A_1160 = arith.constant 96 : index
        %parallel_loop3A_1161 = tpu.vector_load %arg20[%parallel_loop3A_1159, %parallel_loop3A_1160] {strides = array<i32>} : memref<96x128xf32, #tpu.memory_space<vmem>>, vector<16xf32>,
        tpu.vector_store %arg20[%parallel_loop3A_1159, %parallel_loop3A_1160], %parallel_loop3A_1158 {strides = array<i32>} : memref<96x128xf32, #tpu.memory_space<vmem>>, vector<16xf32>,
        %parallel_loop3A_1162 = arith.index_cast %parallel_loop3A_1101 : i32 to index
        %parallel_loop3A_1163 = arith.constant 112 : index
        %parallel_loop3A_1164 = tpu.vector_load %arg20[%parallel_loop3A_1162, %parallel_loop3A_1163] {strides = array<i32>} : memref<96x128xf32, #tpu.memory_space<vmem>>, vector<16xf32>,
        %parallel_loop3A_1165 = vector.broadcast %parallel_loop3A_1105 : f32 to vector<16xf32>
        %parallel_loop3A_1166 = arith.mulf %parallel_loop3A_1164, %parallel_loop3A_1165 : vector<16xf32>
        %parallel_loop3A_1167 = arith.index_cast %parallel_loop3A_1101 : i32 to index
        %parallel_loop3A_1168 = arith.constant 112 : index
        %parallel_loop3A_1169 = tpu.vector_load %arg20[%parallel_loop3A_1167, %parallel_loop3A_1168] {strides = array<i32>} : memref<96x128xf32, #tpu.memory_space<vmem>>, vector<16xf32>,
        tpu.vector_store %arg20[%parallel_loop3A_1167, %parallel_loop3A_1168], %parallel_loop3A_1166 {strides = array<i32>} : memref<96x128xf32, #tpu.memory_space<vmem>>, vector<16xf32>,
      } {sc.loop_unroll_factor = 8 : i64, sc.parallel_access}
      %dma_start3A_671 = arith.constant 0 : i32
      %dma_start3A_672 = arith.constant 0 : i32
      %dma_start3A_673 = tpu.memref_slice %arg23[%dma_start3A_671, %dma_start3A_672] : memref<10240x128xf32, #tpu.memory_space<vmem_shared>> -> memref<10240x128xf32, #tpu.memory_space<vmem_shared>>
      tpu.enqueue_indirect_dma source(%arg20 : memref<96x128xf32, #tpu.memory_space<vmem>>) target(%dma_start3A_673 : memref<10240x128xf32, #tpu.memory_space<vmem_shared>>) offsets(%arg17 : memref<96xi32, #tpu.memory_space<vmem>>) semaphore(%arg27 : memref<!tpu.dma_semaphore, #tpu.memory_space<semaphore_mem>>) {add = true}
      %dma_start3A_674 = arith.constant 0 : i32
      %dma_start3A_675 = tpu.memref_slice %arg18[%dma_start3A_674] : memref<112xf32, #tpu.memory_space<vmem>> -> memref<96xf32, #tpu.memory_space<vmem>>
      %dma_start3A_676 = arith.constant 0 : i32
      %dma_start3A_677 = tpu.memref_slice %arg24[%dma_start3A_676] : memref<10240xf32, #tpu.memory_space<vmem_shared>> -> memref<10240xf32, #tpu.memory_space<vmem_shared>>
      tpu.enqueue_indirect_dma source(%dma_start3A_675 : memref<96xf32, #tpu.memory_space<vmem>>) target(%dma_start3A_677 : memref<10240xf32, #tpu.memory_space<vmem_shared>>) offsets(%arg17 : memref<96xi32, #tpu.memory_space<vmem>>) semaphore(%arg27 : memref<!tpu.dma_semaphore, #tpu.memory_space<semaphore_mem>>) {add = true}
      %mul3A_678 = arith.constant 6 : i32
      %mul3A_679 = arith.muli %scan3A_248, %mul3A_678 : i32
      %add3A_680 = arith.constant 3 : i32
      %add3A_681 = arith.addi %mul3A_679, %add3A_680 : i32
      %get3A_682 = arith.constant 0 : index
      %get3A_683 = tpu.vector_load %arg12[%get3A_682] {strides = array<i32>} : memref<96xi32, #tpu.memory_space<vmem>>, vector<16xi32>,
      %get3A_684 = arith.constant 0 : index
      %get3A_685 = tpu.vector_load %arg15[%get3A_684] {strides = array<i32>} : memref<96xi32, #tpu.memory_space<vmem>>, vector<16xi32>,
      %gather3A_686 = tpu.vector_load_idx %arg10[%get3A_683] : memref<10240xf32, #tpu.memory_space<vmem>>[vector<16xi32>], vector<16xf32>,
      %gather3A_687 = tpu.vector_load_idx %arg11[%get3A_685] : memref<10240xf32, #tpu.memory_space<vmem>>[vector<16xi32>], vector<16xf32>,
      %add3A_688 = arith.addf %gather3A_686, %gather3A_687 : vector<16xf32>
      %ge3A_689 = arith.constant 0.000000e+00 : f32
      %ge3A_690 = vector.broadcast %ge3A_689 : f32 to vector<16xf32>
      %ge3A_691 = arith.cmpf oge, %add3A_688, %ge3A_690 : vector<16xf32>
      %mul3A_692 = arith.constant 2.000000e-01 : f32
      %mul3A_693 = vector.broadcast %mul3A_692 : f32 to vector<16xf32>
      %mul3A_694 = arith.mulf %mul3A_693, %add3A_688 : vector<16xf32>
      %select_n3A_695 = arith.select %ge3A_691, %add3A_688, %mul3A_694 : vector<16xi1>, vector<16xf32>
      %exp3A_696 = math.exp %select_n3A_695 : vector<16xf32>
      %swap3A_697 = arith.constant 0 : index
      %swap3A_698 = tpu.vector_load %arg19[%swap3A_697] {strides = array<i32>} : memref<112xf32, #tpu.memory_space<vmem>>, vector<16xf32>,
      tpu.vector_store %arg19[%swap3A_697], %exp3A_696 {strides = array<i32>} : memref<112xf32, #tpu.memory_space<vmem>>, vector<16xf32>,
      %get3A_699 = arith.constant 16 : index
      %get3A_700 = tpu.vector_load %arg12[%get3A_699] {strides = array<i32>} : memref<96xi32, #tpu.memory_space<vmem>>, vector<16xi32>,
      %get3A_701 = arith.constant 16 : index
      %get3A_702 = tpu.vector_load %arg15[%get3A_701] {strides = array<i32>} : memref<96xi32, #tpu.memory_space<vmem>>, vector<16xi32>,
      %gather3A_703 = tpu.vector_load_idx %arg10[%get3A_700] : memref<10240xf32, #tpu.memory_space<vmem>>[vector<16xi32>], vector<16xf32>,
      %gather3A_704 = tpu.vector_load_idx %arg11[%get3A_702] : memref<10240xf32, #tpu.memory_space<vmem>>[vector<16xi32>], vector<16xf32>,
      %add3A_705 = arith.addf %gather3A_703, %gather3A_704 : vector<16xf32>
      %ge3A_706 = arith.constant 0.000000e+00 : f32
      %ge3A_707 = vector.broadcast %ge3A_706 : f32 to vector<16xf32>
      %ge3A_708 = arith.cmpf oge, %add3A_705, %ge3A_707 : vector<16xf32>
      %mul3A_709 = arith.constant 2.000000e-01 : f32
      %mul3A_710 = vector.broadcast %mul3A_709 : f32 to vector<16xf32>
      %mul3A_711 = arith.mulf %mul3A_710, %add3A_705 : vector<16xf32>
      %select_n3A_712 = arith.select %ge3A_708, %add3A_705, %mul3A_711 : vector<16xi1>, vector<16xf32>
      %exp3A_713 = math.exp %select_n3A_712 : vector<16xf32>
      %swap3A_714 = arith.constant 16 : index
      %swap3A_715 = tpu.vector_load %arg19[%swap3A_714] {strides = array<i32>} : memref<112xf32, #tpu.memory_space<vmem>>, vector<16xf32>,
      tpu.vector_store %arg19[%swap3A_714], %exp3A_713 {strides = array<i32>} : memref<112xf32, #tpu.memory_space<vmem>>, vector<16xf32>,
      %get3A_716 = arith.constant 32 : index
      %get3A_717 = tpu.vector_load %arg12[%get3A_716] {strides = array<i32>} : memref<96xi32, #tpu.memory_space<vmem>>, vector<16xi32>,
      %get3A_718 = arith.constant 32 : index
      %get3A_719 = tpu.vector_load %arg15[%get3A_718] {strides = array<i32>} : memref<96xi32, #tpu.memory_space<vmem>>, vector<16xi32>,
      %gather3A_720 = tpu.vector_load_idx %arg10[%get3A_717] : memref<10240xf32, #tpu.memory_space<vmem>>[vector<16xi32>], vector<16xf32>,
      %gather3A_721 = tpu.vector_load_idx %arg11[%get3A_719] : memref<10240xf32, #tpu.memory_space<vmem>>[vector<16xi32>], vector<16xf32>,
      %add3A_722 = arith.addf %gather3A_720, %gather3A_721 : vector<16xf32>
      %ge3A_723 = arith.constant 0.000000e+00 : f32
      %ge3A_724 = vector.broadcast %ge3A_723 : f32 to vector<16xf32>
      %ge3A_725 = arith.cmpf oge, %add3A_722, %ge3A_724 : vector<16xf32>
      %mul3A_726 = arith.constant 2.000000e-01 : f32
      %mul3A_727 = vector.broadcast %mul3A_726 : f32 to vector<16xf32>
      %mul3A_728 = arith.mulf %mul3A_727, %add3A_722 : vector<16xf32>
      %select_n3A_729 = arith.select %ge3A_725, %add3A_722, %mul3A_728 : vector<16xi1>, vector<16xf32>
      %exp3A_730 = math.exp %select_n3A_729 : vector<16xf32>
      %swap3A_731 = arith.constant 32 : index
      %swap3A_732 = tpu.vector_load %arg19[%swap3A_731] {strides = array<i32>} : memref<112xf32, #tpu.memory_space<vmem>>, vector<16xf32>,
      tpu.vector_store %arg19[%swap3A_731], %exp3A_730 {strides = array<i32>} : memref<112xf32, #tpu.memory_space<vmem>>, vector<16xf32>,
      %get3A_733 = arith.constant 48 : index
      %get3A_734 = tpu.vector_load %arg12[%get3A_733] {strides = array<i32>} : memref<96xi32, #tpu.memory_space<vmem>>, vector<16xi32>,
      %get3A_735 = arith.constant 48 : index
      %get3A_736 = tpu.vector_load %arg15[%get3A_735] {strides = array<i32>} : memref<96xi32, #tpu.memory_space<vmem>>, vector<16xi32>,
      %gather3A_737 = tpu.vector_load_idx %arg10[%get3A_734] : memref<10240xf32, #tpu.memory_space<vmem>>[vector<16xi32>], vector<16xf32>,
      %gather3A_738 = tpu.vector_load_idx %arg11[%get3A_736] : memref<10240xf32, #tpu.memory_space<vmem>>[vector<16xi32>], vector<16xf32>,
      %add3A_739 = arith.addf %gather3A_737, %gather3A_738 : vector<16xf32>
      %ge3A_740 = arith.constant 0.000000e+00 : f32
      %ge3A_741 = vector.broadcast %ge3A_740 : f32 to vector<16xf32>
      %ge3A_742 = arith.cmpf oge, %add3A_739, %ge3A_741 : vector<16xf32>
      %mul3A_743 = arith.constant 2.000000e-01 : f32
      %mul3A_744 = vector.broadcast %mul3A_743 : f32 to vector<16xf32>
      %mul3A_745 = arith.mulf %mul3A_744, %add3A_739 : vector<16xf32>
      %select_n3A_746 = arith.select %ge3A_742, %add3A_739, %mul3A_745 : vector<16xi1>, vector<16xf32>
      %exp3A_747 = math.exp %select_n3A_746 : vector<16xf32>
      %swap3A_748 = arith.constant 48 : index
      %swap3A_749 = tpu.vector_load %arg19[%swap3A_748] {strides = array<i32>} : memref<112xf32, #tpu.memory_space<vmem>>, vector<16xf32>,
      tpu.vector_store %arg19[%swap3A_748], %exp3A_747 {strides = array<i32>} : memref<112xf32, #tpu.memory_space<vmem>>, vector<16xf32>,
      %get3A_750 = arith.constant 64 : index
      %get3A_751 = tpu.vector_load %arg12[%get3A_750] {strides = array<i32>} : memref<96xi32, #tpu.memory_space<vmem>>, vector<16xi32>,
      %get3A_752 = arith.constant 64 : index
      %get3A_753 = tpu.vector_load %arg15[%get3A_752] {strides = array<i32>} : memref<96xi32, #tpu.memory_space<vmem>>, vector<16xi32>,
      %gather3A_754 = tpu.vector_load_idx %arg10[%get3A_751] : memref<10240xf32, #tpu.memory_space<vmem>>[vector<16xi32>], vector<16xf32>,
      %gather3A_755 = tpu.vector_load_idx %arg11[%get3A_753] : memref<10240xf32, #tpu.memory_space<vmem>>[vector<16xi32>], vector<16xf32>,
      %add3A_756 = arith.addf %gather3A_754, %gather3A_755 : vector<16xf32>
      %ge3A_757 = arith.constant 0.000000e+00 : f32
      %ge3A_758 = vector.broadcast %ge3A_757 : f32 to vector<16xf32>
      %ge3A_759 = arith.cmpf oge, %add3A_756, %ge3A_758 : vector<16xf32>
      %mul3A_760 = arith.constant 2.000000e-01 : f32
      %mul3A_761 = vector.broadcast %mul3A_760 : f32 to vector<16xf32>
      %mul3A_762 = arith.mulf %mul3A_761, %add3A_756 : vector<16xf32>
      %select_n3A_763 = arith.select %ge3A_759, %add3A_756, %mul3A_762 : vector<16xi1>, vector<16xf32>
      %exp3A_764 = math.exp %select_n3A_763 : vector<16xf32>
      %swap3A_765 = arith.constant 64 : index
      %swap3A_766 = tpu.vector_load %arg19[%swap3A_765] {strides = array<i32>} : memref<112xf32, #tpu.memory_space<vmem>>, vector<16xf32>,
      tpu.vector_store %arg19[%swap3A_765], %exp3A_764 {strides = array<i32>} : memref<112xf32, #tpu.memory_space<vmem>>, vector<16xf32>,
      %get3A_767 = arith.constant 80 : index
      %get3A_768 = tpu.vector_load %arg12[%get3A_767] {strides = array<i32>} : memref<96xi32, #tpu.memory_space<vmem>>, vector<16xi32>,
      %get3A_769 = arith.constant 80 : index
      %get3A_770 = tpu.vector_load %arg15[%get3A_769] {strides = array<i32>} : memref<96xi32, #tpu.memory_space<vmem>>, vector<16xi32>,
      %gather3A_771 = tpu.vector_load_idx %arg10[%get3A_768] : memref<10240xf32, #tpu.memory_space<vmem>>[vector<16xi32>], vector<16xf32>,
      %gather3A_772 = tpu.vector_load_idx %arg11[%get3A_770] : memref<10240xf32, #tpu.memory_space<vmem>>[vector<16xi32>], vector<16xf32>,
      %add3A_773 = arith.addf %gather3A_771, %gather3A_772 : vector<16xf32>
      %ge3A_774 = arith.constant 0.000000e+00 : f32
      %ge3A_775 = vector.broadcast %ge3A_774 : f32 to vector<16xf32>
      %ge3A_776 = arith.cmpf oge, %add3A_773, %ge3A_775 : vector<16xf32>
      %mul3A_777 = arith.constant 2.000000e-01 : f32
      %mul3A_778 = vector.broadcast %mul3A_777 : f32 to vector<16xf32>
      %mul3A_779 = arith.mulf %mul3A_778, %add3A_773 : vector<16xf32>
      %select_n3A_780 = arith.select %ge3A_776, %add3A_773, %mul3A_779 : vector<16xi1>, vector<16xf32>
      %exp3A_781 = math.exp %select_n3A_780 : vector<16xf32>
      %swap3A_782 = arith.constant 80 : index
      %swap3A_783 = tpu.vector_load %arg19[%swap3A_782] {strides = array<i32>} : memref<112xf32, #tpu.memory_space<vmem>>, vector<16xf32>,
      tpu.vector_store %arg19[%swap3A_782], %exp3A_781 {strides = array<i32>} : memref<112xf32, #tpu.memory_space<vmem>>, vector<16xf32>,
      %dma_wait3A_784 = arith.constant 0 : i32
      %dma_wait3A_785 = arith.constant 0 : i32
      %dma_wait3A_786 = tpu.memref_slice %arg23[%dma_wait3A_784, %dma_wait3A_785] : memref<10240x128xf32, #tpu.memory_space<vmem_shared>> -> memref<10240x128xf32, #tpu.memory_space<vmem_shared>>
      tpu.wait_indirect_dma semaphore(%arg27 : memref<!tpu.dma_semaphore, #tpu.memory_space<semaphore_mem>>) src(%arg20 : memref<96x128xf32, #tpu.memory_space<vmem>>) dst(%dma_wait3A_786 : memref<10240x128xf32, #tpu.memory_space<vmem_shared>>)
      %dma_wait3A_787 = arith.constant 0 : i32
      %dma_wait3A_788 = tpu.memref_slice %arg18[%dma_wait3A_787] : memref<112xf32, #tpu.memory_space<vmem>> -> memref<96xf32, #tpu.memory_space<vmem>>
      %dma_wait3A_789 = arith.constant 0 : i32
      %dma_wait3A_790 = tpu.memref_slice %arg24[%dma_wait3A_789] : memref<10240xf32, #tpu.memory_space<vmem_shared>> -> memref<10240xf32, #tpu.memory_space<vmem_shared>>
      tpu.wait_indirect_dma semaphore(%arg27 : memref<!tpu.dma_semaphore, #tpu.memory_space<semaphore_mem>>) src(%dma_wait3A_788 : memref<96xf32, #tpu.memory_space<vmem>>) dst(%dma_wait3A_790 : memref<10240xf32, #tpu.memory_space<vmem_shared>>)
      %add3A_791 = arith.constant 2 : i32
      %add3A_792 = arith.addi %add3A_681, %add3A_791 : i32
      %mul3A_793 = arith.constant 96 : i32
      %mul3A_794 = arith.muli %add3A_792, %mul3A_793 : i32
      %add3A_795 = arith.addi %mul3A_201, %mul3A_794 : i32
      %dma_start3A_796 = tpu.memref_slice %arg5[%add3A_795] : memref<331776xi32, #tpu.memory_space<hbm>> -> memref<96xi32, #tpu.memory_space<hbm>>
      %dma_start3A_797 = tpu.memref_slice %arg5[%add3A_795] : memref<331776xi32, #tpu.memory_space<hbm>> -> memref<96xi32, #tpu.memory_space<hbm>>
      tpu.enqueue_dma source(%dma_start3A_797 : memref<96xi32, #tpu.memory_space<hbm>>) target(%arg14 : memref<96xi32, #tpu.memory_space<vmem>>) target_semaphore(%arg31 : memref<!tpu.dma_semaphore, #tpu.memory_space<semaphore_mem>>)
      %dma_start3A_798 = tpu.memref_slice %arg6[%add3A_795] : memref<331776xi32, #tpu.memory_space<hbm>> -> memref<96xi32, #tpu.memory_space<hbm>>
      %dma_start3A_799 = tpu.memref_slice %arg6[%add3A_795] : memref<331776xi32, #tpu.memory_space<hbm>> -> memref<96xi32, #tpu.memory_space<hbm>>
      tpu.enqueue_dma source(%dma_start3A_799 : memref<96xi32, #tpu.memory_space<hbm>>) target(%arg17 : memref<96xi32, #tpu.memory_space<vmem>>) target_semaphore(%arg31 : memref<!tpu.dma_semaphore, #tpu.memory_space<semaphore_mem>>)
      %dma_wait3A_800 = arith.constant 0 : i32
      %dma_wait3A_801 = tpu.memref_slice %arg5[%dma_wait3A_800] : memref<331776xi32, #tpu.memory_space<hbm>> -> memref<96xi32, #tpu.memory_space<hbm>>
      %dma_wait3A_802 = arith.constant 0 : i32
      %dma_wait3A_803 = tpu.memref_slice %arg5[%dma_wait3A_802] : memref<331776xi32, #tpu.memory_space<hbm>> -> memref<96xi32, #tpu.memory_space<hbm>>
      tpu.wait_dma2 semaphore(%arg30 : memref<!tpu.dma_semaphore, #tpu.memory_space<semaphore_mem>>) src(%dma_wait3A_803 : memref<96xi32, #tpu.memory_space<hbm>>) dst(%arg13 : memref<96xi32, #tpu.memory_space<vmem>>)
      %dma_wait3A_804 = arith.constant 0 : i32
      %dma_wait3A_805 = tpu.memref_slice %arg6[%dma_wait3A_804] : memref<331776xi32, #tpu.memory_space<hbm>> -> memref<96xi32, #tpu.memory_space<hbm>>
      %dma_wait3A_806 = arith.constant 0 : i32
      %dma_wait3A_807 = tpu.memref_slice %arg6[%dma_wait3A_806] : memref<331776xi32, #tpu.memory_space<hbm>> -> memref<96xi32, #tpu.memory_space<hbm>>
      tpu.wait_dma2 semaphore(%arg30 : memref<!tpu.dma_semaphore, #tpu.memory_space<semaphore_mem>>) src(%dma_wait3A_807 : memref<96xi32, #tpu.memory_space<hbm>>) dst(%arg16 : memref<96xi32, #tpu.memory_space<vmem>>)
      %dma_start3A_808 = arith.constant 0 : i32
      %dma_start3A_809 = arith.constant 0 : i32
      %dma_start3A_810 = tpu.memref_slice %arg4[%dma_start3A_808, %dma_start3A_809] : memref<10000x128xf32, #tpu.memory_space<hbm>> -> memref<10000x128xf32, #tpu.memory_space<hbm>>
      tpu.enqueue_indirect_dma source(%dma_start3A_810 : memref<10000x128xf32, #tpu.memory_space<hbm>>) target(%arg20 : memref<96x128xf32, #tpu.memory_space<vmem>>) offsets(%arg13 : memref<96xi32, #tpu.memory_space<vmem>>) semaphore(%arg25 : memref<!tpu.dma_semaphore, #tpu.memory_space<semaphore_mem>>)
      %dma_wait3A_811 = arith.constant 0 : i32
      %dma_wait3A_812 = arith.constant 0 : i32
      %dma_wait3A_813 = tpu.memref_slice %arg4[%dma_wait3A_811, %dma_wait3A_812] : memref<10000x128xf32, #tpu.memory_space<hbm>> -> memref<10000x128xf32, #tpu.memory_space<hbm>>
      tpu.wait_indirect_dma semaphore(%arg26 : memref<!tpu.dma_semaphore, #tpu.memory_space<semaphore_mem>>) src(%dma_wait3A_813 : memref<10000x128xf32, #tpu.memory_space<hbm>>) dst(%arg21 : memref<96x128xf32, #tpu.memory_space<vmem>>)
      %parallel_loop3A_814 = arith.constant 0 : i32
      %parallel_loop3A_815 = arith.constant 96 : i32
      %parallel_loop3A_816 = arith.constant 1 : i32
      scf.for %parallel_loop3A_1101 = %parallel_loop3A_814 to %parallel_loop3A_815 step %parallel_loop3A_816  : i32 {
        %parallel_loop3A_1102 = arith.index_cast %parallel_loop3A_1101 : i32 to index
        %parallel_loop3A_1103 = tpu.vector_load %arg19[%parallel_loop3A_1102] {strides = array<i32>} : memref<112xf32, #tpu.memory_space<vmem>>, vector<16xf32>,
        %parallel_loop3A_1104 = vector.extract_strided_slice %parallel_loop3A_1103 {offsets = [0], sizes = [1], strides = [1]} : vector<16xf32> to vector<1xf32>
        %parallel_loop3A_1105 = vector.extract %parallel_loop3A_1104[0] : f32 from vector<1xf32>
        %parallel_loop3A_1106 = arith.index_cast %parallel_loop3A_1101 : i32 to index
        %parallel_loop3A_1107 = arith.constant 0 : index
        %parallel_loop3A_1108 = tpu.vector_load %arg21[%parallel_loop3A_1106, %parallel_loop3A_1107] {strides = array<i32>} : memref<96x128xf32, #tpu.memory_space<vmem>>, vector<16xf32>,
        %parallel_loop3A_1109 = vector.broadcast %parallel_loop3A_1105 : f32 to vector<16xf32>
        %parallel_loop3A_1110 = arith.mulf %parallel_loop3A_1108, %parallel_loop3A_1109 : vector<16xf32>
        %parallel_loop3A_1111 = arith.index_cast %parallel_loop3A_1101 : i32 to index
        %parallel_loop3A_1112 = arith.constant 0 : index
        %parallel_loop3A_1113 = tpu.vector_load %arg21[%parallel_loop3A_1111, %parallel_loop3A_1112] {strides = array<i32>} : memref<96x128xf32, #tpu.memory_space<vmem>>, vector<16xf32>,
        tpu.vector_store %arg21[%parallel_loop3A_1111, %parallel_loop3A_1112], %parallel_loop3A_1110 {strides = array<i32>} : memref<96x128xf32, #tpu.memory_space<vmem>>, vector<16xf32>,
        %parallel_loop3A_1114 = arith.index_cast %parallel_loop3A_1101 : i32 to index
        %parallel_loop3A_1115 = arith.constant 16 : index
        %parallel_loop3A_1116 = tpu.vector_load %arg21[%parallel_loop3A_1114, %parallel_loop3A_1115] {strides = array<i32>} : memref<96x128xf32, #tpu.memory_space<vmem>>, vector<16xf32>,
        %parallel_loop3A_1117 = vector.broadcast %parallel_loop3A_1105 : f32 to vector<16xf32>
        %parallel_loop3A_1118 = arith.mulf %parallel_loop3A_1116, %parallel_loop3A_1117 : vector<16xf32>
        %parallel_loop3A_1119 = arith.index_cast %parallel_loop3A_1101 : i32 to index
        %parallel_loop3A_1120 = arith.constant 16 : index
        %parallel_loop3A_1121 = tpu.vector_load %arg21[%parallel_loop3A_1119, %parallel_loop3A_1120] {strides = array<i32>} : memref<96x128xf32, #tpu.memory_space<vmem>>, vector<16xf32>,
        tpu.vector_store %arg21[%parallel_loop3A_1119, %parallel_loop3A_1120], %parallel_loop3A_1118 {strides = array<i32>} : memref<96x128xf32, #tpu.memory_space<vmem>>, vector<16xf32>,
        %parallel_loop3A_1122 = arith.index_cast %parallel_loop3A_1101 : i32 to index
        %parallel_loop3A_1123 = arith.constant 32 : index
        %parallel_loop3A_1124 = tpu.vector_load %arg21[%parallel_loop3A_1122, %parallel_loop3A_1123] {strides = array<i32>} : memref<96x128xf32, #tpu.memory_space<vmem>>, vector<16xf32>,
        %parallel_loop3A_1125 = vector.broadcast %parallel_loop3A_1105 : f32 to vector<16xf32>
        %parallel_loop3A_1126 = arith.mulf %parallel_loop3A_1124, %parallel_loop3A_1125 : vector<16xf32>
        %parallel_loop3A_1127 = arith.index_cast %parallel_loop3A_1101 : i32 to index
        %parallel_loop3A_1128 = arith.constant 32 : index
        %parallel_loop3A_1129 = tpu.vector_load %arg21[%parallel_loop3A_1127, %parallel_loop3A_1128] {strides = array<i32>} : memref<96x128xf32, #tpu.memory_space<vmem>>, vector<16xf32>,
        tpu.vector_store %arg21[%parallel_loop3A_1127, %parallel_loop3A_1128], %parallel_loop3A_1126 {strides = array<i32>} : memref<96x128xf32, #tpu.memory_space<vmem>>, vector<16xf32>,
        %parallel_loop3A_1130 = arith.index_cast %parallel_loop3A_1101 : i32 to index
        %parallel_loop3A_1131 = arith.constant 48 : index
        %parallel_loop3A_1132 = tpu.vector_load %arg21[%parallel_loop3A_1130, %parallel_loop3A_1131] {strides = array<i32>} : memref<96x128xf32, #tpu.memory_space<vmem>>, vector<16xf32>,
        %parallel_loop3A_1133 = vector.broadcast %parallel_loop3A_1105 : f32 to vector<16xf32>
        %parallel_loop3A_1134 = arith.mulf %parallel_loop3A_1132, %parallel_loop3A_1133 : vector<16xf32>
        %parallel_loop3A_1135 = arith.index_cast %parallel_loop3A_1101 : i32 to index
        %parallel_loop3A_1136 = arith.constant 48 : index
        %parallel_loop3A_1137 = tpu.vector_load %arg21[%parallel_loop3A_1135, %parallel_loop3A_1136] {strides = array<i32>} : memref<96x128xf32, #tpu.memory_space<vmem>>, vector<16xf32>,
        tpu.vector_store %arg21[%parallel_loop3A_1135, %parallel_loop3A_1136], %parallel_loop3A_1134 {strides = array<i32>} : memref<96x128xf32, #tpu.memory_space<vmem>>, vector<16xf32>,
        %parallel_loop3A_1138 = arith.index_cast %parallel_loop3A_1101 : i32 to index
        %parallel_loop3A_1139 = arith.constant 64 : index
        %parallel_loop3A_1140 = tpu.vector_load %arg21[%parallel_loop3A_1138, %parallel_loop3A_1139] {strides = array<i32>} : memref<96x128xf32, #tpu.memory_space<vmem>>, vector<16xf32>,
        %parallel_loop3A_1141 = vector.broadcast %parallel_loop3A_1105 : f32 to vector<16xf32>
        %parallel_loop3A_1142 = arith.mulf %parallel_loop3A_1140, %parallel_loop3A_1141 : vector<16xf32>
        %parallel_loop3A_1143 = arith.index_cast %parallel_loop3A_1101 : i32 to index
        %parallel_loop3A_1144 = arith.constant 64 : index
        %parallel_loop3A_1145 = tpu.vector_load %arg21[%parallel_loop3A_1143, %parallel_loop3A_1144] {strides = array<i32>} : memref<96x128xf32, #tpu.memory_space<vmem>>, vector<16xf32>,
        tpu.vector_store %arg21[%parallel_loop3A_1143, %parallel_loop3A_1144], %parallel_loop3A_1142 {strides = array<i32>} : memref<96x128xf32, #tpu.memory_space<vmem>>, vector<16xf32>,
        %parallel_loop3A_1146 = arith.index_cast %parallel_loop3A_1101 : i32 to index
        %parallel_loop3A_1147 = arith.constant 80 : index
        %parallel_loop3A_1148 = tpu.vector_load %arg21[%parallel_loop3A_1146, %parallel_loop3A_1147] {strides = array<i32>} : memref<96x128xf32, #tpu.memory_space<vmem>>, vector<16xf32>,
        %parallel_loop3A_1149 = vector.broadcast %parallel_loop3A_1105 : f32 to vector<16xf32>
        %parallel_loop3A_1150 = arith.mulf %parallel_loop3A_1148, %parallel_loop3A_1149 : vector<16xf32>
        %parallel_loop3A_1151 = arith.index_cast %parallel_loop3A_1101 : i32 to index
        %parallel_loop3A_1152 = arith.constant 80 : index
        %parallel_loop3A_1153 = tpu.vector_load %arg21[%parallel_loop3A_1151, %parallel_loop3A_1152] {strides = array<i32>} : memref<96x128xf32, #tpu.memory_space<vmem>>, vector<16xf32>,
        tpu.vector_store %arg21[%parallel_loop3A_1151, %parallel_loop3A_1152], %parallel_loop3A_1150 {strides = array<i32>} : memref<96x128xf32, #tpu.memory_space<vmem>>, vector<16xf32>,
        %parallel_loop3A_1154 = arith.index_cast %parallel_loop3A_1101 : i32 to index
        %parallel_loop3A_1155 = arith.constant 96 : index
        %parallel_loop3A_1156 = tpu.vector_load %arg21[%parallel_loop3A_1154, %parallel_loop3A_1155] {strides = array<i32>} : memref<96x128xf32, #tpu.memory_space<vmem>>, vector<16xf32>,
        %parallel_loop3A_1157 = vector.broadcast %parallel_loop3A_1105 : f32 to vector<16xf32>
        %parallel_loop3A_1158 = arith.mulf %parallel_loop3A_1156, %parallel_loop3A_1157 : vector<16xf32>
        %parallel_loop3A_1159 = arith.index_cast %parallel_loop3A_1101 : i32 to index
        %parallel_loop3A_1160 = arith.constant 96 : index
        %parallel_loop3A_1161 = tpu.vector_load %arg21[%parallel_loop3A_1159, %parallel_loop3A_1160] {strides = array<i32>} : memref<96x128xf32, #tpu.memory_space<vmem>>, vector<16xf32>,
        tpu.vector_store %arg21[%parallel_loop3A_1159, %parallel_loop3A_1160], %parallel_loop3A_1158 {strides = array<i32>} : memref<96x128xf32, #tpu.memory_space<vmem>>, vector<16xf32>,
        %parallel_loop3A_1162 = arith.index_cast %parallel_loop3A_1101 : i32 to index
        %parallel_loop3A_1163 = arith.constant 112 : index
        %parallel_loop3A_1164 = tpu.vector_load %arg21[%parallel_loop3A_1162, %parallel_loop3A_1163] {strides = array<i32>} : memref<96x128xf32, #tpu.memory_space<vmem>>, vector<16xf32>,
        %parallel_loop3A_1165 = vector.broadcast %parallel_loop3A_1105 : f32 to vector<16xf32>
        %parallel_loop3A_1166 = arith.mulf %parallel_loop3A_1164, %parallel_loop3A_1165 : vector<16xf32>
        %parallel_loop3A_1167 = arith.index_cast %parallel_loop3A_1101 : i32 to index
        %parallel_loop3A_1168 = arith.constant 112 : index
        %parallel_loop3A_1169 = tpu.vector_load %arg21[%parallel_loop3A_1167, %parallel_loop3A_1168] {strides = array<i32>} : memref<96x128xf32, #tpu.memory_space<vmem>>, vector<16xf32>,
        tpu.vector_store %arg21[%parallel_loop3A_1167, %parallel_loop3A_1168], %parallel_loop3A_1166 {strides = array<i32>} : memref<96x128xf32, #tpu.memory_space<vmem>>, vector<16xf32>,
      } {sc.loop_unroll_factor = 8 : i64, sc.parallel_access}
      %dma_start3A_817 = arith.constant 0 : i32
      %dma_start3A_818 = arith.constant 0 : i32
      %dma_start3A_819 = tpu.memref_slice %arg23[%dma_start3A_817, %dma_start3A_818] : memref<10240x128xf32, #tpu.memory_space<vmem_shared>> -> memref<10240x128xf32, #tpu.memory_space<vmem_shared>>
      tpu.enqueue_indirect_dma source(%arg21 : memref<96x128xf32, #tpu.memory_space<vmem>>) target(%dma_start3A_819 : memref<10240x128xf32, #tpu.memory_space<vmem_shared>>) offsets(%arg15 : memref<96xi32, #tpu.memory_space<vmem>>) semaphore(%arg28 : memref<!tpu.dma_semaphore, #tpu.memory_space<semaphore_mem>>) {add = true}
      %dma_start3A_820 = arith.constant 0 : i32
      %dma_start3A_821 = tpu.memref_slice %arg19[%dma_start3A_820] : memref<112xf32, #tpu.memory_space<vmem>> -> memref<96xf32, #tpu.memory_space<vmem>>
      %dma_start3A_822 = arith.constant 0 : i32
      %dma_start3A_823 = tpu.memref_slice %arg24[%dma_start3A_822] : memref<10240xf32, #tpu.memory_space<vmem_shared>> -> memref<10240xf32, #tpu.memory_space<vmem_shared>>
      tpu.enqueue_indirect_dma source(%dma_start3A_821 : memref<96xf32, #tpu.memory_space<vmem>>) target(%dma_start3A_823 : memref<10240xf32, #tpu.memory_space<vmem_shared>>) offsets(%arg15 : memref<96xi32, #tpu.memory_space<vmem>>) semaphore(%arg28 : memref<!tpu.dma_semaphore, #tpu.memory_space<semaphore_mem>>) {add = true}
      %mul3A_824 = arith.constant 6 : i32
      %mul3A_825 = arith.muli %scan3A_248, %mul3A_824 : i32
      %add3A_826 = arith.constant 4 : i32
      %add3A_827 = arith.addi %mul3A_825, %add3A_826 : i32
      %get3A_828 = arith.constant 0 : index
      %get3A_829 = tpu.vector_load %arg13[%get3A_828] {strides = array<i32>} : memref<96xi32, #tpu.memory_space<vmem>>, vector<16xi32>,
      %get3A_830 = arith.constant 0 : index
      %get3A_831 = tpu.vector_load %arg16[%get3A_830] {strides = array<i32>} : memref<96xi32, #tpu.memory_space<vmem>>, vector<16xi32>,
      %gather3A_832 = tpu.vector_load_idx %arg10[%get3A_829] : memref<10240xf32, #tpu.memory_space<vmem>>[vector<16xi32>], vector<16xf32>,
      %gather3A_833 = tpu.vector_load_idx %arg11[%get3A_831] : memref<10240xf32, #tpu.memory_space<vmem>>[vector<16xi32>], vector<16xf32>,
      %add3A_834 = arith.addf %gather3A_832, %gather3A_833 : vector<16xf32>
      %ge3A_835 = arith.constant 0.000000e+00 : f32
      %ge3A_836 = vector.broadcast %ge3A_835 : f32 to vector<16xf32>
      %ge3A_837 = arith.cmpf oge, %add3A_834, %ge3A_836 : vector<16xf32>
      %mul3A_838 = arith.constant 2.000000e-01 : f32
      %mul3A_839 = vector.broadcast %mul3A_838 : f32 to vector<16xf32>
      %mul3A_840 = arith.mulf %mul3A_839, %add3A_834 : vector<16xf32>
      %select_n3A_841 = arith.select %ge3A_837, %add3A_834, %mul3A_840 : vector<16xi1>, vector<16xf32>
      %exp3A_842 = math.exp %select_n3A_841 : vector<16xf32>
      %swap3A_843 = arith.constant 0 : index
      %swap3A_844 = tpu.vector_load %arg18[%swap3A_843] {strides = array<i32>} : memref<112xf32, #tpu.memory_space<vmem>>, vector<16xf32>,
      tpu.vector_store %arg18[%swap3A_843], %exp3A_842 {strides = array<i32>} : memref<112xf32, #tpu.memory_space<vmem>>, vector<16xf32>,
      %get3A_845 = arith.constant 16 : index
      %get3A_846 = tpu.vector_load %arg13[%get3A_845] {strides = array<i32>} : memref<96xi32, #tpu.memory_space<vmem>>, vector<16xi32>,
      %get3A_847 = arith.constant 16 : index
      %get3A_848 = tpu.vector_load %arg16[%get3A_847] {strides = array<i32>} : memref<96xi32, #tpu.memory_space<vmem>>, vector<16xi32>,
      %gather3A_849 = tpu.vector_load_idx %arg10[%get3A_846] : memref<10240xf32, #tpu.memory_space<vmem>>[vector<16xi32>], vector<16xf32>,
      %gather3A_850 = tpu.vector_load_idx %arg11[%get3A_848] : memref<10240xf32, #tpu.memory_space<vmem>>[vector<16xi32>], vector<16xf32>,
      %add3A_851 = arith.addf %gather3A_849, %gather3A_850 : vector<16xf32>
      %ge3A_852 = arith.constant 0.000000e+00 : f32
      %ge3A_853 = vector.broadcast %ge3A_852 : f32 to vector<16xf32>
      %ge3A_854 = arith.cmpf oge, %add3A_851, %ge3A_853 : vector<16xf32>
      %mul3A_855 = arith.constant 2.000000e-01 : f32
      %mul3A_856 = vector.broadcast %mul3A_855 : f32 to vector<16xf32>
      %mul3A_857 = arith.mulf %mul3A_856, %add3A_851 : vector<16xf32>
      %select_n3A_858 = arith.select %ge3A_854, %add3A_851, %mul3A_857 : vector<16xi1>, vector<16xf32>
      %exp3A_859 = math.exp %select_n3A_858 : vector<16xf32>
      %swap3A_860 = arith.constant 16 : index
      %swap3A_861 = tpu.vector_load %arg18[%swap3A_860] {strides = array<i32>} : memref<112xf32, #tpu.memory_space<vmem>>, vector<16xf32>,
      tpu.vector_store %arg18[%swap3A_860], %exp3A_859 {strides = array<i32>} : memref<112xf32, #tpu.memory_space<vmem>>, vector<16xf32>,
      %get3A_862 = arith.constant 32 : index
      %get3A_863 = tpu.vector_load %arg13[%get3A_862] {strides = array<i32>} : memref<96xi32, #tpu.memory_space<vmem>>, vector<16xi32>,
      %get3A_864 = arith.constant 32 : index
      %get3A_865 = tpu.vector_load %arg16[%get3A_864] {strides = array<i32>} : memref<96xi32, #tpu.memory_space<vmem>>, vector<16xi32>,
      %gather3A_866 = tpu.vector_load_idx %arg10[%get3A_863] : memref<10240xf32, #tpu.memory_space<vmem>>[vector<16xi32>], vector<16xf32>,
      %gather3A_867 = tpu.vector_load_idx %arg11[%get3A_865] : memref<10240xf32, #tpu.memory_space<vmem>>[vector<16xi32>], vector<16xf32>,
      %add3A_868 = arith.addf %gather3A_866, %gather3A_867 : vector<16xf32>
      %ge3A_869 = arith.constant 0.000000e+00 : f32
      %ge3A_870 = vector.broadcast %ge3A_869 : f32 to vector<16xf32>
      %ge3A_871 = arith.cmpf oge, %add3A_868, %ge3A_870 : vector<16xf32>
      %mul3A_872 = arith.constant 2.000000e-01 : f32
      %mul3A_873 = vector.broadcast %mul3A_872 : f32 to vector<16xf32>
      %mul3A_874 = arith.mulf %mul3A_873, %add3A_868 : vector<16xf32>
      %select_n3A_875 = arith.select %ge3A_871, %add3A_868, %mul3A_874 : vector<16xi1>, vector<16xf32>
      %exp3A_876 = math.exp %select_n3A_875 : vector<16xf32>
      %swap3A_877 = arith.constant 32 : index
      %swap3A_878 = tpu.vector_load %arg18[%swap3A_877] {strides = array<i32>} : memref<112xf32, #tpu.memory_space<vmem>>, vector<16xf32>,
      tpu.vector_store %arg18[%swap3A_877], %exp3A_876 {strides = array<i32>} : memref<112xf32, #tpu.memory_space<vmem>>, vector<16xf32>,
      %get3A_879 = arith.constant 48 : index
      %get3A_880 = tpu.vector_load %arg13[%get3A_879] {strides = array<i32>} : memref<96xi32, #tpu.memory_space<vmem>>, vector<16xi32>,
      %get3A_881 = arith.constant 48 : index
      %get3A_882 = tpu.vector_load %arg16[%get3A_881] {strides = array<i32>} : memref<96xi32, #tpu.memory_space<vmem>>, vector<16xi32>,
      %gather3A_883 = tpu.vector_load_idx %arg10[%get3A_880] : memref<10240xf32, #tpu.memory_space<vmem>>[vector<16xi32>], vector<16xf32>,
      %gather3A_884 = tpu.vector_load_idx %arg11[%get3A_882] : memref<10240xf32, #tpu.memory_space<vmem>>[vector<16xi32>], vector<16xf32>,
      %add3A_885 = arith.addf %gather3A_883, %gather3A_884 : vector<16xf32>
      %ge3A_886 = arith.constant 0.000000e+00 : f32
      %ge3A_887 = vector.broadcast %ge3A_886 : f32 to vector<16xf32>
      %ge3A_888 = arith.cmpf oge, %add3A_885, %ge3A_887 : vector<16xf32>
      %mul3A_889 = arith.constant 2.000000e-01 : f32
      %mul3A_890 = vector.broadcast %mul3A_889 : f32 to vector<16xf32>
      %mul3A_891 = arith.mulf %mul3A_890, %add3A_885 : vector<16xf32>
      %select_n3A_892 = arith.select %ge3A_888, %add3A_885, %mul3A_891 : vector<16xi1>, vector<16xf32>
      %exp3A_893 = math.exp %select_n3A_892 : vector<16xf32>
      %swap3A_894 = arith.constant 48 : index
      %swap3A_895 = tpu.vector_load %arg18[%swap3A_894] {strides = array<i32>} : memref<112xf32, #tpu.memory_space<vmem>>, vector<16xf32>,
      tpu.vector_store %arg18[%swap3A_894], %exp3A_893 {strides = array<i32>} : memref<112xf32, #tpu.memory_space<vmem>>, vector<16xf32>,
      %get3A_896 = arith.constant 64 : index
      %get3A_897 = tpu.vector_load %arg13[%get3A_896] {strides = array<i32>} : memref<96xi32, #tpu.memory_space<vmem>>, vector<16xi32>,
      %get3A_898 = arith.constant 64 : index
      %get3A_899 = tpu.vector_load %arg16[%get3A_898] {strides = array<i32>} : memref<96xi32, #tpu.memory_space<vmem>>, vector<16xi32>,
      %gather3A_900 = tpu.vector_load_idx %arg10[%get3A_897] : memref<10240xf32, #tpu.memory_space<vmem>>[vector<16xi32>], vector<16xf32>,
      %gather3A_901 = tpu.vector_load_idx %arg11[%get3A_899] : memref<10240xf32, #tpu.memory_space<vmem>>[vector<16xi32>], vector<16xf32>,
      %add3A_902 = arith.addf %gather3A_900, %gather3A_901 : vector<16xf32>
      %ge3A_903 = arith.constant 0.000000e+00 : f32
      %ge3A_904 = vector.broadcast %ge3A_903 : f32 to vector<16xf32>
      %ge3A_905 = arith.cmpf oge, %add3A_902, %ge3A_904 : vector<16xf32>
      %mul3A_906 = arith.constant 2.000000e-01 : f32
      %mul3A_907 = vector.broadcast %mul3A_906 : f32 to vector<16xf32>
      %mul3A_908 = arith.mulf %mul3A_907, %add3A_902 : vector<16xf32>
      %select_n3A_909 = arith.select %ge3A_905, %add3A_902, %mul3A_908 : vector<16xi1>, vector<16xf32>
      %exp3A_910 = math.exp %select_n3A_909 : vector<16xf32>
      %swap3A_911 = arith.constant 64 : index
      %swap3A_912 = tpu.vector_load %arg18[%swap3A_911] {strides = array<i32>} : memref<112xf32, #tpu.memory_space<vmem>>, vector<16xf32>,
      tpu.vector_store %arg18[%swap3A_911], %exp3A_910 {strides = array<i32>} : memref<112xf32, #tpu.memory_space<vmem>>, vector<16xf32>,
      %get3A_913 = arith.constant 80 : index
      %get3A_914 = tpu.vector_load %arg13[%get3A_913] {strides = array<i32>} : memref<96xi32, #tpu.memory_space<vmem>>, vector<16xi32>,
      %get3A_915 = arith.constant 80 : index
      %get3A_916 = tpu.vector_load %arg16[%get3A_915] {strides = array<i32>} : memref<96xi32, #tpu.memory_space<vmem>>, vector<16xi32>,
      %gather3A_917 = tpu.vector_load_idx %arg10[%get3A_914] : memref<10240xf32, #tpu.memory_space<vmem>>[vector<16xi32>], vector<16xf32>,
      %gather3A_918 = tpu.vector_load_idx %arg11[%get3A_916] : memref<10240xf32, #tpu.memory_space<vmem>>[vector<16xi32>], vector<16xf32>,
      %add3A_919 = arith.addf %gather3A_917, %gather3A_918 : vector<16xf32>
      %ge3A_920 = arith.constant 0.000000e+00 : f32
      %ge3A_921 = vector.broadcast %ge3A_920 : f32 to vector<16xf32>
      %ge3A_922 = arith.cmpf oge, %add3A_919, %ge3A_921 : vector<16xf32>
      %mul3A_923 = arith.constant 2.000000e-01 : f32
      %mul3A_924 = vector.broadcast %mul3A_923 : f32 to vector<16xf32>
      %mul3A_925 = arith.mulf %mul3A_924, %add3A_919 : vector<16xf32>
      %select_n3A_926 = arith.select %ge3A_922, %add3A_919, %mul3A_925 : vector<16xi1>, vector<16xf32>
      %exp3A_927 = math.exp %select_n3A_926 : vector<16xf32>
      %swap3A_928 = arith.constant 80 : index
      %swap3A_929 = tpu.vector_load %arg18[%swap3A_928] {strides = array<i32>} : memref<112xf32, #tpu.memory_space<vmem>>, vector<16xf32>,
      tpu.vector_store %arg18[%swap3A_928], %exp3A_927 {strides = array<i32>} : memref<112xf32, #tpu.memory_space<vmem>>, vector<16xf32>,
      %dma_wait3A_930 = arith.constant 0 : i32
      %dma_wait3A_931 = arith.constant 0 : i32
      %dma_wait3A_932 = tpu.memref_slice %arg23[%dma_wait3A_930, %dma_wait3A_931] : memref<10240x128xf32, #tpu.memory_space<vmem_shared>> -> memref<10240x128xf32, #tpu.memory_space<vmem_shared>>
      tpu.wait_indirect_dma semaphore(%arg28 : memref<!tpu.dma_semaphore, #tpu.memory_space<semaphore_mem>>) src(%arg21 : memref<96x128xf32, #tpu.memory_space<vmem>>) dst(%dma_wait3A_932 : memref<10240x128xf32, #tpu.memory_space<vmem_shared>>)
      %dma_wait3A_933 = arith.constant 0 : i32
      %dma_wait3A_934 = tpu.memref_slice %arg19[%dma_wait3A_933] : memref<112xf32, #tpu.memory_space<vmem>> -> memref<96xf32, #tpu.memory_space<vmem>>
      %dma_wait3A_935 = arith.constant 0 : i32
      %dma_wait3A_936 = tpu.memref_slice %arg24[%dma_wait3A_935] : memref<10240xf32, #tpu.memory_space<vmem_shared>> -> memref<10240xf32, #tpu.memory_space<vmem_shared>>
      tpu.wait_indirect_dma semaphore(%arg28 : memref<!tpu.dma_semaphore, #tpu.memory_space<semaphore_mem>>) src(%dma_wait3A_934 : memref<96xf32, #tpu.memory_space<vmem>>) dst(%dma_wait3A_936 : memref<10240xf32, #tpu.memory_space<vmem_shared>>)
      %lt3A = arith.constant 17 : i32
      %lt3A_937 = arith.cmpi slt, %scan3A_248, %lt3A : i32
      %convert_element_type3A_938 = arith.extui %lt3A_937 : i1 to i32
      %cond3A_939 = arith.constant 0 : i32
      %cond3A_940 = arith.cmpi ne, %convert_element_type3A_938, %cond3A_939 : i32
      scf.if %cond3A_940 {
        %add3A_1101 = arith.constant 2 : i32
        %add3A_1102 = arith.addi %add3A_827, %add3A_1101 : i32
        %mul3A_1103 = arith.constant 96 : i32
        %mul3A_1104 = arith.muli %add3A_1102, %mul3A_1103 : i32
        %add3A_1105 = arith.addi %mul3A_201, %mul3A_1104 : i32
        %dma_start3A_1106 = tpu.memref_slice %arg5[%add3A_1105] : memref<331776xi32, #tpu.memory_space<hbm>> -> memref<96xi32, #tpu.memory_space<hbm>>
        %dma_start3A_1107 = tpu.memref_slice %arg5[%add3A_1105] : memref<331776xi32, #tpu.memory_space<hbm>> -> memref<96xi32, #tpu.memory_space<hbm>>
        tpu.enqueue_dma source(%dma_start3A_1107 : memref<96xi32, #tpu.memory_space<hbm>>) target(%arg12 : memref<96xi32, #tpu.memory_space<vmem>>) target_semaphore(%arg29 : memref<!tpu.dma_semaphore, #tpu.memory_space<semaphore_mem>>)
        %dma_start3A_1108 = tpu.memref_slice %arg6[%add3A_1105] : memref<331776xi32, #tpu.memory_space<hbm>> -> memref<96xi32, #tpu.memory_space<hbm>>
        %dma_start3A_1109 = tpu.memref_slice %arg6[%add3A_1105] : memref<331776xi32, #tpu.memory_space<hbm>> -> memref<96xi32, #tpu.memory_space<hbm>>
        tpu.enqueue_dma source(%dma_start3A_1109 : memref<96xi32, #tpu.memory_space<hbm>>) target(%arg15 : memref<96xi32, #tpu.memory_space<vmem>>) target_semaphore(%arg29 : memref<!tpu.dma_semaphore, #tpu.memory_space<semaphore_mem>>)
      } else {
      }
      %dma_wait3A_941 = arith.constant 0 : i32
      %dma_wait3A_942 = tpu.memref_slice %arg5[%dma_wait3A_941] : memref<331776xi32, #tpu.memory_space<hbm>> -> memref<96xi32, #tpu.memory_space<hbm>>
      %dma_wait3A_943 = arith.constant 0 : i32
      %dma_wait3A_944 = tpu.memref_slice %arg5[%dma_wait3A_943] : memref<331776xi32, #tpu.memory_space<hbm>> -> memref<96xi32, #tpu.memory_space<hbm>>
      tpu.wait_dma2 semaphore(%arg31 : memref<!tpu.dma_semaphore, #tpu.memory_space<semaphore_mem>>) src(%dma_wait3A_944 : memref<96xi32, #tpu.memory_space<hbm>>) dst(%arg14 : memref<96xi32, #tpu.memory_space<vmem>>)
      %dma_wait3A_945 = arith.constant 0 : i32
      %dma_wait3A_946 = tpu.memref_slice %arg6[%dma_wait3A_945] : memref<331776xi32, #tpu.memory_space<hbm>> -> memref<96xi32, #tpu.memory_space<hbm>>
      %dma_wait3A_947 = arith.constant 0 : i32
      %dma_wait3A_948 = tpu.memref_slice %arg6[%dma_wait3A_947] : memref<331776xi32, #tpu.memory_space<hbm>> -> memref<96xi32, #tpu.memory_space<hbm>>
      tpu.wait_dma2 semaphore(%arg31 : memref<!tpu.dma_semaphore, #tpu.memory_space<semaphore_mem>>) src(%dma_wait3A_948 : memref<96xi32, #tpu.memory_space<hbm>>) dst(%arg17 : memref<96xi32, #tpu.memory_space<vmem>>)
      %dma_start3A_949 = arith.constant 0 : i32
      %dma_start3A_950 = arith.constant 0 : i32
      %dma_start3A_951 = tpu.memref_slice %arg4[%dma_start3A_949, %dma_start3A_950] : memref<10000x128xf32, #tpu.memory_space<hbm>> -> memref<10000x128xf32, #tpu.memory_space<hbm>>
      tpu.enqueue_indirect_dma source(%dma_start3A_951 : memref<10000x128xf32, #tpu.memory_space<hbm>>) target(%arg21 : memref<96x128xf32, #tpu.memory_space<vmem>>) offsets(%arg14 : memref<96xi32, #tpu.memory_space<vmem>>) semaphore(%arg26 : memref<!tpu.dma_semaphore, #tpu.memory_space<semaphore_mem>>)
      %dma_wait3A_952 = arith.constant 0 : i32
      %dma_wait3A_953 = arith.constant 0 : i32
      %dma_wait3A_954 = tpu.memref_slice %arg4[%dma_wait3A_952, %dma_wait3A_953] : memref<10000x128xf32, #tpu.memory_space<hbm>> -> memref<10000x128xf32, #tpu.memory_space<hbm>>
      tpu.wait_indirect_dma semaphore(%arg25 : memref<!tpu.dma_semaphore, #tpu.memory_space<semaphore_mem>>) src(%dma_wait3A_954 : memref<10000x128xf32, #tpu.memory_space<hbm>>) dst(%arg20 : memref<96x128xf32, #tpu.memory_space<vmem>>)
      %parallel_loop3A_955 = arith.constant 0 : i32
      %parallel_loop3A_956 = arith.constant 96 : i32
      %parallel_loop3A_957 = arith.constant 1 : i32
      scf.for %parallel_loop3A_1101 = %parallel_loop3A_955 to %parallel_loop3A_956 step %parallel_loop3A_957  : i32 {
        %parallel_loop3A_1102 = arith.index_cast %parallel_loop3A_1101 : i32 to index
        %parallel_loop3A_1103 = tpu.vector_load %arg18[%parallel_loop3A_1102] {strides = array<i32>} : memref<112xf32, #tpu.memory_space<vmem>>, vector<16xf32>,
        %parallel_loop3A_1104 = vector.extract_strided_slice %parallel_loop3A_1103 {offsets = [0], sizes = [1], strides = [1]} : vector<16xf32> to vector<1xf32>
        %parallel_loop3A_1105 = vector.extract %parallel_loop3A_1104[0] : f32 from vector<1xf32>
        %parallel_loop3A_1106 = arith.index_cast %parallel_loop3A_1101 : i32 to index
        %parallel_loop3A_1107 = arith.constant 0 : index
        %parallel_loop3A_1108 = tpu.vector_load %arg20[%parallel_loop3A_1106, %parallel_loop3A_1107] {strides = array<i32>} : memref<96x128xf32, #tpu.memory_space<vmem>>, vector<16xf32>,
        %parallel_loop3A_1109 = vector.broadcast %parallel_loop3A_1105 : f32 to vector<16xf32>
        %parallel_loop3A_1110 = arith.mulf %parallel_loop3A_1108, %parallel_loop3A_1109 : vector<16xf32>
        %parallel_loop3A_1111 = arith.index_cast %parallel_loop3A_1101 : i32 to index
        %parallel_loop3A_1112 = arith.constant 0 : index
        %parallel_loop3A_1113 = tpu.vector_load %arg20[%parallel_loop3A_1111, %parallel_loop3A_1112] {strides = array<i32>} : memref<96x128xf32, #tpu.memory_space<vmem>>, vector<16xf32>,
        tpu.vector_store %arg20[%parallel_loop3A_1111, %parallel_loop3A_1112], %parallel_loop3A_1110 {strides = array<i32>} : memref<96x128xf32, #tpu.memory_space<vmem>>, vector<16xf32>,
        %parallel_loop3A_1114 = arith.index_cast %parallel_loop3A_1101 : i32 to index
        %parallel_loop3A_1115 = arith.constant 16 : index
        %parallel_loop3A_1116 = tpu.vector_load %arg20[%parallel_loop3A_1114, %parallel_loop3A_1115] {strides = array<i32>} : memref<96x128xf32, #tpu.memory_space<vmem>>, vector<16xf32>,
        %parallel_loop3A_1117 = vector.broadcast %parallel_loop3A_1105 : f32 to vector<16xf32>
        %parallel_loop3A_1118 = arith.mulf %parallel_loop3A_1116, %parallel_loop3A_1117 : vector<16xf32>
        %parallel_loop3A_1119 = arith.index_cast %parallel_loop3A_1101 : i32 to index
        %parallel_loop3A_1120 = arith.constant 16 : index
        %parallel_loop3A_1121 = tpu.vector_load %arg20[%parallel_loop3A_1119, %parallel_loop3A_1120] {strides = array<i32>} : memref<96x128xf32, #tpu.memory_space<vmem>>, vector<16xf32>,
        tpu.vector_store %arg20[%parallel_loop3A_1119, %parallel_loop3A_1120], %parallel_loop3A_1118 {strides = array<i32>} : memref<96x128xf32, #tpu.memory_space<vmem>>, vector<16xf32>,
        %parallel_loop3A_1122 = arith.index_cast %parallel_loop3A_1101 : i32 to index
        %parallel_loop3A_1123 = arith.constant 32 : index
        %parallel_loop3A_1124 = tpu.vector_load %arg20[%parallel_loop3A_1122, %parallel_loop3A_1123] {strides = array<i32>} : memref<96x128xf32, #tpu.memory_space<vmem>>, vector<16xf32>,
        %parallel_loop3A_1125 = vector.broadcast %parallel_loop3A_1105 : f32 to vector<16xf32>
        %parallel_loop3A_1126 = arith.mulf %parallel_loop3A_1124, %parallel_loop3A_1125 : vector<16xf32>
        %parallel_loop3A_1127 = arith.index_cast %parallel_loop3A_1101 : i32 to index
        %parallel_loop3A_1128 = arith.constant 32 : index
        %parallel_loop3A_1129 = tpu.vector_load %arg20[%parallel_loop3A_1127, %parallel_loop3A_1128] {strides = array<i32>} : memref<96x128xf32, #tpu.memory_space<vmem>>, vector<16xf32>,
        tpu.vector_store %arg20[%parallel_loop3A_1127, %parallel_loop3A_1128], %parallel_loop3A_1126 {strides = array<i32>} : memref<96x128xf32, #tpu.memory_space<vmem>>, vector<16xf32>,
        %parallel_loop3A_1130 = arith.index_cast %parallel_loop3A_1101 : i32 to index
        %parallel_loop3A_1131 = arith.constant 48 : index
        %parallel_loop3A_1132 = tpu.vector_load %arg20[%parallel_loop3A_1130, %parallel_loop3A_1131] {strides = array<i32>} : memref<96x128xf32, #tpu.memory_space<vmem>>, vector<16xf32>,
        %parallel_loop3A_1133 = vector.broadcast %parallel_loop3A_1105 : f32 to vector<16xf32>
        %parallel_loop3A_1134 = arith.mulf %parallel_loop3A_1132, %parallel_loop3A_1133 : vector<16xf32>
        %parallel_loop3A_1135 = arith.index_cast %parallel_loop3A_1101 : i32 to index
        %parallel_loop3A_1136 = arith.constant 48 : index
        %parallel_loop3A_1137 = tpu.vector_load %arg20[%parallel_loop3A_1135, %parallel_loop3A_1136] {strides = array<i32>} : memref<96x128xf32, #tpu.memory_space<vmem>>, vector<16xf32>,
        tpu.vector_store %arg20[%parallel_loop3A_1135, %parallel_loop3A_1136], %parallel_loop3A_1134 {strides = array<i32>} : memref<96x128xf32, #tpu.memory_space<vmem>>, vector<16xf32>,
        %parallel_loop3A_1138 = arith.index_cast %parallel_loop3A_1101 : i32 to index
        %parallel_loop3A_1139 = arith.constant 64 : index
        %parallel_loop3A_1140 = tpu.vector_load %arg20[%parallel_loop3A_1138, %parallel_loop3A_1139] {strides = array<i32>} : memref<96x128xf32, #tpu.memory_space<vmem>>, vector<16xf32>,
        %parallel_loop3A_1141 = vector.broadcast %parallel_loop3A_1105 : f32 to vector<16xf32>
        %parallel_loop3A_1142 = arith.mulf %parallel_loop3A_1140, %parallel_loop3A_1141 : vector<16xf32>
        %parallel_loop3A_1143 = arith.index_cast %parallel_loop3A_1101 : i32 to index
        %parallel_loop3A_1144 = arith.constant 64 : index
        %parallel_loop3A_1145 = tpu.vector_load %arg20[%parallel_loop3A_1143, %parallel_loop3A_1144] {strides = array<i32>} : memref<96x128xf32, #tpu.memory_space<vmem>>, vector<16xf32>,
        tpu.vector_store %arg20[%parallel_loop3A_1143, %parallel_loop3A_1144], %parallel_loop3A_1142 {strides = array<i32>} : memref<96x128xf32, #tpu.memory_space<vmem>>, vector<16xf32>,
        %parallel_loop3A_1146 = arith.index_cast %parallel_loop3A_1101 : i32 to index
        %parallel_loop3A_1147 = arith.constant 80 : index
        %parallel_loop3A_1148 = tpu.vector_load %arg20[%parallel_loop3A_1146, %parallel_loop3A_1147] {strides = array<i32>} : memref<96x128xf32, #tpu.memory_space<vmem>>, vector<16xf32>,
        %parallel_loop3A_1149 = vector.broadcast %parallel_loop3A_1105 : f32 to vector<16xf32>
        %parallel_loop3A_1150 = arith.mulf %parallel_loop3A_1148, %parallel_loop3A_1149 : vector<16xf32>
        %parallel_loop3A_1151 = arith.index_cast %parallel_loop3A_1101 : i32 to index
        %parallel_loop3A_1152 = arith.constant 80 : index
        %parallel_loop3A_1153 = tpu.vector_load %arg20[%parallel_loop3A_1151, %parallel_loop3A_1152] {strides = array<i32>} : memref<96x128xf32, #tpu.memory_space<vmem>>, vector<16xf32>,
        tpu.vector_store %arg20[%parallel_loop3A_1151, %parallel_loop3A_1152], %parallel_loop3A_1150 {strides = array<i32>} : memref<96x128xf32, #tpu.memory_space<vmem>>, vector<16xf32>,
        %parallel_loop3A_1154 = arith.index_cast %parallel_loop3A_1101 : i32 to index
        %parallel_loop3A_1155 = arith.constant 96 : index
        %parallel_loop3A_1156 = tpu.vector_load %arg20[%parallel_loop3A_1154, %parallel_loop3A_1155] {strides = array<i32>} : memref<96x128xf32, #tpu.memory_space<vmem>>, vector<16xf32>,
        %parallel_loop3A_1157 = vector.broadcast %parallel_loop3A_1105 : f32 to vector<16xf32>
        %parallel_loop3A_1158 = arith.mulf %parallel_loop3A_1156, %parallel_loop3A_1157 : vector<16xf32>
        %parallel_loop3A_1159 = arith.index_cast %parallel_loop3A_1101 : i32 to index
        %parallel_loop3A_1160 = arith.constant 96 : index
        %parallel_loop3A_1161 = tpu.vector_load %arg20[%parallel_loop3A_1159, %parallel_loop3A_1160] {strides = array<i32>} : memref<96x128xf32, #tpu.memory_space<vmem>>, vector<16xf32>,
        tpu.vector_store %arg20[%parallel_loop3A_1159, %parallel_loop3A_1160], %parallel_loop3A_1158 {strides = array<i32>} : memref<96x128xf32, #tpu.memory_space<vmem>>, vector<16xf32>,
        %parallel_loop3A_1162 = arith.index_cast %parallel_loop3A_1101 : i32 to index
        %parallel_loop3A_1163 = arith.constant 112 : index
        %parallel_loop3A_1164 = tpu.vector_load %arg20[%parallel_loop3A_1162, %parallel_loop3A_1163] {strides = array<i32>} : memref<96x128xf32, #tpu.memory_space<vmem>>, vector<16xf32>,
        %parallel_loop3A_1165 = vector.broadcast %parallel_loop3A_1105 : f32 to vector<16xf32>
        %parallel_loop3A_1166 = arith.mulf %parallel_loop3A_1164, %parallel_loop3A_1165 : vector<16xf32>
        %parallel_loop3A_1167 = arith.index_cast %parallel_loop3A_1101 : i32 to index
        %parallel_loop3A_1168 = arith.constant 112 : index
        %parallel_loop3A_1169 = tpu.vector_load %arg20[%parallel_loop3A_1167, %parallel_loop3A_1168] {strides = array<i32>} : memref<96x128xf32, #tpu.memory_space<vmem>>, vector<16xf32>,
        tpu.vector_store %arg20[%parallel_loop3A_1167, %parallel_loop3A_1168], %parallel_loop3A_1166 {strides = array<i32>} : memref<96x128xf32, #tpu.memory_space<vmem>>, vector<16xf32>,
      } {sc.loop_unroll_factor = 8 : i64, sc.parallel_access}
      %dma_start3A_958 = arith.constant 0 : i32
      %dma_start3A_959 = arith.constant 0 : i32
      %dma_start3A_960 = tpu.memref_slice %arg23[%dma_start3A_958, %dma_start3A_959] : memref<10240x128xf32, #tpu.memory_space<vmem_shared>> -> memref<10240x128xf32, #tpu.memory_space<vmem_shared>>
      tpu.enqueue_indirect_dma source(%arg20 : memref<96x128xf32, #tpu.memory_space<vmem>>) target(%dma_start3A_960 : memref<10240x128xf32, #tpu.memory_space<vmem_shared>>) offsets(%arg16 : memref<96xi32, #tpu.memory_space<vmem>>) semaphore(%arg27 : memref<!tpu.dma_semaphore, #tpu.memory_space<semaphore_mem>>) {add = true}
      %dma_start3A_961 = arith.constant 0 : i32
      %dma_start3A_962 = tpu.memref_slice %arg18[%dma_start3A_961] : memref<112xf32, #tpu.memory_space<vmem>> -> memref<96xf32, #tpu.memory_space<vmem>>
      %dma_start3A_963 = arith.constant 0 : i32
      %dma_start3A_964 = tpu.memref_slice %arg24[%dma_start3A_963] : memref<10240xf32, #tpu.memory_space<vmem_shared>> -> memref<10240xf32, #tpu.memory_space<vmem_shared>>
      tpu.enqueue_indirect_dma source(%dma_start3A_962 : memref<96xf32, #tpu.memory_space<vmem>>) target(%dma_start3A_964 : memref<10240xf32, #tpu.memory_space<vmem_shared>>) offsets(%arg16 : memref<96xi32, #tpu.memory_space<vmem>>) semaphore(%arg27 : memref<!tpu.dma_semaphore, #tpu.memory_space<semaphore_mem>>) {add = true}
      %mul3A_965 = arith.constant 6 : i32
      %mul3A_966 = arith.muli %scan3A_248, %mul3A_965 : i32
      %add3A_967 = arith.constant 5 : i32
      %add3A_968 = arith.addi %mul3A_966, %add3A_967 : i32
      %get3A_969 = arith.constant 0 : index
      %get3A_970 = tpu.vector_load %arg14[%get3A_969] {strides = array<i32>} : memref<96xi32, #tpu.memory_space<vmem>>, vector<16xi32>,
      %get3A_971 = arith.constant 0 : index
      %get3A_972 = tpu.vector_load %arg17[%get3A_971] {strides = array<i32>} : memref<96xi32, #tpu.memory_space<vmem>>, vector<16xi32>,
      %gather3A_973 = tpu.vector_load_idx %arg10[%get3A_970] : memref<10240xf32, #tpu.memory_space<vmem>>[vector<16xi32>], vector<16xf32>,
      %gather3A_974 = tpu.vector_load_idx %arg11[%get3A_972] : memref<10240xf32, #tpu.memory_space<vmem>>[vector<16xi32>], vector<16xf32>,
      %add3A_975 = arith.addf %gather3A_973, %gather3A_974 : vector<16xf32>
      %ge3A_976 = arith.constant 0.000000e+00 : f32
      %ge3A_977 = vector.broadcast %ge3A_976 : f32 to vector<16xf32>
      %ge3A_978 = arith.cmpf oge, %add3A_975, %ge3A_977 : vector<16xf32>
      %mul3A_979 = arith.constant 2.000000e-01 : f32
      %mul3A_980 = vector.broadcast %mul3A_979 : f32 to vector<16xf32>
      %mul3A_981 = arith.mulf %mul3A_980, %add3A_975 : vector<16xf32>
      %select_n3A_982 = arith.select %ge3A_978, %add3A_975, %mul3A_981 : vector<16xi1>, vector<16xf32>
      %exp3A_983 = math.exp %select_n3A_982 : vector<16xf32>
      %swap3A_984 = arith.constant 0 : index
      %swap3A_985 = tpu.vector_load %arg19[%swap3A_984] {strides = array<i32>} : memref<112xf32, #tpu.memory_space<vmem>>, vector<16xf32>,
      tpu.vector_store %arg19[%swap3A_984], %exp3A_983 {strides = array<i32>} : memref<112xf32, #tpu.memory_space<vmem>>, vector<16xf32>,
      %get3A_986 = arith.constant 16 : index
      %get3A_987 = tpu.vector_load %arg14[%get3A_986] {strides = array<i32>} : memref<96xi32, #tpu.memory_space<vmem>>, vector<16xi32>,
      %get3A_988 = arith.constant 16 : index
      %get3A_989 = tpu.vector_load %arg17[%get3A_988] {strides = array<i32>} : memref<96xi32, #tpu.memory_space<vmem>>, vector<16xi32>,
      %gather3A_990 = tpu.vector_load_idx %arg10[%get3A_987] : memref<10240xf32, #tpu.memory_space<vmem>>[vector<16xi32>], vector<16xf32>,
      %gather3A_991 = tpu.vector_load_idx %arg11[%get3A_989] : memref<10240xf32, #tpu.memory_space<vmem>>[vector<16xi32>], vector<16xf32>,
      %add3A_992 = arith.addf %gather3A_990, %gather3A_991 : vector<16xf32>
      %ge3A_993 = arith.constant 0.000000e+00 : f32
      %ge3A_994 = vector.broadcast %ge3A_993 : f32 to vector<16xf32>
      %ge3A_995 = arith.cmpf oge, %add3A_992, %ge3A_994 : vector<16xf32>
      %mul3A_996 = arith.constant 2.000000e-01 : f32
      %mul3A_997 = vector.broadcast %mul3A_996 : f32 to vector<16xf32>
      %mul3A_998 = arith.mulf %mul3A_997, %add3A_992 : vector<16xf32>
      %select_n3A_999 = arith.select %ge3A_995, %add3A_992, %mul3A_998 : vector<16xi1>, vector<16xf32>
      %exp3A_1000 = math.exp %select_n3A_999 : vector<16xf32>
      %swap3A_1001 = arith.constant 16 : index
      %swap3A_1002 = tpu.vector_load %arg19[%swap3A_1001] {strides = array<i32>} : memref<112xf32, #tpu.memory_space<vmem>>, vector<16xf32>,
      tpu.vector_store %arg19[%swap3A_1001], %exp3A_1000 {strides = array<i32>} : memref<112xf32, #tpu.memory_space<vmem>>, vector<16xf32>,
      %get3A_1003 = arith.constant 32 : index
      %get3A_1004 = tpu.vector_load %arg14[%get3A_1003] {strides = array<i32>} : memref<96xi32, #tpu.memory_space<vmem>>, vector<16xi32>,
      %get3A_1005 = arith.constant 32 : index
      %get3A_1006 = tpu.vector_load %arg17[%get3A_1005] {strides = array<i32>} : memref<96xi32, #tpu.memory_space<vmem>>, vector<16xi32>,
      %gather3A_1007 = tpu.vector_load_idx %arg10[%get3A_1004] : memref<10240xf32, #tpu.memory_space<vmem>>[vector<16xi32>], vector<16xf32>,
      %gather3A_1008 = tpu.vector_load_idx %arg11[%get3A_1006] : memref<10240xf32, #tpu.memory_space<vmem>>[vector<16xi32>], vector<16xf32>,
      %add3A_1009 = arith.addf %gather3A_1007, %gather3A_1008 : vector<16xf32>
      %ge3A_1010 = arith.constant 0.000000e+00 : f32
      %ge3A_1011 = vector.broadcast %ge3A_1010 : f32 to vector<16xf32>
      %ge3A_1012 = arith.cmpf oge, %add3A_1009, %ge3A_1011 : vector<16xf32>
      %mul3A_1013 = arith.constant 2.000000e-01 : f32
      %mul3A_1014 = vector.broadcast %mul3A_1013 : f32 to vector<16xf32>
      %mul3A_1015 = arith.mulf %mul3A_1014, %add3A_1009 : vector<16xf32>
      %select_n3A_1016 = arith.select %ge3A_1012, %add3A_1009, %mul3A_1015 : vector<16xi1>, vector<16xf32>
      %exp3A_1017 = math.exp %select_n3A_1016 : vector<16xf32>
      %swap3A_1018 = arith.constant 32 : index
      %swap3A_1019 = tpu.vector_load %arg19[%swap3A_1018] {strides = array<i32>} : memref<112xf32, #tpu.memory_space<vmem>>, vector<16xf32>,
      tpu.vector_store %arg19[%swap3A_1018], %exp3A_1017 {strides = array<i32>} : memref<112xf32, #tpu.memory_space<vmem>>, vector<16xf32>,
      %get3A_1020 = arith.constant 48 : index
      %get3A_1021 = tpu.vector_load %arg14[%get3A_1020] {strides = array<i32>} : memref<96xi32, #tpu.memory_space<vmem>>, vector<16xi32>,
      %get3A_1022 = arith.constant 48 : index
      %get3A_1023 = tpu.vector_load %arg17[%get3A_1022] {strides = array<i32>} : memref<96xi32, #tpu.memory_space<vmem>>, vector<16xi32>,
      %gather3A_1024 = tpu.vector_load_idx %arg10[%get3A_1021] : memref<10240xf32, #tpu.memory_space<vmem>>[vector<16xi32>], vector<16xf32>,
      %gather3A_1025 = tpu.vector_load_idx %arg11[%get3A_1023] : memref<10240xf32, #tpu.memory_space<vmem>>[vector<16xi32>], vector<16xf32>,
      %add3A_1026 = arith.addf %gather3A_1024, %gather3A_1025 : vector<16xf32>
      %ge3A_1027 = arith.constant 0.000000e+00 : f32
      %ge3A_1028 = vector.broadcast %ge3A_1027 : f32 to vector<16xf32>
      %ge3A_1029 = arith.cmpf oge, %add3A_1026, %ge3A_1028 : vector<16xf32>
      %mul3A_1030 = arith.constant 2.000000e-01 : f32
      %mul3A_1031 = vector.broadcast %mul3A_1030 : f32 to vector<16xf32>
      %mul3A_1032 = arith.mulf %mul3A_1031, %add3A_1026 : vector<16xf32>
      %select_n3A_1033 = arith.select %ge3A_1029, %add3A_1026, %mul3A_1032 : vector<16xi1>, vector<16xf32>
      %exp3A_1034 = math.exp %select_n3A_1033 : vector<16xf32>
      %swap3A_1035 = arith.constant 48 : index
      %swap3A_1036 = tpu.vector_load %arg19[%swap3A_1035] {strides = array<i32>} : memref<112xf32, #tpu.memory_space<vmem>>, vector<16xf32>,
      tpu.vector_store %arg19[%swap3A_1035], %exp3A_1034 {strides = array<i32>} : memref<112xf32, #tpu.memory_space<vmem>>, vector<16xf32>,
      %get3A_1037 = arith.constant 64 : index
      %get3A_1038 = tpu.vector_load %arg14[%get3A_1037] {strides = array<i32>} : memref<96xi32, #tpu.memory_space<vmem>>, vector<16xi32>,
      %get3A_1039 = arith.constant 64 : index
      %get3A_1040 = tpu.vector_load %arg17[%get3A_1039] {strides = array<i32>} : memref<96xi32, #tpu.memory_space<vmem>>, vector<16xi32>,
      %gather3A_1041 = tpu.vector_load_idx %arg10[%get3A_1038] : memref<10240xf32, #tpu.memory_space<vmem>>[vector<16xi32>], vector<16xf32>,
      %gather3A_1042 = tpu.vector_load_idx %arg11[%get3A_1040] : memref<10240xf32, #tpu.memory_space<vmem>>[vector<16xi32>], vector<16xf32>,
      %add3A_1043 = arith.addf %gather3A_1041, %gather3A_1042 : vector<16xf32>
      %ge3A_1044 = arith.constant 0.000000e+00 : f32
      %ge3A_1045 = vector.broadcast %ge3A_1044 : f32 to vector<16xf32>
      %ge3A_1046 = arith.cmpf oge, %add3A_1043, %ge3A_1045 : vector<16xf32>
      %mul3A_1047 = arith.constant 2.000000e-01 : f32
      %mul3A_1048 = vector.broadcast %mul3A_1047 : f32 to vector<16xf32>
      %mul3A_1049 = arith.mulf %mul3A_1048, %add3A_1043 : vector<16xf32>
      %select_n3A_1050 = arith.select %ge3A_1046, %add3A_1043, %mul3A_1049 : vector<16xi1>, vector<16xf32>
      %exp3A_1051 = math.exp %select_n3A_1050 : vector<16xf32>
      %swap3A_1052 = arith.constant 64 : index
      %swap3A_1053 = tpu.vector_load %arg19[%swap3A_1052] {strides = array<i32>} : memref<112xf32, #tpu.memory_space<vmem>>, vector<16xf32>,
      tpu.vector_store %arg19[%swap3A_1052], %exp3A_1051 {strides = array<i32>} : memref<112xf32, #tpu.memory_space<vmem>>, vector<16xf32>,
      %get3A_1054 = arith.constant 80 : index
      %get3A_1055 = tpu.vector_load %arg14[%get3A_1054] {strides = array<i32>} : memref<96xi32, #tpu.memory_space<vmem>>, vector<16xi32>,
      %get3A_1056 = arith.constant 80 : index
      %get3A_1057 = tpu.vector_load %arg17[%get3A_1056] {strides = array<i32>} : memref<96xi32, #tpu.memory_space<vmem>>, vector<16xi32>,
      %gather3A_1058 = tpu.vector_load_idx %arg10[%get3A_1055] : memref<10240xf32, #tpu.memory_space<vmem>>[vector<16xi32>], vector<16xf32>,
      %gather3A_1059 = tpu.vector_load_idx %arg11[%get3A_1057] : memref<10240xf32, #tpu.memory_space<vmem>>[vector<16xi32>], vector<16xf32>,
      %add3A_1060 = arith.addf %gather3A_1058, %gather3A_1059 : vector<16xf32>
      %ge3A_1061 = arith.constant 0.000000e+00 : f32
      %ge3A_1062 = vector.broadcast %ge3A_1061 : f32 to vector<16xf32>
      %ge3A_1063 = arith.cmpf oge, %add3A_1060, %ge3A_1062 : vector<16xf32>
      %mul3A_1064 = arith.constant 2.000000e-01 : f32
      %mul3A_1065 = vector.broadcast %mul3A_1064 : f32 to vector<16xf32>
      %mul3A_1066 = arith.mulf %mul3A_1065, %add3A_1060 : vector<16xf32>
      %select_n3A_1067 = arith.select %ge3A_1063, %add3A_1060, %mul3A_1066 : vector<16xi1>, vector<16xf32>
      %exp3A_1068 = math.exp %select_n3A_1067 : vector<16xf32>
      %swap3A_1069 = arith.constant 80 : index
      %swap3A_1070 = tpu.vector_load %arg19[%swap3A_1069] {strides = array<i32>} : memref<112xf32, #tpu.memory_space<vmem>>, vector<16xf32>,
      tpu.vector_store %arg19[%swap3A_1069], %exp3A_1068 {strides = array<i32>} : memref<112xf32, #tpu.memory_space<vmem>>, vector<16xf32>,
      %dma_wait3A_1071 = arith.constant 0 : i32
      %dma_wait3A_1072 = arith.constant 0 : i32
      %dma_wait3A_1073 = tpu.memref_slice %arg23[%dma_wait3A_1071, %dma_wait3A_1072] : memref<10240x128xf32, #tpu.memory_space<vmem_shared>> -> memref<10240x128xf32, #tpu.memory_space<vmem_shared>>
      tpu.wait_indirect_dma semaphore(%arg27 : memref<!tpu.dma_semaphore, #tpu.memory_space<semaphore_mem>>) src(%arg20 : memref<96x128xf32, #tpu.memory_space<vmem>>) dst(%dma_wait3A_1073 : memref<10240x128xf32, #tpu.memory_space<vmem_shared>>)
      %dma_wait3A_1074 = arith.constant 0 : i32
      %dma_wait3A_1075 = tpu.memref_slice %arg18[%dma_wait3A_1074] : memref<112xf32, #tpu.memory_space<vmem>> -> memref<96xf32, #tpu.memory_space<vmem>>
      %dma_wait3A_1076 = arith.constant 0 : i32
      %dma_wait3A_1077 = tpu.memref_slice %arg24[%dma_wait3A_1076] : memref<10240xf32, #tpu.memory_space<vmem_shared>> -> memref<10240xf32, #tpu.memory_space<vmem_shared>>
      tpu.wait_indirect_dma semaphore(%arg27 : memref<!tpu.dma_semaphore, #tpu.memory_space<semaphore_mem>>) src(%dma_wait3A_1075 : memref<96xf32, #tpu.memory_space<vmem>>) dst(%dma_wait3A_1077 : memref<10240xf32, #tpu.memory_space<vmem_shared>>)
      %lt3A_1078 = arith.constant 17 : i32
      %lt3A_1079 = arith.cmpi slt, %scan3A_248, %lt3A_1078 : i32
      %convert_element_type3A_1080 = arith.extui %lt3A_1079 : i1 to i32
      %cond3A_1081 = arith.constant 0 : i32
      %cond3A_1082 = arith.cmpi ne, %convert_element_type3A_1080, %cond3A_1081 : i32
      scf.if %cond3A_1082 {
        %add3A_1101 = arith.constant 2 : i32
        %add3A_1102 = arith.addi %add3A_968, %add3A_1101 : i32
        %mul3A_1103 = arith.constant 96 : i32
        %mul3A_1104 = arith.muli %add3A_1102, %mul3A_1103 : i32
        %add3A_1105 = arith.addi %mul3A_201, %mul3A_1104 : i32
        %dma_start3A_1106 = tpu.memref_slice %arg5[%add3A_1105] : memref<331776xi32, #tpu.memory_space<hbm>> -> memref<96xi32, #tpu.memory_space<hbm>>
        %dma_start3A_1107 = tpu.memref_slice %arg5[%add3A_1105] : memref<331776xi32, #tpu.memory_space<hbm>> -> memref<96xi32, #tpu.memory_space<hbm>>
        tpu.enqueue_dma source(%dma_start3A_1107 : memref<96xi32, #tpu.memory_space<hbm>>) target(%arg13 : memref<96xi32, #tpu.memory_space<vmem>>) target_semaphore(%arg30 : memref<!tpu.dma_semaphore, #tpu.memory_space<semaphore_mem>>)
        %dma_start3A_1108 = tpu.memref_slice %arg6[%add3A_1105] : memref<331776xi32, #tpu.memory_space<hbm>> -> memref<96xi32, #tpu.memory_space<hbm>>
        %dma_start3A_1109 = tpu.memref_slice %arg6[%add3A_1105] : memref<331776xi32, #tpu.memory_space<hbm>> -> memref<96xi32, #tpu.memory_space<hbm>>
        tpu.enqueue_dma source(%dma_start3A_1109 : memref<96xi32, #tpu.memory_space<hbm>>) target(%arg16 : memref<96xi32, #tpu.memory_space<vmem>>) target_semaphore(%arg30 : memref<!tpu.dma_semaphore, #tpu.memory_space<semaphore_mem>>)
      } else {
      }
      %lt3A_1083 = arith.constant 17 : i32
      %lt3A_1084 = arith.cmpi slt, %scan3A_248, %lt3A_1083 : i32
      %convert_element_type3A_1085 = arith.extui %lt3A_1084 : i1 to i32
      %cond3A_1086 = arith.constant 0 : i32
      %cond3A_1087 = arith.cmpi ne, %convert_element_type3A_1085, %cond3A_1086 : i32
      scf.if %cond3A_1087 {
        %dma_wait3A_1101 = arith.constant 0 : i32
        %dma_wait3A_1102 = tpu.memref_slice %arg5[%dma_wait3A_1101] : memref<331776xi32, #tpu.memory_space<hbm>> -> memref<96xi32, #tpu.memory_space<hbm>>
        %dma_wait3A_1103 = arith.constant 0 : i32
        %dma_wait3A_1104 = tpu.memref_slice %arg5[%dma_wait3A_1103] : memref<331776xi32, #tpu.memory_space<hbm>> -> memref<96xi32, #tpu.memory_space<hbm>>
        tpu.wait_dma2 semaphore(%arg29 : memref<!tpu.dma_semaphore, #tpu.memory_space<semaphore_mem>>) src(%dma_wait3A_1104 : memref<96xi32, #tpu.memory_space<hbm>>) dst(%arg12 : memref<96xi32, #tpu.memory_space<vmem>>)
        %dma_wait3A_1105 = arith.constant 0 : i32
        %dma_wait3A_1106 = tpu.memref_slice %arg6[%dma_wait3A_1105] : memref<331776xi32, #tpu.memory_space<hbm>> -> memref<96xi32, #tpu.memory_space<hbm>>
        %dma_wait3A_1107 = arith.constant 0 : i32
        %dma_wait3A_1108 = tpu.memref_slice %arg6[%dma_wait3A_1107] : memref<331776xi32, #tpu.memory_space<hbm>> -> memref<96xi32, #tpu.memory_space<hbm>>
        tpu.wait_dma2 semaphore(%arg29 : memref<!tpu.dma_semaphore, #tpu.memory_space<semaphore_mem>>) src(%dma_wait3A_1108 : memref<96xi32, #tpu.memory_space<hbm>>) dst(%arg15 : memref<96xi32, #tpu.memory_space<vmem>>)
        %dma_start3A_1109 = arith.constant 0 : i32
        %dma_start3A_1110 = arith.constant 0 : i32
        %dma_start3A_1111 = tpu.memref_slice %arg4[%dma_start3A_1109, %dma_start3A_1110] : memref<10000x128xf32, #tpu.memory_space<hbm>> -> memref<10000x128xf32, #tpu.memory_space<hbm>>
        tpu.enqueue_indirect_dma source(%dma_start3A_1111 : memref<10000x128xf32, #tpu.memory_space<hbm>>) target(%arg20 : memref<96x128xf32, #tpu.memory_space<vmem>>) offsets(%arg12 : memref<96xi32, #tpu.memory_space<vmem>>) semaphore(%arg25 : memref<!tpu.dma_semaphore, #tpu.memory_space<semaphore_mem>>)
      } else {
      }
      %dma_wait3A_1088 = arith.constant 0 : i32
      %dma_wait3A_1089 = arith.constant 0 : i32
      %dma_wait3A_1090 = tpu.memref_slice %arg4[%dma_wait3A_1088, %dma_wait3A_1089] : memref<10000x128xf32, #tpu.memory_space<hbm>> -> memref<10000x128xf32, #tpu.memory_space<hbm>>
      tpu.wait_indirect_dma semaphore(%arg26 : memref<!tpu.dma_semaphore, #tpu.memory_space<semaphore_mem>>) src(%dma_wait3A_1090 : memref<10000x128xf32, #tpu.memory_space<hbm>>) dst(%arg21 : memref<96x128xf32, #tpu.memory_space<vmem>>)
      %parallel_loop3A_1091 = arith.constant 0 : i32
      %parallel_loop3A_1092 = arith.constant 96 : i32
      %parallel_loop3A_1093 = arith.constant 1 : i32
      scf.for %parallel_loop3A_1101 = %parallel_loop3A_1091 to %parallel_loop3A_1092 step %parallel_loop3A_1093  : i32 {
        %parallel_loop3A_1102 = arith.index_cast %parallel_loop3A_1101 : i32 to index
        %parallel_loop3A_1103 = tpu.vector_load %arg19[%parallel_loop3A_1102] {strides = array<i32>} : memref<112xf32, #tpu.memory_space<vmem>>, vector<16xf32>,
        %parallel_loop3A_1104 = vector.extract_strided_slice %parallel_loop3A_1103 {offsets = [0], sizes = [1], strides = [1]} : vector<16xf32> to vector<1xf32>
        %parallel_loop3A_1105 = vector.extract %parallel_loop3A_1104[0] : f32 from vector<1xf32>
        %parallel_loop3A_1106 = arith.index_cast %parallel_loop3A_1101 : i32 to index
        %parallel_loop3A_1107 = arith.constant 0 : index
        %parallel_loop3A_1108 = tpu.vector_load %arg21[%parallel_loop3A_1106, %parallel_loop3A_1107] {strides = array<i32>} : memref<96x128xf32, #tpu.memory_space<vmem>>, vector<16xf32>,
        %parallel_loop3A_1109 = vector.broadcast %parallel_loop3A_1105 : f32 to vector<16xf32>
        %parallel_loop3A_1110 = arith.mulf %parallel_loop3A_1108, %parallel_loop3A_1109 : vector<16xf32>
        %parallel_loop3A_1111 = arith.index_cast %parallel_loop3A_1101 : i32 to index
        %parallel_loop3A_1112 = arith.constant 0 : index
        %parallel_loop3A_1113 = tpu.vector_load %arg21[%parallel_loop3A_1111, %parallel_loop3A_1112] {strides = array<i32>} : memref<96x128xf32, #tpu.memory_space<vmem>>, vector<16xf32>,
        tpu.vector_store %arg21[%parallel_loop3A_1111, %parallel_loop3A_1112], %parallel_loop3A_1110 {strides = array<i32>} : memref<96x128xf32, #tpu.memory_space<vmem>>, vector<16xf32>,
        %parallel_loop3A_1114 = arith.index_cast %parallel_loop3A_1101 : i32 to index
        %parallel_loop3A_1115 = arith.constant 16 : index
        %parallel_loop3A_1116 = tpu.vector_load %arg21[%parallel_loop3A_1114, %parallel_loop3A_1115] {strides = array<i32>} : memref<96x128xf32, #tpu.memory_space<vmem>>, vector<16xf32>,
        %parallel_loop3A_1117 = vector.broadcast %parallel_loop3A_1105 : f32 to vector<16xf32>
        %parallel_loop3A_1118 = arith.mulf %parallel_loop3A_1116, %parallel_loop3A_1117 : vector<16xf32>
        %parallel_loop3A_1119 = arith.index_cast %parallel_loop3A_1101 : i32 to index
        %parallel_loop3A_1120 = arith.constant 16 : index
        %parallel_loop3A_1121 = tpu.vector_load %arg21[%parallel_loop3A_1119, %parallel_loop3A_1120] {strides = array<i32>} : memref<96x128xf32, #tpu.memory_space<vmem>>, vector<16xf32>,
        tpu.vector_store %arg21[%parallel_loop3A_1119, %parallel_loop3A_1120], %parallel_loop3A_1118 {strides = array<i32>} : memref<96x128xf32, #tpu.memory_space<vmem>>, vector<16xf32>,
        %parallel_loop3A_1122 = arith.index_cast %parallel_loop3A_1101 : i32 to index
        %parallel_loop3A_1123 = arith.constant 32 : index
        %parallel_loop3A_1124 = tpu.vector_load %arg21[%parallel_loop3A_1122, %parallel_loop3A_1123] {strides = array<i32>} : memref<96x128xf32, #tpu.memory_space<vmem>>, vector<16xf32>,
        %parallel_loop3A_1125 = vector.broadcast %parallel_loop3A_1105 : f32 to vector<16xf32>
        %parallel_loop3A_1126 = arith.mulf %parallel_loop3A_1124, %parallel_loop3A_1125 : vector<16xf32>
        %parallel_loop3A_1127 = arith.index_cast %parallel_loop3A_1101 : i32 to index
        %parallel_loop3A_1128 = arith.constant 32 : index
        %parallel_loop3A_1129 = tpu.vector_load %arg21[%parallel_loop3A_1127, %parallel_loop3A_1128] {strides = array<i32>} : memref<96x128xf32, #tpu.memory_space<vmem>>, vector<16xf32>,
        tpu.vector_store %arg21[%parallel_loop3A_1127, %parallel_loop3A_1128], %parallel_loop3A_1126 {strides = array<i32>} : memref<96x128xf32, #tpu.memory_space<vmem>>, vector<16xf32>,
        %parallel_loop3A_1130 = arith.index_cast %parallel_loop3A_1101 : i32 to index
        %parallel_loop3A_1131 = arith.constant 48 : index
        %parallel_loop3A_1132 = tpu.vector_load %arg21[%parallel_loop3A_1130, %parallel_loop3A_1131] {strides = array<i32>} : memref<96x128xf32, #tpu.memory_space<vmem>>, vector<16xf32>,
        %parallel_loop3A_1133 = vector.broadcast %parallel_loop3A_1105 : f32 to vector<16xf32>
        %parallel_loop3A_1134 = arith.mulf %parallel_loop3A_1132, %parallel_loop3A_1133 : vector<16xf32>
        %parallel_loop3A_1135 = arith.index_cast %parallel_loop3A_1101 : i32 to index
        %parallel_loop3A_1136 = arith.constant 48 : index
        %parallel_loop3A_1137 = tpu.vector_load %arg21[%parallel_loop3A_1135, %parallel_loop3A_1136] {strides = array<i32>} : memref<96x128xf32, #tpu.memory_space<vmem>>, vector<16xf32>,
        tpu.vector_store %arg21[%parallel_loop3A_1135, %parallel_loop3A_1136], %parallel_loop3A_1134 {strides = array<i32>} : memref<96x128xf32, #tpu.memory_space<vmem>>, vector<16xf32>,
        %parallel_loop3A_1138 = arith.index_cast %parallel_loop3A_1101 : i32 to index
        %parallel_loop3A_1139 = arith.constant 64 : index
        %parallel_loop3A_1140 = tpu.vector_load %arg21[%parallel_loop3A_1138, %parallel_loop3A_1139] {strides = array<i32>} : memref<96x128xf32, #tpu.memory_space<vmem>>, vector<16xf32>,
        %parallel_loop3A_1141 = vector.broadcast %parallel_loop3A_1105 : f32 to vector<16xf32>
        %parallel_loop3A_1142 = arith.mulf %parallel_loop3A_1140, %parallel_loop3A_1141 : vector<16xf32>
        %parallel_loop3A_1143 = arith.index_cast %parallel_loop3A_1101 : i32 to index
        %parallel_loop3A_1144 = arith.constant 64 : index
        %parallel_loop3A_1145 = tpu.vector_load %arg21[%parallel_loop3A_1143, %parallel_loop3A_1144] {strides = array<i32>} : memref<96x128xf32, #tpu.memory_space<vmem>>, vector<16xf32>,
        tpu.vector_store %arg21[%parallel_loop3A_1143, %parallel_loop3A_1144], %parallel_loop3A_1142 {strides = array<i32>} : memref<96x128xf32, #tpu.memory_space<vmem>>, vector<16xf32>,
        %parallel_loop3A_1146 = arith.index_cast %parallel_loop3A_1101 : i32 to index
        %parallel_loop3A_1147 = arith.constant 80 : index
        %parallel_loop3A_1148 = tpu.vector_load %arg21[%parallel_loop3A_1146, %parallel_loop3A_1147] {strides = array<i32>} : memref<96x128xf32, #tpu.memory_space<vmem>>, vector<16xf32>,
        %parallel_loop3A_1149 = vector.broadcast %parallel_loop3A_1105 : f32 to vector<16xf32>
        %parallel_loop3A_1150 = arith.mulf %parallel_loop3A_1148, %parallel_loop3A_1149 : vector<16xf32>
        %parallel_loop3A_1151 = arith.index_cast %parallel_loop3A_1101 : i32 to index
        %parallel_loop3A_1152 = arith.constant 80 : index
        %parallel_loop3A_1153 = tpu.vector_load %arg21[%parallel_loop3A_1151, %parallel_loop3A_1152] {strides = array<i32>} : memref<96x128xf32, #tpu.memory_space<vmem>>, vector<16xf32>,
        tpu.vector_store %arg21[%parallel_loop3A_1151, %parallel_loop3A_1152], %parallel_loop3A_1150 {strides = array<i32>} : memref<96x128xf32, #tpu.memory_space<vmem>>, vector<16xf32>,
        %parallel_loop3A_1154 = arith.index_cast %parallel_loop3A_1101 : i32 to index
        %parallel_loop3A_1155 = arith.constant 96 : index
        %parallel_loop3A_1156 = tpu.vector_load %arg21[%parallel_loop3A_1154, %parallel_loop3A_1155] {strides = array<i32>} : memref<96x128xf32, #tpu.memory_space<vmem>>, vector<16xf32>,
        %parallel_loop3A_1157 = vector.broadcast %parallel_loop3A_1105 : f32 to vector<16xf32>
        %parallel_loop3A_1158 = arith.mulf %parallel_loop3A_1156, %parallel_loop3A_1157 : vector<16xf32>
        %parallel_loop3A_1159 = arith.index_cast %parallel_loop3A_1101 : i32 to index
        %parallel_loop3A_1160 = arith.constant 96 : index
        %parallel_loop3A_1161 = tpu.vector_load %arg21[%parallel_loop3A_1159, %parallel_loop3A_1160] {strides = array<i32>} : memref<96x128xf32, #tpu.memory_space<vmem>>, vector<16xf32>,
        tpu.vector_store %arg21[%parallel_loop3A_1159, %parallel_loop3A_1160], %parallel_loop3A_1158 {strides = array<i32>} : memref<96x128xf32, #tpu.memory_space<vmem>>, vector<16xf32>,
        %parallel_loop3A_1162 = arith.index_cast %parallel_loop3A_1101 : i32 to index
        %parallel_loop3A_1163 = arith.constant 112 : index
        %parallel_loop3A_1164 = tpu.vector_load %arg21[%parallel_loop3A_1162, %parallel_loop3A_1163] {strides = array<i32>} : memref<96x128xf32, #tpu.memory_space<vmem>>, vector<16xf32>,
        %parallel_loop3A_1165 = vector.broadcast %parallel_loop3A_1105 : f32 to vector<16xf32>
        %parallel_loop3A_1166 = arith.mulf %parallel_loop3A_1164, %parallel_loop3A_1165 : vector<16xf32>
        %parallel_loop3A_1167 = arith.index_cast %parallel_loop3A_1101 : i32 to index
        %parallel_loop3A_1168 = arith.constant 112 : index
        %parallel_loop3A_1169 = tpu.vector_load %arg21[%parallel_loop3A_1167, %parallel_loop3A_1168] {strides = array<i32>} : memref<96x128xf32, #tpu.memory_space<vmem>>, vector<16xf32>,
        tpu.vector_store %arg21[%parallel_loop3A_1167, %parallel_loop3A_1168], %parallel_loop3A_1166 {strides = array<i32>} : memref<96x128xf32, #tpu.memory_space<vmem>>, vector<16xf32>,
      } {sc.loop_unroll_factor = 8 : i64, sc.parallel_access}
      %dma_start3A_1094 = arith.constant 0 : i32
      %dma_start3A_1095 = arith.constant 0 : i32
      %dma_start3A_1096 = tpu.memref_slice %arg23[%dma_start3A_1094, %dma_start3A_1095] : memref<10240x128xf32, #tpu.memory_space<vmem_shared>> -> memref<10240x128xf32, #tpu.memory_space<vmem_shared>>
      tpu.enqueue_indirect_dma source(%arg21 : memref<96x128xf32, #tpu.memory_space<vmem>>) target(%dma_start3A_1096 : memref<10240x128xf32, #tpu.memory_space<vmem_shared>>) offsets(%arg17 : memref<96xi32, #tpu.memory_space<vmem>>) semaphore(%arg28 : memref<!tpu.dma_semaphore, #tpu.memory_space<semaphore_mem>>) {add = true}
      %dma_start3A_1097 = arith.constant 0 : i32
      %dma_start3A_1098 = tpu.memref_slice %arg19[%dma_start3A_1097] : memref<112xf32, #tpu.memory_space<vmem>> -> memref<96xf32, #tpu.memory_space<vmem>>
      %dma_start3A_1099 = arith.constant 0 : i32
      %dma_start3A_1100 = tpu.memref_slice %arg24[%dma_start3A_1099] : memref<10240xf32, #tpu.memory_space<vmem_shared>> -> memref<10240xf32, #tpu.memory_space<vmem_shared>>
      tpu.enqueue_indirect_dma source(%dma_start3A_1098 : memref<96xf32, #tpu.memory_space<vmem>>) target(%dma_start3A_1100 : memref<10240xf32, #tpu.memory_space<vmem_shared>>) offsets(%arg17 : memref<96xi32, #tpu.memory_space<vmem>>) semaphore(%arg28 : memref<!tpu.dma_semaphore, #tpu.memory_space<semaphore_mem>>) {add = true}
    }
    %scan3A_228 = arith.constant 18 : i32
    %dma_wait3A_229 = arith.constant 0 : i32
    %dma_wait3A_230 = arith.constant 0 : i32
    %dma_wait3A_231 = tpu.memref_slice %arg23[%dma_wait3A_229, %dma_wait3A_230] : memref<10240x128xf32, #tpu.memory_space<vmem_shared>> -> memref<10240x128xf32, #tpu.memory_space<vmem_shared>>
    tpu.wait_indirect_dma semaphore(%arg28 : memref<!tpu.dma_semaphore, #tpu.memory_space<semaphore_mem>>) src(%arg21 : memref<96x128xf32, #tpu.memory_space<vmem>>) dst(%dma_wait3A_231 : memref<10240x128xf32, #tpu.memory_space<vmem_shared>>)
    %dma_wait3A_232 = arith.constant 0 : i32
    %dma_wait3A_233 = tpu.memref_slice %arg19[%dma_wait3A_232] : memref<112xf32, #tpu.memory_space<vmem>> -> memref<96xf32, #tpu.memory_space<vmem>>
    %dma_wait3A_234 = arith.constant 0 : i32
    %dma_wait3A_235 = tpu.memref_slice %arg24[%dma_wait3A_234] : memref<10240xf32, #tpu.memory_space<vmem_shared>> -> memref<10240xf32, #tpu.memory_space<vmem_shared>>
    tpu.wait_indirect_dma semaphore(%arg28 : memref<!tpu.dma_semaphore, #tpu.memory_space<semaphore_mem>>) src(%dma_wait3A_233 : memref<96xf32, #tpu.memory_space<vmem>>) dst(%dma_wait3A_235 : memref<10240xf32, #tpu.memory_space<vmem_shared>>)
    %barrier3A_236 = arith.constant 0 : index
    tpu.barrier barrier_id(%barrier3A_236)
    %mul3A_237 = arith.constant 640 : i32
    %mul3A_238 = arith.muli %arg1, %mul3A_237 : i32
    %mul3A_239 = arith.constant 640 : i32
    %mul3A_240 = arith.muli %arg1, %mul3A_239 : i32
    "tpu.region"() ({
      %run_scoped3A = tpu.sem_alloc : memref<!tpu.dma_semaphore, #tpu.memory_space<semaphore_mem>>
      %dma_start3A_248 = arith.constant 0 : i32
      %dma_start3A_249 = tpu.memref_slice %arg7[%arg0, %mul3A_240, %dma_start3A_248] : memref<2x10240x128xf32, #tpu.memory_space<hbm>> -> memref<1x640x128xf32, #tpu.memory_space<hbm>>
      %dma_start3A_250 = tpu.memref_squeeze %dma_start3A_249 : memref<1x640x128xf32, #tpu.memory_space<hbm>> -> memref<640x128xf32, #tpu.memory_space<hbm>>
      %dma_start3A_251 = arith.constant 0 : i32
      %dma_start3A_252 = tpu.memref_slice %arg23[%mul3A_238, %dma_start3A_251] : memref<10240x128xf32, #tpu.memory_space<vmem_shared>> -> memref<640x128xf32, #tpu.memory_space<vmem_shared>>
      tpu.enqueue_dma source(%dma_start3A_252 : memref<640x128xf32, #tpu.memory_space<vmem_shared>>) target(%dma_start3A_250 : memref<640x128xf32, #tpu.memory_space<hbm>>) target_semaphore(%run_scoped3A : memref<!tpu.dma_semaphore, #tpu.memory_space<semaphore_mem>>)
      %dma_wait3A_253 = arith.constant 0 : i32
      %dma_wait3A_254 = tpu.memref_slice %arg7[%arg0, %mul3A_240, %dma_wait3A_253] : memref<2x10240x128xf32, #tpu.memory_space<hbm>> -> memref<1x640x128xf32, #tpu.memory_space<hbm>>
      %dma_wait3A_255 = tpu.memref_squeeze %dma_wait3A_254 : memref<1x640x128xf32, #tpu.memory_space<hbm>> -> memref<640x128xf32, #tpu.memory_space<hbm>>
      %dma_wait3A_256 = arith.constant 0 : i32
      %dma_wait3A_257 = tpu.memref_slice %arg23[%mul3A_238, %dma_wait3A_256] : memref<10240x128xf32, #tpu.memory_space<vmem_shared>> -> memref<640x128xf32, #tpu.memory_space<vmem_shared>>
      tpu.wait_dma2 semaphore(%run_scoped3A : memref<!tpu.dma_semaphore, #tpu.memory_space<semaphore_mem>>) src(%dma_wait3A_257 : memref<640x128xf32, #tpu.memory_space<vmem_shared>>) dst(%dma_wait3A_255 : memref<640x128xf32, #tpu.memory_space<hbm>>)
      tpu.yield
    }) : () -> ()
    %eq3A = arith.constant 0 : i32
    %eq3A_241 = arith.cmpi eq, %arg0, %eq3A : i32
    %convert_element_type3A = arith.extui %eq3A_241 : i1 to i32
    %cond3A = arith.constant 0 : i32
    %cond3A_242 = arith.cmpi ne, %convert_element_type3A, %cond3A : i32
    scf.if %cond3A_242 {
      %mul3A_248 = arith.constant 640 : i32
      %mul3A_249 = arith.muli %arg1, %mul3A_248 : i32
      %mul3A_250 = arith.constant 640 : i32
      %mul3A_251 = arith.muli %arg1, %mul3A_250 : i32
      "tpu.region"() ({
        %run_scoped3A = tpu.sem_alloc : memref<!tpu.dma_semaphore, #tpu.memory_space<semaphore_mem>>
        %dma_start3A_252 = tpu.memref_slice %arg8[%mul3A_251] : memref<10240xf32, #tpu.memory_space<hbm>> -> memref<640xf32, #tpu.memory_space<hbm>>
        %dma_start3A_253 = tpu.memref_slice %arg24[%mul3A_249] : memref<10240xf32, #tpu.memory_space<vmem_shared>> -> memref<640xf32, #tpu.memory_space<vmem_shared>>
        tpu.enqueue_dma source(%dma_start3A_253 : memref<640xf32, #tpu.memory_space<vmem_shared>>) target(%dma_start3A_252 : memref<640xf32, #tpu.memory_space<hbm>>) target_semaphore(%run_scoped3A : memref<!tpu.dma_semaphore, #tpu.memory_space<semaphore_mem>>)
        %dma_wait3A_254 = tpu.memref_slice %arg8[%mul3A_251] : memref<10240xf32, #tpu.memory_space<hbm>> -> memref<640xf32, #tpu.memory_space<hbm>>
        %dma_wait3A_255 = tpu.memref_slice %arg24[%mul3A_249] : memref<10240xf32, #tpu.memory_space<vmem_shared>> -> memref<640xf32, #tpu.memory_space<vmem_shared>>
        tpu.wait_dma2 semaphore(%run_scoped3A : memref<!tpu.dma_semaphore, #tpu.memory_space<semaphore_mem>>) src(%dma_wait3A_255 : memref<640xf32, #tpu.memory_space<vmem_shared>>) dst(%dma_wait3A_254 : memref<640xf32, #tpu.memory_space<hbm>>)
        tpu.yield
      }) : () -> ()
    } else {
    }
    %eq3A_243 = arith.constant 1 : i32
    %eq3A_244 = arith.cmpi eq, %arg0, %eq3A_243 : i32
    %convert_element_type3A_245 = arith.extui %eq3A_244 : i1 to i32
    %cond3A_246 = arith.constant 0 : i32
    %cond3A_247 = arith.cmpi ne, %convert_element_type3A_245, %cond3A_246 : i32
    scf.if %cond3A_247 {
      %mul3A_248 = arith.constant 640 : i32
      %mul3A_249 = arith.muli %arg1, %mul3A_248 : i32
      %mul3A_250 = arith.constant 640 : i32
      %mul3A_251 = arith.muli %arg1, %mul3A_250 : i32
      "tpu.region"() ({
        %run_scoped3A = tpu.sem_alloc : memref<!tpu.dma_semaphore, #tpu.memory_space<semaphore_mem>>
        %dma_start3A_252 = tpu.memref_slice %arg9[%mul3A_251] : memref<10240xf32, #tpu.memory_space<hbm>> -> memref<640xf32, #tpu.memory_space<hbm>>
        %dma_start3A_253 = tpu.memref_slice %arg24[%mul3A_249] : memref<10240xf32, #tpu.memory_space<vmem_shared>> -> memref<640xf32, #tpu.memory_space<vmem_shared>>
        tpu.enqueue_dma source(%dma_start3A_253 : memref<640xf32, #tpu.memory_space<vmem_shared>>) target(%dma_start3A_252 : memref<640xf32, #tpu.memory_space<hbm>>) target_semaphore(%run_scoped3A : memref<!tpu.dma_semaphore, #tpu.memory_space<semaphore_mem>>)
        %dma_wait3A_254 = tpu.memref_slice %arg9[%mul3A_251] : memref<10240xf32, #tpu.memory_space<hbm>> -> memref<640xf32, #tpu.memory_space<hbm>>
        %dma_wait3A_255 = tpu.memref_slice %arg24[%mul3A_249] : memref<10240xf32, #tpu.memory_space<vmem_shared>> -> memref<640xf32, #tpu.memory_space<vmem_shared>>
        tpu.wait_dma2 semaphore(%run_scoped3A : memref<!tpu.dma_semaphore, #tpu.memory_space<semaphore_mem>>) src(%dma_wait3A_255 : memref<640xf32, #tpu.memory_space<vmem_shared>>) dst(%dma_wait3A_254 : memref<640xf32, #tpu.memory_space<hbm>>)
        tpu.yield
      }) : () -> ()
    } else {
    }
    return
  }
}

module attributes {stable_mosaic.version = 14 : i64} {
  func.func @_prep_body(%arg0: i32, %arg1: memref<5000x128xf32, #tpu.memory_space<vmem>>, %arg2: memref<128x128xf32, #tpu.memory_space<vmem>>, %arg3: memref<128x1xf32, #tpu.memory_space<vmem>>, %arg4: memref<128x1xf32, #tpu.memory_space<vmem>>, %arg5: memref<1296x128xi32, #tpu.memory_space<vmem>>, %arg6: memref<1296x128xi32, #tpu.memory_space<vmem>>, %arg7: memref<5000x128xf32, #tpu.memory_space<vmem>>, %arg8: memref<5000x1xf32, #tpu.memory_space<vmem>>, %arg9: memref<5000x1xf32, #tpu.memory_space<vmem>>, %arg10: memref<1296x128xi32, #tpu.memory_space<vmem>>, %arg11: memref<1296x128xi32, #tpu.memory_space<vmem>>) attributes {dimension_semantics = [#tpu.dimension_semantics<arbitrary>], iteration_bounds = array<i64: 2>, scalar_prefetch = 0 : i64, scratch_operands = 0 : i64, tpu.core_type = #tpu.core_type<tc>, window_params = [{transform_indices = @transform_0, window_bounds = array<i64: 5000, 128>}, {pipeline_mode = #tpu.pipeline_mode<synchronous>, transform_indices = @transform_1, window_bounds = array<i64: 128, 128>}, {pipeline_mode = #tpu.pipeline_mode<synchronous>, transform_indices = @transform_2, window_bounds = array<i64: 128, 1>}, {pipeline_mode = #tpu.pipeline_mode<synchronous>, transform_indices = @transform_3, window_bounds = array<i64: 128, 1>}, {transform_indices = @transform_4, window_bounds = array<i64: 1296, 128>}, {transform_indices = @transform_5, window_bounds = array<i64: 1296, 128>}, {transform_indices = @transform_6, window_bounds = array<i64: 5000, 128>}, {transform_indices = @transform_7, window_bounds = array<i64: 5000, 1>}, {transform_indices = @transform_8, window_bounds = array<i64: 5000, 1>}, {transform_indices = @transform_9, window_bounds = array<i64: 1296, 128>}, {transform_indices = @transform_10, window_bounds = array<i64: 1296, 128>}]} {
    %get3A = arith.constant 0 : index
    %get3A_0 = arith.constant 0 : index
    %get3A_1 = vector.load %arg1[%get3A, %get3A_0] : memref<5000x128xf32, #tpu.memory_space<vmem>>, vector<5000x128xf32>
    %get3A_2 = arith.constant 0 : index
    %get3A_3 = arith.constant 0 : index
    %get3A_4 = vector.load %arg2[%get3A_2, %get3A_3] : memref<128x128xf32, #tpu.memory_space<vmem>>, vector<128x128xf32>
    %dot_general3A = arith.constant dense<0.000000e+00> : vector<5000x128xf32>
    %dot_general3A_5 = tpu.matmul %get3A_1, %get3A_4, %dot_general3A {dimension_numbers = #tpu.dot_dimension_numbers<[1], [0], [0], [1], [0, 0, 1, 1], [], []>, transpose_lhs_hint = false} : vector<5000x128xf32>, vector<128x128xf32>, vector<5000x128xf32> -> vector<5000x128xf32>
    %swap3A = arith.constant 0 : index
    %swap3A_6 = arith.constant 0 : index
    %swap3A_7 = vector.load %arg7[%swap3A, %swap3A_6] : memref<5000x128xf32, #tpu.memory_space<vmem>>, vector<5000x128xf32>
    tpu.vector_store %arg7[%swap3A, %swap3A_6], %dot_general3A_5 {strides = array<i32>} : memref<5000x128xf32, #tpu.memory_space<vmem>>, vector<5000x128xf32>,
    %get3A_8 = arith.constant 0 : index
    %get3A_9 = arith.constant 0 : index
    %get3A_10 = vector.load %arg3[%get3A_8, %get3A_9] : memref<128x1xf32, #tpu.memory_space<vmem>>, vector<128x1xf32>
    %dot_general3A_11 = arith.constant dense<0.000000e+00> : vector<5000x1xf32>
    %dot_general3A_12 = tpu.matmul %dot_general3A_5, %get3A_10, %dot_general3A_11 {dimension_numbers = #tpu.dot_dimension_numbers<[1], [0], [0], [1], [0, 0, 1, 1], [], []>, transpose_lhs_hint = false} : vector<5000x128xf32>, vector<128x1xf32>, vector<5000x1xf32> -> vector<5000x1xf32>
    %swap3A_13 = arith.constant 0 : index
    %swap3A_14 = arith.constant 0 : index
    %swap3A_15 = vector.load %arg8[%swap3A_13, %swap3A_14] : memref<5000x1xf32, #tpu.memory_space<vmem>>, vector<5000x1xf32>
    tpu.vector_store %arg8[%swap3A_13, %swap3A_14], %dot_general3A_12 {strides = array<i32>} : memref<5000x1xf32, #tpu.memory_space<vmem>>, vector<5000x1xf32>,
    %get3A_16 = arith.constant 0 : index
    %get3A_17 = arith.constant 0 : index
    %get3A_18 = vector.load %arg4[%get3A_16, %get3A_17] : memref<128x1xf32, #tpu.memory_space<vmem>>, vector<128x1xf32>
    %dot_general3A_19 = arith.constant dense<0.000000e+00> : vector<5000x1xf32>
    %dot_general3A_20 = tpu.matmul %dot_general3A_5, %get3A_18, %dot_general3A_19 {dimension_numbers = #tpu.dot_dimension_numbers<[1], [0], [0], [1], [0, 0, 1, 1], [], []>, transpose_lhs_hint = false} : vector<5000x128xf32>, vector<128x1xf32>, vector<5000x1xf32> -> vector<5000x1xf32>
    %swap3A_21 = arith.constant 0 : index
    %swap3A_22 = arith.constant 0 : index
    %swap3A_23 = vector.load %arg9[%swap3A_21, %swap3A_22] : memref<5000x1xf32, #tpu.memory_space<vmem>>, vector<5000x1xf32>
    tpu.vector_store %arg9[%swap3A_21, %swap3A_22], %dot_general3A_20 {strides = array<i32>} : memref<5000x1xf32, #tpu.memory_space<vmem>>, vector<5000x1xf32>,
    %iota3A = tpu.iota {dimensions = array<i32: 0>} : vector<1296x128xi32>
    %iota3A_24 = tpu.iota {dimensions = array<i32: 1>} : vector<1296x128xi32>
    %mul3A = arith.constant 165888 : i32
    %mul3A_25 = arith.muli %arg0, %mul3A : i32
    %mul3A_26 = arith.constant 128 : i32
    %mul3A_27 = vector.broadcast %mul3A_26 : i32 to vector<1296x128xi32>
    %mul3A_28 = arith.muli %iota3A, %mul3A_27 : vector<1296x128xi32>
    %add3A = vector.broadcast %mul3A_25 : i32 to vector<1296x128xi32>
    %add3A_29 = arith.addi %add3A, %mul3A_28 : vector<1296x128xi32>
    %add3A_30 = arith.addi %add3A_29, %iota3A_24 : vector<1296x128xi32>
    %sub3A = arith.constant 320000 : i32
    %sub3A_31 = vector.broadcast %sub3A : i32 to vector<1296x128xi32>
    %sub3A_32 = arith.subi %add3A_30, %sub3A_31 : vector<1296x128xi32>
    %lt3A = arith.constant 320000 : i32
    %lt3A_33 = vector.broadcast %lt3A : i32 to vector<1296x128xi32>
    %lt3A_34 = arith.cmpi slt, %add3A_30, %lt3A_33 : vector<1296x128xi32>
    %get3A_35 = arith.constant 0 : index
    %get3A_36 = arith.constant 0 : index
    %get3A_37 = vector.load %arg5[%get3A_35, %get3A_36] : memref<1296x128xi32, #tpu.memory_space<vmem>>, vector<1296x128xi32>
    %lt3A_38 = arith.constant 10000 : i32
    %lt3A_39 = vector.broadcast %lt3A_38 : i32 to vector<1296x128xi32>
    %lt3A_40 = arith.cmpi slt, %sub3A_32, %lt3A_39 : vector<1296x128xi32>
    %jit3A = arith.constant 0 : i32
    %broadcast_in_dim3A = vector.broadcast %jit3A : i32 to vector<1296x128xi32>
    %select_n3A = arith.select %lt3A_40, %sub3A_32, %broadcast_in_dim3A : vector<1296x128xi1>, vector<1296x128xi32>
    %select_n3A_41 = arith.select %lt3A_34, %get3A_37, %select_n3A : vector<1296x128xi1>, vector<1296x128xi32>
    %swap3A_42 = arith.constant 0 : index
    %swap3A_43 = arith.constant 0 : index
    %swap3A_44 = vector.load %arg10[%swap3A_42, %swap3A_43] : memref<1296x128xi32, #tpu.memory_space<vmem>>, vector<1296x128xi32>
    tpu.vector_store %arg10[%swap3A_42, %swap3A_43], %select_n3A_41 {strides = array<i32>} : memref<1296x128xi32, #tpu.memory_space<vmem>>, vector<1296x128xi32>,
    %lt3A_45 = arith.constant 320000 : i32
    %lt3A_46 = vector.broadcast %lt3A_45 : i32 to vector<1296x128xi32>
    %lt3A_47 = arith.cmpi slt, %add3A_30, %lt3A_46 : vector<1296x128xi32>
    %get3A_48 = arith.constant 0 : index
    %get3A_49 = arith.constant 0 : index
    %get3A_50 = vector.load %arg6[%get3A_48, %get3A_49] : memref<1296x128xi32, #tpu.memory_space<vmem>>, vector<1296x128xi32>
    %lt3A_51 = arith.constant 10000 : i32
    %lt3A_52 = vector.broadcast %lt3A_51 : i32 to vector<1296x128xi32>
    %lt3A_53 = arith.cmpi slt, %sub3A_32, %lt3A_52 : vector<1296x128xi32>
    %jit3A_54 = arith.constant 10048 : i32
    %broadcast_in_dim3A_55 = vector.broadcast %jit3A_54 : i32 to vector<1296x128xi32>
    %select_n3A_56 = arith.select %lt3A_53, %sub3A_32, %broadcast_in_dim3A_55 : vector<1296x128xi1>, vector<1296x128xi32>
    %select_n3A_57 = arith.select %lt3A_47, %get3A_50, %select_n3A_56 : vector<1296x128xi1>, vector<1296x128xi32>
    %swap3A_58 = arith.constant 0 : index
    %swap3A_59 = arith.constant 0 : index
    %swap3A_60 = vector.load %arg11[%swap3A_58, %swap3A_59] : memref<1296x128xi32, #tpu.memory_space<vmem>>, vector<1296x128xi32>
    tpu.vector_store %arg11[%swap3A_58, %swap3A_59], %select_n3A_57 {strides = array<i32>} : memref<1296x128xi32, #tpu.memory_space<vmem>>, vector<1296x128xi32>,
    return
  }
  func.func @transform_0(%arg0: i32) -> (i32, i32) {
    %c0_i32 = arith.constant 0 : i32
    %c0_i32_0 = arith.constant 0 : i32
    return %arg0, %c0_i32 : i32, i32
  }
  func.func @transform_1(%arg0: i32) -> (i32, i32) {
    %c0_i32 = arith.constant 0 : i32
    %c0_i32_0 = arith.constant 0 : i32
    %c0_i32_1 = arith.constant 0 : i32
    return %c0_i32, %c0_i32_0 : i32, i32
  }
  func.func @transform_2(%arg0: i32) -> (i32, i32) {
    %c0_i32 = arith.constant 0 : i32
    %c0_i32_0 = arith.constant 0 : i32
    %c0_i32_1 = arith.constant 0 : i32
    return %c0_i32, %c0_i32_0 : i32, i32
  }
  func.func @transform_3(%arg0: i32) -> (i32, i32) {
    %c0_i32 = arith.constant 0 : i32
    %c0_i32_0 = arith.constant 0 : i32
    %c0_i32_1 = arith.constant 0 : i32
    return %c0_i32, %c0_i32_0 : i32, i32
  }
  func.func @transform_4(%arg0: i32) -> (i32, i32) {
    %c0_i32 = arith.constant 0 : i32
    %c0_i32_0 = arith.constant 0 : i32
    return %arg0, %c0_i32 : i32, i32
  }
  func.func @transform_5(%arg0: i32) -> (i32, i32) {
    %c0_i32 = arith.constant 0 : i32
    %c0_i32_0 = arith.constant 0 : i32
    return %arg0, %c0_i32 : i32, i32
  }
  func.func @transform_6(%arg0: i32) -> (i32, i32) {
    %c0_i32 = arith.constant 0 : i32
    %c0_i32_0 = arith.constant 0 : i32
    return %arg0, %c0_i32 : i32, i32
  }
  func.func @transform_7(%arg0: i32) -> (i32, i32) {
    %c0_i32 = arith.constant 0 : i32
    %c0_i32_0 = arith.constant 0 : i32
    return %arg0, %c0_i32 : i32, i32
  }
  func.func @transform_8(%arg0: i32) -> (i32, i32) {
    %c0_i32 = arith.constant 0 : i32
    %c0_i32_0 = arith.constant 0 : i32
    return %arg0, %c0_i32 : i32, i32
  }
  func.func @transform_9(%arg0: i32) -> (i32, i32) {
    %c0_i32 = arith.constant 0 : i32
    %c0_i32_0 = arith.constant 0 : i32
    return %arg0, %c0_i32 : i32, i32
  }
  func.func @transform_10(%arg0: i32) -> (i32, i32) {
    %c0_i32 = arith.constant 0 : i32
    %c0_i32_0 = arith.constant 0 : i32
    return %arg0, %c0_i32 : i32, i32
  }
}

module attributes {stable_mosaic.version = 14 : i64} {
  func.func @_fin_body(%arg0: i32, %arg1: memref<2x1000x128xf32, #tpu.memory_space<vmem>>, %arg2: memref<1000x1xf32, #tpu.memory_space<vmem>>, %arg3: memref<1000x1xf32, #tpu.memory_space<vmem>>, %arg4: memref<1x128xf32, #tpu.memory_space<vmem>>, %arg5: memref<1000x128xf32, #tpu.memory_space<vmem>>) attributes {dimension_semantics = [#tpu.dimension_semantics<arbitrary>], iteration_bounds = array<i64: 10>, scalar_prefetch = 0 : i64, scratch_operands = 0 : i64, tpu.core_type = #tpu.core_type<tc>, window_params = [{transform_indices = @transform_0, window_bounds = array<i64: 2, 1000, 128>}, {transform_indices = @transform_1, window_bounds = array<i64: 1000, 1>}, {transform_indices = @transform_2, window_bounds = array<i64: 1000, 1>}, {pipeline_mode = #tpu.pipeline_mode<synchronous>, transform_indices = @transform_3, window_bounds = array<i64: 1, 128>}, {transform_indices = @transform_4, window_bounds = array<i64: 1000, 128>}]} {
    %get3A = arith.constant 0 : index
    %get3A_0 = arith.constant 0 : index
    %get3A_1 = arith.constant 0 : index
    %get3A_2 = vector.load %arg1[%get3A, %get3A_0, %get3A_1] : memref<2x1000x128xf32, #tpu.memory_space<vmem>>, vector<1x1000x128xf32>
    %get3A_3 = vector.shape_cast %get3A_2 : vector<1x1000x128xf32> to vector<1000x128xf32>
    %get3A_4 = arith.constant 1 : index
    %get3A_5 = arith.constant 0 : index
    %get3A_6 = arith.constant 0 : index
    %get3A_7 = vector.load %arg1[%get3A_4, %get3A_5, %get3A_6] : memref<2x1000x128xf32, #tpu.memory_space<vmem>>, vector<1x1000x128xf32>
    %get3A_8 = vector.shape_cast %get3A_7 : vector<1x1000x128xf32> to vector<1000x128xf32>
    %add3A = arith.addf %get3A_3, %get3A_8 : vector<1000x128xf32>
    %get3A_9 = arith.constant 0 : index
    %get3A_10 = arith.constant 0 : index
    %get3A_11 = vector.load %arg2[%get3A_9, %get3A_10] : memref<1000x1xf32, #tpu.memory_space<vmem>>, vector<1000x1xf32>
    %get3A_12 = arith.constant 0 : index
    %get3A_13 = arith.constant 0 : index
    %get3A_14 = vector.load %arg3[%get3A_12, %get3A_13] : memref<1000x1xf32, #tpu.memory_space<vmem>>, vector<1000x1xf32>
    %add3A_15 = arith.addf %get3A_11, %get3A_14 : vector<1000x1xf32>
    %add3A_16 = arith.constant 1.000000e-16 : f32
    %add3A_17 = vector.broadcast %add3A_16 : f32 to vector<1000x1xf32>
    %add3A_18 = arith.addf %add3A_15, %add3A_17 : vector<1000x1xf32>
    %div3A = vector.broadcast %add3A_18 : vector<1000x1xf32> to vector<1000x128xf32>
    %div3A_19 = arith.divf %add3A, %div3A : vector<1000x128xf32>
    %get3A_20 = arith.constant 0 : index
    %get3A_21 = arith.constant 0 : index
    %get3A_22 = vector.load %arg4[%get3A_20, %get3A_21] : memref<1x128xf32, #tpu.memory_space<vmem>>, vector<1x128xf32>
    %add3A_23 = vector.broadcast %get3A_22 : vector<1x128xf32> to vector<1000x128xf32>
    %add3A_24 = arith.addf %div3A_19, %add3A_23 : vector<1000x128xf32>
    %swap3A = arith.constant 0 : index
    %swap3A_25 = arith.constant 0 : index
    %swap3A_26 = vector.load %arg5[%swap3A, %swap3A_25] : memref<1000x128xf32, #tpu.memory_space<vmem>>, vector<1000x128xf32>
    tpu.vector_store %arg5[%swap3A, %swap3A_25], %add3A_24 {strides = array<i32>} : memref<1000x128xf32, #tpu.memory_space<vmem>>, vector<1000x128xf32>,
    return
  }
  func.func @transform_0(%arg0: i32) -> (i32, i32, i32) {
    %c0_i32 = arith.constant 0 : i32
    %c0_i32_0 = arith.constant 0 : i32
    %c0_i32_1 = arith.constant 0 : i32
    return %c0_i32, %arg0, %c0_i32_0 : i32, i32, i32
  }
  func.func @transform_1(%arg0: i32) -> (i32, i32) {
    %c0_i32 = arith.constant 0 : i32
    %c0_i32_0 = arith.constant 0 : i32
    return %arg0, %c0_i32 : i32, i32
  }
  func.func @transform_2(%arg0: i32) -> (i32, i32) {
    %c0_i32 = arith.constant 0 : i32
    %c0_i32_0 = arith.constant 0 : i32
    return %arg0, %c0_i32 : i32, i32
  }
  func.func @transform_3(%arg0: i32) -> (i32, i32) {
    %c0_i32 = arith.constant 0 : i32
    %c0_i32_0 = arith.constant 0 : i32
    %c0_i32_1 = arith.constant 0 : i32
    return %c0_i32, %c0_i32_0 : i32, i32
  }
  func.func @transform_4(%arg0: i32) -> (i32, i32) {
    %c0_i32 = arith.constant 0 : i32
    %c0_i32_0 = arith.constant 0 : i32
    return %arg0, %c0_i32 : i32, i32
  }
}

</mosaic_0001>

<sc_bundles>
// kernel: kernel.5.cloned.1.call-start
scs
__scs_entry_jumppad:
0x0: {  	(pc) =	sbr.rel $0x88, $3  }
0x1: {  	(tag) =	ssettag $0x0;
	lr =	simm.s32 $0x1  }
0x2: {  	[smem:$0x3F9B] =	sst lr;
	_ =	strace $0xD0000000  }
0x3: {  	_ = 	snop  }
0x4: {  	_ = 	snop  }
0x5: {  	_ = 	snop  }
0x6: {  	_ = 	snop  }
0x7: {  	_ = 	snop  }
__scs_overlays_trampoline_lowered:
0x8: {  	[smem:$0x3FAA] =	sst s0  }
0x9: {  	[smem:$0x3FAB] =	sst s1  }
0xa: {  	[smem:$0x3FAC] =	sst s2  }
0xb: {  	[smem:$0x3FAD] =	sst s3  }
0xc: {  	[smem:$0x3FAE] =	sst s4  }
0xd: {  	[smem:$0x3FAF] =	sst s5  }
0xe: {  	[smem:$0x3FB0] =	sst s6  }
0xf: {  	[smem:$0x3FB1] =	sst s7  }
0x10: {  	[smem:$0x3FB2] =	sst s8  }
0x11: {  	[smem:$0x3FB3] =	sst s9;
	s0 =	simm.s32 @!p0 $0x0  }
0x12: {  	s1 =	sld [smem:$0x3F99];
	s0 =	simm.s32 @p0 $0x1  }
0x13: {  	[smem:$0x3FB4] =	sst s0;
	s0 =	simm.s32 @!p1 $0x0  }
0x14: {  	s2 =	sld [smem:$0x3F98];
	s0 =	simm.s32 @p1 $0x1  }
0x15: {  	[smem:$0x3FB5] =	sst s0;
	s0 =	simm.s32 @!p2 $0x0  }
0x16: {  	s3 =	sld [smem:$0x3FDB];
	s0 =	simm.s32 @p2 $0x1  }
0x17: {  	s4 =	simm.s32 $0x1BF5;
	[smem:$0x3FB7] =	sst s0  }
0x18: {  	s0 =	sld [smem:$0x3F9A];
	_ =	swait.ge [sflag:s4], $0x0  }
0x19: {  	s7 =	sld [smem:$0x3F9B]  }
0x1a: {  	s8 =	sadd.s32 $0xFFFFE003, lr  }
0x1b: {  	s9 =	sadd.s32 $0xFFFFFEF7, lr;
	s5 =	simm.s32 $0xFFFFFFFF;
	p2 =	slt.u32 s8, $0xFFFFF086  }
0x1c: {  	p1 =	slt.u32 s9, $0xF7A;
	s5 =	simm.s32 @!p2 $0x0  }
0x1d: {  	s5 =	simm.s32 @p1 $0x1;
	p0 =	seq.s32 s7, s2  }
0x1e: {  	s7 =	smul.u32 @!p0 $0xF7A, s2;
	p2 =	seq.s32 @!p0 s5, $0x0  }
0x1f: {  	s9 =	smul.u32 $0xF7A, s1;
	s8 =	simm.s32 @!p0 $0x1BF5;
	p2 =	por !p2, p0  }
0x20: {  	[sflag:s8] =	ssyncset.s32 @!p0 $0xFFFFF086;
	s6 =	sadd.s32 @!p0 s3, s7;
	s7 =	simm.s32 @!p0 $0x108  }
0x21: {  	s3 =	sadd.s32 s3, s9;
	s6 =	sadd.s32 @!p0 $0x88, s6;
	s7 =	simm.s32 @p2 $0x1082  }
0x22: {  	[simem:s7], [sflag:s8] =	dma.local @!p0 [hbm:s6], $0xF7A  }
0x23: {  	s9 =	sor.u32 $0xD0000000, s2;
	s6 =	simm.s32 $0x108;
	_ =	swait.ge @!p0 [sflag:s8], $0x0  }
0x24: {  	s3 =	sadd.s32 $0x88, s3;
	s6 =	simm.s32 @!p1 $0x1082;
	[sflag:s4] =	ssyncset.s32 $0xFFFFF086  }
0x25: {  	[simem:s6], [sflag:s4] =	dma.local [hbm:s3], $0xF7A  }
0x26: {  	[smem:$0x3F9B] =	sst s1;
	(tag) =	ssettag s2;
	_ =	strace s9  }
0x27: {  	s1 =	sld [smem:$0x3FAB]  }
0x28: {  	s2 =	sld [smem:$0x3FAC]  }
0x29: {  	s4 =	sld [smem:$0x3FAE]  }
0x2a: {  	p0 =	seq.s32 s5, $0x0;
	s5 =	sld [smem:$0x3FAF]  }
0x2b: {  	s6 =	sld [smem:$0x3FB0]  }
0x2c: {  	s7 =	sld [smem:$0x3FB1]  }
0x2d: {  	s3 =	simm.s32 $0x108;
	s8 =	sld [smem:$0x3FB2]  }
0x2e: {  	s3 =	simm.s32 @!p0 $0x1082;
	s9 =	sld [smem:$0x3FB3]  }
0x2f: {  	lr =	sadd.s32 s0, s3;
	s0 =	sld [smem:$0x3FAA]  }
0x30: {  	s3 =	sld [smem:$0x3FAD]  }
0x31: {  	[smem:$0x3FB6] =	sst s10  }
0x32: {  	s10 =	sld [smem:$0x3FB4];
	_ =	sdelay $0x3  }
0x33: {  	p0 =	seq.s32 s10, $0x1;
	s10 =	sld [smem:$0x3FB6];
	_ =	sdelay $0x3  }
0x34: {  	[smem:$0x3FB6] =	sst s10  }
0x35: {  	s10 =	sld [smem:$0x3FB5];
	_ =	sdelay $0x3  }
0x36: {  	p1 =	seq.s32 s10, $0x1;
	s10 =	sld [smem:$0x3FB6];
	_ =	sdelay $0x3  }
0x37: {  	[smem:$0x3FB6] =	sst s10  }
0x38: {  	s10 =	sld [smem:$0x3FB7]  }
0x39: {  	_ = 	snop;
	(pc) =	sbr.ind lr, $3  }
0x3a: {  	_ = 	snop  }
0x3b: {  	_ = 	snop  }
0x3c: {  	p2 =	seq.s32 s10, $0x1;
	s10 =	sld [smem:$0x3FB6]  }
0x3d: {  	_ =	shalt  }
0x3e: {  	_ =	shalt  }
0x3f: {  	_ =	shalt  }
0x40: {  	_ =	shalt  }
0x41: {  	_ =	shalt  }
0x42: {  	_ =	shalt  }
0x43: {  	_ =	shalt  }
0x44: {  	_ =	shalt  }
0x45: {  	_ =	shalt  }
0x46: {  	_ =	shalt  }
0x47: {  	_ =	shalt  }
0x48: {  	_ =	shalt  }
0x49: {  	_ =	shalt  }
0x4a: {  	_ =	shalt  }
0x4b: {  	_ =	shalt  }
0x4c: {  	_ =	shalt  }
0x4d: {  	_ =	shalt  }
0x4e: {  	_ =	shalt  }
0x4f: {  	_ =	shalt  }
0x50: {  	_ =	shalt  }
0x51: {  	_ =	shalt  }
0x52: {  	_ =	shalt  }
0x53: {  	_ =	shalt  }
0x54: {  	_ =	shalt  }
0x55: {  	_ =	shalt  }
0x56: {  	_ =	shalt  }
0x57: {  	_ =	shalt  }
0x58: {  	_ =	shalt  }
0x59: {  	_ =	shalt  }
0x5a: {  	_ =	shalt  }
0x5b: {  	_ =	shalt  }
0x5c: {  	_ =	shalt  }
0x5d: {  	_ =	shalt  }
0x5e: {  	_ =	shalt  }
0x5f: {  	_ =	shalt  }
0x60: {  	_ =	shalt  }
0x61: {  	_ =	shalt  }
0x62: {  	_ =	shalt  }
0x63: {  	_ =	shalt  }
0x64: {  	_ =	shalt  }
0x65: {  	_ =	shalt  }
0x66: {  	_ =	shalt  }
0x67: {  	_ =	shalt  }
0x68: {  	_ =	shalt  }
0x69: {  	_ =	shalt  }
0x6a: {  	_ =	shalt  }
0x6b: {  	_ =	shalt  }
0x6c: {  	_ =	shalt  }
0x6d: {  	_ =	shalt  }
0x6e: {  	_ =	shalt  }
0x6f: {  	_ =	shalt  }
0x70: {  	_ =	shalt  }
0x71: {  	_ =	shalt  }
0x72: {  	_ =	shalt  }
0x73: {  	_ =	shalt  }
0x74: {  	_ =	shalt  }
0x75: {  	_ =	shalt  }
0x76: {  	_ =	shalt  }
0x77: {  	_ =	shalt  }
0x78: {  	_ =	shalt  }
0x79: {  	_ =	shalt  }
0x7a: {  	_ =	shalt  }
0x7b: {  	_ =	shalt  }
0x7c: {  	_ =	shalt  }
0x7d: {  	_ =	shalt  }
0x7e: {  	_ =	shalt  }
0x7f: {  	_ =	shalt  }
0x80: {  	_ =	shalt  }
0x81: {  	_ =	shalt  }
0x82: {  	_ =	shalt  }
0x83: {  	_ =	shalt  }
0x84: {  	_ =	shalt  }
0x85: {  	_ =	shalt  }
0x86: {  	_ =	shalt  }
0x87: {  	_ =	shalt  }
.Lfunc_end0:
.L_simem_size_0:
called_computation_lowered:
.L_overlay_start_0:
0x88: {  	s2 =	sld [smem:$0x3FD9]  }
0x89: {  	s3 =	sld [smem:$0x3FFE];
	_ =	sdelay $0x1  }
0x8a: {  	s1 =	srdreg.scid  }
0x8b: {  	s0 =	sand.u32 $0x1, s1  }
0x8c: {  	s17 =	sshll.u32 s0, $0xA;
	s2 =	sadd.s32 s3, s2  }
0x8d: {  	s2 =	sadd.s32 s2, s17  }
0x8e: {  	[smem:$0x3FC2] =	sst s2  }
0x8f: {  	_ = 	snop  }
0x90: {  	s2 =	sld [smem:$0x3FD0];
	(tm) =	ssettm $0x1  }
0x91: {  	s18 =	sld [smem:$0x3FFB];
	_ =	sdelay $0x3  }
0x92: {  	_ =	strace s18  }
0x93: {  	s3 =	sld [smem:$0x3FFC];
	_ =	sdelay $0x3  }
0x94: {  	_ =	strace s3  }
0x95: {  	s3 =	sld [smem:$0x3FFD];
	_ =	sdelay $0x3  }
0x96: {  	_ =	strace s3  }
0x97: {  	_ =	strace $0x8FFFFFFF  }
0x98: {  	s19 =	sld [smem:$0x3FDB];
	_ =	sdelay $0x1  }
0x99: {  	s4 =	simm.s32 $_scs_section_size  }
0x9a: {  	s5 =	simm.s32 $_size__tile_overlayer_lowered;
	s6 =	simm.s32 $_tile_overlayer_lowered  }
0x9b: {  	s22 =	simm.s32 $0x1BFF;
	s21 =	sshll.u32 s6, $0x1;
	s3 =	sadd.s32 s4, s19  }
0x9c: {  	s7 =	simm.s32 $0x0;
	s20 =	sshll.u32 s5, $0x1;
	s5 =	sadd.s32 s21, s3  }
0x9d: {  	[timem:s7], [sflag:s22] =	dma.local [hbm:s5], s20  }
0x9e: {  	_ =	swait.ge [sflag:s22], s20  }
0x9f: {  	s4 =	ssub.s32 $0x0, s20;
	[sflag:s22] =	ssyncset.done $0x0  }
0xa0: {  	[sflag:s22] =	ssyncadd.s32 s4;
	_ =	sdelay $0x1  }
0xa1: {  	s23 =	simm.s32 $0x1B8B  }
0xa2: {  	_ =	swait.ge [sflag:s23], $0x1  }
0xa3: {  	[sflag:s23] =	ssyncset.done $0x0  }
0xa4: {  	s25 =	simm.s32 $0x1B8E;
	s24 =	sld [smem:$0x3FFE];
	[sflag:s23] =	ssyncadd.s32 $0xFFFFFFFF  }
0xa5: {  	s26 =	simm.s32 $execute0_lowered;
	[smem:$0x3FD2] =	sst s25  }
0xa6: {  	s5 =	sshll.u32 s26, $0x1;
	_ =	strace $0x80000046;
	[dreg:$0x1] =	wrdreg $0xFFFFFFFF  }
0xa7: {  	s28 =	simm.s32 $_size_execute0_lowered;
	s3 =	sadd.s32 s3, s5;
	[dreg:$0x0] =	wrdreg $0x0  }
0xa8: {  	s5 =	sshll.u32 s28, $0x1;
	[dreg:$0x2] =	wrdreg s3  }
0xa9: {  	[dreg:$0x3] =	wrdreg s5  }
0xaa: {  	[dreg:$0x4] =	wrdreg $0xC0  }
0xab: {  	_ =	task [dreg:s7], $0x5FFFF  }
0xac: {  	[dreg:$0x1] =	wrdreg $0xFFFFFFFF  }
0xad: {  	[dreg:$0x0] =	wrdreg $0x60  }
0xae: {  	[dreg:$0x2] =	wrdreg s24  }
0xaf: {  	[dreg:$0x3] =	wrdreg s2  }
0xb0: {  	[dreg:$0x4] =	wrdreg $0xB7000  }
0xb1: {  	[dreg:$0x5] =	wrdreg $0x1F7000  }
0xb2: {  	[dreg:$0x6] =	wrdreg $0x9  }
0xb3: {  	_ =	task.clear_ibuf [dreg:s7], $0x7FFFF;
	_ =	strace $0x90000046  }
0xb4: {  	s29 =	simm.s32 $0x9;
	_ =	strace $0x80000048  }
0xb5: {  	_ =	swait.ge [sflag:s29], $0x1  }
0xb6: {  	[sflag:s29] =	ssyncadd.s32 $0xFFFFFFFF  }
0xb7: {  	_ =	strace $0x90000048  }
0xb8: {  	_ =	sfence  }
0xb9: {  	s30 =	sld [smem:$0x0];
	_ =	sdelay $0x2  }
0xba: {  	s31 =	sshll.u32 s1, $0xD;
	s1 =	sshrl.u32 s1, $0x2  }
0xbb: {  	s3 =	sand.u32 $0x4000, s31;
	s1 =	sadd.s32 s1, s30  }
0xbc: {  	s0 =	sor.u32 s3, s0;
	s1 =	sshll.u32 s1, $0x11  }
0xbd: {  	s0 =	sor.u32 s1, s0  }
0xbe: {  	s0 =	sadd.s32 $0x8F2B, s0  }
0xbf: {  	[sflag:s0] =	ssyncadd.remote.s32 $0x1  }
0xc0: {  	_ =	sfence.sel $0xFFFF  }
0xc1: {  	[dreg:$0x0] =	wrdreg $0xFFFFFFFF;
	(pc) =	sbr.abs _section_cstart, $3  }
0xc2: {  	[dreg:$0x1] =	wrdreg $0xFFFFFFFF  }
0xc3: {  	_ =	task.clear_ibuf [dreg:s7], $0x2FFFF;
	_ =	strace $0x9FFFFFFF  }
0xc4: {  	(tm) =	ssettm $0x7FFFFFFF  }
0xc5: {  	_ =	shalt  }
tec
execute0_lowered:
.L_overlay_start_1:
0x0: {  	(tag) =	ssettag $0x1  }
0x1: {  	s0 =	rddreg [dreg:$0x0]  }
0x2: {  	s1 =	rddreg [dreg:$0x1]  }
0x3: {  	s2 =	rddreg [dreg:$0x2]  }
0x4: {  	s3 =	rddreg [dreg:$0x3]  }
0x5: {  	s5 =	simm.s32 $0x0;
	s4 =	srdreg.scid;
	s13 =	stileid.u32  }
0x6: {  	s28 =	simm.s32 $0x1;
	s29 =	simm.s32 $0x5300;
	s30 =	simm.s32 $0x3  }
0x7: {  	s31 =	simm.s32 $0x7;
	[smem:$0x7FF] =	sst s5;
	s4 =	sand.u32 $0x1, s4  }
0x8: {  	s7 =	smul.u32 $0x14000, s13;
	s8 =	sadd.s32 $0x14600, s0;
	s16 =	sadd.s32 $0x14C00, s0  }
0x9: {  	s9 =	sadd.s32 $0xA400, s0;
	s17 =	sshll.u32 s13, $0x1;
	s10 =	smul.u32 $0x50000, s13  }
0xa: {  	s13 =	smul.u32 $0x280, s13;
	_ =	strace $0x80000047;
	[dreg:$0x5] =	wrdreg s8  }
0xb: {  	s6 =	smul.u32 $0x140000, s4;
	[dreg:$0x6] =	wrdreg s16;
	s11 =	ssub.s32 $0x2, s4  }
0xc: {  	s8 =	sadd.s32 $0x200, s0;
	p0 =	seq.s32 s4, $0x1;
	s12 =	sshrl.u32 s11, $0x1  }
0xd: {  	s10 =	sshrl.u32 s10, $0x2;
	s20 =	sadd.s32 s13, s3;
	s6 =	sadd.s32 s7, s6  }
0xe: {  	s7 =	sor.u32 s4, s17;
	s11 =	ssub.s32 s11, s12;
	s19 =	sadd.s32 s10, s2  }
0xf: {  	s4 =	simm.s32 $0x15800;
	[dreg:$0x9] =	wrdreg s20;
	s6 =	sshrl.u32 s6, $0x3  }
0x10: {  	s7 =	smul.u32 $0x2880, s7;
	s21 =	sadd.s32 $0x3000, s19;
	[dreg:$0x7] =	wrdreg s19  }
0x11: {  	s4 =	simm.s32 @!p0 $0x15200;
	[dreg:$0x8] =	wrdreg s21;
	s21 =	smax.u32 s11, $0x1  }
0x12: {  	s6 =	sadd.s32 s6, s0;
	s25 =	sadd.s32 $0xC0, s7;
	[dreg:$0x16] =	wrdreg s21  }
0x13: {  	s0 =	sadd.s32 s4, s0;
	s26 =	sadd.s32 $0x120, s7;
	[dreg:$0xe] =	wrdreg s25  }
0x14: {  	s4 =	simm.s32 $0x2800;
	s12 =	sadd.s32 $0x180, s7;
	[dreg:$0xf] =	wrdreg s26  }
0x15: {  	s11 =	simm.s32 $0x5180;
	s15 =	sadd.s32 $0x1E0, s7;
	[dreg:$0x10] =	wrdreg s12  }
0x16: {  	s18 =	sshrl.u32 s7, $0x3;
	s16 =	sadd.s32 $0x240, s7;
	[dreg:$0x11] =	wrdreg s15  }
0x17: {  	s17 =	sadd.s32 $0x2A0, s7;
	s7 =	simm.s32 $0x5000;
	[dreg:$0x13] =	wrdreg s16  }
0x18: {  	s21 =	simm.s32 $0x5100;
	s14 =	sadd.s32 s8, s18;
	[dreg:$0x14] =	wrdreg s17  }
0x19: {  	s22 =	sor.u32 $0xC, s18;
	s10 =	sadd.s32 s9, s18;
	[dreg:$0xa] =	wrdreg s14  }
0x1a: {  	s18 =	sadd.s32 $0x15E00, s6;
	s25 =	sadd.s32 $0xF000, s19;
	[dreg:$0xb] =	wrdreg s10  }
0x1b: {  	s26 =	sadd.s32 $0x12000, s19;
	s6 =	simm.s32 $0x5400;
	[dreg:$0x15] =	wrdreg s18  }
0x1c: {  	s15 =	simm.s32 $0x5;
	s16 =	simm.s32 $0x60;
	[dreg:$0x1a] =	wrdreg s25  }
0x1d: {  	s12 =	simm.s32 $0x2;
	s23 =	sadd.s32 s8, s22;
	[dreg:$0x1b] =	wrdreg s26  }
0x1e: {  	s24 =	sadd.s32 s9, s22;
	s14 =	sshrl.u32 s13, $0x3;
	[dreg:$0xc] =	wrdreg s23  }
0x1f: {  	s22 =	sadd.s32 $0x6000, s19;
	s13 =	simm.s32 $0x5080;
	[dreg:$0xd] =	wrdreg s24  }
0x20: {  	s25 =	simm.s32 $0x6;
	s0 =	sadd.s32 s0, s14;
	[dreg:$0x17] =	wrdreg s22  }
0x21: {  	s26 =	simm.s32 $0x8400;
	s23 =	sadd.s32 $0x9000, s19;
	[dreg:$0x12] =	wrdreg s0  }
0x22: {  	s10 =	simm.s32 $0x5380;
	s24 =	sadd.s32 $0xC000, s19;
	[dreg:$0x18] =	wrdreg s23  }
0x23: {  	s18 =	simm.s32 $0x0;
	s14 =	simm.s32 $0x5200;
	[dreg:$0x19] =	wrdreg s24  }
0x24: {  	v0 =	vimm.f32 $0.0e+00;
	s23 =	simm.s32 $0x8;
	s24 =	simm.s32 $0x5280;
	s0 =	simm.s32 $0x4  }
.LBB2_1:
0x25: {  	[dreg:$0x1c] =	wrdreg s18  }
0x26: {  	s17 =	rddreg [dreg:$0x5]  }
0x27: {  	[tilespmem:s5], [sflag:$0x8] =	stream.linear.gather [hbm4b:s17+s5], $0x2710, $0x38;
	[tilespmem:$0x1F980] =	vst v63  }
0x28: {  	_ =	swait.ge [sflag:s23], $0x2710  }
0x29: {  	[sflag:s23] =	ssyncset.done $0x0  }
0x2a: {  	s22 =	rddreg [dreg:$0x6];
	[sflag:s23] =	ssyncadd.s32 $0xFFFFD8F0  }
0x2b: {  	[tilespmem:s4], [sflag:$0x8] =	stream.linear.gather [hbm4b:s22+s5], $0x2710, $0x38;
	[tilespmem:$0x1F980] =	vst v63  }
0x2c: {  	_ =	swait.ge [sflag:s23], $0x2710  }
0x2d: {  	[sflag:s23] =	ssyncset.done $0x0  }
0x2e: {  	s18 =	simm.s32 $0x200;
	s17 =	simm.s32 $0x0;
	[sflag:s23] =	ssyncadd.s32 $0xFFFFD8F0  }
.LBB2_2:
0x2f: {  	p0 =	sne.s32 s18, $0xBE00;
	[tilespmem:s17+$0x5470] =	vst v0  }
0x30: {  	[tilespmem:s17+$0x5400] =	vst v0  }
0x31: {  	[tilespmem:s17+$0x5410] =	vst v0  }
.Ltmp0:
0x32: {  	[tilespmem:s17+$0x5420] =	vst v0;
	(pc) =	sbr.rel @p0 .LBB2_2-.Ltmp0, $4  }
0x33: {  	[tilespmem:s17+$0x5430] =	vst v0  }
0x34: {  	[tilespmem:s17+$0x5440] =	vst v0  }
0x35: {  	[tilespmem:s17+$0x5450] =	vst v0  }
0x36: {  	[tilespmem:s17+$0x5460] =	vst v0;
	s17 =	sshra.s32 s18, $0x2;
	s18 =	sadd.s32 $0x200, s18  }
0x37: {  	[tilespmem:s17+$0x5470] =	vst v0  }
0x38: {  	[tilespmem:s17+$0x5400] =	vst v0  }
0x39: {  	[tilespmem:s17+$0x5410] =	vst v0  }
0x3a: {  	[tilespmem:s17+$0x5420] =	vst v0  }
0x3b: {  	[tilespmem:s17+$0x5430] =	vst v0  }
0x3c: {  	[tilespmem:s17+$0x5440] =	vst v0  }
0x3d: {  	[tilespmem:s17+$0x5450] =	vst v0  }
0x3e: {  	[tilespmem:s17+$0x5460] =	vst v0  }
0x3f: {  	[tilespmem:$0xB400] =	vst v0  }
0x40: {  	[tilespmem:$0xB410] =	vst v0  }
0x41: {  	[tilespmem:$0xB420] =	vst v0  }
0x42: {  	[tilespmem:$0xB430] =	vst v0  }
0x43: {  	[tilespmem:$0xB440] =	vst v0  }
0x44: {  	[tilespmem:$0xB450] =	vst v0  }
0x45: {  	[tilespmem:$0xB460] =	vst v0  }
0x46: {  	[tilespmem:$0xB470] =	vst v0  }
0x47: {  	[tilespmem:$0xB480] =	vst v0  }
0x48: {  	[tilespmem:$0xB490] =	vst v0  }
0x49: {  	[tilespmem:$0xB4A0] =	vst v0  }
0x4a: {  	[tilespmem:$0xB4B0] =	vst v0  }
0x4b: {  	[tilespmem:$0xB4C0] =	vst v0  }
0x4c: {  	[tilespmem:$0xB4D0] =	vst v0  }
0x4d: {  	[tilespmem:$0xB4E0] =	vst v0  }
0x4e: {  	[tilespmem:$0xB4F0] =	vst v0  }
0x4f: {  	[tilespmem:$0xB500] =	vst v0  }
0x50: {  	[tilespmem:$0xB510] =	vst v0  }
0x51: {  	[tilespmem:$0xB520] =	vst v0  }
0x52: {  	[tilespmem:$0xB530] =	vst v0  }
0x53: {  	[tilespmem:$0xB540] =	vst v0  }
0x54: {  	[tilespmem:$0xB550] =	vst v0  }
0x55: {  	[tilespmem:$0xB560] =	vst v0  }
0x56: {  	[tilespmem:$0xB570] =	vst v0  }
0x57: {  	[tilespmem:$0xB580] =	vst v0  }
0x58: {  	[tilespmem:$0xB590] =	vst v0  }
0x59: {  	[tilespmem:$0xB5A0] =	vst v0  }
0x5a: {  	[tilespmem:$0xB5B0] =	vst v0  }
0x5b: {  	[tilespmem:$0xB5C0] =	vst v0  }
0x5c: {  	[tilespmem:$0xB5D0] =	vst v0  }
0x5d: {  	[tilespmem:$0xB5E0] =	vst v0  }
0x5e: {  	[tilespmem:$0xB5F0] =	vst v0  }
0x5f: {  	[tilespmem:$0xB600] =	vst v0  }
0x60: {  	[tilespmem:$0xB610] =	vst v0  }
0x61: {  	[tilespmem:$0xB620] =	vst v0  }
0x62: {  	[tilespmem:$0xB630] =	vst v0  }
0x63: {  	[tilespmem:$0xB640] =	vst v0  }
0x64: {  	[tilespmem:$0xB650] =	vst v0  }
0x65: {  	[tilespmem:$0xB660] =	vst v0  }
0x66: {  	[tilespmem:$0xB670] =	vst v0  }
0x67: {  	[tilespmem:$0xB680] =	vst v0  }
0x68: {  	[spmem:s19] =	stream.linear.scatter [tilespmem:s6], [sflag:$0x8], $0x3000, $0x38;
	[tilespmem:$0x1F980] =	vst v63  }
0x69: {  	_ =	swait.ge [sflag:s23], $0x3000  }
0x6a: {  	[sflag:s23] =	ssyncset.done $0x0  }
0x6b: {  	s19 =	rddreg [dreg:$0x8];
	[sflag:s23] =	ssyncadd.s32 $0xFFFFD000  }
0x6c: {  	[spmem:s19] =	stream.linear.scatter [tilespmem:s6], [sflag:$0x8], $0x3000, $0x38;
	[tilespmem:$0x1F980] =	vst v63  }
0x6d: {  	_ =	swait.ge [sflag:s23], $0x3000  }
0x6e: {  	[sflag:s23] =	ssyncset.done $0x0  }
0x6f: {  	s22 =	rddreg [dreg:$0x17];
	[sflag:s23] =	ssyncadd.s32 $0xFFFFD000  }
0x70: {  	[spmem:s22] =	stream.linear.scatter [tilespmem:s6], [sflag:$0x8], $0x3000, $0x38;
	[tilespmem:$0x1F980] =	vst v63  }
0x71: {  	_ =	swait.ge [sflag:s23], $0x3000  }
0x72: {  	[sflag:s23] =	ssyncset.done $0x0  }
0x73: {  	s18 =	rddreg [dreg:$0x18];
	[sflag:s23] =	ssyncadd.s32 $0xFFFFD000  }
0x74: {  	[spmem:s18] =	stream.linear.scatter [tilespmem:s6], [sflag:$0x8], $0x3000, $0x38;
	[tilespmem:$0x1F980] =	vst v63  }
0x75: {  	_ =	swait.ge [sflag:s23], $0x3000  }
0x76: {  	[sflag:s23] =	ssyncset.done $0x0  }
0x77: {  	s19 =	rddreg [dreg:$0x19];
	[sflag:s23] =	ssyncadd.s32 $0xFFFFD000  }
0x78: {  	[spmem:s19] =	stream.linear.scatter [tilespmem:s6], [sflag:$0x8], $0x3000, $0x38;
	[tilespmem:$0x1F980] =	vst v63  }
0x79: {  	_ =	swait.ge [sflag:s23], $0x3000  }
0x7a: {  	[sflag:s23] =	ssyncset.done $0x0  }
0x7b: {  	s22 =	rddreg [dreg:$0x1a];
	[sflag:s23] =	ssyncadd.s32 $0xFFFFD000  }
0x7c: {  	[spmem:s22] =	stream.linear.scatter [tilespmem:s6], [sflag:$0x8], $0x3000, $0x38;
	[tilespmem:$0x1F980] =	vst v63  }
0x7d: {  	_ =	swait.ge [sflag:s23], $0x3000  }
0x7e: {  	[sflag:s23] =	ssyncset.done $0x0  }
0x7f: {  	s18 =	rddreg [dreg:$0x1b];
	[sflag:s23] =	ssyncadd.s32 $0xFFFFD000  }
0x80: {  	[spmem:s18] =	stream.linear.scatter [tilespmem:s6], [sflag:$0x8], $0x2000, $0x38;
	[tilespmem:$0x1F980] =	vst v63  }
0x81: {  	_ =	swait.ge [sflag:s23], $0x2000  }
0x82: {  	[sflag:s23] =	ssyncset.done $0x0  }
0x83: {  	s19 =	simm.s32 $0xB400;
	[sflag:s23] =	ssyncadd.s32 $0xFFFFE000  }
0x84: {  	[spmem:s20] =	stream.linear.scatter [tilespmem:s19], [sflag:$0x8], $0x280, $0x38;
	[tilespmem:$0x1F980] =	vst v63  }
0x85: {  	_ =	swait.ge [sflag:s23], $0x280  }
0x86: {  	[sflag:s23] =	ssyncset.done $0x0  }
0x87: {  	[sflag:s23] =	ssyncadd.s32 $0xFFFFFD80  }
0x88: {  	[bflag:$0x0] =	sbarrier.arrive $0xFFFF  }
0x89: {  	s17 =	simm.s32 $0x0;
	s18 =	rddreg [dreg:$0xa]  }
0x8a: {  	[tilespmem:s7], [sflag:$0x5] =	stream.linear.gather [hbm4b:s18+s17], $0x60, $0x38;
	[tilespmem:$0x1F980] =	vst v63  }
0x8b: {  	s20 =	rddreg [dreg:$0xb]  }
0x8c: {  	[tilespmem:s11], [sflag:$0x5] =	stream.linear.gather [hbm4b:s20+s17], $0x60, $0x38;
	[tilespmem:$0x1F980] =	vst v63  }
0x8d: {  	s22 =	rddreg [dreg:$0xc]  }
0x8e: {  	[tilespmem:s13], [sflag:$0x6] =	stream.linear.gather [hbm4b:s22+s17], $0x60, $0x38;
	[tilespmem:$0x1F980] =	vst v63  }
0x8f: {  	s23 =	rddreg [dreg:$0xd]  }
0x90: {  	[tilespmem:s14], [sflag:$0x6] =	stream.linear.gather [hbm4b:s23+s17], $0x60, $0x38;
	[tilespmem:$0x1F980] =	vst v63  }
0x91: {  	_ =	swait.ge [sflag:s15], $0x60  }
0x92: {  	[sflag:s15] =	ssyncset.done $0x0  }
0x93: {  	[sflag:s15] =	ssyncadd.s32 $0xFFFFFFA0  }
0x94: {  	_ =	swait.ge [sflag:s15], $0x60  }
0x95: {  	[sflag:s15] =	ssyncset.done $0x0  }
0x96: {  	[sflag:s15] =	ssyncadd.s32 $0xFFFFFFA0  }
0x97: {  	[tilespmem:s6], [sflag:$0x1] =	stream.indirect.gather [hbm4b:s1+s16], $0x80, s7, s16, $0xb8;
	[tilespmem:$0x1F980] =	vst v63  }
.LBB2_4:
0x98: {  	v1 =	vld [tilespmem:$0x5000]  }
0x99: {  	v2 =	vld [tilespmem:$0x5180];
	_ =	sdelay $0x6  }
0x9a: {  	v1 =	vld.idx.msk [tilespmem:v1+s5+$0x0], $0xffff  }
0x9b: {  	v2 =	vld.idx.msk [tilespmem:v2+s4+$0x0], $0xffff;
	_ =	sdelay $0x4  }
0x9c: {  	v1 =	vadd.f32 v2, v1;
	_ =	sdelay $0x1  }
0x9d: {  	v2 =	vmul.f32 $2.000000030e-01, v1  }
0x9e: {  	vm0 =	vge.f32 v1, $0.0e+00  }
0x9f: {  	v1 =	vsel vm0, v1, v2  }
0xa0: {  	v1 =	vmul.f32 $1.442695020e+00, v1;
	_ =	sdelay $0x1  }
0xa1: {  	(erf) = vpow2.f32 v1;
	_ =	sdelay $0x2  }
0xa2: {  	v1 =	vld [tilespmem:$0x5010]  }
0xa3: {  	v2 =	vld [tilespmem:$0x5190];
	_ =	sdelay $0x4  }
0xa4: {  	v3 =	vpop (erf)  }
0xa5: {  	[tilespmem:$0x5300] =	vst v3  }
0xa6: {  	v1 =	vld.idx.msk [tilespmem:v1+s5+$0x0], $0xffff  }
0xa7: {  	v2 =	vld.idx.msk [tilespmem:v2+s4+$0x0], $0xffff;
	_ =	sdelay $0x4  }
0xa8: {  	v1 =	vadd.f32 v2, v1;
	_ =	sdelay $0x1  }
0xa9: {  	v2 =	vmul.f32 $2.000000030e-01, v1  }
0xaa: {  	vm11 =	vge.f32 v1, $0.0e+00  }
0xab: {  	v1 =	vsel vm11, v1, v2  }
0xac: {  	v1 =	vmul.f32 $1.442695020e+00, v1;
	_ =	sdelay $0x1  }
0xad: {  	(erf) = vpow2.f32 v1;
	_ =	sdelay $0x2  }
0xae: {  	v1 =	vld [tilespmem:$0x5020]  }
0xaf: {  	v2 =	vld [tilespmem:$0x51A0];
	_ =	sdelay $0x4  }
0xb0: {  	v3 =	vpop (erf)  }
0xb1: {  	[tilespmem:$0x5310] =	vst v3  }
0xb2: {  	v1 =	vld.idx.msk [tilespmem:v1+s5+$0x0], $0xffff  }
0xb3: {  	v2 =	vld.idx.msk [tilespmem:v2+s4+$0x0], $0xffff;
	_ =	sdelay $0x4  }
0xb4: {  	v1 =	vadd.f32 v2, v1;
	_ =	sdelay $0x1  }
0xb5: {  	v2 =	vmul.f32 $2.000000030e-01, v1  }
0xb6: {  	vm12 =	vge.f32 v1, $0.0e+00  }
0xb7: {  	v1 =	vsel vm12, v1, v2  }
0xb8: {  	v1 =	vmul.f32 $1.442695020e+00, v1;
	_ =	sdelay $0x1  }
0xb9: {  	(erf) = vpow2.f32 v1;
	_ =	sdelay $0x2  }
0xba: {  	v1 =	vld [tilespmem:$0x5030]  }
0xbb: {  	v2 =	vld [tilespmem:$0x51B0];
	_ =	sdelay $0x4  }
0xbc: {  	v3 =	vpop (erf)  }
0xbd: {  	[tilespmem:$0x5320] =	vst v3  }
0xbe: {  	v1 =	vld.idx.msk [tilespmem:v1+s5+$0x0], $0xffff  }
0xbf: {  	v2 =	vld.idx.msk [tilespmem:v2+s4+$0x0], $0xffff;
	_ =	sdelay $0x4  }
0xc0: {  	v1 =	vadd.f32 v2, v1;
	_ =	sdelay $0x1  }
0xc1: {  	v2 =	vmul.f32 $2.000000030e-01, v1  }
0xc2: {  	vm13 =	vge.f32 v1, $0.0e+00  }
0xc3: {  	v1 =	vsel vm13, v1, v2  }
0xc4: {  	v1 =	vmul.f32 $1.442695020e+00, v1;
	_ =	sdelay $0x1  }
0xc5: {  	(erf) = vpow2.f32 v1;
	_ =	sdelay $0x2  }
0xc6: {  	v1 =	vld [tilespmem:$0x5040]  }
0xc7: {  	v2 =	vld [tilespmem:$0x51C0];
	_ =	sdelay $0x4  }
0xc8: {  	v3 =	vpop (erf)  }
0xc9: {  	[tilespmem:$0x5330] =	vst v3  }
0xca: {  	v1 =	vld.idx.msk [tilespmem:v1+s5+$0x0], $0xffff  }
0xcb: {  	v2 =	vld.idx.msk [tilespmem:v2+s4+$0x0], $0xffff;
	_ =	sdelay $0x4  }
0xcc: {  	v1 =	vadd.f32 v2, v1;
	_ =	sdelay $0x1  }
0xcd: {  	v2 =	vmul.f32 $2.000000030e-01, v1  }
0xce: {  	vm14 =	vge.f32 v1, $0.0e+00  }
0xcf: {  	v1 =	vsel vm14, v1, v2  }
0xd0: {  	v1 =	vmul.f32 $1.442695020e+00, v1;
	_ =	sdelay $0x1  }
0xd1: {  	(erf) = vpow2.f32 v1;
	_ =	sdelay $0x2  }
0xd2: {  	v1 =	vld [tilespmem:$0x5050]  }
0xd3: {  	v2 =	vld [tilespmem:$0x51D0];
	_ =	sdelay $0x4  }
0xd4: {  	v3 =	vpop (erf)  }
0xd5: {  	[tilespmem:$0x5340] =	vst v3  }
0xd6: {  	v1 =	vld.idx.msk [tilespmem:v1+s5+$0x0], $0xffff  }
0xd7: {  	v2 =	vld.idx.msk [tilespmem:v2+s4+$0x0], $0xffff;
	_ =	sdelay $0x4  }
0xd8: {  	v1 =	vadd.f32 v2, v1;
	_ =	sdelay $0x1  }
0xd9: {  	v2 =	vmul.f32 $2.000000030e-01, v1  }
0xda: {  	vm15 =	vge.f32 v1, $0.0e+00  }
0xdb: {  	v1 =	vsel vm15, v1, v2  }
0xdc: {  	v1 =	vmul.f32 $1.442695020e+00, v1;
	_ =	sdelay $0x1  }
0xdd: {  	(erf) = vpow2.f32 v1;
	_ =	sdelay $0x8  }
0xde: {  	p0 =	seq.s32 s17, $0x0;
	v1 =	vpop (erf)  }
0xdf: {  	s19 =	simm.s32 @!p0 $0x4;
	[tilespmem:$0x5350] =	vst v1  }
0xe0: {  	_ =	swait.ge @!p0 [sflag:s19], $0x3000  }
0xe1: {  	[sflag:s19] =	ssyncset.done @!p0 $0x0  }
0xe2: {  	[sflag:s19] =	ssyncadd.s32 @!p0 $0xFFFFD000  }
0xe3: {  	s18 =	smul.u32 $0x240, s17;
	_ =	swait.ge @!p0 [sflag:s19], $0x60  }
0xe4: {  	s20 =	rddreg [dreg:$0xe]  }
0xe5: {  	s20 =	sadd.s32 s18, s20  }
0xe6: {  	[sflag:s19] =	ssyncset.done @!p0 $0x0;
	s20 =	sshrl.u32 s20, $0x3  }
0xe7: {  	[sflag:s19] =	ssyncadd.s32 @!p0 $0xFFFFFFA0;
	s23 =	sadd.s32 s8, s20  }
0xe8: {  	[tilespmem:s21], [sflag:$0x7] =	stream.linear.gather [hbm4b:s23+s5], $0x60, $0x38;
	[tilespmem:$0x1F980] =	vst v63  }
0xe9: {  	s22 =	sadd.s32 s9, s20  }
0xea: {  	[tilespmem:s24], [sflag:$0x7] =	stream.linear.gather [hbm4b:s22+s5], $0x60, $0x38;
	[tilespmem:$0x1F980] =	vst v63  }
0xeb: {  	_ =	swait.ge [sflag:s25], $0x60  }
0xec: {  	[sflag:s25] =	ssyncset.done $0x0  }
0xed: {  	[sflag:s25] =	ssyncadd.s32 $0xFFFFFFA0  }
0xee: {  	_ =	swait.ge [sflag:s25], $0x60  }
0xef: {  	[sflag:s25] =	ssyncset.done $0x0  }
0xf0: {  	[sflag:s25] =	ssyncadd.s32 $0xFFFFFFA0  }
0xf1: {  	[tilespmem:s26], [sflag:$0x2] =	stream.indirect.gather [hbm4b:s1+s16], $0x80, s13, s16, $0xb8;
	[tilespmem:$0x1F980] =	vst v63  }
0xf2: {  	_ =	swait.ge [sflag:s28], $0x3000  }
0xf3: {  	[sflag:s28] =	ssyncset.done $0x0  }
0xf4: {  	s23 =	simm.s32 $0x5304;
	[sflag:s28] =	ssyncadd.s32 $0xFFFFD000  }
0xf5: {  	s19 =	simm.s32 $0x5600;
	v1 =	vld.msk [tilespmem:s23+$0x3 ss:$0x0], $0xffff  }
0xf6: {  	v3 =	vld [tilespmem:s19+$0x1F0]  }
0xf7: {  	v2 =	vld.msk [tilespmem:s23+$0xFFFFFFFC ss:$0x0], $0xffff  }
0xf8: {  	v4 =	vld.msk [tilespmem:s23+$0xFFFFFFFD ss:$0x0], $0xffff  }
0xf9: {  	v5 =	vld [tilespmem:s19+$0xFFFFFE10]  }
0xfa: {  	v6 =	vld [tilespmem:s19+$0xFFFFFE20]  }
0xfb: {  	v7 =	vld [tilespmem:s19+$0xFFFFFE30]  }
0xfc: {  	v8 =	vld [tilespmem:s19+$0xFFFFFE40]  }
0xfd: {  	v9 =	vld [tilespmem:s19+$0xFFFFFE50]  }
0xfe: {  	v10 =	vld [tilespmem:s19+$0xFFFFFE60]  }
0xff: {  	v11 =	vld [tilespmem:s19+$0xFFFFFE70]  }
0x100: {  	v12 =	vld [tilespmem:s19+$0xFFFFFE80]  }
0x101: {  	v13 =	vld [tilespmem:s19+$0xFFFFFE90]  }
0x102: {  	v15 =	vld [tilespmem:s19+$0xFFFFFEB0]  }
0x103: {  	v16 =	vld [tilespmem:s19+$0xFFFFFEC0];
	v3 =	vmul.f32 v3, v1  }
0x104: {  	v14 =	vld [tilespmem:s19+$0xFFFFFEA0];
	v5 =	vmul.f32 v5, v2  }
0x105: {  	v52 =	vld [tilespmem:s19+$0xFFFFFED0];
	v6 =	vmul.f32 v6, v2;
	[tilespmem:s19+$0x1F0] =	vst v3  }
0x106: {  	v53 =	vld [tilespmem:s19+$0xFFFFFF30];
	v7 =	vmul.f32 v7, v2;
	[tilespmem:s19+$0xFFFFFE10] =	vst v5  }
0x107: {  	v54 =	vld [tilespmem:s19+$0xFFFFFF40];
	v15 =	vmul.f32 v15, v4;
	[tilespmem:s19+$0xFFFFFE20] =	vst v6  }
0x108: {  	v55 =	vld [tilespmem:s19+$0xFFFFFF70];
	v16 =	vmul.f32 v16, v4;
	[tilespmem:s19+$0xFFFFFE30] =	vst v7  }
0x109: {  	v56 =	vld [tilespmem:s19+$0xFFFFFF80];
	v3 =	vmul.f32 v4, v12;
	[tilespmem:s19+$0xFFFFFEB0] =	vst v15  }
0x10a: {  	v57 =	vld [tilespmem:s19+$0xFFFFFFC0];
	v6 =	vmul.f32 v8, v2;
	[tilespmem:s19+$0xFFFFFEC0] =	vst v16  }
0x10b: {  	v5 =	vld [tilespmem:s19+$0xFFFFFEE0];
	v7 =	vmul.f32 v9, v2;
	[tilespmem:s19+$0xFFFFFE80] =	vst v3  }
0x10c: {  	v8 =	vld [tilespmem:s19+$0xFFFFFEF0];
	v12 =	vmul.f32 v52, v4;
	[tilespmem:s19+$0xFFFFFE40] =	vst v6  }
0x10d: {  	v9 =	vld [tilespmem:s19+$0xFFFFFF00];
	v6 =	vmul.f32 v10, v2;
	[tilespmem:s19+$0xFFFFFE50] =	vst v7  }
0x10e: {  	v3 =	vld.msk [tilespmem:s23+$0xFFFFFFFE ss:$0x0], $0xffff;
	v7 =	vmul.f32 v11, v2;
	[tilespmem:s19+$0xFFFFFED0] =	vst v12  }
0x10f: {  	v10 =	vld [tilespmem:s19+$0xFFFFFF10];
	[tilespmem:s19+$0xFFFFFE60] =	vst v6;
	v6 =	vmul.f32 v13, v4  }
0x110: {  	v11 =	vld [tilespmem:s19+$0xFFFFFF20];
	[tilespmem:s19+$0xFFFFFE70] =	vst v7;
	v7 =	vmul.f32 v14, v4  }
0x111: {  	v58 =	vld [tilespmem:s19+$0xFFFFFFD0];
	v5 =	vmul.f32 v5, v4;
	[tilespmem:s19+$0xFFFFFE90] =	vst v6  }
0x112: {  	v59 =	vld [tilespmem:s19+$0xFFFFFFF0];
	v4 =	vmul.f32 v8, v4;
	[tilespmem:s19+$0xFFFFFEA0] =	vst v7  }
0x113: {  	v7 =	vld [tilespmem:s19+$0xFFFFFF60];
	v6 =	vmul.f32 v3, v9;
	[tilespmem:s19+$0xFFFFFEE0] =	vst v5  }
0x114: {  	v9 =	vld [tilespmem:s19+$0xFFFFFF50];
	v5 =	vmul.f32 v10, v3;
	[tilespmem:s19+$0xFFFFFEF0] =	vst v4  }
0x115: {  	v60 =	vld [tilespmem:s19+$0x40];
	v4 =	vmul.f32 v11, v3;
	[tilespmem:s19+$0xFFFFFF00] =	vst v6  }
0x116: {  	v14 =	vmul.f32 v54, v3;
	v6 =	vld.msk [tilespmem:s23+$0xFFFFFFFF ss:$0x0], $0xffff;
	[tilespmem:s19+$0xFFFFFF10] =	vst v5  }
0x117: {  	v8 =	vld [tilespmem:s19+$0xFFFFFF90];
	v5 =	vmul.f32 v53, v3;
	[tilespmem:s19+$0xFFFFFF20] =	vst v4  }
0x118: {  	v10 =	vld [tilespmem:s19+$0xFFFFFFA0];
	[tilespmem:s19+$0xFFFFFF40] =	vst v14;
	v7 =	vmul.f32 v7, v3  }
0x119: {  	v61 =	vld.msk [tilespmem:s23+$0x1 ss:$0x0], $0xffff;
	[tilespmem:s19+$0xFFFFFF30] =	vst v5;
	v9 =	vmul.f32 v9, v3  }
0x11a: {  	v11 =	vld [tilespmem:s19+$0xFFFFFFB0];
	v3 =	vmul.f32 v55, v3;
	[tilespmem:s19+$0xFFFFFF60] =	vst v7  }
0x11b: {  	v62 =	vld [tilespmem:s19+$0xB0];
	v4 =	vmul.f32 v6, v56;
	[tilespmem:s19+$0xFFFFFF50] =	vst v9  }
0x11c: {  	v5 =	vld [tilespmem:s19+$0xFFFFFFE0];
	v7 =	vmul.f32 v8, v6;
	[tilespmem:s19+$0xFFFFFF70] =	vst v3  }
0x11d: {  	v9 =	vld [tilespmem:s19+$0x0];
	v3 =	vmul.f32 v10, v6;
	[tilespmem:s19+$0xFFFFFF80] =	vst v4  }
0x11e: {  	v13 =	vmul.f32 v58, v6;
	v4 =	vld.msk [tilespmem:s23+$0x0 ss:$0x0], $0xffff;
	[tilespmem:s19+$0xFFFFFF90] =	vst v7  }
0x11f: {  	v8 =	vld [tilespmem:s19+$0x10];
	v7 =	vmul.f32 v11, v6;
	[tilespmem:s19+$0xFFFFFFA0] =	vst v3  }
0x120: {  	v10 =	vld [tilespmem:s19+$0x20];
	v3 =	vmul.f32 v57, v6;
	[tilespmem:s19+$0xFFFFFFD0] =	vst v13  }
0x121: {  	v11 =	vld [tilespmem:s19+$0x30];
	v5 =	vmul.f32 v5, v6;
	[tilespmem:s19+$0xFFFFFFB0] =	vst v7  }
0x122: {  	v6 =	vmul.f32 v59, v6;
	[tilespmem:s19+$0xFFFFFFC0] =	vst v3;
	v3 =	vld [tilespmem:s19+$0x60]  }
0x123: {  	[tilespmem:s19+$0xFFFFFFE0] =	vst v5;
	v7 =	vmul.f32 v4, v9;
	v9 =	vld [tilespmem:s19+$0x50]  }
0x124: {  	[tilespmem:s19+$0xFFFFFFF0] =	vst v6;
	v5 =	vmul.f32 v8, v4;
	v8 =	vld [tilespmem:s19+$0x80]  }
0x125: {  	v63 =	vld.msk [tilespmem:s23+$0x2 ss:$0x0], $0xffff;
	v6 =	vmul.f32 v10, v4;
	[tilespmem:s19+$0x0] =	vst v7  }
0x126: {  	v10 =	vld [tilespmem:s19+$0x90];
	[tilespmem:s19+$0x10] =	vst v5;
	v5 =	vmul.f32 v11, v4  }
0x127: {  	v7 =	vld [tilespmem:s19+$0x70];
	[tilespmem:s19+$0x20] =	vst v6;
	v6 =	vmul.f32 v60, v4  }
0x128: {  	v11 =	vld [tilespmem:s19+$0xA0];
	v3 =	vmul.f32 v3, v4;
	[tilespmem:s19+$0x30] =	vst v5  }
0x129: {  	[tilespmem:s19+$0x40] =	vst v6;
	v5 =	vmul.f32 v9, v4;
	v9 =	vld [tilespmem:s19+$0xC0];
	v6 =	vmul.f32 v61, v8  }
0x12a: {  	[tilespmem:s19+$0x60] =	vst v3;
	v8 =	vld [tilespmem:s19+$0xD0]  }
0x12b: {  	v3 =	vmul.f32 v10, v61;
	[tilespmem:s19+$0x80] =	vst v6;
	v6 =	vld [tilespmem:s19+$0xF0]  }
0x12c: {  	[tilespmem:s19+$0x50] =	vst v5;
	v4 =	vmul.f32 v7, v4;
	v7 =	vld [tilespmem:s19+$0x100]  }
0x12d: {  	v5 =	vld [tilespmem:s19+$0xE0];
	[tilespmem:s19+$0x90] =	vst v3;
	v3 =	vmul.f32 v62, v61  }
0x12e: {  	v10 =	vld [tilespmem:s19+$0x110];
	[tilespmem:s19+$0x70] =	vst v4;
	v4 =	vmul.f32 v11, v61  }
0x12f: {  	[tilespmem:s19+$0xB0] =	vst v3;
	v3 =	vmul.f32 v8, v61;
	v8 =	vld [tilespmem:s19+$0x130]  }
0x130: {  	[tilespmem:s19+$0xA0] =	vst v4;
	v4 =	vmul.f32 v9, v61;
	v9 =	vld [tilespmem:s19+$0x120]  }
0x131: {  	[tilespmem:s19+$0xD0] =	vst v3;
	v3 =	vmul.f32 v63, v7;
	v7 =	vld [tilespmem:s19+$0x150];
	v6 =	vmul.f32 v6, v61  }
0x132: {  	[tilespmem:s19+$0xC0] =	vst v4;
	v4 =	vmul.f32 v5, v61;
	v5 =	vld [tilespmem:s19+$0x140]  }
0x133: {  	[tilespmem:s19+$0xF0] =	vst v6;
	v6 =	vld [tilespmem:s19+$0x170]  }
0x134: {  	v10 =	vmul.f32 v10, v63;
	[tilespmem:s19+$0xE0] =	vst v4;
	v4 =	vld [tilespmem:s19+$0x160]  }
0x135: {  	[tilespmem:s19+$0x100] =	vst v3;
	v3 =	vmul.f32 v9, v63  }
0x136: {  	[tilespmem:s19+$0x110] =	vst v10;
	v8 =	vmul.f32 v8, v63;
	v9 =	vld [tilespmem:s19+$0x180]  }
0x137: {  	v10 =	vld [tilespmem:s19+$0x190];
	[tilespmem:s19+$0x120] =	vst v3;
	v3 =	vmul.f32 v5, v63  }
0x138: {  	v11 =	vld [tilespmem:s19+$0x1A0];
	[tilespmem:s19+$0x130] =	vst v8;
	v5 =	vmul.f32 v7, v63  }
0x139: {  	v6 =	vmul.f32 v6, v63;
	[tilespmem:s19+$0x140] =	vst v3;
	v7 =	vmul.f32 v4, v63;
	v4 =	vld [tilespmem:s19+$0x1B0]  }
0x13a: {  	[tilespmem:s19+$0x150] =	vst v5;
	v3 =	vld [tilespmem:s19+$0x1C0]  }
0x13b: {  	v5 =	vld [tilespmem:s19+$0x1D0];
	v9 =	vmul.f32 v1, v9;
	[tilespmem:s19+$0x170] =	vst v6  }
0x13c: {  	v8 =	vmul.f32 v10, v1;
	v6 =	vld [tilespmem:s19+$0x1E0];
	[tilespmem:s19+$0x160] =	vst v7  }
0x13d: {  	s20 =	simm.s32 $0x0;
	s22 =	simm.s32 $0x530C;
	s23 =	simm.s32 $0x5600;
	v7 =	vld [tilespmem:s19+$0xFFFFFE00];
	[tilespmem:s19+$0x180] =	vst v9;
	v9 =	vmul.f32 v11, v1  }
.LBB2_5:
0x13e: {  	v10 =	vld.msk [tilespmem:s22+$0x3 ss:$0x0], $0xffff;
	s20 =	sadd.s32 $0x8, s20;
	[tilespmem:s19+$0x190] =	vst v8;
	v4 =	vmul.f32 v4, v1;
	s23 =	sadd.s32 $0x400, s23  }
0x13f: {  	v8 =	vld [tilespmem:s23+$0x1F0];
	p0 =	slt.u32 s20, $0x58;
	[tilespmem:s19+$0x1A0] =	vst v9;
	v3 =	vmul.f32 v3, v1  }
0x140: {  	v9 =	vld.msk [tilespmem:s22+$0xFFFFFFFC ss:$0x0], $0xffff;
	[tilespmem:s19+$0x1B0] =	vst v4;
	v4 =	vmul.f32 v5, v1  }
0x141: {  	v11 =	vld.msk [tilespmem:s22+$0xFFFFFFFD ss:$0x0], $0xffff;
	[tilespmem:s19+$0x1C0] =	vst v3;
	v3 =	vmul.f32 v6, v1  }
0x142: {  	v12 =	vld.msk [tilespmem:s22+$0xFFFFFFFE ss:$0x0], $0xffff;
	v2 =	vmul.f32 v2, v7;
	[tilespmem:s19+$0x1D0] =	vst v4  }
0x143: {  	v6 =	vld.msk [tilespmem:s22+$0xFFFFFFFF ss:$0x0], $0xffff;
	[tilespmem:s19+$0x1E0] =	vst v3  }
0x144: {  	v1 =	vmov v10;
	v5 =	vld.msk [tilespmem:s22+$0x0 ss:$0x0], $0xffff;
	v7 =	vmul.f32 v8, v10;
	[tilespmem:s19+$0xFFFFFE00] =	vst v2;
	s19 =	smov.u32 s23  }
0x145: {  	v4 =	vld.msk [tilespmem:s22+$0x1 ss:$0x0], $0xffff  }
0x146: {  	v3 =	vld.msk [tilespmem:s22+$0x2 ss:$0x0], $0xffff;
	[tilespmem:s23+$0x1F0] =	vst v7;
	v2 =	vmov v9  }
0x147: {  	v7 =	vld [tilespmem:s23+$0xFFFFFE10]  }
0x148: {  	v8 =	vld [tilespmem:s23+$0xFFFFFE20]  }
0x149: {  	v9 =	vld [tilespmem:s23+$0xFFFFFE30]  }
0x14a: {  	v10 =	vld [tilespmem:s23+$0xFFFFFE40]  }
0x14b: {  	v13 =	vld [tilespmem:s23+$0xFFFFFE50]  }
0x14c: {  	v7 =	vmul.f32 v7, v2;
	v14 =	vld [tilespmem:s23+$0xFFFFFE60]  }
0x14d: {  	v8 =	vmul.f32 v8, v2;
	v15 =	vld [tilespmem:s23+$0xFFFFFE70]  }
0x14e: {  	[tilespmem:s23+$0xFFFFFE10] =	vst v7;
	v7 =	vmul.f32 v9, v2;
	v9 =	vld [tilespmem:s23+$0xFFFFFE80]  }
0x14f: {  	[tilespmem:s23+$0xFFFFFE20] =	vst v8;
	v8 =	vmul.f32 v10, v2;
	v10 =	vld [tilespmem:s23+$0xFFFFFE90]  }
0x150: {  	[tilespmem:s23+$0xFFFFFE30] =	vst v7;
	v7 =	vmul.f32 v13, v2;
	v13 =	vld [tilespmem:s23+$0xFFFFFEA0]  }
0x151: {  	[tilespmem:s23+$0xFFFFFE40] =	vst v8;
	v8 =	vmul.f32 v14, v2;
	v14 =	vld [tilespmem:s23+$0xFFFFFEB0]  }
0x152: {  	[tilespmem:s23+$0xFFFFFE50] =	vst v7;
	v7 =	vmul.f32 v15, v2;
	v15 =	vld [tilespmem:s23+$0xFFFFFEC0]  }
0x153: {  	[tilespmem:s23+$0xFFFFFE60] =	vst v8;
	v8 =	vmul.f32 v11, v9;
	v9 =	vld [tilespmem:s23+$0xFFFFFED0]  }
0x154: {  	[tilespmem:s23+$0xFFFFFE70] =	vst v7;
	v7 =	vmul.f32 v10, v11;
	v10 =	vld [tilespmem:s23+$0xFFFFFEE0]  }
0x155: {  	[tilespmem:s23+$0xFFFFFE80] =	vst v8;
	v8 =	vmul.f32 v13, v11;
	v13 =	vld [tilespmem:s23+$0xFFFFFEF0]  }
0x156: {  	[tilespmem:s23+$0xFFFFFE90] =	vst v7;
	v7 =	vmul.f32 v14, v11;
	v14 =	vld [tilespmem:s23+$0xFFFFFF00]  }
0x157: {  	[tilespmem:s23+$0xFFFFFEA0] =	vst v8;
	v8 =	vmul.f32 v15, v11;
	v15 =	vld [tilespmem:s23+$0xFFFFFF10]  }
0x158: {  	[tilespmem:s23+$0xFFFFFEB0] =	vst v7;
	v7 =	vmul.f32 v9, v11;
	v9 =	vld [tilespmem:s23+$0xFFFFFF20]  }
0x159: {  	[tilespmem:s23+$0xFFFFFEC0] =	vst v8;
	v8 =	vmul.f32 v10, v11;
	v10 =	vld [tilespmem:s23+$0xFFFFFF30]  }
0x15a: {  	[tilespmem:s23+$0xFFFFFED0] =	vst v7;
	v7 =	vmul.f32 v13, v11;
	v11 =	vld [tilespmem:s23+$0xFFFFFF40]  }
0x15b: {  	[tilespmem:s23+$0xFFFFFEE0] =	vst v8;
	v8 =	vmul.f32 v12, v14;
	v13 =	vld [tilespmem:s23+$0xFFFFFF50]  }
0x15c: {  	[tilespmem:s23+$0xFFFFFEF0] =	vst v7;
	v7 =	vmul.f32 v15, v12;
	v14 =	vld [tilespmem:s23+$0xFFFFFF60]  }
0x15d: {  	[tilespmem:s23+$0xFFFFFF00] =	vst v8;
	v8 =	vmul.f32 v9, v12;
	v9 =	vld [tilespmem:s23+$0xFFFFFF70]  }
0x15e: {  	[tilespmem:s23+$0xFFFFFF10] =	vst v7;
	v7 =	vmul.f32 v10, v12;
	v10 =	vld [tilespmem:s23+$0xFFFFFF80]  }
0x15f: {  	[tilespmem:s23+$0xFFFFFF20] =	vst v8;
	v8 =	vmul.f32 v11, v12;
	v11 =	vld [tilespmem:s23+$0xFFFFFF90]  }
0x160: {  	[tilespmem:s23+$0xFFFFFF30] =	vst v7;
	v7 =	vmul.f32 v13, v12;
	v13 =	vld [tilespmem:s23+$0xFFFFFFA0]  }
0x161: {  	[tilespmem:s23+$0xFFFFFF40] =	vst v8;
	v8 =	vmul.f32 v14, v12;
	v14 =	vld [tilespmem:s23+$0xFFFFFFB0]  }
0x162: {  	[tilespmem:s23+$0xFFFFFF50] =	vst v7;
	v7 =	vmul.f32 v9, v12;
	v9 =	vld [tilespmem:s23+$0xFFFFFFC0]  }
0x163: {  	[tilespmem:s23+$0xFFFFFF60] =	vst v8;
	v8 =	vmul.f32 v6, v10;
	v10 =	vld [tilespmem:s23+$0xFFFFFFD0]  }
0x164: {  	[tilespmem:s23+$0xFFFFFF70] =	vst v7;
	v7 =	vmul.f32 v11, v6;
	v11 =	vld [tilespmem:s23+$0xFFFFFFE0]  }
0x165: {  	[tilespmem:s23+$0xFFFFFF80] =	vst v8;
	v8 =	vmul.f32 v13, v6;
	v12 =	vld [tilespmem:s23+$0xFFFFFFF0]  }
0x166: {  	[tilespmem:s23+$0xFFFFFF90] =	vst v7;
	v7 =	vmul.f32 v14, v6;
	v13 =	vld [tilespmem:s23+$0x0]  }
0x167: {  	[tilespmem:s23+$0xFFFFFFA0] =	vst v8;
	v8 =	vmul.f32 v9, v6;
	v9 =	vld [tilespmem:s23+$0x10]  }
0x168: {  	[tilespmem:s23+$0xFFFFFFB0] =	vst v7;
	v7 =	vmul.f32 v10, v6;
	v10 =	vld [tilespmem:s23+$0x20]  }
0x169: {  	[tilespmem:s23+$0xFFFFFFC0] =	vst v8;
	v8 =	vmul.f32 v11, v6;
	v11 =	vld [tilespmem:s23+$0x30]  }
0x16a: {  	[tilespmem:s23+$0xFFFFFFD0] =	vst v7;
	v6 =	vmul.f32 v12, v6;
	v7 =	vld [tilespmem:s23+$0x40]  }
0x16b: {  	[tilespmem:s23+$0xFFFFFFE0] =	vst v8;
	v8 =	vmul.f32 v5, v13;
	v12 =	vld [tilespmem:s23+$0x50]  }
0x16c: {  	[tilespmem:s23+$0xFFFFFFF0] =	vst v6;
	v6 =	vmul.f32 v9, v5;
	v9 =	vld [tilespmem:s23+$0x60]  }
0x16d: {  	[tilespmem:s23+$0x0] =	vst v8;
	v8 =	vmul.f32 v10, v5;
	v10 =	vld [tilespmem:s23+$0x70]  }
0x16e: {  	[tilespmem:s23+$0x10] =	vst v6;
	v6 =	vmul.f32 v11, v5;
	v11 =	vld [tilespmem:s23+$0x80]  }
0x16f: {  	[tilespmem:s23+$0x20] =	vst v8;
	v7 =	vmul.f32 v7, v5;
	v8 =	vld [tilespmem:s23+$0x90]  }
0x170: {  	[tilespmem:s23+$0x30] =	vst v6;
	v6 =	vmul.f32 v12, v5;
	v12 =	vld [tilespmem:s23+$0xA0]  }
0x171: {  	[tilespmem:s23+$0x40] =	vst v7;
	v7 =	vmul.f32 v9, v5;
	v9 =	vld [tilespmem:s23+$0xB0]  }
0x172: {  	[tilespmem:s23+$0x50] =	vst v6;
	v5 =	vmul.f32 v10, v5;
	v6 =	vld [tilespmem:s23+$0xC0]  }
0x173: {  	[tilespmem:s23+$0x60] =	vst v7;
	v7 =	vmul.f32 v4, v11;
	v10 =	vld [tilespmem:s23+$0xD0]  }
0x174: {  	[tilespmem:s23+$0x70] =	vst v5;
	v5 =	vmul.f32 v8, v4;
	v8 =	vld [tilespmem:s23+$0xE0]  }
0x175: {  	[tilespmem:s23+$0x80] =	vst v7;
	v7 =	vmul.f32 v12, v4;
	v11 =	vld [tilespmem:s23+$0xF0]  }
0x176: {  	[tilespmem:s23+$0x90] =	vst v5;
	v5 =	vmul.f32 v9, v4;
	v9 =	vld [tilespmem:s23+$0x100]  }
0x177: {  	[tilespmem:s23+$0xA0] =	vst v7;
	v6 =	vmul.f32 v6, v4;
	v7 =	vld [tilespmem:s23+$0x110]  }
0x178: {  	[tilespmem:s23+$0xB0] =	vst v5;
	v5 =	vmul.f32 v10, v4;
	v10 =	vld [tilespmem:s23+$0x120]  }
0x179: {  	[tilespmem:s23+$0xC0] =	vst v6;
	v6 =	vmul.f32 v8, v4;
	v8 =	vld [tilespmem:s23+$0x130]  }
0x17a: {  	[tilespmem:s23+$0xD0] =	vst v5;
	v4 =	vmul.f32 v11, v4;
	v5 =	vld [tilespmem:s23+$0x140]  }
0x17b: {  	[tilespmem:s23+$0xE0] =	vst v6;
	v6 =	vmul.f32 v3, v9;
	v9 =	vld [tilespmem:s23+$0x150]  }
0x17c: {  	[tilespmem:s23+$0xF0] =	vst v4;
	v4 =	vmul.f32 v7, v3;
	v7 =	vld [tilespmem:s23+$0x160]  }
0x17d: {  	[tilespmem:s23+$0x100] =	vst v6;
	v6 =	vmul.f32 v10, v3;
	v10 =	vld [tilespmem:s23+$0x170]  }
0x17e: {  	[tilespmem:s23+$0x110] =	vst v4;
	v4 =	vmul.f32 v8, v3;
	v8 =	vld [tilespmem:s23+$0x180]  }
0x17f: {  	[tilespmem:s23+$0x120] =	vst v6;
	v5 =	vmul.f32 v5, v3;
	v6 =	vld [tilespmem:s23+$0x190]  }
0x180: {  	[tilespmem:s23+$0x130] =	vst v4;
	v9 =	vmul.f32 v9, v3;
	v11 =	vld [tilespmem:s23+$0x1A0]  }
.Ltmp1:
0x181: {  	[tilespmem:s23+$0x140] =	vst v5;
	v5 =	vmul.f32 v7, v3;
	v4 =	vld [tilespmem:s23+$0x1B0];
	(pc) =	sbr.rel @p0 .LBB2_5-.Ltmp1, $4  }
0x182: {  	[tilespmem:s23+$0x150] =	vst v9;
	v7 =	vmul.f32 v10, v3;
	v3 =	vld [tilespmem:s23+$0x1C0]  }
0x183: {  	[tilespmem:s23+$0x160] =	vst v5;
	v9 =	vmul.f32 v1, v8;
	v5 =	vld [tilespmem:s23+$0x1D0]  }
0x184: {  	[tilespmem:s23+$0x170] =	vst v7;
	v8 =	vmul.f32 v6, v1;
	v6 =	vld [tilespmem:s23+$0x1E0]  }
0x185: {  	s22 =	sadd.s32 $0x8, s22;
	v7 =	vld [tilespmem:s23+$0xFFFFFE00];
	[tilespmem:s23+$0x180] =	vst v9;
	v9 =	vmul.f32 v11, v1  }
0x186: {  	[tilespmem:s19+$0x190] =	vst v8;
	v4 =	vmul.f32 v4, v1  }
0x187: {  	[tilespmem:s19+$0x1A0] =	vst v9;
	v3 =	vmul.f32 v3, v1  }
0x188: {  	[tilespmem:s19+$0x1B0] =	vst v4;
	v4 =	vmul.f32 v5, v1  }
0x189: {  	[tilespmem:s19+$0x1C0] =	vst v3;
	v1 =	vmul.f32 v6, v1  }
0x18a: {  	v2 =	vmul.f32 v2, v7;
	[tilespmem:s19+$0x1D0] =	vst v4  }
0x18b: {  	[tilespmem:s19+$0x1E0] =	vst v1  }
0x18c: {  	[tilespmem:s19+$0xFFFFFE00] =	vst v2  }
0x18d: {  	[spmem:s2] =	stream.indirect.scatter.add.f32 [tilespmem:s6], [sflag:$0x3], $0x80, s11, s16, $0xb8;
	[tilespmem:$0x1F980] =	vst v63  }
0x18e: {  	_ = 	snop  }
0x18f: {  	[spmem:s3] =	stream.indirect.scatter.add.f32 [tilespmem:s29], [sflag:$0x3], $0x1, s11, s16, $0xb8;
	[tilespmem:$0x1F980] =	vst v63  }
0x190: {  	v1 =	vld [tilespmem:$0x5080]  }
0x191: {  	v2 =	vld [tilespmem:$0x5200];
	_ =	sdelay $0x6  }
0x192: {  	v1 =	vld.idx.msk [tilespmem:v1+s5+$0x0], $0xffff  }
0x193: {  	v2 =	vld.idx.msk [tilespmem:v2+s4+$0x0], $0xffff;
	_ =	sdelay $0x4  }
0x194: {  	v1 =	vadd.f32 v2, v1;
	_ =	sdelay $0x1  }
0x195: {  	v2 =	vmul.f32 $2.000000030e-01, v1  }
0x196: {  	vm0 =	vge.f32 v1, $0.0e+00  }
0x197: {  	v1 =	vsel vm0, v1, v2  }
0x198: {  	v1 =	vmul.f32 $1.442695020e+00, v1;
	_ =	sdelay $0x1  }
0x199: {  	(erf) = vpow2.f32 v1;
	_ =	sdelay $0x2  }
0x19a: {  	v1 =	vld [tilespmem:$0x5090]  }
0x19b: {  	v2 =	vld [tilespmem:$0x5210];
	_ =	sdelay $0x4  }
0x19c: {  	v3 =	vpop (erf)  }
0x19d: {  	[tilespmem:$0x5380] =	vst v3  }
0x19e: {  	v1 =	vld.idx.msk [tilespmem:v1+s5+$0x0], $0xffff  }
0x19f: {  	v2 =	vld.idx.msk [tilespmem:v2+s4+$0x0], $0xffff;
	_ =	sdelay $0x4  }
0x1a0: {  	v1 =	vadd.f32 v2, v1;
	_ =	sdelay $0x1  }
0x1a1: {  	v2 =	vmul.f32 $2.000000030e-01, v1  }
0x1a2: {  	vm11 =	vge.f32 v1, $0.0e+00  }
0x1a3: {  	v1 =	vsel vm11, v1, v2  }
0x1a4: {  	v1 =	vmul.f32 $1.442695020e+00, v1;
	_ =	sdelay $0x1  }
0x1a5: {  	(erf) = vpow2.f32 v1;
	_ =	sdelay $0x2  }
0x1a6: {  	v1 =	vld [tilespmem:$0x50A0]  }
0x1a7: {  	v2 =	vld [tilespmem:$0x5220];
	_ =	sdelay $0x4  }
0x1a8: {  	v3 =	vpop (erf)  }
0x1a9: {  	[tilespmem:$0x5390] =	vst v3  }
0x1aa: {  	v1 =	vld.idx.msk [tilespmem:v1+s5+$0x0], $0xffff  }
0x1ab: {  	v2 =	vld.idx.msk [tilespmem:v2+s4+$0x0], $0xffff;
	_ =	sdelay $0x4  }
0x1ac: {  	v1 =	vadd.f32 v2, v1;
	_ =	sdelay $0x1  }
0x1ad: {  	v2 =	vmul.f32 $2.000000030e-01, v1  }
0x1ae: {  	vm12 =	vge.f32 v1, $0.0e+00  }
0x1af: {  	v1 =	vsel vm12, v1, v2  }
0x1b0: {  	v1 =	vmul.f32 $1.442695020e+00, v1;
	_ =	sdelay $0x1  }
0x1b1: {  	(erf) = vpow2.f32 v1;
	_ =	sdelay $0x2  }
0x1b2: {  	v1 =	vld [tilespmem:$0x50B0]  }
0x1b3: {  	v2 =	vld [tilespmem:$0x5230];
	_ =	sdelay $0x4  }
0x1b4: {  	v3 =	vpop (erf)  }
0x1b5: {  	[tilespmem:$0x53A0] =	vst v3  }
0x1b6: {  	v1 =	vld.idx.msk [tilespmem:v1+s5+$0x0], $0xffff  }
0x1b7: {  	v2 =	vld.idx.msk [tilespmem:v2+s4+$0x0], $0xffff;
	_ =	sdelay $0x4  }
0x1b8: {  	v1 =	vadd.f32 v2, v1;
	_ =	sdelay $0x1  }
0x1b9: {  	v2 =	vmul.f32 $2.000000030e-01, v1  }
0x1ba: {  	vm13 =	vge.f32 v1, $0.0e+00  }
0x1bb: {  	v1 =	vsel vm13, v1, v2  }
0x1bc: {  	v1 =	vmul.f32 $1.442695020e+00, v1;
	_ =	sdelay $0x1  }
0x1bd: {  	(erf) = vpow2.f32 v1;
	_ =	sdelay $0x2  }
0x1be: {  	v1 =	vld [tilespmem:$0x50C0]  }
0x1bf: {  	v2 =	vld [tilespmem:$0x5240];
	_ =	sdelay $0x4  }
0x1c0: {  	v3 =	vpop (erf)  }
0x1c1: {  	[tilespmem:$0x53B0] =	vst v3  }
0x1c2: {  	v1 =	vld.idx.msk [tilespmem:v1+s5+$0x0], $0xffff  }
0x1c3: {  	v2 =	vld.idx.msk [tilespmem:v2+s4+$0x0], $0xffff;
	_ =	sdelay $0x4  }
0x1c4: {  	v1 =	vadd.f32 v2, v1;
	_ =	sdelay $0x1  }
0x1c5: {  	v2 =	vmul.f32 $2.000000030e-01, v1  }
0x1c6: {  	vm14 =	vge.f32 v1, $0.0e+00  }
0x1c7: {  	v1 =	vsel vm14, v1, v2  }
0x1c8: {  	v1 =	vmul.f32 $1.442695020e+00, v1;
	_ =	sdelay $0x1  }
0x1c9: {  	(erf) = vpow2.f32 v1;
	_ =	sdelay $0x2  }
0x1ca: {  	v1 =	vld [tilespmem:$0x50D0]  }
0x1cb: {  	v2 =	vld [tilespmem:$0x5250];
	_ =	sdelay $0x4  }
0x1cc: {  	v3 =	vpop (erf)  }
0x1cd: {  	[tilespmem:$0x53C0] =	vst v3  }
0x1ce: {  	v1 =	vld.idx.msk [tilespmem:v1+s5+$0x0], $0xffff  }
0x1cf: {  	v2 =	vld.idx.msk [tilespmem:v2+s4+$0x0], $0xffff;
	_ =	sdelay $0x4  }
0x1d0: {  	v1 =	vadd.f32 v2, v1;
	_ =	sdelay $0x1  }
0x1d1: {  	v2 =	vmul.f32 $2.000000030e-01, v1  }
0x1d2: {  	vm15 =	vge.f32 v1, $0.0e+00  }
0x1d3: {  	v1 =	vsel vm15, v1, v2  }
0x1d4: {  	v1 =	vmul.f32 $1.442695020e+00, v1;
	_ =	sdelay $0x1  }
0x1d5: {  	(erf) = vpow2.f32 v1;
	_ =	sdelay $0x8  }
0x1d6: {  	v1 =	vpop (erf)  }
0x1d7: {  	[tilespmem:$0x53D0] =	vst v1  }
0x1d8: {  	_ =	swait.ge [sflag:s30], $0x3000  }
0x1d9: {  	[sflag:s30] =	ssyncset.done $0x0  }
0x1da: {  	[sflag:s30] =	ssyncadd.s32 $0xFFFFD000  }
0x1db: {  	_ =	swait.ge [sflag:s30], $0x60  }
0x1dc: {  	s22 =	rddreg [dreg:$0xf]  }
0x1dd: {  	s19 =	sadd.s32 s18, s22  }
0x1de: {  	[sflag:s30] =	ssyncset.done $0x0;
	s19 =	sshrl.u32 s19, $0x3  }
0x1df: {  	[sflag:s30] =	ssyncadd.s32 $0xFFFFFFA0;
	s20 =	sadd.s32 s8, s19  }
0x1e0: {  	[tilespmem:s7], [sflag:$0x5] =	stream.linear.gather [hbm4b:s20+s5], $0x60, $0x38;
	[tilespmem:$0x1F980] =	vst v63  }
0x1e1: {  	s19 =	sadd.s32 s9, s19  }
0x1e2: {  	[tilespmem:s11], [sflag:$0x5] =	stream.linear.gather [hbm4b:s19+s5], $0x60, $0x38;
	[tilespmem:$0x1F980] =	vst v63  }
0x1e3: {  	_ =	swait.ge [sflag:s31], $0x60  }
0x1e4: {  	[sflag:s31] =	ssyncset.done $0x0  }
0x1e5: {  	[sflag:s31] =	ssyncadd.s32 $0xFFFFFFA0  }
0x1e6: {  	_ =	swait.ge [sflag:s31], $0x60  }
0x1e7: {  	[sflag:s31] =	ssyncset.done $0x0  }
0x1e8: {  	[sflag:s31] =	ssyncadd.s32 $0xFFFFFFA0  }
0x1e9: {  	[tilespmem:s6], [sflag:$0x1] =	stream.indirect.gather [hbm4b:s1+s16], $0x80, s21, s16, $0xb8;
	[tilespmem:$0x1F980] =	vst v63  }
0x1ea: {  	_ =	swait.ge [sflag:s12], $0x3000  }
0x1eb: {  	[sflag:s12] =	ssyncset.done $0x0  }
0x1ec: {  	s23 =	simm.s32 $0x5384;
	[sflag:s12] =	ssyncadd.s32 $0xFFFFD000  }
0x1ed: {  	s19 =	simm.s32 $0x8600;
	v1 =	vld.msk [tilespmem:s23+$0x3 ss:$0x0], $0xffff  }
0x1ee: {  	v3 =	vld [tilespmem:s19+$0x1F0]  }
0x1ef: {  	v2 =	vld.msk [tilespmem:s23+$0xFFFFFFFC ss:$0x0], $0xffff  }
0x1f0: {  	v4 =	vld.msk [tilespmem:s23+$0xFFFFFFFD ss:$0x0], $0xffff  }
0x1f1: {  	v5 =	vld [tilespmem:s19+$0xFFFFFE10]  }
0x1f2: {  	v6 =	vld [tilespmem:s19+$0xFFFFFE20]  }
0x1f3: {  	v7 =	vld [tilespmem:s19+$0xFFFFFE30]  }
0x1f4: {  	v8 =	vld [tilespmem:s19+$0xFFFFFE40]  }
0x1f5: {  	v9 =	vld [tilespmem:s19+$0xFFFFFE50]  }
0x1f6: {  	v10 =	vld [tilespmem:s19+$0xFFFFFE60]  }
0x1f7: {  	v11 =	vld [tilespmem:s19+$0xFFFFFE70]  }
0x1f8: {  	v12 =	vld [tilespmem:s19+$0xFFFFFE80]  }
0x1f9: {  	v13 =	vld [tilespmem:s19+$0xFFFFFE90]  }
0x1fa: {  	v15 =	vld [tilespmem:s19+$0xFFFFFEB0]  }
0x1fb: {  	v16 =	vld [tilespmem:s19+$0xFFFFFEC0];
	v3 =	vmul.f32 v3, v1  }
0x1fc: {  	v14 =	vld [tilespmem:s19+$0xFFFFFEA0];
	v5 =	vmul.f32 v5, v2  }
0x1fd: {  	v52 =	vld [tilespmem:s19+$0xFFFFFED0];
	v6 =	vmul.f32 v6, v2;
	[tilespmem:s19+$0x1F0] =	vst v3  }
0x1fe: {  	v53 =	vld [tilespmem:s19+$0xFFFFFF30];
	v7 =	vmul.f32 v7, v2;
	[tilespmem:s19+$0xFFFFFE10] =	vst v5  }
0x1ff: {  	v54 =	vld [tilespmem:s19+$0xFFFFFF40];
	v15 =	vmul.f32 v15, v4;
	[tilespmem:s19+$0xFFFFFE20] =	vst v6  }
0x200: {  	v55 =	vld [tilespmem:s19+$0xFFFFFF70];
	v16 =	vmul.f32 v16, v4;
	[tilespmem:s19+$0xFFFFFE30] =	vst v7  }
0x201: {  	v56 =	vld [tilespmem:s19+$0xFFFFFF80];
	v3 =	vmul.f32 v4, v12;
	[tilespmem:s19+$0xFFFFFEB0] =	vst v15  }
0x202: {  	v57 =	vld [tilespmem:s19+$0xFFFFFFC0];
	v6 =	vmul.f32 v8, v2;
	[tilespmem:s19+$0xFFFFFEC0] =	vst v16  }
0x203: {  	v5 =	vld [tilespmem:s19+$0xFFFFFEE0];
	v7 =	vmul.f32 v9, v2;
	[tilespmem:s19+$0xFFFFFE80] =	vst v3  }
0x204: {  	v8 =	vld [tilespmem:s19+$0xFFFFFEF0];
	v12 =	vmul.f32 v52, v4;
	[tilespmem:s19+$0xFFFFFE40] =	vst v6  }
0x205: {  	v9 =	vld [tilespmem:s19+$0xFFFFFF00];
	v6 =	vmul.f32 v10, v2;
	[tilespmem:s19+$0xFFFFFE50] =	vst v7  }
0x206: {  	v3 =	vld.msk [tilespmem:s23+$0xFFFFFFFE ss:$0x0], $0xffff;
	v7 =	vmul.f32 v11, v2;
	[tilespmem:s19+$0xFFFFFED0] =	vst v12  }
0x207: {  	v10 =	vld [tilespmem:s19+$0xFFFFFF10];
	[tilespmem:s19+$0xFFFFFE60] =	vst v6;
	v6 =	vmul.f32 v13, v4  }
0x208: {  	v11 =	vld [tilespmem:s19+$0xFFFFFF20];
	[tilespmem:s19+$0xFFFFFE70] =	vst v7;
	v7 =	vmul.f32 v14, v4  }
0x209: {  	v58 =	vld [tilespmem:s19+$0xFFFFFFD0];
	v5 =	vmul.f32 v5, v4;
	[tilespmem:s19+$0xFFFFFE90] =	vst v6  }
0x20a: {  	v59 =	vld [tilespmem:s19+$0xFFFFFFF0];
	v4 =	vmul.f32 v8, v4;
	[tilespmem:s19+$0xFFFFFEA0] =	vst v7  }
0x20b: {  	v7 =	vld [tilespmem:s19+$0xFFFFFF60];
	v6 =	vmul.f32 v3, v9;
	[tilespmem:s19+$0xFFFFFEE0] =	vst v5  }
0x20c: {  	v9 =	vld [tilespmem:s19+$0xFFFFFF50];
	v5 =	vmul.f32 v10, v3;
	[tilespmem:s19+$0xFFFFFEF0] =	vst v4  }
0x20d: {  	v60 =	vld [tilespmem:s19+$0x40];
	v4 =	vmul.f32 v11, v3;
	[tilespmem:s19+$0xFFFFFF00] =	vst v6  }
0x20e: {  	v14 =	vmul.f32 v54, v3;
	v6 =	vld.msk [tilespmem:s23+$0xFFFFFFFF ss:$0x0], $0xffff;
	[tilespmem:s19+$0xFFFFFF10] =	vst v5  }
0x20f: {  	v8 =	vld [tilespmem:s19+$0xFFFFFF90];
	v5 =	vmul.f32 v53, v3;
	[tilespmem:s19+$0xFFFFFF20] =	vst v4  }
0x210: {  	v10 =	vld [tilespmem:s19+$0xFFFFFFA0];
	[tilespmem:s19+$0xFFFFFF40] =	vst v14;
	v7 =	vmul.f32 v7, v3  }
0x211: {  	v61 =	vld.msk [tilespmem:s23+$0x1 ss:$0x0], $0xffff;
	[tilespmem:s19+$0xFFFFFF30] =	vst v5;
	v9 =	vmul.f32 v9, v3  }
0x212: {  	v11 =	vld [tilespmem:s19+$0xFFFFFFB0];
	v3 =	vmul.f32 v55, v3;
	[tilespmem:s19+$0xFFFFFF60] =	vst v7  }
0x213: {  	v62 =	vld [tilespmem:s19+$0xB0];
	v4 =	vmul.f32 v6, v56;
	[tilespmem:s19+$0xFFFFFF50] =	vst v9  }
0x214: {  	v5 =	vld [tilespmem:s19+$0xFFFFFFE0];
	v7 =	vmul.f32 v8, v6;
	[tilespmem:s19+$0xFFFFFF70] =	vst v3  }
0x215: {  	v9 =	vld [tilespmem:s19+$0x0];
	v3 =	vmul.f32 v10, v6;
	[tilespmem:s19+$0xFFFFFF80] =	vst v4  }
0x216: {  	v13 =	vmul.f32 v58, v6;
	v4 =	vld.msk [tilespmem:s23+$0x0 ss:$0x0], $0xffff;
	[tilespmem:s19+$0xFFFFFF90] =	vst v7  }
0x217: {  	v8 =	vld [tilespmem:s19+$0x10];
	v7 =	vmul.f32 v11, v6;
	[tilespmem:s19+$0xFFFFFFA0] =	vst v3  }
0x218: {  	v10 =	vld [tilespmem:s19+$0x20];
	v3 =	vmul.f32 v57, v6;
	[tilespmem:s19+$0xFFFFFFD0] =	vst v13  }
0x219: {  	v11 =	vld [tilespmem:s19+$0x30];
	v5 =	vmul.f32 v5, v6;
	[tilespmem:s19+$0xFFFFFFB0] =	vst v7  }
0x21a: {  	v6 =	vmul.f32 v59, v6;
	[tilespmem:s19+$0xFFFFFFC0] =	vst v3;
	v3 =	vld [tilespmem:s19+$0x60]  }
0x21b: {  	[tilespmem:s19+$0xFFFFFFE0] =	vst v5;
	v7 =	vmul.f32 v4, v9;
	v9 =	vld [tilespmem:s19+$0x50]  }
0x21c: {  	[tilespmem:s19+$0xFFFFFFF0] =	vst v6;
	v5 =	vmul.f32 v8, v4;
	v8 =	vld [tilespmem:s19+$0x80]  }
0x21d: {  	v63 =	vld.msk [tilespmem:s23+$0x2 ss:$0x0], $0xffff;
	v6 =	vmul.f32 v10, v4;
	[tilespmem:s19+$0x0] =	vst v7  }
0x21e: {  	v10 =	vld [tilespmem:s19+$0x90];
	[tilespmem:s19+$0x10] =	vst v5;
	v5 =	vmul.f32 v11, v4  }
0x21f: {  	v7 =	vld [tilespmem:s19+$0x70];
	[tilespmem:s19+$0x20] =	vst v6;
	v6 =	vmul.f32 v60, v4  }
0x220: {  	v11 =	vld [tilespmem:s19+$0xA0];
	v3 =	vmul.f32 v3, v4;
	[tilespmem:s19+$0x30] =	vst v5  }
0x221: {  	[tilespmem:s19+$0x40] =	vst v6;
	v5 =	vmul.f32 v9, v4;
	v9 =	vld [tilespmem:s19+$0xC0];
	v6 =	vmul.f32 v61, v8  }
0x222: {  	[tilespmem:s19+$0x60] =	vst v3;
	v8 =	vld [tilespmem:s19+$0xD0]  }
0x223: {  	v3 =	vmul.f32 v10, v61;
	[tilespmem:s19+$0x80] =	vst v6;
	v6 =	vld [tilespmem:s19+$0xF0]  }
0x224: {  	[tilespmem:s19+$0x50] =	vst v5;
	v4 =	vmul.f32 v7, v4;
	v7 =	vld [tilespmem:s19+$0x100]  }
0x225: {  	v5 =	vld [tilespmem:s19+$0xE0];
	[tilespmem:s19+$0x90] =	vst v3;
	v3 =	vmul.f32 v62, v61  }
0x226: {  	v10 =	vld [tilespmem:s19+$0x110];
	[tilespmem:s19+$0x70] =	vst v4;
	v4 =	vmul.f32 v11, v61  }
0x227: {  	[tilespmem:s19+$0xB0] =	vst v3;
	v3 =	vmul.f32 v8, v61;
	v8 =	vld [tilespmem:s19+$0x130]  }
0x228: {  	[tilespmem:s19+$0xA0] =	vst v4;
	v4 =	vmul.f32 v9, v61;
	v9 =	vld [tilespmem:s19+$0x120]  }
0x229: {  	[tilespmem:s19+$0xD0] =	vst v3;
	v3 =	vmul.f32 v63, v7;
	v7 =	vld [tilespmem:s19+$0x150];
	v6 =	vmul.f32 v6, v61  }
0x22a: {  	[tilespmem:s19+$0xC0] =	vst v4;
	v4 =	vmul.f32 v5, v61;
	v5 =	vld [tilespmem:s19+$0x140]  }
0x22b: {  	[tilespmem:s19+$0xF0] =	vst v6;
	v6 =	vld [tilespmem:s19+$0x170]  }
0x22c: {  	v10 =	vmul.f32 v10, v63;
	[tilespmem:s19+$0xE0] =	vst v4;
	v4 =	vld [tilespmem:s19+$0x160]  }
0x22d: {  	[tilespmem:s19+$0x100] =	vst v3;
	v3 =	vmul.f32 v9, v63  }
0x22e: {  	[tilespmem:s19+$0x110] =	vst v10;
	v8 =	vmul.f32 v8, v63;
	v9 =	vld [tilespmem:s19+$0x180]  }
0x22f: {  	v10 =	vld [tilespmem:s19+$0x190];
	[tilespmem:s19+$0x120] =	vst v3;
	v3 =	vmul.f32 v5, v63  }
0x230: {  	v11 =	vld [tilespmem:s19+$0x1A0];
	[tilespmem:s19+$0x130] =	vst v8;
	v5 =	vmul.f32 v7, v63  }
0x231: {  	v6 =	vmul.f32 v6, v63;
	[tilespmem:s19+$0x140] =	vst v3;
	v7 =	vmul.f32 v4, v63;
	v4 =	vld [tilespmem:s19+$0x1B0]  }
0x232: {  	[tilespmem:s19+$0x150] =	vst v5;
	v3 =	vld [tilespmem:s19+$0x1C0]  }
0x233: {  	v5 =	vld [tilespmem:s19+$0x1D0];
	v9 =	vmul.f32 v1, v9;
	[tilespmem:s19+$0x170] =	vst v6  }
0x234: {  	v8 =	vmul.f32 v10, v1;
	v6 =	vld [tilespmem:s19+$0x1E0];
	[tilespmem:s19+$0x160] =	vst v7  }
0x235: {  	s22 =	simm.s32 $0x538C;
	s20 =	simm.s32 $0x0;
	s23 =	simm.s32 $0x8600;
	v7 =	vld [tilespmem:s19+$0xFFFFFE00];
	[tilespmem:s19+$0x180] =	vst v9;
	v9 =	vmul.f32 v11, v1  }
.LBB2_7:
0x236: {  	v10 =	vld.msk [tilespmem:s22+$0x3 ss:$0x0], $0xffff;
	s20 =	sadd.s32 $0x8, s20;
	[tilespmem:s19+$0x190] =	vst v8;
	v4 =	vmul.f32 v4, v1;
	s23 =	sadd.s32 $0x400, s23  }
0x237: {  	v8 =	vld [tilespmem:s23+$0x1F0];
	p0 =	slt.u32 s20, $0x58;
	[tilespmem:s19+$0x1A0] =	vst v9;
	v3 =	vmul.f32 v3, v1  }
0x238: {  	v9 =	vld.msk [tilespmem:s22+$0xFFFFFFFC ss:$0x0], $0xffff;
	[tilespmem:s19+$0x1B0] =	vst v4;
	v4 =	vmul.f32 v5, v1  }
0x239: {  	v11 =	vld.msk [tilespmem:s22+$0xFFFFFFFD ss:$0x0], $0xffff;
	[tilespmem:s19+$0x1C0] =	vst v3;
	v3 =	vmul.f32 v6, v1  }
0x23a: {  	v12 =	vld.msk [tilespmem:s22+$0xFFFFFFFE ss:$0x0], $0xffff;
	v2 =	vmul.f32 v2, v7;
	[tilespmem:s19+$0x1D0] =	vst v4  }
0x23b: {  	v6 =	vld.msk [tilespmem:s22+$0xFFFFFFFF ss:$0x0], $0xffff;
	[tilespmem:s19+$0x1E0] =	vst v3  }
0x23c: {  	v1 =	vmov v10;
	v5 =	vld.msk [tilespmem:s22+$0x0 ss:$0x0], $0xffff;
	v7 =	vmul.f32 v8, v10;
	[tilespmem:s19+$0xFFFFFE00] =	vst v2;
	s19 =	smov.u32 s23  }
0x23d: {  	v4 =	vld.msk [tilespmem:s22+$0x1 ss:$0x0], $0xffff  }
0x23e: {  	v3 =	vld.msk [tilespmem:s22+$0x2 ss:$0x0], $0xffff;
	[tilespmem:s23+$0x1F0] =	vst v7;
	v2 =	vmov v9  }
0x23f: {  	v7 =	vld [tilespmem:s23+$0xFFFFFE10]  }
0x240: {  	v8 =	vld [tilespmem:s23+$0xFFFFFE20]  }
0x241: {  	v9 =	vld [tilespmem:s23+$0xFFFFFE30]  }
0x242: {  	v10 =	vld [tilespmem:s23+$0xFFFFFE40]  }
0x243: {  	v13 =	vld [tilespmem:s23+$0xFFFFFE50]  }
0x244: {  	v7 =	vmul.f32 v7, v2;
	v14 =	vld [tilespmem:s23+$0xFFFFFE60]  }
0x245: {  	v8 =	vmul.f32 v8, v2;
	v15 =	vld [tilespmem:s23+$0xFFFFFE70]  }
0x246: {  	[tilespmem:s23+$0xFFFFFE10] =	vst v7;
	v7 =	vmul.f32 v9, v2;
	v9 =	vld [tilespmem:s23+$0xFFFFFE80]  }
0x247: {  	[tilespmem:s23+$0xFFFFFE20] =	vst v8;
	v8 =	vmul.f32 v10, v2;
	v10 =	vld [tilespmem:s23+$0xFFFFFE90]  }
0x248: {  	[tilespmem:s23+$0xFFFFFE30] =	vst v7;
	v7 =	vmul.f32 v13, v2;
	v13 =	vld [tilespmem:s23+$0xFFFFFEA0]  }
0x249: {  	[tilespmem:s23+$0xFFFFFE40] =	vst v8;
	v8 =	vmul.f32 v14, v2;
	v14 =	vld [tilespmem:s23+$0xFFFFFEB0]  }
0x24a: {  	[tilespmem:s23+$0xFFFFFE50] =	vst v7;
	v7 =	vmul.f32 v15, v2;
	v15 =	vld [tilespmem:s23+$0xFFFFFEC0]  }
0x24b: {  	[tilespmem:s23+$0xFFFFFE60] =	vst v8;
	v8 =	vmul.f32 v11, v9;
	v9 =	vld [tilespmem:s23+$0xFFFFFED0]  }
0x24c: {  	[tilespmem:s23+$0xFFFFFE70] =	vst v7;
	v7 =	vmul.f32 v10, v11;
	v10 =	vld [tilespmem:s23+$0xFFFFFEE0]  }
0x24d: {  	[tilespmem:s23+$0xFFFFFE80] =	vst v8;
	v8 =	vmul.f32 v13, v11;
	v13 =	vld [tilespmem:s23+$0xFFFFFEF0]  }
0x24e: {  	[tilespmem:s23+$0xFFFFFE90] =	vst v7;
	v7 =	vmul.f32 v14, v11;
	v14 =	vld [tilespmem:s23+$0xFFFFFF00]  }
0x24f: {  	[tilespmem:s23+$0xFFFFFEA0] =	vst v8;
	v8 =	vmul.f32 v15, v11;
	v15 =	vld [tilespmem:s23+$0xFFFFFF10]  }
0x250: {  	[tilespmem:s23+$0xFFFFFEB0] =	vst v7;
	v7 =	vmul.f32 v9, v11;
	v9 =	vld [tilespmem:s23+$0xFFFFFF20]  }
0x251: {  	[tilespmem:s23+$0xFFFFFEC0] =	vst v8;
	v8 =	vmul.f32 v10, v11;
	v10 =	vld [tilespmem:s23+$0xFFFFFF30]  }
0x252: {  	[tilespmem:s23+$0xFFFFFED0] =	vst v7;
	v7 =	vmul.f32 v13, v11;
	v11 =	vld [tilespmem:s23+$0xFFFFFF40]  }
0x253: {  	[tilespmem:s23+$0xFFFFFEE0] =	vst v8;
	v8 =	vmul.f32 v12, v14;
	v13 =	vld [tilespmem:s23+$0xFFFFFF50]  }
0x254: {  	[tilespmem:s23+$0xFFFFFEF0] =	vst v7;
	v7 =	vmul.f32 v15, v12;
	v14 =	vld [tilespmem:s23+$0xFFFFFF60]  }
0x255: {  	[tilespmem:s23+$0xFFFFFF00] =	vst v8;
	v8 =	vmul.f32 v9, v12;
	v9 =	vld [tilespmem:s23+$0xFFFFFF70]  }
0x256: {  	[tilespmem:s23+$0xFFFFFF10] =	vst v7;
	v7 =	vmul.f32 v10, v12;
	v10 =	vld [tilespmem:s23+$0xFFFFFF80]  }
0x257: {  	[tilespmem:s23+$0xFFFFFF20] =	vst v8;
	v8 =	vmul.f32 v11, v12;
	v11 =	vld [tilespmem:s23+$0xFFFFFF90]  }
0x258: {  	[tilespmem:s23+$0xFFFFFF30] =	vst v7;
	v7 =	vmul.f32 v13, v12;
	v13 =	vld [tilespmem:s23+$0xFFFFFFA0]  }
0x259: {  	[tilespmem:s23+$0xFFFFFF40] =	vst v8;
	v8 =	vmul.f32 v14, v12;
	v14 =	vld [tilespmem:s23+$0xFFFFFFB0]  }
0x25a: {  	[tilespmem:s23+$0xFFFFFF50] =	vst v7;
	v7 =	vmul.f32 v9, v12;
	v9 =	vld [tilespmem:s23+$0xFFFFFFC0]  }
0x25b: {  	[tilespmem:s23+$0xFFFFFF60] =	vst v8;
	v8 =	vmul.f32 v6, v10;
	v10 =	vld [tilespmem:s23+$0xFFFFFFD0]  }
0x25c: {  	[tilespmem:s23+$0xFFFFFF70] =	vst v7;
	v7 =	vmul.f32 v11, v6;
	v11 =	vld [tilespmem:s23+$0xFFFFFFE0]  }
0x25d: {  	[tilespmem:s23+$0xFFFFFF80] =	vst v8;
	v8 =	vmul.f32 v13, v6;
	v12 =	vld [tilespmem:s23+$0xFFFFFFF0]  }
0x25e: {  	[tilespmem:s23+$0xFFFFFF90] =	vst v7;
	v7 =	vmul.f32 v14, v6;
	v13 =	vld [tilespmem:s23+$0x0]  }
0x25f: {  	[tilespmem:s23+$0xFFFFFFA0] =	vst v8;
	v8 =	vmul.f32 v9, v6;
	v9 =	vld [tilespmem:s23+$0x10]  }
0x260: {  	[tilespmem:s23+$0xFFFFFFB0] =	vst v7;
	v7 =	vmul.f32 v10, v6;
	v10 =	vld [tilespmem:s23+$0x20]  }
0x261: {  	[tilespmem:s23+$0xFFFFFFC0] =	vst v8;
	v8 =	vmul.f32 v11, v6;
	v11 =	vld [tilespmem:s23+$0x30]  }
0x262: {  	[tilespmem:s23+$0xFFFFFFD0] =	vst v7;
	v6 =	vmul.f32 v12, v6;
	v7 =	vld [tilespmem:s23+$0x40]  }
0x263: {  	[tilespmem:s23+$0xFFFFFFE0] =	vst v8;
	v8 =	vmul.f32 v5, v13;
	v12 =	vld [tilespmem:s23+$0x50]  }
0x264: {  	[tilespmem:s23+$0xFFFFFFF0] =	vst v6;
	v6 =	vmul.f32 v9, v5;
	v9 =	vld [tilespmem:s23+$0x60]  }
0x265: {  	[tilespmem:s23+$0x0] =	vst v8;
	v8 =	vmul.f32 v10, v5;
	v10 =	vld [tilespmem:s23+$0x70]  }
0x266: {  	[tilespmem:s23+$0x10] =	vst v6;
	v6 =	vmul.f32 v11, v5;
	v11 =	vld [tilespmem:s23+$0x80]  }
0x267: {  	[tilespmem:s23+$0x20] =	vst v8;
	v7 =	vmul.f32 v7, v5;
	v8 =	vld [tilespmem:s23+$0x90]  }
0x268: {  	[tilespmem:s23+$0x30] =	vst v6;
	v6 =	vmul.f32 v12, v5;
	v12 =	vld [tilespmem:s23+$0xA0]  }
0x269: {  	[tilespmem:s23+$0x40] =	vst v7;
	v7 =	vmul.f32 v9, v5;
	v9 =	vld [tilespmem:s23+$0xB0]  }
0x26a: {  	[tilespmem:s23+$0x50] =	vst v6;
	v5 =	vmul.f32 v10, v5;
	v6 =	vld [tilespmem:s23+$0xC0]  }
0x26b: {  	[tilespmem:s23+$0x60] =	vst v7;
	v7 =	vmul.f32 v4, v11;
	v10 =	vld [tilespmem:s23+$0xD0]  }
0x26c: {  	[tilespmem:s23+$0x70] =	vst v5;
	v5 =	vmul.f32 v8, v4;
	v8 =	vld [tilespmem:s23+$0xE0]  }
0x26d: {  	[tilespmem:s23+$0x80] =	vst v7;
	v7 =	vmul.f32 v12, v4;
	v11 =	vld [tilespmem:s23+$0xF0]  }
0x26e: {  	[tilespmem:s23+$0x90] =	vst v5;
	v5 =	vmul.f32 v9, v4;
	v9 =	vld [tilespmem:s23+$0x100]  }
0x26f: {  	[tilespmem:s23+$0xA0] =	vst v7;
	v6 =	vmul.f32 v6, v4;
	v7 =	vld [tilespmem:s23+$0x110]  }
0x270: {  	[tilespmem:s23+$0xB0] =	vst v5;
	v5 =	vmul.f32 v10, v4;
	v10 =	vld [tilespmem:s23+$0x120]  }
0x271: {  	[tilespmem:s23+$0xC0] =	vst v6;
	v6 =	vmul.f32 v8, v4;
	v8 =	vld [tilespmem:s23+$0x130]  }
0x272: {  	[tilespmem:s23+$0xD0] =	vst v5;
	v4 =	vmul.f32 v11, v4;
	v5 =	vld [tilespmem:s23+$0x140]  }
0x273: {  	[tilespmem:s23+$0xE0] =	vst v6;
	v6 =	vmul.f32 v3, v9;
	v9 =	vld [tilespmem:s23+$0x150]  }
0x274: {  	[tilespmem:s23+$0xF0] =	vst v4;
	v4 =	vmul.f32 v7, v3;
	v7 =	vld [tilespmem:s23+$0x160]  }
0x275: {  	[tilespmem:s23+$0x100] =	vst v6;
	v6 =	vmul.f32 v10, v3;
	v10 =	vld [tilespmem:s23+$0x170]  }
0x276: {  	[tilespmem:s23+$0x110] =	vst v4;
	v4 =	vmul.f32 v8, v3;
	v8 =	vld [tilespmem:s23+$0x180]  }
0x277: {  	[tilespmem:s23+$0x120] =	vst v6;
	v5 =	vmul.f32 v5, v3;
	v6 =	vld [tilespmem:s23+$0x190]  }
0x278: {  	[tilespmem:s23+$0x130] =	vst v4;
	v9 =	vmul.f32 v9, v3;
	v11 =	vld [tilespmem:s23+$0x1A0]  }
.Ltmp2:
0x279: {  	[tilespmem:s23+$0x140] =	vst v5;
	v5 =	vmul.f32 v7, v3;
	v4 =	vld [tilespmem:s23+$0x1B0];
	(pc) =	sbr.rel @p0 .LBB2_7-.Ltmp2, $4  }
0x27a: {  	[tilespmem:s23+$0x150] =	vst v9;
	v7 =	vmul.f32 v10, v3;
	v3 =	vld [tilespmem:s23+$0x1C0]  }
0x27b: {  	[tilespmem:s23+$0x160] =	vst v5;
	v9 =	vmul.f32 v1, v8;
	v5 =	vld [tilespmem:s23+$0x1D0]  }
0x27c: {  	[tilespmem:s23+$0x170] =	vst v7;
	v8 =	vmul.f32 v6, v1;
	v6 =	vld [tilespmem:s23+$0x1E0]  }
0x27d: {  	s22 =	sadd.s32 $0x8, s22;
	v7 =	vld [tilespmem:s23+$0xFFFFFE00];
	[tilespmem:s23+$0x180] =	vst v9;
	v9 =	vmul.f32 v11, v1  }
0x27e: {  	[tilespmem:s19+$0x190] =	vst v8;
	v4 =	vmul.f32 v4, v1  }
0x27f: {  	[tilespmem:s19+$0x1A0] =	vst v9;
	v3 =	vmul.f32 v3, v1  }
0x280: {  	[tilespmem:s19+$0x1B0] =	vst v4;
	v4 =	vmul.f32 v5, v1  }
0x281: {  	[tilespmem:s19+$0x1C0] =	vst v3;
	v1 =	vmul.f32 v6, v1  }
0x282: {  	v2 =	vmul.f32 v2, v7;
	[tilespmem:s19+$0x1D0] =	vst v4  }
0x283: {  	[tilespmem:s19+$0x1E0] =	vst v1  }
0x284: {  	[tilespmem:s19+$0xFFFFFE00] =	vst v2  }
0x285: {  	[spmem:s2] =	stream.indirect.scatter.add.f32 [tilespmem:s26], [sflag:$0x4], $0x80, s14, s16, $0xb8;
	[tilespmem:$0x1F980] =	vst v63  }
0x286: {  	_ = 	snop  }
0x287: {  	[spmem:s3] =	stream.indirect.scatter.add.f32 [tilespmem:s10], [sflag:$0x4], $0x1, s14, s16, $0xb8;
	[tilespmem:$0x1F980] =	vst v63  }
0x288: {  	v1 =	vld [tilespmem:$0x5100]  }
0x289: {  	v2 =	vld [tilespmem:$0x5280];
	_ =	sdelay $0x6  }
0x28a: {  	v1 =	vld.idx.msk [tilespmem:v1+s5+$0x0], $0xffff  }
0x28b: {  	v2 =	vld.idx.msk [tilespmem:v2+s4+$0x0], $0xffff;
	_ =	sdelay $0x4  }
0x28c: {  	v1 =	vadd.f32 v2, v1;
	_ =	sdelay $0x1  }
0x28d: {  	v2 =	vmul.f32 $2.000000030e-01, v1  }
0x28e: {  	vm0 =	vge.f32 v1, $0.0e+00  }
0x28f: {  	v1 =	vsel vm0, v1, v2  }
0x290: {  	v1 =	vmul.f32 $1.442695020e+00, v1;
	_ =	sdelay $0x1  }
0x291: {  	(erf) = vpow2.f32 v1;
	_ =	sdelay $0x2  }
0x292: {  	v1 =	vld [tilespmem:$0x5110]  }
0x293: {  	v2 =	vld [tilespmem:$0x5290];
	_ =	sdelay $0x4  }
0x294: {  	v3 =	vpop (erf)  }
0x295: {  	[tilespmem:$0x5300] =	vst v3  }
0x296: {  	v1 =	vld.idx.msk [tilespmem:v1+s5+$0x0], $0xffff  }
0x297: {  	v2 =	vld.idx.msk [tilespmem:v2+s4+$0x0], $0xffff;
	_ =	sdelay $0x4  }
0x298: {  	v1 =	vadd.f32 v2, v1;
	_ =	sdelay $0x1  }
0x299: {  	v2 =	vmul.f32 $2.000000030e-01, v1  }
0x29a: {  	vm11 =	vge.f32 v1, $0.0e+00  }
0x29b: {  	v1 =	vsel vm11, v1, v2  }
0x29c: {  	v1 =	vmul.f32 $1.442695020e+00, v1;
	_ =	sdelay $0x1  }
0x29d: {  	(erf) = vpow2.f32 v1;
	_ =	sdelay $0x2  }
0x29e: {  	v1 =	vld [tilespmem:$0x5120]  }
0x29f: {  	v2 =	vld [tilespmem:$0x52A0];
	_ =	sdelay $0x4  }
0x2a0: {  	v3 =	vpop (erf)  }
0x2a1: {  	[tilespmem:$0x5310] =	vst v3  }
0x2a2: {  	v1 =	vld.idx.msk [tilespmem:v1+s5+$0x0], $0xffff  }
0x2a3: {  	v2 =	vld.idx.msk [tilespmem:v2+s4+$0x0], $0xffff;
	_ =	sdelay $0x4  }
0x2a4: {  	v1 =	vadd.f32 v2, v1;
	_ =	sdelay $0x1  }
0x2a5: {  	v2 =	vmul.f32 $2.000000030e-01, v1  }
0x2a6: {  	vm12 =	vge.f32 v1, $0.0e+00  }
0x2a7: {  	v1 =	vsel vm12, v1, v2  }
0x2a8: {  	v1 =	vmul.f32 $1.442695020e+00, v1;
	_ =	sdelay $0x1  }
0x2a9: {  	(erf) = vpow2.f32 v1;
	_ =	sdelay $0x2  }
0x2aa: {  	v1 =	vld [tilespmem:$0x5130]  }
0x2ab: {  	v2 =	vld [tilespmem:$0x52B0];
	_ =	sdelay $0x4  }
0x2ac: {  	v3 =	vpop (erf)  }
0x2ad: {  	[tilespmem:$0x5320] =	vst v3  }
0x2ae: {  	v1 =	vld.idx.msk [tilespmem:v1+s5+$0x0], $0xffff  }
0x2af: {  	v2 =	vld.idx.msk [tilespmem:v2+s4+$0x0], $0xffff;
	_ =	sdelay $0x4  }
0x2b0: {  	v1 =	vadd.f32 v2, v1;
	_ =	sdelay $0x1  }
0x2b1: {  	v2 =	vmul.f32 $2.000000030e-01, v1  }
0x2b2: {  	vm13 =	vge.f32 v1, $0.0e+00  }
0x2b3: {  	v1 =	vsel vm13, v1, v2  }
0x2b4: {  	v1 =	vmul.f32 $1.442695020e+00, v1;
	_ =	sdelay $0x1  }
0x2b5: {  	(erf) = vpow2.f32 v1;
	_ =	sdelay $0x2  }
0x2b6: {  	v1 =	vld [tilespmem:$0x5140]  }
0x2b7: {  	v2 =	vld [tilespmem:$0x52C0];
	_ =	sdelay $0x4  }
0x2b8: {  	v3 =	vpop (erf)  }
0x2b9: {  	[tilespmem:$0x5330] =	vst v3  }
0x2ba: {  	v1 =	vld.idx.msk [tilespmem:v1+s5+$0x0], $0xffff  }
0x2bb: {  	v2 =	vld.idx.msk [tilespmem:v2+s4+$0x0], $0xffff;
	_ =	sdelay $0x4  }
0x2bc: {  	v1 =	vadd.f32 v2, v1;
	_ =	sdelay $0x1  }
0x2bd: {  	v2 =	vmul.f32 $2.000000030e-01, v1  }
0x2be: {  	vm14 =	vge.f32 v1, $0.0e+00  }
0x2bf: {  	v1 =	vsel vm14, v1, v2  }
0x2c0: {  	v1 =	vmul.f32 $1.442695020e+00, v1;
	_ =	sdelay $0x1  }
0x2c1: {  	(erf) = vpow2.f32 v1;
	_ =	sdelay $0x2  }
0x2c2: {  	v1 =	vld [tilespmem:$0x5150]  }
0x2c3: {  	v2 =	vld [tilespmem:$0x52D0];
	_ =	sdelay $0x4  }
0x2c4: {  	v3 =	vpop (erf)  }
0x2c5: {  	[tilespmem:$0x5340] =	vst v3  }
0x2c6: {  	v1 =	vld.idx.msk [tilespmem:v1+s5+$0x0], $0xffff  }
0x2c7: {  	v2 =	vld.idx.msk [tilespmem:v2+s4+$0x0], $0xffff;
	_ =	sdelay $0x4  }
0x2c8: {  	v1 =	vadd.f32 v2, v1;
	_ =	sdelay $0x1  }
0x2c9: {  	v2 =	vmul.f32 $2.000000030e-01, v1  }
0x2ca: {  	vm15 =	vge.f32 v1, $0.0e+00  }
0x2cb: {  	v1 =	vsel vm15, v1, v2  }
0x2cc: {  	v1 =	vmul.f32 $1.442695020e+00, v1;
	_ =	sdelay $0x1  }
0x2cd: {  	(erf) = vpow2.f32 v1;
	_ =	sdelay $0x8  }
0x2ce: {  	v1 =	vpop (erf)  }
0x2cf: {  	[tilespmem:$0x5350] =	vst v1  }
0x2d0: {  	_ =	swait.ge [sflag:s0], $0x3000  }
0x2d1: {  	[sflag:s0] =	ssyncset.done $0x0  }
0x2d2: {  	[sflag:s0] =	ssyncadd.s32 $0xFFFFD000  }
0x2d3: {  	_ =	swait.ge [sflag:s0], $0x60  }
0x2d4: {  	s22 =	rddreg [dreg:$0x10]  }
0x2d5: {  	s19 =	sadd.s32 s18, s22  }
0x2d6: {  	[sflag:s0] =	ssyncset.done $0x0;
	s19 =	sshrl.u32 s19, $0x3  }
0x2d7: {  	[sflag:s0] =	ssyncadd.s32 $0xFFFFFFA0;
	s20 =	sadd.s32 s8, s19  }
0x2d8: {  	[tilespmem:s13], [sflag:$0x6] =	stream.linear.gather [hbm4b:s20+s5], $0x60, $0x38;
	[tilespmem:$0x1F980] =	vst v63  }
0x2d9: {  	s19 =	sadd.s32 s9, s19  }
0x2da: {  	[tilespmem:s14], [sflag:$0x6] =	stream.linear.gather [hbm4b:s19+s5], $0x60, $0x38;
	[tilespmem:$0x1F980] =	vst v63  }
0x2db: {  	_ =	swait.ge [sflag:s15], $0x60  }
0x2dc: {  	[sflag:s15] =	ssyncset.done $0x0  }
0x2dd: {  	[sflag:s15] =	ssyncadd.s32 $0xFFFFFFA0  }
0x2de: {  	_ =	swait.ge [sflag:s15], $0x60  }
0x2df: {  	[sflag:s15] =	ssyncset.done $0x0  }
0x2e0: {  	[sflag:s15] =	ssyncadd.s32 $0xFFFFFFA0  }
0x2e1: {  	[tilespmem:s26], [sflag:$0x2] =	stream.indirect.gather [hbm4b:s1+s16], $0x80, s7, s16, $0xb8;
	[tilespmem:$0x1F980] =	vst v63  }
0x2e2: {  	_ =	swait.ge [sflag:s28], $0x3000  }
0x2e3: {  	[sflag:s28] =	ssyncset.done $0x0  }
0x2e4: {  	s23 =	simm.s32 $0x5304;
	[sflag:s28] =	ssyncadd.s32 $0xFFFFD000  }
0x2e5: {  	s19 =	simm.s32 $0x5600;
	v1 =	vld.msk [tilespmem:s23+$0x3 ss:$0x0], $0xffff  }
0x2e6: {  	v3 =	vld [tilespmem:s19+$0x1F0]  }
0x2e7: {  	v2 =	vld.msk [tilespmem:s23+$0xFFFFFFFC ss:$0x0], $0xffff  }
0x2e8: {  	v4 =	vld.msk [tilespmem:s23+$0xFFFFFFFD ss:$0x0], $0xffff  }
0x2e9: {  	v5 =	vld [tilespmem:s19+$0xFFFFFE10]  }
0x2ea: {  	v6 =	vld [tilespmem:s19+$0xFFFFFE20]  }
0x2eb: {  	v7 =	vld [tilespmem:s19+$0xFFFFFE30]  }
0x2ec: {  	v8 =	vld [tilespmem:s19+$0xFFFFFE40]  }
0x2ed: {  	v9 =	vld [tilespmem:s19+$0xFFFFFE50]  }
0x2ee: {  	v10 =	vld [tilespmem:s19+$0xFFFFFE60]  }
0x2ef: {  	v11 =	vld [tilespmem:s19+$0xFFFFFE70]  }
0x2f0: {  	v12 =	vld [tilespmem:s19+$0xFFFFFE80]  }
0x2f1: {  	v13 =	vld [tilespmem:s19+$0xFFFFFE90]  }
0x2f2: {  	v15 =	vld [tilespmem:s19+$0xFFFFFEB0]  }
0x2f3: {  	v16 =	vld [tilespmem:s19+$0xFFFFFEC0];
	v3 =	vmul.f32 v3, v1  }
0x2f4: {  	v14 =	vld [tilespmem:s19+$0xFFFFFEA0];
	v5 =	vmul.f32 v5, v2  }
0x2f5: {  	v52 =	vld [tilespmem:s19+$0xFFFFFED0];
	v6 =	vmul.f32 v6, v2;
	[tilespmem:s19+$0x1F0] =	vst v3  }
0x2f6: {  	v53 =	vld [tilespmem:s19+$0xFFFFFF30];
	v7 =	vmul.f32 v7, v2;
	[tilespmem:s19+$0xFFFFFE10] =	vst v5  }
0x2f7: {  	v54 =	vld [tilespmem:s19+$0xFFFFFF40];
	v15 =	vmul.f32 v15, v4;
	[tilespmem:s19+$0xFFFFFE20] =	vst v6  }
0x2f8: {  	v55 =	vld [tilespmem:s19+$0xFFFFFF70];
	v16 =	vmul.f32 v16, v4;
	[tilespmem:s19+$0xFFFFFE30] =	vst v7  }
0x2f9: {  	v56 =	vld [tilespmem:s19+$0xFFFFFF80];
	v3 =	vmul.f32 v4, v12;
	[tilespmem:s19+$0xFFFFFEB0] =	vst v15  }
0x2fa: {  	v57 =	vld [tilespmem:s19+$0xFFFFFFC0];
	v6 =	vmul.f32 v8, v2;
	[tilespmem:s19+$0xFFFFFEC0] =	vst v16  }
0x2fb: {  	v5 =	vld [tilespmem:s19+$0xFFFFFEE0];
	v7 =	vmul.f32 v9, v2;
	[tilespmem:s19+$0xFFFFFE80] =	vst v3  }
0x2fc: {  	v8 =	vld [tilespmem:s19+$0xFFFFFEF0];
	v12 =	vmul.f32 v52, v4;
	[tilespmem:s19+$0xFFFFFE40] =	vst v6  }
0x2fd: {  	v9 =	vld [tilespmem:s19+$0xFFFFFF00];
	v6 =	vmul.f32 v10, v2;
	[tilespmem:s19+$0xFFFFFE50] =	vst v7  }
0x2fe: {  	v3 =	vld.msk [tilespmem:s23+$0xFFFFFFFE ss:$0x0], $0xffff;
	v7 =	vmul.f32 v11, v2;
	[tilespmem:s19+$0xFFFFFED0] =	vst v12  }
0x2ff: {  	v10 =	vld [tilespmem:s19+$0xFFFFFF10];
	[tilespmem:s19+$0xFFFFFE60] =	vst v6;
	v6 =	vmul.f32 v13, v4  }
0x300: {  	v11 =	vld [tilespmem:s19+$0xFFFFFF20];
	[tilespmem:s19+$0xFFFFFE70] =	vst v7;
	v7 =	vmul.f32 v14, v4  }
0x301: {  	v58 =	vld [tilespmem:s19+$0xFFFFFFD0];
	v5 =	vmul.f32 v5, v4;
	[tilespmem:s19+$0xFFFFFE90] =	vst v6  }
0x302: {  	v59 =	vld [tilespmem:s19+$0xFFFFFFF0];
	v4 =	vmul.f32 v8, v4;
	[tilespmem:s19+$0xFFFFFEA0] =	vst v7  }
0x303: {  	v7 =	vld [tilespmem:s19+$0xFFFFFF60];
	v6 =	vmul.f32 v3, v9;
	[tilespmem:s19+$0xFFFFFEE0] =	vst v5  }
0x304: {  	v9 =	vld [tilespmem:s19+$0xFFFFFF50];
	v5 =	vmul.f32 v10, v3;
	[tilespmem:s19+$0xFFFFFEF0] =	vst v4  }
0x305: {  	v60 =	vld [tilespmem:s19+$0x40];
	v4 =	vmul.f32 v11, v3;
	[tilespmem:s19+$0xFFFFFF00] =	vst v6  }
0x306: {  	v14 =	vmul.f32 v54, v3;
	v6 =	vld.msk [tilespmem:s23+$0xFFFFFFFF ss:$0x0], $0xffff;
	[tilespmem:s19+$0xFFFFFF10] =	vst v5  }
0x307: {  	v8 =	vld [tilespmem:s19+$0xFFFFFF90];
	v5 =	vmul.f32 v53, v3;
	[tilespmem:s19+$0xFFFFFF20] =	vst v4  }
0x308: {  	v10 =	vld [tilespmem:s19+$0xFFFFFFA0];
	[tilespmem:s19+$0xFFFFFF40] =	vst v14;
	v7 =	vmul.f32 v7, v3  }
0x309: {  	v61 =	vld.msk [tilespmem:s23+$0x1 ss:$0x0], $0xffff;
	[tilespmem:s19+$0xFFFFFF30] =	vst v5;
	v9 =	vmul.f32 v9, v3  }
0x30a: {  	v11 =	vld [tilespmem:s19+$0xFFFFFFB0];
	v3 =	vmul.f32 v55, v3;
	[tilespmem:s19+$0xFFFFFF60] =	vst v7  }
0x30b: {  	v62 =	vld [tilespmem:s19+$0xB0];
	v4 =	vmul.f32 v6, v56;
	[tilespmem:s19+$0xFFFFFF50] =	vst v9  }
0x30c: {  	v5 =	vld [tilespmem:s19+$0xFFFFFFE0];
	v7 =	vmul.f32 v8, v6;
	[tilespmem:s19+$0xFFFFFF70] =	vst v3  }
0x30d: {  	v9 =	vld [tilespmem:s19+$0x0];
	v3 =	vmul.f32 v10, v6;
	[tilespmem:s19+$0xFFFFFF80] =	vst v4  }
0x30e: {  	v13 =	vmul.f32 v58, v6;
	v4 =	vld.msk [tilespmem:s23+$0x0 ss:$0x0], $0xffff;
	[tilespmem:s19+$0xFFFFFF90] =	vst v7  }
0x30f: {  	v8 =	vld [tilespmem:s19+$0x10];
	v7 =	vmul.f32 v11, v6;
	[tilespmem:s19+$0xFFFFFFA0] =	vst v3  }
0x310: {  	v10 =	vld [tilespmem:s19+$0x20];
	v3 =	vmul.f32 v57, v6;
	[tilespmem:s19+$0xFFFFFFD0] =	vst v13  }
0x311: {  	v11 =	vld [tilespmem:s19+$0x30];
	v5 =	vmul.f32 v5, v6;
	[tilespmem:s19+$0xFFFFFFB0] =	vst v7  }
0x312: {  	v6 =	vmul.f32 v59, v6;
	[tilespmem:s19+$0xFFFFFFC0] =	vst v3;
	v3 =	vld [tilespmem:s19+$0x60]  }
0x313: {  	[tilespmem:s19+$0xFFFFFFE0] =	vst v5;
	v7 =	vmul.f32 v4, v9;
	v9 =	vld [tilespmem:s19+$0x50]  }
0x314: {  	[tilespmem:s19+$0xFFFFFFF0] =	vst v6;
	v5 =	vmul.f32 v8, v4;
	v8 =	vld [tilespmem:s19+$0x80]  }
0x315: {  	v63 =	vld.msk [tilespmem:s23+$0x2 ss:$0x0], $0xffff;
	v6 =	vmul.f32 v10, v4;
	[tilespmem:s19+$0x0] =	vst v7  }
0x316: {  	v10 =	vld [tilespmem:s19+$0x90];
	[tilespmem:s19+$0x10] =	vst v5;
	v5 =	vmul.f32 v11, v4  }
0x317: {  	v7 =	vld [tilespmem:s19+$0x70];
	[tilespmem:s19+$0x20] =	vst v6;
	v6 =	vmul.f32 v60, v4  }
0x318: {  	v11 =	vld [tilespmem:s19+$0xA0];
	v3 =	vmul.f32 v3, v4;
	[tilespmem:s19+$0x30] =	vst v5  }
0x319: {  	[tilespmem:s19+$0x40] =	vst v6;
	v5 =	vmul.f32 v9, v4;
	v9 =	vld [tilespmem:s19+$0xC0];
	v6 =	vmul.f32 v61, v8  }
0x31a: {  	[tilespmem:s19+$0x60] =	vst v3;
	v8 =	vld [tilespmem:s19+$0xD0]  }
0x31b: {  	v3 =	vmul.f32 v10, v61;
	[tilespmem:s19+$0x80] =	vst v6;
	v6 =	vld [tilespmem:s19+$0xF0]  }
0x31c: {  	[tilespmem:s19+$0x50] =	vst v5;
	v4 =	vmul.f32 v7, v4;
	v7 =	vld [tilespmem:s19+$0x100]  }
0x31d: {  	v5 =	vld [tilespmem:s19+$0xE0];
	[tilespmem:s19+$0x90] =	vst v3;
	v3 =	vmul.f32 v62, v61  }
0x31e: {  	v10 =	vld [tilespmem:s19+$0x110];
	[tilespmem:s19+$0x70] =	vst v4;
	v4 =	vmul.f32 v11, v61  }
0x31f: {  	[tilespmem:s19+$0xB0] =	vst v3;
	v3 =	vmul.f32 v8, v61;
	v8 =	vld [tilespmem:s19+$0x130]  }
0x320: {  	[tilespmem:s19+$0xA0] =	vst v4;
	v4 =	vmul.f32 v9, v61;
	v9 =	vld [tilespmem:s19+$0x120]  }
0x321: {  	[tilespmem:s19+$0xD0] =	vst v3;
	v3 =	vmul.f32 v63, v7;
	v7 =	vld [tilespmem:s19+$0x150];
	v6 =	vmul.f32 v6, v61  }
0x322: {  	[tilespmem:s19+$0xC0] =	vst v4;
	v4 =	vmul.f32 v5, v61;
	v5 =	vld [tilespmem:s19+$0x140]  }
0x323: {  	[tilespmem:s19+$0xF0] =	vst v6;
	v6 =	vld [tilespmem:s19+$0x170]  }
0x324: {  	v10 =	vmul.f32 v10, v63;
	[tilespmem:s19+$0xE0] =	vst v4;
	v4 =	vld [tilespmem:s19+$0x160]  }
0x325: {  	[tilespmem:s19+$0x100] =	vst v3;
	v3 =	vmul.f32 v9, v63  }
0x326: {  	[tilespmem:s19+$0x110] =	vst v10;
	v8 =	vmul.f32 v8, v63;
	v9 =	vld [tilespmem:s19+$0x180]  }
0x327: {  	v10 =	vld [tilespmem:s19+$0x190];
	[tilespmem:s19+$0x120] =	vst v3;
	v3 =	vmul.f32 v5, v63  }
0x328: {  	v11 =	vld [tilespmem:s19+$0x1A0];
	[tilespmem:s19+$0x130] =	vst v8;
	v5 =	vmul.f32 v7, v63  }
0x329: {  	v6 =	vmul.f32 v6, v63;
	[tilespmem:s19+$0x140] =	vst v3;
	v7 =	vmul.f32 v4, v63;
	v4 =	vld [tilespmem:s19+$0x1B0]  }
0x32a: {  	[tilespmem:s19+$0x150] =	vst v5;
	v3 =	vld [tilespmem:s19+$0x1C0]  }
0x32b: {  	v5 =	vld [tilespmem:s19+$0x1D0];
	v9 =	vmul.f32 v1, v9;
	[tilespmem:s19+$0x170] =	vst v6  }
0x32c: {  	v8 =	vmul.f32 v10, v1;
	v6 =	vld [tilespmem:s19+$0x1E0];
	[tilespmem:s19+$0x160] =	vst v7  }
0x32d: {  	s22 =	simm.s32 $0x530C;
	s20 =	simm.s32 $0x0;
	s23 =	simm.s32 $0x5600;
	v7 =	vld [tilespmem:s19+$0xFFFFFE00];
	[tilespmem:s19+$0x180] =	vst v9;
	v9 =	vmul.f32 v11, v1  }
.LBB2_9:
0x32e: {  	v10 =	vld.msk [tilespmem:s22+$0x3 ss:$0x0], $0xffff;
	s20 =	sadd.s32 $0x8, s20;
	[tilespmem:s19+$0x190] =	vst v8;
	v4 =	vmul.f32 v4, v1;
	s23 =	sadd.s32 $0x400, s23  }
0x32f: {  	v8 =	vld [tilespmem:s23+$0x1F0];
	p0 =	slt.u32 s20, $0x58;
	[tilespmem:s19+$0x1A0] =	vst v9;
	v3 =	vmul.f32 v3, v1  }
0x330: {  	v9 =	vld.msk [tilespmem:s22+$0xFFFFFFFC ss:$0x0], $0xffff;
	[tilespmem:s19+$0x1B0] =	vst v4;
	v4 =	vmul.f32 v5, v1  }
0x331: {  	v11 =	vld.msk [tilespmem:s22+$0xFFFFFFFD ss:$0x0], $0xffff;
	[tilespmem:s19+$0x1C0] =	vst v3;
	v3 =	vmul.f32 v6, v1  }
0x332: {  	v12 =	vld.msk [tilespmem:s22+$0xFFFFFFFE ss:$0x0], $0xffff;
	v2 =	vmul.f32 v2, v7;
	[tilespmem:s19+$0x1D0] =	vst v4  }
0x333: {  	v6 =	vld.msk [tilespmem:s22+$0xFFFFFFFF ss:$0x0], $0xffff;
	[tilespmem:s19+$0x1E0] =	vst v3  }
0x334: {  	v1 =	vmov v10;
	v5 =	vld.msk [tilespmem:s22+$0x0 ss:$0x0], $0xffff;
	v7 =	vmul.f32 v8, v10;
	[tilespmem:s19+$0xFFFFFE00] =	vst v2;
	s19 =	smov.u32 s23  }
0x335: {  	v4 =	vld.msk [tilespmem:s22+$0x1 ss:$0x0], $0xffff  }
0x336: {  	v3 =	vld.msk [tilespmem:s22+$0x2 ss:$0x0], $0xffff;
	[tilespmem:s23+$0x1F0] =	vst v7;
	v2 =	vmov v9  }
0x337: {  	v7 =	vld [tilespmem:s23+$0xFFFFFE10]  }
0x338: {  	v8 =	vld [tilespmem:s23+$0xFFFFFE20]  }
0x339: {  	v9 =	vld [tilespmem:s23+$0xFFFFFE30]  }
0x33a: {  	v10 =	vld [tilespmem:s23+$0xFFFFFE40]  }
0x33b: {  	v13 =	vld [tilespmem:s23+$0xFFFFFE50]  }
0x33c: {  	v7 =	vmul.f32 v7, v2;
	v14 =	vld [tilespmem:s23+$0xFFFFFE60]  }
0x33d: {  	v8 =	vmul.f32 v8, v2;
	v15 =	vld [tilespmem:s23+$0xFFFFFE70]  }
0x33e: {  	[tilespmem:s23+$0xFFFFFE10] =	vst v7;
	v7 =	vmul.f32 v9, v2;
	v9 =	vld [tilespmem:s23+$0xFFFFFE80]  }
0x33f: {  	[tilespmem:s23+$0xFFFFFE20] =	vst v8;
	v8 =	vmul.f32 v10, v2;
	v10 =	vld [tilespmem:s23+$0xFFFFFE90]  }
0x340: {  	[tilespmem:s23+$0xFFFFFE30] =	vst v7;
	v7 =	vmul.f32 v13, v2;
	v13 =	vld [tilespmem:s23+$0xFFFFFEA0]  }
0x341: {  	[tilespmem:s23+$0xFFFFFE40] =	vst v8;
	v8 =	vmul.f32 v14, v2;
	v14 =	vld [tilespmem:s23+$0xFFFFFEB0]  }
0x342: {  	[tilespmem:s23+$0xFFFFFE50] =	vst v7;
	v7 =	vmul.f32 v15, v2;
	v15 =	vld [tilespmem:s23+$0xFFFFFEC0]  }
0x343: {  	[tilespmem:s23+$0xFFFFFE60] =	vst v8;
	v8 =	vmul.f32 v11, v9;
	v9 =	vld [tilespmem:s23+$0xFFFFFED0]  }
0x344: {  	[tilespmem:s23+$0xFFFFFE70] =	vst v7;
	v7 =	vmul.f32 v10, v11;
	v10 =	vld [tilespmem:s23+$0xFFFFFEE0]  }
0x345: {  	[tilespmem:s23+$0xFFFFFE80] =	vst v8;
	v8 =	vmul.f32 v13, v11;
	v13 =	vld [tilespmem:s23+$0xFFFFFEF0]  }
0x346: {  	[tilespmem:s23+$0xFFFFFE90] =	vst v7;
	v7 =	vmul.f32 v14, v11;
	v14 =	vld [tilespmem:s23+$0xFFFFFF00]  }
0x347: {  	[tilespmem:s23+$0xFFFFFEA0] =	vst v8;
	v8 =	vmul.f32 v15, v11;
	v15 =	vld [tilespmem:s23+$0xFFFFFF10]  }
0x348: {  	[tilespmem:s23+$0xFFFFFEB0] =	vst v7;
	v7 =	vmul.f32 v9, v11;
	v9 =	vld [tilespmem:s23+$0xFFFFFF20]  }
0x349: {  	[tilespmem:s23+$0xFFFFFEC0] =	vst v8;
	v8 =	vmul.f32 v10, v11;
	v10 =	vld [tilespmem:s23+$0xFFFFFF30]  }
0x34a: {  	[tilespmem:s23+$0xFFFFFED0] =	vst v7;
	v7 =	vmul.f32 v13, v11;
	v11 =	vld [tilespmem:s23+$0xFFFFFF40]  }
0x34b: {  	[tilespmem:s23+$0xFFFFFEE0] =	vst v8;
	v8 =	vmul.f32 v12, v14;
	v13 =	vld [tilespmem:s23+$0xFFFFFF50]  }
0x34c: {  	[tilespmem:s23+$0xFFFFFEF0] =	vst v7;
	v7 =	vmul.f32 v15, v12;
	v14 =	vld [tilespmem:s23+$0xFFFFFF60]  }
0x34d: {  	[tilespmem:s23+$0xFFFFFF00] =	vst v8;
	v8 =	vmul.f32 v9, v12;
	v9 =	vld [tilespmem:s23+$0xFFFFFF70]  }
0x34e: {  	[tilespmem:s23+$0xFFFFFF10] =	vst v7;
	v7 =	vmul.f32 v10, v12;
	v10 =	vld [tilespmem:s23+$0xFFFFFF80]  }
0x34f: {  	[tilespmem:s23+$0xFFFFFF20] =	vst v8;
	v8 =	vmul.f32 v11, v12;
	v11 =	vld [tilespmem:s23+$0xFFFFFF90]  }
0x350: {  	[tilespmem:s23+$0xFFFFFF30] =	vst v7;
	v7 =	vmul.f32 v13, v12;
	v13 =	vld [tilespmem:s23+$0xFFFFFFA0]  }
0x351: {  	[tilespmem:s23+$0xFFFFFF40] =	vst v8;
	v8 =	vmul.f32 v14, v12;
	v14 =	vld [tilespmem:s23+$0xFFFFFFB0]  }
0x352: {  	[tilespmem:s23+$0xFFFFFF50] =	vst v7;
	v7 =	vmul.f32 v9, v12;
	v9 =	vld [tilespmem:s23+$0xFFFFFFC0]  }
0x353: {  	[tilespmem:s23+$0xFFFFFF60] =	vst v8;
	v8 =	vmul.f32 v6, v10;
	v10 =	vld [tilespmem:s23+$0xFFFFFFD0]  }
0x354: {  	[tilespmem:s23+$0xFFFFFF70] =	vst v7;
	v7 =	vmul.f32 v11, v6;
	v11 =	vld [tilespmem:s23+$0xFFFFFFE0]  }
0x355: {  	[tilespmem:s23+$0xFFFFFF80] =	vst v8;
	v8 =	vmul.f32 v13, v6;
	v12 =	vld [tilespmem:s23+$0xFFFFFFF0]  }
0x356: {  	[tilespmem:s23+$0xFFFFFF90] =	vst v7;
	v7 =	vmul.f32 v14, v6;
	v13 =	vld [tilespmem:s23+$0x0]  }
0x357: {  	[tilespmem:s23+$0xFFFFFFA0] =	vst v8;
	v8 =	vmul.f32 v9, v6;
	v9 =	vld [tilespmem:s23+$0x10]  }
0x358: {  	[tilespmem:s23+$0xFFFFFFB0] =	vst v7;
	v7 =	vmul.f32 v10, v6;
	v10 =	vld [tilespmem:s23+$0x20]  }
0x359: {  	[tilespmem:s23+$0xFFFFFFC0] =	vst v8;
	v8 =	vmul.f32 v11, v6;
	v11 =	vld [tilespmem:s23+$0x30]  }
0x35a: {  	[tilespmem:s23+$0xFFFFFFD0] =	vst v7;
	v6 =	vmul.f32 v12, v6;
	v7 =	vld [tilespmem:s23+$0x40]  }
0x35b: {  	[tilespmem:s23+$0xFFFFFFE0] =	vst v8;
	v8 =	vmul.f32 v5, v13;
	v12 =	vld [tilespmem:s23+$0x50]  }
0x35c: {  	[tilespmem:s23+$0xFFFFFFF0] =	vst v6;
	v6 =	vmul.f32 v9, v5;
	v9 =	vld [tilespmem:s23+$0x60]  }
0x35d: {  	[tilespmem:s23+$0x0] =	vst v8;
	v8 =	vmul.f32 v10, v5;
	v10 =	vld [tilespmem:s23+$0x70]  }
0x35e: {  	[tilespmem:s23+$0x10] =	vst v6;
	v6 =	vmul.f32 v11, v5;
	v11 =	vld [tilespmem:s23+$0x80]  }
0x35f: {  	[tilespmem:s23+$0x20] =	vst v8;
	v7 =	vmul.f32 v7, v5;
	v8 =	vld [tilespmem:s23+$0x90]  }
0x360: {  	[tilespmem:s23+$0x30] =	vst v6;
	v6 =	vmul.f32 v12, v5;
	v12 =	vld [tilespmem:s23+$0xA0]  }
0x361: {  	[tilespmem:s23+$0x40] =	vst v7;
	v7 =	vmul.f32 v9, v5;
	v9 =	vld [tilespmem:s23+$0xB0]  }
0x362: {  	[tilespmem:s23+$0x50] =	vst v6;
	v5 =	vmul.f32 v10, v5;
	v6 =	vld [tilespmem:s23+$0xC0]  }
0x363: {  	[tilespmem:s23+$0x60] =	vst v7;
	v7 =	vmul.f32 v4, v11;
	v10 =	vld [tilespmem:s23+$0xD0]  }
0x364: {  	[tilespmem:s23+$0x70] =	vst v5;
	v5 =	vmul.f32 v8, v4;
	v8 =	vld [tilespmem:s23+$0xE0]  }
0x365: {  	[tilespmem:s23+$0x80] =	vst v7;
	v7 =	vmul.f32 v12, v4;
	v11 =	vld [tilespmem:s23+$0xF0]  }
0x366: {  	[tilespmem:s23+$0x90] =	vst v5;
	v5 =	vmul.f32 v9, v4;
	v9 =	vld [tilespmem:s23+$0x100]  }
0x367: {  	[tilespmem:s23+$0xA0] =	vst v7;
	v6 =	vmul.f32 v6, v4;
	v7 =	vld [tilespmem:s23+$0x110]  }
0x368: {  	[tilespmem:s23+$0xB0] =	vst v5;
	v5 =	vmul.f32 v10, v4;
	v10 =	vld [tilespmem:s23+$0x120]  }
0x369: {  	[tilespmem:s23+$0xC0] =	vst v6;
	v6 =	vmul.f32 v8, v4;
	v8 =	vld [tilespmem:s23+$0x130]  }
0x36a: {  	[tilespmem:s23+$0xD0] =	vst v5;
	v4 =	vmul.f32 v11, v4;
	v5 =	vld [tilespmem:s23+$0x140]  }
0x36b: {  	[tilespmem:s23+$0xE0] =	vst v6;
	v6 =	vmul.f32 v3, v9;
	v9 =	vld [tilespmem:s23+$0x150]  }
0x36c: {  	[tilespmem:s23+$0xF0] =	vst v4;
	v4 =	vmul.f32 v7, v3;
	v7 =	vld [tilespmem:s23+$0x160]  }
0x36d: {  	[tilespmem:s23+$0x100] =	vst v6;
	v6 =	vmul.f32 v10, v3;
	v10 =	vld [tilespmem:s23+$0x170]  }
0x36e: {  	[tilespmem:s23+$0x110] =	vst v4;
	v4 =	vmul.f32 v8, v3;
	v8 =	vld [tilespmem:s23+$0x180]  }
0x36f: {  	[tilespmem:s23+$0x120] =	vst v6;
	v5 =	vmul.f32 v5, v3;
	v6 =	vld [tilespmem:s23+$0x190]  }
0x370: {  	[tilespmem:s23+$0x130] =	vst v4;
	v9 =	vmul.f32 v9, v3;
	v11 =	vld [tilespmem:s23+$0x1A0]  }
.Ltmp3:
0x371: {  	[tilespmem:s23+$0x140] =	vst v5;
	v5 =	vmul.f32 v7, v3;
	v4 =	vld [tilespmem:s23+$0x1B0];
	(pc) =	sbr.rel @p0 .LBB2_9-.Ltmp3, $4  }
0x372: {  	[tilespmem:s23+$0x150] =	vst v9;
	v7 =	vmul.f32 v10, v3;
	v3 =	vld [tilespmem:s23+$0x1C0]  }
0x373: {  	[tilespmem:s23+$0x160] =	vst v5;
	v9 =	vmul.f32 v1, v8;
	v5 =	vld [tilespmem:s23+$0x1D0]  }
0x374: {  	[tilespmem:s23+$0x170] =	vst v7;
	v8 =	vmul.f32 v6, v1;
	v6 =	vld [tilespmem:s23+$0x1E0]  }
0x375: {  	s22 =	sadd.s32 $0x8, s22;
	v7 =	vld [tilespmem:s23+$0xFFFFFE00];
	[tilespmem:s23+$0x180] =	vst v9;
	v9 =	vmul.f32 v11, v1  }
0x376: {  	[tilespmem:s19+$0x190] =	vst v8;
	v4 =	vmul.f32 v4, v1  }
0x377: {  	[tilespmem:s19+$0x1A0] =	vst v9;
	v3 =	vmul.f32 v3, v1  }
0x378: {  	[tilespmem:s19+$0x1B0] =	vst v4;
	v4 =	vmul.f32 v5, v1  }
0x379: {  	[tilespmem:s19+$0x1C0] =	vst v3;
	v1 =	vmul.f32 v6, v1  }
0x37a: {  	v2 =	vmul.f32 v2, v7;
	[tilespmem:s19+$0x1D0] =	vst v4  }
0x37b: {  	[tilespmem:s19+$0x1E0] =	vst v1  }
0x37c: {  	[tilespmem:s19+$0xFFFFFE00] =	vst v2  }
0x37d: {  	[spmem:s2] =	stream.indirect.scatter.add.f32 [tilespmem:s6], [sflag:$0x3], $0x80, s24, s16, $0xb8;
	[tilespmem:$0x1F980] =	vst v63  }
0x37e: {  	_ = 	snop  }
0x37f: {  	[spmem:s3] =	stream.indirect.scatter.add.f32 [tilespmem:s29], [sflag:$0x3], $0x1, s24, s16, $0xb8;
	[tilespmem:$0x1F980] =	vst v63  }
0x380: {  	v1 =	vld [tilespmem:$0x5000]  }
0x381: {  	v2 =	vld [tilespmem:$0x5180];
	_ =	sdelay $0x6  }
0x382: {  	v1 =	vld.idx.msk [tilespmem:v1+s5+$0x0], $0xffff  }
0x383: {  	v2 =	vld.idx.msk [tilespmem:v2+s4+$0x0], $0xffff;
	_ =	sdelay $0x4  }
0x384: {  	v1 =	vadd.f32 v2, v1;
	_ =	sdelay $0x1  }
0x385: {  	v2 =	vmul.f32 $2.000000030e-01, v1  }
0x386: {  	vm0 =	vge.f32 v1, $0.0e+00  }
0x387: {  	v1 =	vsel vm0, v1, v2  }
0x388: {  	v1 =	vmul.f32 $1.442695020e+00, v1;
	_ =	sdelay $0x1  }
0x389: {  	(erf) = vpow2.f32 v1;
	_ =	sdelay $0x2  }
0x38a: {  	v1 =	vld [tilespmem:$0x5010]  }
0x38b: {  	v2 =	vld [tilespmem:$0x5190];
	_ =	sdelay $0x4  }
0x38c: {  	v3 =	vpop (erf)  }
0x38d: {  	[tilespmem:$0x5380] =	vst v3  }
0x38e: {  	v1 =	vld.idx.msk [tilespmem:v1+s5+$0x0], $0xffff  }
0x38f: {  	v2 =	vld.idx.msk [tilespmem:v2+s4+$0x0], $0xffff;
	_ =	sdelay $0x4  }
0x390: {  	v1 =	vadd.f32 v2, v1;
	_ =	sdelay $0x1  }
0x391: {  	v2 =	vmul.f32 $2.000000030e-01, v1  }
0x392: {  	vm11 =	vge.f32 v1, $0.0e+00  }
0x393: {  	v1 =	vsel vm11, v1, v2  }
0x394: {  	v1 =	vmul.f32 $1.442695020e+00, v1;
	_ =	sdelay $0x1  }
0x395: {  	(erf) = vpow2.f32 v1;
	_ =	sdelay $0x2  }
0x396: {  	v1 =	vld [tilespmem:$0x5020]  }
0x397: {  	v2 =	vld [tilespmem:$0x51A0];
	_ =	sdelay $0x4  }
0x398: {  	v3 =	vpop (erf)  }
0x399: {  	[tilespmem:$0x5390] =	vst v3  }
0x39a: {  	v1 =	vld.idx.msk [tilespmem:v1+s5+$0x0], $0xffff  }
0x39b: {  	v2 =	vld.idx.msk [tilespmem:v2+s4+$0x0], $0xffff;
	_ =	sdelay $0x4  }
0x39c: {  	v1 =	vadd.f32 v2, v1;
	_ =	sdelay $0x1  }
0x39d: {  	v2 =	vmul.f32 $2.000000030e-01, v1  }
0x39e: {  	vm12 =	vge.f32 v1, $0.0e+00  }
0x39f: {  	v1 =	vsel vm12, v1, v2  }
0x3a0: {  	v1 =	vmul.f32 $1.442695020e+00, v1;
	_ =	sdelay $0x1  }
0x3a1: {  	(erf) = vpow2.f32 v1;
	_ =	sdelay $0x2  }
0x3a2: {  	v1 =	vld [tilespmem:$0x5030]  }
0x3a3: {  	v2 =	vld [tilespmem:$0x51B0];
	_ =	sdelay $0x4  }
0x3a4: {  	v3 =	vpop (erf)  }
0x3a5: {  	[tilespmem:$0x53A0] =	vst v3  }
0x3a6: {  	v1 =	vld.idx.msk [tilespmem:v1+s5+$0x0], $0xffff  }
0x3a7: {  	v2 =	vld.idx.msk [tilespmem:v2+s4+$0x0], $0xffff;
	_ =	sdelay $0x4  }
0x3a8: {  	v1 =	vadd.f32 v2, v1;
	_ =	sdelay $0x1  }
0x3a9: {  	v2 =	vmul.f32 $2.000000030e-01, v1  }
0x3aa: {  	vm13 =	vge.f32 v1, $0.0e+00  }
0x3ab: {  	v1 =	vsel vm13, v1, v2  }
0x3ac: {  	v1 =	vmul.f32 $1.442695020e+00, v1;
	_ =	sdelay $0x1  }
0x3ad: {  	(erf) = vpow2.f32 v1;
	_ =	sdelay $0x2  }
0x3ae: {  	v1 =	vld [tilespmem:$0x5040]  }
0x3af: {  	v2 =	vld [tilespmem:$0x51C0];
	_ =	sdelay $0x4  }
0x3b0: {  	v3 =	vpop (erf)  }
0x3b1: {  	[tilespmem:$0x53B0] =	vst v3  }
0x3b2: {  	v1 =	vld.idx.msk [tilespmem:v1+s5+$0x0], $0xffff  }
0x3b3: {  	v2 =	vld.idx.msk [tilespmem:v2+s4+$0x0], $0xffff;
	_ =	sdelay $0x4  }
0x3b4: {  	v1 =	vadd.f32 v2, v1;
	_ =	sdelay $0x1  }
0x3b5: {  	v2 =	vmul.f32 $2.000000030e-01, v1  }
0x3b6: {  	vm14 =	vge.f32 v1, $0.0e+00  }
0x3b7: {  	v1 =	vsel vm14, v1, v2  }
0x3b8: {  	v1 =	vmul.f32 $1.442695020e+00, v1;
	_ =	sdelay $0x1  }
0x3b9: {  	(erf) = vpow2.f32 v1;
	_ =	sdelay $0x2  }
0x3ba: {  	v1 =	vld [tilespmem:$0x5050]  }
0x3bb: {  	v2 =	vld [tilespmem:$0x51D0];
	_ =	sdelay $0x4  }
0x3bc: {  	v3 =	vpop (erf)  }
0x3bd: {  	[tilespmem:$0x53C0] =	vst v3  }
0x3be: {  	v1 =	vld.idx.msk [tilespmem:v1+s5+$0x0], $0xffff  }
0x3bf: {  	v2 =	vld.idx.msk [tilespmem:v2+s4+$0x0], $0xffff;
	_ =	sdelay $0x4  }
0x3c0: {  	v1 =	vadd.f32 v2, v1;
	_ =	sdelay $0x1  }
0x3c1: {  	v2 =	vmul.f32 $2.000000030e-01, v1  }
0x3c2: {  	vm15 =	vge.f32 v1, $0.0e+00  }
0x3c3: {  	v1 =	vsel vm15, v1, v2  }
0x3c4: {  	v1 =	vmul.f32 $1.442695020e+00, v1;
	_ =	sdelay $0x1  }
0x3c5: {  	(erf) = vpow2.f32 v1;
	_ =	sdelay $0x8  }
0x3c6: {  	v1 =	vpop (erf)  }
0x3c7: {  	[tilespmem:$0x53D0] =	vst v1  }
0x3c8: {  	_ =	swait.ge [sflag:s30], $0x3000  }
0x3c9: {  	[sflag:s30] =	ssyncset.done $0x0  }
0x3ca: {  	[sflag:s30] =	ssyncadd.s32 $0xFFFFD000  }
0x3cb: {  	_ =	swait.ge [sflag:s30], $0x60  }
0x3cc: {  	s22 =	rddreg [dreg:$0x11]  }
0x3cd: {  	s19 =	sadd.s32 s18, s22  }
0x3ce: {  	[sflag:s30] =	ssyncset.done $0x0;
	s19 =	sshrl.u32 s19, $0x3  }
0x3cf: {  	[sflag:s30] =	ssyncadd.s32 $0xFFFFFFA0;
	s20 =	sadd.s32 s8, s19  }
0x3d0: {  	[tilespmem:s21], [sflag:$0x7] =	stream.linear.gather [hbm4b:s20+s5], $0x60, $0x38;
	[tilespmem:$0x1F980] =	vst v63  }
0x3d1: {  	s19 =	sadd.s32 s9, s19  }
0x3d2: {  	[tilespmem:s24], [sflag:$0x7] =	stream.linear.gather [hbm4b:s19+s5], $0x60, $0x38;
	[tilespmem:$0x1F980] =	vst v63  }
0x3d3: {  	_ =	swait.ge [sflag:s25], $0x60  }
0x3d4: {  	[sflag:s25] =	ssyncset.done $0x0  }
0x3d5: {  	[sflag:s25] =	ssyncadd.s32 $0xFFFFFFA0  }
0x3d6: {  	_ =	swait.ge [sflag:s25], $0x60  }
0x3d7: {  	[sflag:s25] =	ssyncset.done $0x0  }
0x3d8: {  	[sflag:s25] =	ssyncadd.s32 $0xFFFFFFA0  }
0x3d9: {  	[tilespmem:s6], [sflag:$0x1] =	stream.indirect.gather [hbm4b:s1+s16], $0x80, s13, s16, $0xb8;
	[tilespmem:$0x1F980] =	vst v63  }
0x3da: {  	_ =	swait.ge [sflag:s12], $0x3000  }
0x3db: {  	[sflag:s12] =	ssyncset.done $0x0  }
0x3dc: {  	s23 =	simm.s32 $0x5384;
	[sflag:s12] =	ssyncadd.s32 $0xFFFFD000  }
0x3dd: {  	s19 =	simm.s32 $0x8600;
	v1 =	vld.msk [tilespmem:s23+$0x3 ss:$0x0], $0xffff  }
0x3de: {  	v3 =	vld [tilespmem:s19+$0x1F0]  }
0x3df: {  	v2 =	vld.msk [tilespmem:s23+$0xFFFFFFFC ss:$0x0], $0xffff  }
0x3e0: {  	v4 =	vld.msk [tilespmem:s23+$0xFFFFFFFD ss:$0x0], $0xffff  }
0x3e1: {  	v5 =	vld [tilespmem:s19+$0xFFFFFE10]  }
0x3e2: {  	v6 =	vld [tilespmem:s19+$0xFFFFFE20]  }
0x3e3: {  	v7 =	vld [tilespmem:s19+$0xFFFFFE30]  }
0x3e4: {  	v8 =	vld [tilespmem:s19+$0xFFFFFE40]  }
0x3e5: {  	v9 =	vld [tilespmem:s19+$0xFFFFFE50]  }
0x3e6: {  	v10 =	vld [tilespmem:s19+$0xFFFFFE60]  }
0x3e7: {  	v11 =	vld [tilespmem:s19+$0xFFFFFE70]  }
0x3e8: {  	v12 =	vld [tilespmem:s19+$0xFFFFFE80]  }
0x3e9: {  	v13 =	vld [tilespmem:s19+$0xFFFFFE90]  }
0x3ea: {  	v15 =	vld [tilespmem:s19+$0xFFFFFEB0]  }
0x3eb: {  	v16 =	vld [tilespmem:s19+$0xFFFFFEC0];
	v3 =	vmul.f32 v3, v1  }
0x3ec: {  	v14 =	vld [tilespmem:s19+$0xFFFFFEA0];
	v5 =	vmul.f32 v5, v2  }
0x3ed: {  	v52 =	vld [tilespmem:s19+$0xFFFFFED0];
	v6 =	vmul.f32 v6, v2;
	[tilespmem:s19+$0x1F0] =	vst v3  }
0x3ee: {  	v53 =	vld [tilespmem:s19+$0xFFFFFF30];
	v7 =	vmul.f32 v7, v2;
	[tilespmem:s19+$0xFFFFFE10] =	vst v5  }
0x3ef: {  	v54 =	vld [tilespmem:s19+$0xFFFFFF40];
	v15 =	vmul.f32 v15, v4;
	[tilespmem:s19+$0xFFFFFE20] =	vst v6  }
0x3f0: {  	v55 =	vld [tilespmem:s19+$0xFFFFFF70];
	v16 =	vmul.f32 v16, v4;
	[tilespmem:s19+$0xFFFFFE30] =	vst v7  }
0x3f1: {  	v56 =	vld [tilespmem:s19+$0xFFFFFF80];
	v3 =	vmul.f32 v4, v12;
	[tilespmem:s19+$0xFFFFFEB0] =	vst v15  }
0x3f2: {  	v57 =	vld [tilespmem:s19+$0xFFFFFFC0];
	v6 =	vmul.f32 v8, v2;
	[tilespmem:s19+$0xFFFFFEC0] =	vst v16  }
0x3f3: {  	v5 =	vld [tilespmem:s19+$0xFFFFFEE0];
	v7 =	vmul.f32 v9, v2;
	[tilespmem:s19+$0xFFFFFE80] =	vst v3  }
0x3f4: {  	v8 =	vld [tilespmem:s19+$0xFFFFFEF0];
	v12 =	vmul.f32 v52, v4;
	[tilespmem:s19+$0xFFFFFE40] =	vst v6  }
0x3f5: {  	v9 =	vld [tilespmem:s19+$0xFFFFFF00];
	v6 =	vmul.f32 v10, v2;
	[tilespmem:s19+$0xFFFFFE50] =	vst v7  }
0x3f6: {  	v3 =	vld.msk [tilespmem:s23+$0xFFFFFFFE ss:$0x0], $0xffff;
	v7 =	vmul.f32 v11, v2;
	[tilespmem:s19+$0xFFFFFED0] =	vst v12  }
0x3f7: {  	v10 =	vld [tilespmem:s19+$0xFFFFFF10];
	[tilespmem:s19+$0xFFFFFE60] =	vst v6;
	v6 =	vmul.f32 v13, v4  }
0x3f8: {  	v11 =	vld [tilespmem:s19+$0xFFFFFF20];
	[tilespmem:s19+$0xFFFFFE70] =	vst v7;
	v7 =	vmul.f32 v14, v4  }
0x3f9: {  	v58 =	vld [tilespmem:s19+$0xFFFFFFD0];
	v5 =	vmul.f32 v5, v4;
	[tilespmem:s19+$0xFFFFFE90] =	vst v6  }
0x3fa: {  	v59 =	vld [tilespmem:s19+$0xFFFFFFF0];
	v4 =	vmul.f32 v8, v4;
	[tilespmem:s19+$0xFFFFFEA0] =	vst v7  }
0x3fb: {  	v7 =	vld [tilespmem:s19+$0xFFFFFF60];
	v6 =	vmul.f32 v3, v9;
	[tilespmem:s19+$0xFFFFFEE0] =	vst v5  }
0x3fc: {  	v9 =	vld [tilespmem:s19+$0xFFFFFF50];
	v5 =	vmul.f32 v10, v3;
	[tilespmem:s19+$0xFFFFFEF0] =	vst v4  }
0x3fd: {  	v60 =	vld [tilespmem:s19+$0x40];
	v4 =	vmul.f32 v11, v3;
	[tilespmem:s19+$0xFFFFFF00] =	vst v6  }
0x3fe: {  	v14 =	vmul.f32 v54, v3;
	v6 =	vld.msk [tilespmem:s23+$0xFFFFFFFF ss:$0x0], $0xffff;
	[tilespmem:s19+$0xFFFFFF10] =	vst v5  }
0x3ff: {  	v8 =	vld [tilespmem:s19+$0xFFFFFF90];
	v5 =	vmul.f32 v53, v3;
	[tilespmem:s19+$0xFFFFFF20] =	vst v4  }
0x400: {  	v10 =	vld [tilespmem:s19+$0xFFFFFFA0];
	[tilespmem:s19+$0xFFFFFF40] =	vst v14;
	v7 =	vmul.f32 v7, v3  }
0x401: {  	v61 =	vld.msk [tilespmem:s23+$0x1 ss:$0x0], $0xffff;
	[tilespmem:s19+$0xFFFFFF30] =	vst v5;
	v9 =	vmul.f32 v9, v3  }
0x402: {  	v11 =	vld [tilespmem:s19+$0xFFFFFFB0];
	v3 =	vmul.f32 v55, v3;
	[tilespmem:s19+$0xFFFFFF60] =	vst v7  }
0x403: {  	v62 =	vld [tilespmem:s19+$0xB0];
	v4 =	vmul.f32 v6, v56;
	[tilespmem:s19+$0xFFFFFF50] =	vst v9  }
0x404: {  	v5 =	vld [tilespmem:s19+$0xFFFFFFE0];
	v7 =	vmul.f32 v8, v6;
	[tilespmem:s19+$0xFFFFFF70] =	vst v3  }
0x405: {  	v9 =	vld [tilespmem:s19+$0x0];
	v3 =	vmul.f32 v10, v6;
	[tilespmem:s19+$0xFFFFFF80] =	vst v4  }
0x406: {  	v13 =	vmul.f32 v58, v6;
	v4 =	vld.msk [tilespmem:s23+$0x0 ss:$0x0], $0xffff;
	[tilespmem:s19+$0xFFFFFF90] =	vst v7  }
0x407: {  	v8 =	vld [tilespmem:s19+$0x10];
	v7 =	vmul.f32 v11, v6;
	[tilespmem:s19+$0xFFFFFFA0] =	vst v3  }
0x408: {  	v10 =	vld [tilespmem:s19+$0x20];
	v3 =	vmul.f32 v57, v6;
	[tilespmem:s19+$0xFFFFFFD0] =	vst v13  }
0x409: {  	v11 =	vld [tilespmem:s19+$0x30];
	v5 =	vmul.f32 v5, v6;
	[tilespmem:s19+$0xFFFFFFB0] =	vst v7  }
0x40a: {  	v6 =	vmul.f32 v59, v6;
	[tilespmem:s19+$0xFFFFFFC0] =	vst v3;
	v3 =	vld [tilespmem:s19+$0x60]  }
0x40b: {  	[tilespmem:s19+$0xFFFFFFE0] =	vst v5;
	v7 =	vmul.f32 v4, v9;
	v9 =	vld [tilespmem:s19+$0x50]  }
0x40c: {  	[tilespmem:s19+$0xFFFFFFF0] =	vst v6;
	v5 =	vmul.f32 v8, v4;
	v8 =	vld [tilespmem:s19+$0x80]  }
0x40d: {  	v63 =	vld.msk [tilespmem:s23+$0x2 ss:$0x0], $0xffff;
	v6 =	vmul.f32 v10, v4;
	[tilespmem:s19+$0x0] =	vst v7  }
0x40e: {  	v10 =	vld [tilespmem:s19+$0x90];
	[tilespmem:s19+$0x10] =	vst v5;
	v5 =	vmul.f32 v11, v4  }
0x40f: {  	v7 =	vld [tilespmem:s19+$0x70];
	[tilespmem:s19+$0x20] =	vst v6;
	v6 =	vmul.f32 v60, v4  }
0x410: {  	v11 =	vld [tilespmem:s19+$0xA0];
	v3 =	vmul.f32 v3, v4;
	[tilespmem:s19+$0x30] =	vst v5  }
0x411: {  	[tilespmem:s19+$0x40] =	vst v6;
	v5 =	vmul.f32 v9, v4;
	v9 =	vld [tilespmem:s19+$0xC0];
	v6 =	vmul.f32 v61, v8  }
0x412: {  	[tilespmem:s19+$0x60] =	vst v3;
	v8 =	vld [tilespmem:s19+$0xD0]  }
0x413: {  	v3 =	vmul.f32 v10, v61;
	[tilespmem:s19+$0x80] =	vst v6;
	v6 =	vld [tilespmem:s19+$0xF0]  }
0x414: {  	[tilespmem:s19+$0x50] =	vst v5;
	v4 =	vmul.f32 v7, v4;
	v7 =	vld [tilespmem:s19+$0x100]  }
0x415: {  	v5 =	vld [tilespmem:s19+$0xE0];
	[tilespmem:s19+$0x90] =	vst v3;
	v3 =	vmul.f32 v62, v61  }
0x416: {  	v10 =	vld [tilespmem:s19+$0x110];
	[tilespmem:s19+$0x70] =	vst v4;
	v4 =	vmul.f32 v11, v61  }
0x417: {  	[tilespmem:s19+$0xB0] =	vst v3;
	v3 =	vmul.f32 v8, v61;
	v8 =	vld [tilespmem:s19+$0x130]  }
0x418: {  	[tilespmem:s19+$0xA0] =	vst v4;
	v4 =	vmul.f32 v9, v61;
	v9 =	vld [tilespmem:s19+$0x120]  }
0x419: {  	[tilespmem:s19+$0xD0] =	vst v3;
	v3 =	vmul.f32 v63, v7;
	v7 =	vld [tilespmem:s19+$0x150];
	v6 =	vmul.f32 v6, v61  }
0x41a: {  	[tilespmem:s19+$0xC0] =	vst v4;
	v4 =	vmul.f32 v5, v61;
	v5 =	vld [tilespmem:s19+$0x140]  }
0x41b: {  	[tilespmem:s19+$0xF0] =	vst v6;
	v6 =	vld [tilespmem:s19+$0x170]  }
0x41c: {  	v10 =	vmul.f32 v10, v63;
	[tilespmem:s19+$0xE0] =	vst v4;
	v4 =	vld [tilespmem:s19+$0x160]  }
0x41d: {  	[tilespmem:s19+$0x100] =	vst v3;
	v3 =	vmul.f32 v9, v63  }
0x41e: {  	[tilespmem:s19+$0x110] =	vst v10;
	v8 =	vmul.f32 v8, v63;
	v9 =	vld [tilespmem:s19+$0x180]  }
0x41f: {  	v10 =	vld [tilespmem:s19+$0x190];
	[tilespmem:s19+$0x120] =	vst v3;
	v3 =	vmul.f32 v5, v63  }
0x420: {  	v11 =	vld [tilespmem:s19+$0x1A0];
	[tilespmem:s19+$0x130] =	vst v8;
	v5 =	vmul.f32 v7, v63  }
0x421: {  	v6 =	vmul.f32 v6, v63;
	[tilespmem:s19+$0x140] =	vst v3;
	v7 =	vmul.f32 v4, v63;
	v4 =	vld [tilespmem:s19+$0x1B0]  }
0x422: {  	[tilespmem:s19+$0x150] =	vst v5;
	v3 =	vld [tilespmem:s19+$0x1C0]  }
0x423: {  	v5 =	vld [tilespmem:s19+$0x1D0];
	v9 =	vmul.f32 v1, v9;
	[tilespmem:s19+$0x170] =	vst v6  }
0x424: {  	v8 =	vmul.f32 v10, v1;
	v6 =	vld [tilespmem:s19+$0x1E0];
	[tilespmem:s19+$0x160] =	vst v7  }
0x425: {  	s22 =	simm.s32 $0x538C;
	s20 =	simm.s32 $0x0;
	s23 =	simm.s32 $0x8600;
	v7 =	vld [tilespmem:s19+$0xFFFFFE00];
	[tilespmem:s19+$0x180] =	vst v9;
	v9 =	vmul.f32 v11, v1  }
.LBB2_11:
0x426: {  	v10 =	vld.msk [tilespmem:s22+$0x3 ss:$0x0], $0xffff;
	s20 =	sadd.s32 $0x8, s20;
	[tilespmem:s19+$0x190] =	vst v8;
	v4 =	vmul.f32 v4, v1;
	s23 =	sadd.s32 $0x400, s23  }
0x427: {  	v8 =	vld [tilespmem:s23+$0x1F0];
	p0 =	slt.u32 s20, $0x58;
	[tilespmem:s19+$0x1A0] =	vst v9;
	v3 =	vmul.f32 v3, v1  }
0x428: {  	v9 =	vld.msk [tilespmem:s22+$0xFFFFFFFC ss:$0x0], $0xffff;
	[tilespmem:s19+$0x1B0] =	vst v4;
	v4 =	vmul.f32 v5, v1  }
0x429: {  	v11 =	vld.msk [tilespmem:s22+$0xFFFFFFFD ss:$0x0], $0xffff;
	[tilespmem:s19+$0x1C0] =	vst v3;
	v3 =	vmul.f32 v6, v1  }
0x42a: {  	v12 =	vld.msk [tilespmem:s22+$0xFFFFFFFE ss:$0x0], $0xffff;
	v2 =	vmul.f32 v2, v7;
	[tilespmem:s19+$0x1D0] =	vst v4  }
0x42b: {  	v6 =	vld.msk [tilespmem:s22+$0xFFFFFFFF ss:$0x0], $0xffff;
	[tilespmem:s19+$0x1E0] =	vst v3  }
0x42c: {  	v1 =	vmov v10;
	v5 =	vld.msk [tilespmem:s22+$0x0 ss:$0x0], $0xffff;
	v7 =	vmul.f32 v8, v10;
	[tilespmem:s19+$0xFFFFFE00] =	vst v2;
	s19 =	smov.u32 s23  }
0x42d: {  	v4 =	vld.msk [tilespmem:s22+$0x1 ss:$0x0], $0xffff  }
0x42e: {  	v3 =	vld.msk [tilespmem:s22+$0x2 ss:$0x0], $0xffff;
	[tilespmem:s23+$0x1F0] =	vst v7;
	v2 =	vmov v9  }
0x42f: {  	v7 =	vld [tilespmem:s23+$0xFFFFFE10]  }
0x430: {  	v8 =	vld [tilespmem:s23+$0xFFFFFE20]  }
0x431: {  	v9 =	vld [tilespmem:s23+$0xFFFFFE30]  }
0x432: {  	v10 =	vld [tilespmem:s23+$0xFFFFFE40]  }
0x433: {  	v13 =	vld [tilespmem:s23+$0xFFFFFE50]  }
0x434: {  	v7 =	vmul.f32 v7, v2;
	v14 =	vld [tilespmem:s23+$0xFFFFFE60]  }
0x435: {  	v8 =	vmul.f32 v8, v2;
	v15 =	vld [tilespmem:s23+$0xFFFFFE70]  }
0x436: {  	[tilespmem:s23+$0xFFFFFE10] =	vst v7;
	v7 =	vmul.f32 v9, v2;
	v9 =	vld [tilespmem:s23+$0xFFFFFE80]  }
0x437: {  	[tilespmem:s23+$0xFFFFFE20] =	vst v8;
	v8 =	vmul.f32 v10, v2;
	v10 =	vld [tilespmem:s23+$0xFFFFFE90]  }
0x438: {  	[tilespmem:s23+$0xFFFFFE30] =	vst v7;
	v7 =	vmul.f32 v13, v2;
	v13 =	vld [tilespmem:s23+$0xFFFFFEA0]  }
0x439: {  	[tilespmem:s23+$0xFFFFFE40] =	vst v8;
	v8 =	vmul.f32 v14, v2;
	v14 =	vld [tilespmem:s23+$0xFFFFFEB0]  }
0x43a: {  	[tilespmem:s23+$0xFFFFFE50] =	vst v7;
	v7 =	vmul.f32 v15, v2;
	v15 =	vld [tilespmem:s23+$0xFFFFFEC0]  }
0x43b: {  	[tilespmem:s23+$0xFFFFFE60] =	vst v8;
	v8 =	vmul.f32 v11, v9;
	v9 =	vld [tilespmem:s23+$0xFFFFFED0]  }
0x43c: {  	[tilespmem:s23+$0xFFFFFE70] =	vst v7;
	v7 =	vmul.f32 v10, v11;
	v10 =	vld [tilespmem:s23+$0xFFFFFEE0]  }
0x43d: {  	[tilespmem:s23+$0xFFFFFE80] =	vst v8;
	v8 =	vmul.f32 v13, v11;
	v13 =	vld [tilespmem:s23+$0xFFFFFEF0]  }
0x43e: {  	[tilespmem:s23+$0xFFFFFE90] =	vst v7;
	v7 =	vmul.f32 v14, v11;
	v14 =	vld [tilespmem:s23+$0xFFFFFF00]  }
0x43f: {  	[tilespmem:s23+$0xFFFFFEA0] =	vst v8;
	v8 =	vmul.f32 v15, v11;
	v15 =	vld [tilespmem:s23+$0xFFFFFF10]  }
0x440: {  	[tilespmem:s23+$0xFFFFFEB0] =	vst v7;
	v7 =	vmul.f32 v9, v11;
	v9 =	vld [tilespmem:s23+$0xFFFFFF20]  }
0x441: {  	[tilespmem:s23+$0xFFFFFEC0] =	vst v8;
	v8 =	vmul.f32 v10, v11;
	v10 =	vld [tilespmem:s23+$0xFFFFFF30]  }
0x442: {  	[tilespmem:s23+$0xFFFFFED0] =	vst v7;
	v7 =	vmul.f32 v13, v11;
	v11 =	vld [tilespmem:s23+$0xFFFFFF40]  }
0x443: {  	[tilespmem:s23+$0xFFFFFEE0] =	vst v8;
	v8 =	vmul.f32 v12, v14;
	v13 =	vld [tilespmem:s23+$0xFFFFFF50]  }
0x444: {  	[tilespmem:s23+$0xFFFFFEF0] =	vst v7;
	v7 =	vmul.f32 v15, v12;
	v14 =	vld [tilespmem:s23+$0xFFFFFF60]  }
0x445: {  	[tilespmem:s23+$0xFFFFFF00] =	vst v8;
	v8 =	vmul.f32 v9, v12;
	v9 =	vld [tilespmem:s23+$0xFFFFFF70]  }
0x446: {  	[tilespmem:s23+$0xFFFFFF10] =	vst v7;
	v7 =	vmul.f32 v10, v12;
	v10 =	vld [tilespmem:s23+$0xFFFFFF80]  }
0x447: {  	[tilespmem:s23+$0xFFFFFF20] =	vst v8;
	v8 =	vmul.f32 v11, v12;
	v11 =	vld [tilespmem:s23+$0xFFFFFF90]  }
0x448: {  	[tilespmem:s23+$0xFFFFFF30] =	vst v7;
	v7 =	vmul.f32 v13, v12;
	v13 =	vld [tilespmem:s23+$0xFFFFFFA0]  }
0x449: {  	[tilespmem:s23+$0xFFFFFF40] =	vst v8;
	v8 =	vmul.f32 v14, v12;
	v14 =	vld [tilespmem:s23+$0xFFFFFFB0]  }
0x44a: {  	[tilespmem:s23+$0xFFFFFF50] =	vst v7;
	v7 =	vmul.f32 v9, v12;
	v9 =	vld [tilespmem:s23+$0xFFFFFFC0]  }
0x44b: {  	[tilespmem:s23+$0xFFFFFF60] =	vst v8;
	v8 =	vmul.f32 v6, v10;
	v10 =	vld [tilespmem:s23+$0xFFFFFFD0]  }
0x44c: {  	[tilespmem:s23+$0xFFFFFF70] =	vst v7;
	v7 =	vmul.f32 v11, v6;
	v11 =	vld [tilespmem:s23+$0xFFFFFFE0]  }
0x44d: {  	[tilespmem:s23+$0xFFFFFF80] =	vst v8;
	v8 =	vmul.f32 v13, v6;
	v12 =	vld [tilespmem:s23+$0xFFFFFFF0]  }
0x44e: {  	[tilespmem:s23+$0xFFFFFF90] =	vst v7;
	v7 =	vmul.f32 v14, v6;
	v13 =	vld [tilespmem:s23+$0x0]  }
0x44f: {  	[tilespmem:s23+$0xFFFFFFA0] =	vst v8;
	v8 =	vmul.f32 v9, v6;
	v9 =	vld [tilespmem:s23+$0x10]  }
0x450: {  	[tilespmem:s23+$0xFFFFFFB0] =	vst v7;
	v7 =	vmul.f32 v10, v6;
	v10 =	vld [tilespmem:s23+$0x20]  }
0x451: {  	[tilespmem:s23+$0xFFFFFFC0] =	vst v8;
	v8 =	vmul.f32 v11, v6;
	v11 =	vld [tilespmem:s23+$0x30]  }
0x452: {  	[tilespmem:s23+$0xFFFFFFD0] =	vst v7;
	v6 =	vmul.f32 v12, v6;
	v7 =	vld [tilespmem:s23+$0x40]  }
0x453: {  	[tilespmem:s23+$0xFFFFFFE0] =	vst v8;
	v8 =	vmul.f32 v5, v13;
	v12 =	vld [tilespmem:s23+$0x50]  }
0x454: {  	[tilespmem:s23+$0xFFFFFFF0] =	vst v6;
	v6 =	vmul.f32 v9, v5;
	v9 =	vld [tilespmem:s23+$0x60]  }
0x455: {  	[tilespmem:s23+$0x0] =	vst v8;
	v8 =	vmul.f32 v10, v5;
	v10 =	vld [tilespmem:s23+$0x70]  }
0x456: {  	[tilespmem:s23+$0x10] =	vst v6;
	v6 =	vmul.f32 v11, v5;
	v11 =	vld [tilespmem:s23+$0x80]  }
0x457: {  	[tilespmem:s23+$0x20] =	vst v8;
	v7 =	vmul.f32 v7, v5;
	v8 =	vld [tilespmem:s23+$0x90]  }
0x458: {  	[tilespmem:s23+$0x30] =	vst v6;
	v6 =	vmul.f32 v12, v5;
	v12 =	vld [tilespmem:s23+$0xA0]  }
0x459: {  	[tilespmem:s23+$0x40] =	vst v7;
	v7 =	vmul.f32 v9, v5;
	v9 =	vld [tilespmem:s23+$0xB0]  }
0x45a: {  	[tilespmem:s23+$0x50] =	vst v6;
	v5 =	vmul.f32 v10, v5;
	v6 =	vld [tilespmem:s23+$0xC0]  }
0x45b: {  	[tilespmem:s23+$0x60] =	vst v7;
	v7 =	vmul.f32 v4, v11;
	v10 =	vld [tilespmem:s23+$0xD0]  }
0x45c: {  	[tilespmem:s23+$0x70] =	vst v5;
	v5 =	vmul.f32 v8, v4;
	v8 =	vld [tilespmem:s23+$0xE0]  }
0x45d: {  	[tilespmem:s23+$0x80] =	vst v7;
	v7 =	vmul.f32 v12, v4;
	v11 =	vld [tilespmem:s23+$0xF0]  }
0x45e: {  	[tilespmem:s23+$0x90] =	vst v5;
	v5 =	vmul.f32 v9, v4;
	v9 =	vld [tilespmem:s23+$0x100]  }
0x45f: {  	[tilespmem:s23+$0xA0] =	vst v7;
	v6 =	vmul.f32 v6, v4;
	v7 =	vld [tilespmem:s23+$0x110]  }
0x460: {  	[tilespmem:s23+$0xB0] =	vst v5;
	v5 =	vmul.f32 v10, v4;
	v10 =	vld [tilespmem:s23+$0x120]  }
0x461: {  	[tilespmem:s23+$0xC0] =	vst v6;
	v6 =	vmul.f32 v8, v4;
	v8 =	vld [tilespmem:s23+$0x130]  }
0x462: {  	[tilespmem:s23+$0xD0] =	vst v5;
	v4 =	vmul.f32 v11, v4;
	v5 =	vld [tilespmem:s23+$0x140]  }
0x463: {  	[tilespmem:s23+$0xE0] =	vst v6;
	v6 =	vmul.f32 v3, v9;
	v9 =	vld [tilespmem:s23+$0x150]  }
0x464: {  	[tilespmem:s23+$0xF0] =	vst v4;
	v4 =	vmul.f32 v7, v3;
	v7 =	vld [tilespmem:s23+$0x160]  }
0x465: {  	[tilespmem:s23+$0x100] =	vst v6;
	v6 =	vmul.f32 v10, v3;
	v10 =	vld [tilespmem:s23+$0x170]  }
0x466: {  	[tilespmem:s23+$0x110] =	vst v4;
	v4 =	vmul.f32 v8, v3;
	v8 =	vld [tilespmem:s23+$0x180]  }
0x467: {  	[tilespmem:s23+$0x120] =	vst v6;
	v5 =	vmul.f32 v5, v3;
	v6 =	vld [tilespmem:s23+$0x190]  }
0x468: {  	[tilespmem:s23+$0x130] =	vst v4;
	v9 =	vmul.f32 v9, v3;
	v11 =	vld [tilespmem:s23+$0x1A0]  }
.Ltmp4:
0x469: {  	[tilespmem:s23+$0x140] =	vst v5;
	v5 =	vmul.f32 v7, v3;
	v4 =	vld [tilespmem:s23+$0x1B0];
	(pc) =	sbr.rel @p0 .LBB2_11-.Ltmp4, $4  }
0x46a: {  	[tilespmem:s23+$0x150] =	vst v9;
	v7 =	vmul.f32 v10, v3;
	v3 =	vld [tilespmem:s23+$0x1C0]  }
0x46b: {  	[tilespmem:s23+$0x160] =	vst v5;
	v9 =	vmul.f32 v1, v8;
	v5 =	vld [tilespmem:s23+$0x1D0]  }
0x46c: {  	[tilespmem:s23+$0x170] =	vst v7;
	v8 =	vmul.f32 v6, v1;
	v6 =	vld [tilespmem:s23+$0x1E0]  }
0x46d: {  	s22 =	sadd.s32 $0x8, s22;
	v7 =	vld [tilespmem:s23+$0xFFFFFE00];
	[tilespmem:s23+$0x180] =	vst v9;
	v9 =	vmul.f32 v11, v1  }
0x46e: {  	[tilespmem:s19+$0x190] =	vst v8;
	v4 =	vmul.f32 v4, v1  }
0x46f: {  	[tilespmem:s19+$0x1A0] =	vst v9;
	v3 =	vmul.f32 v3, v1  }
0x470: {  	[tilespmem:s19+$0x1B0] =	vst v4;
	v4 =	vmul.f32 v5, v1  }
0x471: {  	[tilespmem:s19+$0x1C0] =	vst v3;
	v1 =	vmul.f32 v6, v1  }
0x472: {  	v2 =	vmul.f32 v2, v7;
	[tilespmem:s19+$0x1D0] =	vst v4  }
0x473: {  	[tilespmem:s19+$0x1E0] =	vst v1  }
0x474: {  	[tilespmem:s19+$0xFFFFFE00] =	vst v2  }
0x475: {  	[spmem:s2] =	stream.indirect.scatter.add.f32 [tilespmem:s26], [sflag:$0x4], $0x80, s11, s16, $0xb8;
	[tilespmem:$0x1F980] =	vst v63  }
0x476: {  	_ = 	snop  }
0x477: {  	[spmem:s3] =	stream.indirect.scatter.add.f32 [tilespmem:s10], [sflag:$0x4], $0x1, s11, s16, $0xb8;
	[tilespmem:$0x1F980] =	vst v63  }
0x478: {  	v1 =	vld [tilespmem:$0x5080]  }
0x479: {  	v2 =	vld [tilespmem:$0x5200];
	_ =	sdelay $0x6  }
0x47a: {  	v1 =	vld.idx.msk [tilespmem:v1+s5+$0x0], $0xffff  }
0x47b: {  	v2 =	vld.idx.msk [tilespmem:v2+s4+$0x0], $0xffff;
	_ =	sdelay $0x4  }
0x47c: {  	v1 =	vadd.f32 v2, v1;
	_ =	sdelay $0x1  }
0x47d: {  	v2 =	vmul.f32 $2.000000030e-01, v1  }
0x47e: {  	vm0 =	vge.f32 v1, $0.0e+00  }
0x47f: {  	v1 =	vsel vm0, v1, v2  }
0x480: {  	v1 =	vmul.f32 $1.442695020e+00, v1;
	_ =	sdelay $0x1  }
0x481: {  	(erf) = vpow2.f32 v1;
	_ =	sdelay $0x2  }
0x482: {  	v1 =	vld [tilespmem:$0x5090]  }
0x483: {  	v2 =	vld [tilespmem:$0x5210];
	_ =	sdelay $0x4  }
0x484: {  	v3 =	vpop (erf)  }
0x485: {  	[tilespmem:$0x5300] =	vst v3  }
0x486: {  	v1 =	vld.idx.msk [tilespmem:v1+s5+$0x0], $0xffff  }
0x487: {  	v2 =	vld.idx.msk [tilespmem:v2+s4+$0x0], $0xffff;
	_ =	sdelay $0x4  }
0x488: {  	v1 =	vadd.f32 v2, v1;
	_ =	sdelay $0x1  }
0x489: {  	v2 =	vmul.f32 $2.000000030e-01, v1  }
0x48a: {  	vm11 =	vge.f32 v1, $0.0e+00  }
0x48b: {  	v1 =	vsel vm11, v1, v2  }
0x48c: {  	v1 =	vmul.f32 $1.442695020e+00, v1;
	_ =	sdelay $0x1  }
0x48d: {  	(erf) = vpow2.f32 v1;
	_ =	sdelay $0x2  }
0x48e: {  	v1 =	vld [tilespmem:$0x50A0]  }
0x48f: {  	v2 =	vld [tilespmem:$0x5220];
	_ =	sdelay $0x4  }
0x490: {  	v3 =	vpop (erf)  }
0x491: {  	[tilespmem:$0x5310] =	vst v3  }
0x492: {  	v1 =	vld.idx.msk [tilespmem:v1+s5+$0x0], $0xffff  }
0x493: {  	v2 =	vld.idx.msk [tilespmem:v2+s4+$0x0], $0xffff;
	_ =	sdelay $0x4  }
0x494: {  	v1 =	vadd.f32 v2, v1;
	_ =	sdelay $0x1  }
0x495: {  	v2 =	vmul.f32 $2.000000030e-01, v1  }
0x496: {  	vm12 =	vge.f32 v1, $0.0e+00  }
0x497: {  	v1 =	vsel vm12, v1, v2  }
0x498: {  	v1 =	vmul.f32 $1.442695020e+00, v1;
	_ =	sdelay $0x1  }
0x499: {  	(erf) = vpow2.f32 v1;
	_ =	sdelay $0x2  }
0x49a: {  	v1 =	vld [tilespmem:$0x50B0]  }
0x49b: {  	v2 =	vld [tilespmem:$0x5230];
	_ =	sdelay $0x4  }
0x49c: {  	v3 =	vpop (erf)  }
0x49d: {  	[tilespmem:$0x5320] =	vst v3  }
0x49e: {  	v1 =	vld.idx.msk [tilespmem:v1+s5+$0x0], $0xffff  }
0x49f: {  	v2 =	vld.idx.msk [tilespmem:v2+s4+$0x0], $0xffff;
	_ =	sdelay $0x4  }
0x4a0: {  	v1 =	vadd.f32 v2, v1;
	_ =	sdelay $0x1  }
0x4a1: {  	v2 =	vmul.f32 $2.000000030e-01, v1  }
0x4a2: {  	vm13 =	vge.f32 v1, $0.0e+00  }
0x4a3: {  	v1 =	vsel vm13, v1, v2  }
0x4a4: {  	v1 =	vmul.f32 $1.442695020e+00, v1;
	_ =	sdelay $0x1  }
0x4a5: {  	(erf) = vpow2.f32 v1;
	_ =	sdelay $0x2  }
0x4a6: {  	v1 =	vld [tilespmem:$0x50C0]  }
0x4a7: {  	v2 =	vld [tilespmem:$0x5240];
	_ =	sdelay $0x4  }
0x4a8: {  	v3 =	vpop (erf)  }
0x4a9: {  	[tilespmem:$0x5330] =	vst v3  }
0x4aa: {  	v1 =	vld.idx.msk [tilespmem:v1+s5+$0x0], $0xffff  }
0x4ab: {  	v2 =	vld.idx.msk [tilespmem:v2+s4+$0x0], $0xffff;
	_ =	sdelay $0x4  }
0x4ac: {  	v1 =	vadd.f32 v2, v1;
	_ =	sdelay $0x1  }
0x4ad: {  	v2 =	vmul.f32 $2.000000030e-01, v1  }
0x4ae: {  	vm14 =	vge.f32 v1, $0.0e+00  }
0x4af: {  	v1 =	vsel vm14, v1, v2  }
0x4b0: {  	v1 =	vmul.f32 $1.442695020e+00, v1;
	_ =	sdelay $0x1  }
0x4b1: {  	(erf) = vpow2.f32 v1;
	_ =	sdelay $0x2  }
0x4b2: {  	v1 =	vld [tilespmem:$0x50D0]  }
0x4b3: {  	v2 =	vld [tilespmem:$0x5250];
	_ =	sdelay $0x4  }
0x4b4: {  	v3 =	vpop (erf)  }
0x4b5: {  	[tilespmem:$0x5340] =	vst v3  }
0x4b6: {  	v1 =	vld.idx.msk [tilespmem:v1+s5+$0x0], $0xffff  }
0x4b7: {  	v2 =	vld.idx.msk [tilespmem:v2+s4+$0x0], $0xffff;
	_ =	sdelay $0x4  }
0x4b8: {  	v1 =	vadd.f32 v2, v1;
	_ =	sdelay $0x1  }
0x4b9: {  	v2 =	vmul.f32 $2.000000030e-01, v1  }
0x4ba: {  	vm15 =	vge.f32 v1, $0.0e+00  }
0x4bb: {  	v1 =	vsel vm15, v1, v2  }
0x4bc: {  	v1 =	vmul.f32 $1.442695020e+00, v1;
	_ =	sdelay $0x1  }
0x4bd: {  	(erf) = vpow2.f32 v1;
	_ =	sdelay $0x8  }
0x4be: {  	v1 =	vpop (erf)  }
0x4bf: {  	[tilespmem:$0x5350] =	vst v1  }
0x4c0: {  	_ =	swait.ge [sflag:s0], $0x3000  }
0x4c1: {  	[sflag:s0] =	ssyncset.done $0x0  }
0x4c2: {  	[sflag:s0] =	ssyncadd.s32 $0xFFFFD000  }
0x4c3: {  	_ =	swait.ge [sflag:s0], $0x60  }
0x4c4: {  	p0 =	seq.s32 s17, $0x11;
	s19 =	rddreg [dreg:$0x13]  }
0x4c5: {  	s19 =	sadd.s32 @!p0 s18, s19  }
0x4c6: {  	s22 =	simm.s32 @!p0 $0x0;
	[sflag:s0] =	ssyncset.done $0x0;
	s19 =	sshrl.u32 @!p0 s19, $0x3  }
0x4c7: {  	s23 =	simm.s32 @!p0 $0x5000;
	[sflag:s0] =	ssyncadd.s32 $0xFFFFFFA0;
	s20 =	sadd.s32 @!p0 s8, s19  }
0x4c8: {  	[tilespmem:s23], [sflag:$0x5] =	stream.linear.gather @!p0 [hbm4b:s20+s22], $0x60, $0x38;
	[tilespmem:$0x1F980] =	vst v63  }
0x4c9: {  	s19 =	sadd.s32 @!p0 s9, s19;
	s20 =	simm.s32 @!p0 $0x5180  }
0x4ca: {  	[tilespmem:s20], [sflag:$0x5] =	stream.linear.gather @!p0 [hbm4b:s19+s22], $0x60, $0x38;
	[tilespmem:$0x1F980] =	vst v63  }
0x4cb: {  	_ =	swait.ge [sflag:s31], $0x60  }
0x4cc: {  	[sflag:s31] =	ssyncset.done $0x0  }
0x4cd: {  	[sflag:s31] =	ssyncadd.s32 $0xFFFFFFA0  }
0x4ce: {  	_ =	swait.ge [sflag:s31], $0x60  }
0x4cf: {  	[sflag:s31] =	ssyncset.done $0x0  }
0x4d0: {  	[sflag:s31] =	ssyncadd.s32 $0xFFFFFFA0  }
0x4d1: {  	[tilespmem:s26], [sflag:$0x2] =	stream.indirect.gather [hbm4b:s1+s16], $0x80, s21, s16, $0xb8;
	[tilespmem:$0x1F980] =	vst v63  }
0x4d2: {  	_ =	swait.ge [sflag:s28], $0x3000  }
0x4d3: {  	[sflag:s28] =	ssyncset.done $0x0  }
0x4d4: {  	s23 =	simm.s32 $0x5304;
	[sflag:s28] =	ssyncadd.s32 $0xFFFFD000  }
0x4d5: {  	s19 =	simm.s32 $0x5600;
	v1 =	vld.msk [tilespmem:s23+$0x3 ss:$0x0], $0xffff  }
0x4d6: {  	v3 =	vld [tilespmem:s19+$0x1F0]  }
0x4d7: {  	v2 =	vld.msk [tilespmem:s23+$0xFFFFFFFC ss:$0x0], $0xffff  }
0x4d8: {  	v4 =	vld.msk [tilespmem:s23+$0xFFFFFFFD ss:$0x0], $0xffff  }
0x4d9: {  	v5 =	vld [tilespmem:s19+$0xFFFFFE10]  }
0x4da: {  	v6 =	vld [tilespmem:s19+$0xFFFFFE20]  }
0x4db: {  	v7 =	vld [tilespmem:s19+$0xFFFFFE30]  }
0x4dc: {  	v8 =	vld [tilespmem:s19+$0xFFFFFE40]  }
0x4dd: {  	v9 =	vld [tilespmem:s19+$0xFFFFFE50]  }
0x4de: {  	v10 =	vld [tilespmem:s19+$0xFFFFFE60]  }
0x4df: {  	v11 =	vld [tilespmem:s19+$0xFFFFFE70]  }
0x4e0: {  	v12 =	vld [tilespmem:s19+$0xFFFFFE80]  }
0x4e1: {  	v13 =	vld [tilespmem:s19+$0xFFFFFE90]  }
0x4e2: {  	v15 =	vld [tilespmem:s19+$0xFFFFFEB0]  }
0x4e3: {  	v16 =	vld [tilespmem:s19+$0xFFFFFEC0];
	v3 =	vmul.f32 v3, v1  }
0x4e4: {  	v14 =	vld [tilespmem:s19+$0xFFFFFEA0];
	v5 =	vmul.f32 v5, v2  }
0x4e5: {  	v52 =	vld [tilespmem:s19+$0xFFFFFED0];
	v6 =	vmul.f32 v6, v2;
	[tilespmem:s19+$0x1F0] =	vst v3  }
0x4e6: {  	v53 =	vld [tilespmem:s19+$0xFFFFFF30];
	v7 =	vmul.f32 v7, v2;
	[tilespmem:s19+$0xFFFFFE10] =	vst v5  }
0x4e7: {  	v54 =	vld [tilespmem:s19+$0xFFFFFF40];
	v15 =	vmul.f32 v15, v4;
	[tilespmem:s19+$0xFFFFFE20] =	vst v6  }
0x4e8: {  	v55 =	vld [tilespmem:s19+$0xFFFFFF70];
	v16 =	vmul.f32 v16, v4;
	[tilespmem:s19+$0xFFFFFE30] =	vst v7  }
0x4e9: {  	v56 =	vld [tilespmem:s19+$0xFFFFFF80];
	v3 =	vmul.f32 v4, v12;
	[tilespmem:s19+$0xFFFFFEB0] =	vst v15  }
0x4ea: {  	v57 =	vld [tilespmem:s19+$0xFFFFFFC0];
	v6 =	vmul.f32 v8, v2;
	[tilespmem:s19+$0xFFFFFEC0] =	vst v16  }
0x4eb: {  	v5 =	vld [tilespmem:s19+$0xFFFFFEE0];
	v7 =	vmul.f32 v9, v2;
	[tilespmem:s19+$0xFFFFFE80] =	vst v3  }
0x4ec: {  	v8 =	vld [tilespmem:s19+$0xFFFFFEF0];
	v12 =	vmul.f32 v52, v4;
	[tilespmem:s19+$0xFFFFFE40] =	vst v6  }
0x4ed: {  	v9 =	vld [tilespmem:s19+$0xFFFFFF00];
	v6 =	vmul.f32 v10, v2;
	[tilespmem:s19+$0xFFFFFE50] =	vst v7  }
0x4ee: {  	v3 =	vld.msk [tilespmem:s23+$0xFFFFFFFE ss:$0x0], $0xffff;
	v7 =	vmul.f32 v11, v2;
	[tilespmem:s19+$0xFFFFFED0] =	vst v12  }
0x4ef: {  	v10 =	vld [tilespmem:s19+$0xFFFFFF10];
	[tilespmem:s19+$0xFFFFFE60] =	vst v6;
	v6 =	vmul.f32 v13, v4  }
0x4f0: {  	v11 =	vld [tilespmem:s19+$0xFFFFFF20];
	[tilespmem:s19+$0xFFFFFE70] =	vst v7;
	v7 =	vmul.f32 v14, v4  }
0x4f1: {  	v58 =	vld [tilespmem:s19+$0xFFFFFFD0];
	v5 =	vmul.f32 v5, v4;
	[tilespmem:s19+$0xFFFFFE90] =	vst v6  }
0x4f2: {  	v59 =	vld [tilespmem:s19+$0xFFFFFFF0];
	v4 =	vmul.f32 v8, v4;
	[tilespmem:s19+$0xFFFFFEA0] =	vst v7  }
0x4f3: {  	v7 =	vld [tilespmem:s19+$0xFFFFFF60];
	v6 =	vmul.f32 v3, v9;
	[tilespmem:s19+$0xFFFFFEE0] =	vst v5  }
0x4f4: {  	v9 =	vld [tilespmem:s19+$0xFFFFFF50];
	v5 =	vmul.f32 v10, v3;
	[tilespmem:s19+$0xFFFFFEF0] =	vst v4  }
0x4f5: {  	v60 =	vld [tilespmem:s19+$0x40];
	v4 =	vmul.f32 v11, v3;
	[tilespmem:s19+$0xFFFFFF00] =	vst v6  }
0x4f6: {  	v14 =	vmul.f32 v54, v3;
	v6 =	vld.msk [tilespmem:s23+$0xFFFFFFFF ss:$0x0], $0xffff;
	[tilespmem:s19+$0xFFFFFF10] =	vst v5  }
0x4f7: {  	v8 =	vld [tilespmem:s19+$0xFFFFFF90];
	v5 =	vmul.f32 v53, v3;
	[tilespmem:s19+$0xFFFFFF20] =	vst v4  }
0x4f8: {  	v10 =	vld [tilespmem:s19+$0xFFFFFFA0];
	[tilespmem:s19+$0xFFFFFF40] =	vst v14;
	v7 =	vmul.f32 v7, v3  }
0x4f9: {  	v61 =	vld.msk [tilespmem:s23+$0x1 ss:$0x0], $0xffff;
	[tilespmem:s19+$0xFFFFFF30] =	vst v5;
	v9 =	vmul.f32 v9, v3  }
0x4fa: {  	v11 =	vld [tilespmem:s19+$0xFFFFFFB0];
	v3 =	vmul.f32 v55, v3;
	[tilespmem:s19+$0xFFFFFF60] =	vst v7  }
0x4fb: {  	v62 =	vld [tilespmem:s19+$0xB0];
	v4 =	vmul.f32 v6, v56;
	[tilespmem:s19+$0xFFFFFF50] =	vst v9  }
0x4fc: {  	v5 =	vld [tilespmem:s19+$0xFFFFFFE0];
	v7 =	vmul.f32 v8, v6;
	[tilespmem:s19+$0xFFFFFF70] =	vst v3  }
0x4fd: {  	v9 =	vld [tilespmem:s19+$0x0];
	v3 =	vmul.f32 v10, v6;
	[tilespmem:s19+$0xFFFFFF80] =	vst v4  }
0x4fe: {  	v13 =	vmul.f32 v58, v6;
	v4 =	vld.msk [tilespmem:s23+$0x0 ss:$0x0], $0xffff;
	[tilespmem:s19+$0xFFFFFF90] =	vst v7  }
0x4ff: {  	v8 =	vld [tilespmem:s19+$0x10];
	v7 =	vmul.f32 v11, v6;
	[tilespmem:s19+$0xFFFFFFA0] =	vst v3  }
0x500: {  	v10 =	vld [tilespmem:s19+$0x20];
	v3 =	vmul.f32 v57, v6;
	[tilespmem:s19+$0xFFFFFFD0] =	vst v13  }
0x501: {  	v11 =	vld [tilespmem:s19+$0x30];
	v5 =	vmul.f32 v5, v6;
	[tilespmem:s19+$0xFFFFFFB0] =	vst v7  }
0x502: {  	v6 =	vmul.f32 v59, v6;
	[tilespmem:s19+$0xFFFFFFC0] =	vst v3;
	v3 =	vld [tilespmem:s19+$0x60]  }
0x503: {  	[tilespmem:s19+$0xFFFFFFE0] =	vst v5;
	v7 =	vmul.f32 v4, v9;
	v9 =	vld [tilespmem:s19+$0x50]  }
0x504: {  	[tilespmem:s19+$0xFFFFFFF0] =	vst v6;
	v5 =	vmul.f32 v8, v4;
	v8 =	vld [tilespmem:s19+$0x80]  }
0x505: {  	v63 =	vld.msk [tilespmem:s23+$0x2 ss:$0x0], $0xffff;
	v6 =	vmul.f32 v10, v4;
	[tilespmem:s19+$0x0] =	vst v7  }
0x506: {  	v10 =	vld [tilespmem:s19+$0x90];
	[tilespmem:s19+$0x10] =	vst v5;
	v5 =	vmul.f32 v11, v4  }
0x507: {  	v7 =	vld [tilespmem:s19+$0x70];
	[tilespmem:s19+$0x20] =	vst v6;
	v6 =	vmul.f32 v60, v4  }
0x508: {  	v11 =	vld [tilespmem:s19+$0xA0];
	v3 =	vmul.f32 v3, v4;
	[tilespmem:s19+$0x30] =	vst v5  }
0x509: {  	[tilespmem:s19+$0x40] =	vst v6;
	v5 =	vmul.f32 v9, v4;
	v9 =	vld [tilespmem:s19+$0xC0];
	v6 =	vmul.f32 v61, v8  }
0x50a: {  	[tilespmem:s19+$0x60] =	vst v3;
	v8 =	vld [tilespmem:s19+$0xD0]  }
0x50b: {  	v3 =	vmul.f32 v10, v61;
	[tilespmem:s19+$0x80] =	vst v6;
	v6 =	vld [tilespmem:s19+$0xF0]  }
0x50c: {  	[tilespmem:s19+$0x50] =	vst v5;
	v4 =	vmul.f32 v7, v4;
	v7 =	vld [tilespmem:s19+$0x100]  }
0x50d: {  	v5 =	vld [tilespmem:s19+$0xE0];
	[tilespmem:s19+$0x90] =	vst v3;
	v3 =	vmul.f32 v62, v61  }
0x50e: {  	v10 =	vld [tilespmem:s19+$0x110];
	[tilespmem:s19+$0x70] =	vst v4;
	v4 =	vmul.f32 v11, v61  }
0x50f: {  	[tilespmem:s19+$0xB0] =	vst v3;
	v3 =	vmul.f32 v8, v61;
	v8 =	vld [tilespmem:s19+$0x130]  }
0x510: {  	[tilespmem:s19+$0xA0] =	vst v4;
	v4 =	vmul.f32 v9, v61;
	v9 =	vld [tilespmem:s19+$0x120]  }
0x511: {  	[tilespmem:s19+$0xD0] =	vst v3;
	v3 =	vmul.f32 v63, v7;
	v7 =	vld [tilespmem:s19+$0x150];
	v6 =	vmul.f32 v6, v61  }
0x512: {  	[tilespmem:s19+$0xC0] =	vst v4;
	v4 =	vmul.f32 v5, v61;
	v5 =	vld [tilespmem:s19+$0x140]  }
0x513: {  	[tilespmem:s19+$0xF0] =	vst v6;
	v6 =	vld [tilespmem:s19+$0x170]  }
0x514: {  	v10 =	vmul.f32 v10, v63;
	[tilespmem:s19+$0xE0] =	vst v4;
	v4 =	vld [tilespmem:s19+$0x160]  }
0x515: {  	[tilespmem:s19+$0x100] =	vst v3;
	v3 =	vmul.f32 v9, v63  }
0x516: {  	[tilespmem:s19+$0x110] =	vst v10;
	v8 =	vmul.f32 v8, v63;
	v9 =	vld [tilespmem:s19+$0x180]  }
0x517: {  	v10 =	vld [tilespmem:s19+$0x190];
	[tilespmem:s19+$0x120] =	vst v3;
	v3 =	vmul.f32 v5, v63  }
0x518: {  	v11 =	vld [tilespmem:s19+$0x1A0];
	[tilespmem:s19+$0x130] =	vst v8;
	v5 =	vmul.f32 v7, v63  }
0x519: {  	v6 =	vmul.f32 v6, v63;
	[tilespmem:s19+$0x140] =	vst v3;
	v7 =	vmul.f32 v4, v63;
	v4 =	vld [tilespmem:s19+$0x1B0]  }
0x51a: {  	[tilespmem:s19+$0x150] =	vst v5;
	v3 =	vld [tilespmem:s19+$0x1C0]  }
0x51b: {  	v5 =	vld [tilespmem:s19+$0x1D0];
	v9 =	vmul.f32 v1, v9;
	[tilespmem:s19+$0x170] =	vst v6  }
0x51c: {  	v8 =	vmul.f32 v10, v1;
	v6 =	vld [tilespmem:s19+$0x1E0];
	[tilespmem:s19+$0x160] =	vst v7  }
0x51d: {  	s20 =	simm.s32 $0x0;
	s22 =	simm.s32 $0x530C;
	s23 =	simm.s32 $0x5600;
	v7 =	vld [tilespmem:s19+$0xFFFFFE00];
	[tilespmem:s19+$0x180] =	vst v9;
	v9 =	vmul.f32 v11, v1  }
.LBB2_13:
0x51e: {  	v10 =	vld.msk [tilespmem:s22+$0x3 ss:$0x0], $0xffff;
	s20 =	sadd.s32 $0x8, s20;
	[tilespmem:s19+$0x190] =	vst v8;
	v4 =	vmul.f32 v4, v1;
	s23 =	sadd.s32 $0x400, s23  }
0x51f: {  	v8 =	vld [tilespmem:s23+$0x1F0];
	p1 =	slt.u32 s20, $0x58;
	[tilespmem:s19+$0x1A0] =	vst v9;
	v3 =	vmul.f32 v3, v1  }
0x520: {  	v9 =	vld.msk [tilespmem:s22+$0xFFFFFFFC ss:$0x0], $0xffff;
	[tilespmem:s19+$0x1B0] =	vst v4;
	v4 =	vmul.f32 v5, v1  }
0x521: {  	v11 =	vld.msk [tilespmem:s22+$0xFFFFFFFD ss:$0x0], $0xffff;
	[tilespmem:s19+$0x1C0] =	vst v3;
	v3 =	vmul.f32 v6, v1  }
0x522: {  	v12 =	vld.msk [tilespmem:s22+$0xFFFFFFFE ss:$0x0], $0xffff;
	v2 =	vmul.f32 v2, v7;
	[tilespmem:s19+$0x1D0] =	vst v4  }
0x523: {  	v6 =	vld.msk [tilespmem:s22+$0xFFFFFFFF ss:$0x0], $0xffff;
	[tilespmem:s19+$0x1E0] =	vst v3  }
0x524: {  	v1 =	vmov v10;
	v5 =	vld.msk [tilespmem:s22+$0x0 ss:$0x0], $0xffff;
	v7 =	vmul.f32 v8, v10;
	[tilespmem:s19+$0xFFFFFE00] =	vst v2;
	s19 =	smov.u32 s23  }
0x525: {  	v4 =	vld.msk [tilespmem:s22+$0x1 ss:$0x0], $0xffff  }
0x526: {  	v3 =	vld.msk [tilespmem:s22+$0x2 ss:$0x0], $0xffff;
	[tilespmem:s23+$0x1F0] =	vst v7;
	v2 =	vmov v9  }
0x527: {  	v7 =	vld [tilespmem:s23+$0xFFFFFE10]  }
0x528: {  	v8 =	vld [tilespmem:s23+$0xFFFFFE20]  }
0x529: {  	v9 =	vld [tilespmem:s23+$0xFFFFFE30]  }
0x52a: {  	v10 =	vld [tilespmem:s23+$0xFFFFFE40]  }
0x52b: {  	v13 =	vld [tilespmem:s23+$0xFFFFFE50]  }
0x52c: {  	v7 =	vmul.f32 v7, v2;
	v14 =	vld [tilespmem:s23+$0xFFFFFE60]  }
0x52d: {  	v8 =	vmul.f32 v8, v2;
	v15 =	vld [tilespmem:s23+$0xFFFFFE70]  }
0x52e: {  	[tilespmem:s23+$0xFFFFFE10] =	vst v7;
	v7 =	vmul.f32 v9, v2;
	v9 =	vld [tilespmem:s23+$0xFFFFFE80]  }
0x52f: {  	[tilespmem:s23+$0xFFFFFE20] =	vst v8;
	v8 =	vmul.f32 v10, v2;
	v10 =	vld [tilespmem:s23+$0xFFFFFE90]  }
0x530: {  	[tilespmem:s23+$0xFFFFFE30] =	vst v7;
	v7 =	vmul.f32 v13, v2;
	v13 =	vld [tilespmem:s23+$0xFFFFFEA0]  }
0x531: {  	[tilespmem:s23+$0xFFFFFE40] =	vst v8;
	v8 =	vmul.f32 v14, v2;
	v14 =	vld [tilespmem:s23+$0xFFFFFEB0]  }
0x532: {  	[tilespmem:s23+$0xFFFFFE50] =	vst v7;
	v7 =	vmul.f32 v15, v2;
	v15 =	vld [tilespmem:s23+$0xFFFFFEC0]  }
0x533: {  	[tilespmem:s23+$0xFFFFFE60] =	vst v8;
	v8 =	vmul.f32 v11, v9;
	v9 =	vld [tilespmem:s23+$0xFFFFFED0]  }
0x534: {  	[tilespmem:s23+$0xFFFFFE70] =	vst v7;
	v7 =	vmul.f32 v10, v11;
	v10 =	vld [tilespmem:s23+$0xFFFFFEE0]  }
0x535: {  	[tilespmem:s23+$0xFFFFFE80] =	vst v8;
	v8 =	vmul.f32 v13, v11;
	v13 =	vld [tilespmem:s23+$0xFFFFFEF0]  }
0x536: {  	[tilespmem:s23+$0xFFFFFE90] =	vst v7;
	v7 =	vmul.f32 v14, v11;
	v14 =	vld [tilespmem:s23+$0xFFFFFF00]  }
0x537: {  	[tilespmem:s23+$0xFFFFFEA0] =	vst v8;
	v8 =	vmul.f32 v15, v11;
	v15 =	vld [tilespmem:s23+$0xFFFFFF10]  }
0x538: {  	[tilespmem:s23+$0xFFFFFEB0] =	vst v7;
	v7 =	vmul.f32 v9, v11;
	v9 =	vld [tilespmem:s23+$0xFFFFFF20]  }
0x539: {  	[tilespmem:s23+$0xFFFFFEC0] =	vst v8;
	v8 =	vmul.f32 v10, v11;
	v10 =	vld [tilespmem:s23+$0xFFFFFF30]  }
0x53a: {  	[tilespmem:s23+$0xFFFFFED0] =	vst v7;
	v7 =	vmul.f32 v13, v11;
	v11 =	vld [tilespmem:s23+$0xFFFFFF40]  }
0x53b: {  	[tilespmem:s23+$0xFFFFFEE0] =	vst v8;
	v8 =	vmul.f32 v12, v14;
	v13 =	vld [tilespmem:s23+$0xFFFFFF50]  }
0x53c: {  	[tilespmem:s23+$0xFFFFFEF0] =	vst v7;
	v7 =	vmul.f32 v15, v12;
	v14 =	vld [tilespmem:s23+$0xFFFFFF60]  }
0x53d: {  	[tilespmem:s23+$0xFFFFFF00] =	vst v8;
	v8 =	vmul.f32 v9, v12;
	v9 =	vld [tilespmem:s23+$0xFFFFFF70]  }
0x53e: {  	[tilespmem:s23+$0xFFFFFF10] =	vst v7;
	v7 =	vmul.f32 v10, v12;
	v10 =	vld [tilespmem:s23+$0xFFFFFF80]  }
0x53f: {  	[tilespmem:s23+$0xFFFFFF20] =	vst v8;
	v8 =	vmul.f32 v11, v12;
	v11 =	vld [tilespmem:s23+$0xFFFFFF90]  }
0x540: {  	[tilespmem:s23+$0xFFFFFF30] =	vst v7;
	v7 =	vmul.f32 v13, v12;
	v13 =	vld [tilespmem:s23+$0xFFFFFFA0]  }
0x541: {  	[tilespmem:s23+$0xFFFFFF40] =	vst v8;
	v8 =	vmul.f32 v14, v12;
	v14 =	vld [tilespmem:s23+$0xFFFFFFB0]  }
0x542: {  	[tilespmem:s23+$0xFFFFFF50] =	vst v7;
	v7 =	vmul.f32 v9, v12;
	v9 =	vld [tilespmem:s23+$0xFFFFFFC0]  }
0x543: {  	[tilespmem:s23+$0xFFFFFF60] =	vst v8;
	v8 =	vmul.f32 v6, v10;
	v10 =	vld [tilespmem:s23+$0xFFFFFFD0]  }
0x544: {  	[tilespmem:s23+$0xFFFFFF70] =	vst v7;
	v7 =	vmul.f32 v11, v6;
	v11 =	vld [tilespmem:s23+$0xFFFFFFE0]  }
0x545: {  	[tilespmem:s23+$0xFFFFFF80] =	vst v8;
	v8 =	vmul.f32 v13, v6;
	v12 =	vld [tilespmem:s23+$0xFFFFFFF0]  }
0x546: {  	[tilespmem:s23+$0xFFFFFF90] =	vst v7;
	v7 =	vmul.f32 v14, v6;
	v13 =	vld [tilespmem:s23+$0x0]  }
0x547: {  	[tilespmem:s23+$0xFFFFFFA0] =	vst v8;
	v8 =	vmul.f32 v9, v6;
	v9 =	vld [tilespmem:s23+$0x10]  }
0x548: {  	[tilespmem:s23+$0xFFFFFFB0] =	vst v7;
	v7 =	vmul.f32 v10, v6;
	v10 =	vld [tilespmem:s23+$0x20]  }
0x549: {  	[tilespmem:s23+$0xFFFFFFC0] =	vst v8;
	v8 =	vmul.f32 v11, v6;
	v11 =	vld [tilespmem:s23+$0x30]  }
0x54a: {  	[tilespmem:s23+$0xFFFFFFD0] =	vst v7;
	v6 =	vmul.f32 v12, v6;
	v7 =	vld [tilespmem:s23+$0x40]  }
0x54b: {  	[tilespmem:s23+$0xFFFFFFE0] =	vst v8;
	v8 =	vmul.f32 v5, v13;
	v12 =	vld [tilespmem:s23+$0x50]  }
0x54c: {  	[tilespmem:s23+$0xFFFFFFF0] =	vst v6;
	v6 =	vmul.f32 v9, v5;
	v9 =	vld [tilespmem:s23+$0x60]  }
0x54d: {  	[tilespmem:s23+$0x0] =	vst v8;
	v8 =	vmul.f32 v10, v5;
	v10 =	vld [tilespmem:s23+$0x70]  }
0x54e: {  	[tilespmem:s23+$0x10] =	vst v6;
	v6 =	vmul.f32 v11, v5;
	v11 =	vld [tilespmem:s23+$0x80]  }
0x54f: {  	[tilespmem:s23+$0x20] =	vst v8;
	v7 =	vmul.f32 v7, v5;
	v8 =	vld [tilespmem:s23+$0x90]  }
0x550: {  	[tilespmem:s23+$0x30] =	vst v6;
	v6 =	vmul.f32 v12, v5;
	v12 =	vld [tilespmem:s23+$0xA0]  }
0x551: {  	[tilespmem:s23+$0x40] =	vst v7;
	v7 =	vmul.f32 v9, v5;
	v9 =	vld [tilespmem:s23+$0xB0]  }
0x552: {  	[tilespmem:s23+$0x50] =	vst v6;
	v5 =	vmul.f32 v10, v5;
	v6 =	vld [tilespmem:s23+$0xC0]  }
0x553: {  	[tilespmem:s23+$0x60] =	vst v7;
	v7 =	vmul.f32 v4, v11;
	v10 =	vld [tilespmem:s23+$0xD0]  }
0x554: {  	[tilespmem:s23+$0x70] =	vst v5;
	v5 =	vmul.f32 v8, v4;
	v8 =	vld [tilespmem:s23+$0xE0]  }
0x555: {  	[tilespmem:s23+$0x80] =	vst v7;
	v7 =	vmul.f32 v12, v4;
	v11 =	vld [tilespmem:s23+$0xF0]  }
0x556: {  	[tilespmem:s23+$0x90] =	vst v5;
	v5 =	vmul.f32 v9, v4;
	v9 =	vld [tilespmem:s23+$0x100]  }
0x557: {  	[tilespmem:s23+$0xA0] =	vst v7;
	v6 =	vmul.f32 v6, v4;
	v7 =	vld [tilespmem:s23+$0x110]  }
0x558: {  	[tilespmem:s23+$0xB0] =	vst v5;
	v5 =	vmul.f32 v10, v4;
	v10 =	vld [tilespmem:s23+$0x120]  }
0x559: {  	[tilespmem:s23+$0xC0] =	vst v6;
	v6 =	vmul.f32 v8, v4;
	v8 =	vld [tilespmem:s23+$0x130]  }
0x55a: {  	[tilespmem:s23+$0xD0] =	vst v5;
	v4 =	vmul.f32 v11, v4;
	v5 =	vld [tilespmem:s23+$0x140]  }
0x55b: {  	[tilespmem:s23+$0xE0] =	vst v6;
	v6 =	vmul.f32 v3, v9;
	v9 =	vld [tilespmem:s23+$0x150]  }
0x55c: {  	[tilespmem:s23+$0xF0] =	vst v4;
	v4 =	vmul.f32 v7, v3;
	v7 =	vld [tilespmem:s23+$0x160]  }
0x55d: {  	[tilespmem:s23+$0x100] =	vst v6;
	v6 =	vmul.f32 v10, v3;
	v10 =	vld [tilespmem:s23+$0x170]  }
0x55e: {  	[tilespmem:s23+$0x110] =	vst v4;
	v4 =	vmul.f32 v8, v3;
	v8 =	vld [tilespmem:s23+$0x180]  }
0x55f: {  	[tilespmem:s23+$0x120] =	vst v6;
	v5 =	vmul.f32 v5, v3;
	v6 =	vld [tilespmem:s23+$0x190]  }
0x560: {  	[tilespmem:s23+$0x130] =	vst v4;
	v9 =	vmul.f32 v9, v3;
	v11 =	vld [tilespmem:s23+$0x1A0]  }
.Ltmp5:
0x561: {  	[tilespmem:s23+$0x140] =	vst v5;
	v5 =	vmul.f32 v7, v3;
	v4 =	vld [tilespmem:s23+$0x1B0];
	(pc) =	sbr.rel @p1 .LBB2_13-.Ltmp5, $4  }
0x562: {  	[tilespmem:s23+$0x150] =	vst v9;
	v7 =	vmul.f32 v10, v3;
	v3 =	vld [tilespmem:s23+$0x1C0]  }
0x563: {  	[tilespmem:s23+$0x160] =	vst v5;
	v9 =	vmul.f32 v1, v8;
	v5 =	vld [tilespmem:s23+$0x1D0]  }
0x564: {  	[tilespmem:s23+$0x170] =	vst v7;
	v8 =	vmul.f32 v6, v1;
	v6 =	vld [tilespmem:s23+$0x1E0]  }
0x565: {  	s22 =	sadd.s32 $0x8, s22;
	v7 =	vld [tilespmem:s23+$0xFFFFFE00];
	[tilespmem:s23+$0x180] =	vst v9;
	v9 =	vmul.f32 v11, v1  }
0x566: {  	[tilespmem:s19+$0x190] =	vst v8;
	v4 =	vmul.f32 v4, v1  }
0x567: {  	[tilespmem:s19+$0x1A0] =	vst v9;
	v3 =	vmul.f32 v3, v1  }
0x568: {  	[tilespmem:s19+$0x1B0] =	vst v4;
	v4 =	vmul.f32 v5, v1  }
0x569: {  	[tilespmem:s19+$0x1C0] =	vst v3;
	v1 =	vmul.f32 v6, v1  }
0x56a: {  	v2 =	vmul.f32 v2, v7;
	[tilespmem:s19+$0x1D0] =	vst v4  }
0x56b: {  	[tilespmem:s19+$0x1E0] =	vst v1  }
0x56c: {  	[tilespmem:s19+$0xFFFFFE00] =	vst v2  }
0x56d: {  	[spmem:s2] =	stream.indirect.scatter.add.f32 [tilespmem:s6], [sflag:$0x3], $0x80, s14, s16, $0xb8;
	[tilespmem:$0x1F980] =	vst v63  }
0x56e: {  	_ = 	snop  }
0x56f: {  	[spmem:s3] =	stream.indirect.scatter.add.f32 [tilespmem:s29], [sflag:$0x3], $0x1, s14, s16, $0xb8;
	[tilespmem:$0x1F980] =	vst v63  }
0x570: {  	v1 =	vld [tilespmem:$0x5100]  }
0x571: {  	v2 =	vld [tilespmem:$0x5280];
	_ =	sdelay $0x6  }
0x572: {  	v1 =	vld.idx.msk [tilespmem:v1+s5+$0x0], $0xffff  }
0x573: {  	v2 =	vld.idx.msk [tilespmem:v2+s4+$0x0], $0xffff;
	_ =	sdelay $0x4  }
0x574: {  	v1 =	vadd.f32 v2, v1;
	_ =	sdelay $0x1  }
0x575: {  	v2 =	vmul.f32 $2.000000030e-01, v1  }
0x576: {  	vm0 =	vge.f32 v1, $0.0e+00  }
0x577: {  	v1 =	vsel vm0, v1, v2  }
0x578: {  	v1 =	vmul.f32 $1.442695020e+00, v1;
	_ =	sdelay $0x1  }
0x579: {  	(erf) = vpow2.f32 v1;
	_ =	sdelay $0x2  }
0x57a: {  	v1 =	vld [tilespmem:$0x5110]  }
0x57b: {  	v2 =	vld [tilespmem:$0x5290];
	_ =	sdelay $0x4  }
0x57c: {  	v3 =	vpop (erf)  }
0x57d: {  	[tilespmem:$0x5380] =	vst v3  }
0x57e: {  	v1 =	vld.idx.msk [tilespmem:v1+s5+$0x0], $0xffff  }
0x57f: {  	v2 =	vld.idx.msk [tilespmem:v2+s4+$0x0], $0xffff;
	_ =	sdelay $0x4  }
0x580: {  	v1 =	vadd.f32 v2, v1;
	_ =	sdelay $0x1  }
0x581: {  	v2 =	vmul.f32 $2.000000030e-01, v1  }
0x582: {  	vm11 =	vge.f32 v1, $0.0e+00  }
0x583: {  	v1 =	vsel vm11, v1, v2  }
0x584: {  	v1 =	vmul.f32 $1.442695020e+00, v1;
	_ =	sdelay $0x1  }
0x585: {  	(erf) = vpow2.f32 v1;
	_ =	sdelay $0x2  }
0x586: {  	v1 =	vld [tilespmem:$0x5120]  }
0x587: {  	v2 =	vld [tilespmem:$0x52A0];
	_ =	sdelay $0x4  }
0x588: {  	v3 =	vpop (erf)  }
0x589: {  	[tilespmem:$0x5390] =	vst v3  }
0x58a: {  	v1 =	vld.idx.msk [tilespmem:v1+s5+$0x0], $0xffff  }
0x58b: {  	v2 =	vld.idx.msk [tilespmem:v2+s4+$0x0], $0xffff;
	_ =	sdelay $0x4  }
0x58c: {  	v1 =	vadd.f32 v2, v1;
	_ =	sdelay $0x1  }
0x58d: {  	v2 =	vmul.f32 $2.000000030e-01, v1  }
0x58e: {  	vm12 =	vge.f32 v1, $0.0e+00  }
0x58f: {  	v1 =	vsel vm12, v1, v2  }
0x590: {  	v1 =	vmul.f32 $1.442695020e+00, v1;
	_ =	sdelay $0x1  }
0x591: {  	(erf) = vpow2.f32 v1;
	_ =	sdelay $0x2  }
0x592: {  	v1 =	vld [tilespmem:$0x5130]  }
0x593: {  	v2 =	vld [tilespmem:$0x52B0];
	_ =	sdelay $0x4  }
0x594: {  	v3 =	vpop (erf)  }
0x595: {  	[tilespmem:$0x53A0] =	vst v3  }
0x596: {  	v1 =	vld.idx.msk [tilespmem:v1+s5+$0x0], $0xffff  }
0x597: {  	v2 =	vld.idx.msk [tilespmem:v2+s4+$0x0], $0xffff;
	_ =	sdelay $0x4  }
0x598: {  	v1 =	vadd.f32 v2, v1;
	_ =	sdelay $0x1  }
0x599: {  	v2 =	vmul.f32 $2.000000030e-01, v1  }
0x59a: {  	vm13 =	vge.f32 v1, $0.0e+00  }
0x59b: {  	v1 =	vsel vm13, v1, v2  }
0x59c: {  	v1 =	vmul.f32 $1.442695020e+00, v1;
	_ =	sdelay $0x1  }
0x59d: {  	(erf) = vpow2.f32 v1;
	_ =	sdelay $0x2  }
0x59e: {  	v1 =	vld [tilespmem:$0x5140]  }
0x59f: {  	v2 =	vld [tilespmem:$0x52C0];
	_ =	sdelay $0x4  }
0x5a0: {  	v3 =	vpop (erf)  }
0x5a1: {  	[tilespmem:$0x53B0] =	vst v3  }
0x5a2: {  	v1 =	vld.idx.msk [tilespmem:v1+s5+$0x0], $0xffff  }
0x5a3: {  	v2 =	vld.idx.msk [tilespmem:v2+s4+$0x0], $0xffff;
	_ =	sdelay $0x4  }
0x5a4: {  	v1 =	vadd.f32 v2, v1;
	_ =	sdelay $0x1  }
0x5a5: {  	v2 =	vmul.f32 $2.000000030e-01, v1  }
0x5a6: {  	vm14 =	vge.f32 v1, $0.0e+00  }
0x5a7: {  	v1 =	vsel vm14, v1, v2  }
0x5a8: {  	v1 =	vmul.f32 $1.442695020e+00, v1;
	_ =	sdelay $0x1  }
0x5a9: {  	(erf) = vpow2.f32 v1;
	_ =	sdelay $0x2  }
0x5aa: {  	v1 =	vld [tilespmem:$0x5150]  }
0x5ab: {  	v2 =	vld [tilespmem:$0x52D0];
	_ =	sdelay $0x4  }
0x5ac: {  	v3 =	vpop (erf)  }
0x5ad: {  	[tilespmem:$0x53C0] =	vst v3  }
0x5ae: {  	v1 =	vld.idx.msk [tilespmem:v1+s5+$0x0], $0xffff  }
0x5af: {  	v2 =	vld.idx.msk [tilespmem:v2+s4+$0x0], $0xffff;
	_ =	sdelay $0x4  }
0x5b0: {  	v1 =	vadd.f32 v2, v1;
	_ =	sdelay $0x1  }
0x5b1: {  	v2 =	vmul.f32 $2.000000030e-01, v1  }
0x5b2: {  	vm15 =	vge.f32 v1, $0.0e+00  }
0x5b3: {  	v1 =	vsel vm15, v1, v2  }
0x5b4: {  	v1 =	vmul.f32 $1.442695020e+00, v1;
	_ =	sdelay $0x1  }
0x5b5: {  	(erf) = vpow2.f32 v1;
	_ =	sdelay $0x8  }
0x5b6: {  	v1 =	vpop (erf)  }
0x5b7: {  	[tilespmem:$0x53D0] =	vst v1  }
0x5b8: {  	_ =	swait.ge [sflag:s30], $0x3000  }
0x5b9: {  	[sflag:s30] =	ssyncset.done $0x0  }
0x5ba: {  	[sflag:s30] =	ssyncadd.s32 $0xFFFFD000  }
0x5bb: {  	_ =	swait.ge [sflag:s30], $0x60  }
0x5bc: {  	s19 =	rddreg [dreg:$0x14]  }
0x5bd: {  	s18 =	sadd.s32 @!p0 s18, s19  }
0x5be: {  	s20 =	simm.s32 @!p0 $0x0;
	[sflag:s30] =	ssyncset.done $0x0;
	s18 =	sshrl.u32 @!p0 s18, $0x3  }
0x5bf: {  	s22 =	simm.s32 @!p0 $0x5080;
	[sflag:s30] =	ssyncadd.s32 $0xFFFFFFA0;
	s19 =	sadd.s32 @!p0 s8, s18  }
0x5c0: {  	[tilespmem:s22], [sflag:$0x6] =	stream.linear.gather @!p0 [hbm4b:s19+s20], $0x60, $0x38;
	[tilespmem:$0x1F980] =	vst v63  }
0x5c1: {  	s18 =	sadd.s32 @!p0 s9, s18;
	s19 =	simm.s32 @!p0 $0x5200  }
0x5c2: {  	[tilespmem:s19], [sflag:$0x6] =	stream.linear.gather @!p0 [hbm4b:s18+s20], $0x60, $0x38;
	[tilespmem:$0x1F980] =	vst v63  }
0x5c3: {  	s18 =	simm.s32 @!p0 $0x5  }
0x5c4: {  	_ =	swait.ge @!p0 [sflag:s18], $0x60  }
0x5c5: {  	[sflag:s18] =	ssyncset.done @!p0 $0x0  }
0x5c6: {  	[sflag:s18] =	ssyncadd.s32 @!p0 $0xFFFFFFA0  }
0x5c7: {  	_ =	swait.ge @!p0 [sflag:s18], $0x60  }
0x5c8: {  	s19 =	simm.s32 @!p0 $0x5000;
	[sflag:s18] =	ssyncset.done @!p0 $0x0  }
0x5c9: {  	s20 =	simm.s32 @!p0 $0x5400;
	[sflag:s18] =	ssyncadd.s32 @!p0 $0xFFFFFFA0;
	s18 =	simm.s32 @!p0 $0x60  }
0x5ca: {  	[tilespmem:s20], [sflag:$0x1] =	stream.indirect.gather @!p0 [hbm4b:s1+s18], $0x80, s19, s18, $0xb8;
	[tilespmem:$0x1F980] =	vst v63  }
0x5cb: {  	_ =	swait.ge [sflag:s12], $0x3000  }
0x5cc: {  	[sflag:s12] =	ssyncset.done $0x0  }
0x5cd: {  	s23 =	simm.s32 $0x5384;
	[sflag:s12] =	ssyncadd.s32 $0xFFFFD000  }
0x5ce: {  	s18 =	simm.s32 $0x8600;
	v1 =	vld.msk [tilespmem:s23+$0x3 ss:$0x0], $0xffff  }
0x5cf: {  	v3 =	vld [tilespmem:s18+$0x1F0]  }
0x5d0: {  	v2 =	vld.msk [tilespmem:s23+$0xFFFFFFFC ss:$0x0], $0xffff  }
0x5d1: {  	v4 =	vld.msk [tilespmem:s23+$0xFFFFFFFD ss:$0x0], $0xffff  }
0x5d2: {  	v5 =	vld [tilespmem:s18+$0xFFFFFE10]  }
0x5d3: {  	v6 =	vld [tilespmem:s18+$0xFFFFFE20]  }
0x5d4: {  	v7 =	vld [tilespmem:s18+$0xFFFFFE30]  }
0x5d5: {  	v8 =	vld [tilespmem:s18+$0xFFFFFE40]  }
0x5d6: {  	v9 =	vld [tilespmem:s18+$0xFFFFFE50]  }
0x5d7: {  	v10 =	vld [tilespmem:s18+$0xFFFFFE60]  }
0x5d8: {  	v11 =	vld [tilespmem:s18+$0xFFFFFE70]  }
0x5d9: {  	v12 =	vld [tilespmem:s18+$0xFFFFFE80]  }
0x5da: {  	v13 =	vld [tilespmem:s18+$0xFFFFFE90]  }
0x5db: {  	v15 =	vld [tilespmem:s18+$0xFFFFFEB0]  }
0x5dc: {  	v16 =	vld [tilespmem:s18+$0xFFFFFEC0];
	v3 =	vmul.f32 v3, v1  }
0x5dd: {  	v14 =	vld [tilespmem:s18+$0xFFFFFEA0];
	v5 =	vmul.f32 v5, v2  }
0x5de: {  	v52 =	vld [tilespmem:s18+$0xFFFFFED0];
	v6 =	vmul.f32 v6, v2;
	[tilespmem:s18+$0x1F0] =	vst v3  }
0x5df: {  	v53 =	vld [tilespmem:s18+$0xFFFFFF30];
	v7 =	vmul.f32 v7, v2;
	[tilespmem:s18+$0xFFFFFE10] =	vst v5  }
0x5e0: {  	v54 =	vld [tilespmem:s18+$0xFFFFFF40];
	v15 =	vmul.f32 v15, v4;
	[tilespmem:s18+$0xFFFFFE20] =	vst v6  }
0x5e1: {  	v55 =	vld [tilespmem:s18+$0xFFFFFF70];
	v16 =	vmul.f32 v16, v4;
	[tilespmem:s18+$0xFFFFFE30] =	vst v7  }
0x5e2: {  	v56 =	vld [tilespmem:s18+$0xFFFFFF80];
	v3 =	vmul.f32 v4, v12;
	[tilespmem:s18+$0xFFFFFEB0] =	vst v15  }
0x5e3: {  	v57 =	vld [tilespmem:s18+$0xFFFFFFC0];
	v6 =	vmul.f32 v8, v2;
	[tilespmem:s18+$0xFFFFFEC0] =	vst v16  }
0x5e4: {  	v5 =	vld [tilespmem:s18+$0xFFFFFEE0];
	v7 =	vmul.f32 v9, v2;
	[tilespmem:s18+$0xFFFFFE80] =	vst v3  }
0x5e5: {  	v8 =	vld [tilespmem:s18+$0xFFFFFEF0];
	v12 =	vmul.f32 v52, v4;
	[tilespmem:s18+$0xFFFFFE40] =	vst v6  }
0x5e6: {  	v9 =	vld [tilespmem:s18+$0xFFFFFF00];
	v6 =	vmul.f32 v10, v2;
	[tilespmem:s18+$0xFFFFFE50] =	vst v7  }
0x5e7: {  	v3 =	vld.msk [tilespmem:s23+$0xFFFFFFFE ss:$0x0], $0xffff;
	v7 =	vmul.f32 v11, v2;
	[tilespmem:s18+$0xFFFFFED0] =	vst v12  }
0x5e8: {  	v10 =	vld [tilespmem:s18+$0xFFFFFF10];
	[tilespmem:s18+$0xFFFFFE60] =	vst v6;
	v6 =	vmul.f32 v13, v4  }
0x5e9: {  	v11 =	vld [tilespmem:s18+$0xFFFFFF20];
	[tilespmem:s18+$0xFFFFFE70] =	vst v7;
	v7 =	vmul.f32 v14, v4  }
0x5ea: {  	v58 =	vld [tilespmem:s18+$0xFFFFFFD0];
	v5 =	vmul.f32 v5, v4;
	[tilespmem:s18+$0xFFFFFE90] =	vst v6  }
0x5eb: {  	v59 =	vld [tilespmem:s18+$0xFFFFFFF0];
	v4 =	vmul.f32 v8, v4;
	[tilespmem:s18+$0xFFFFFEA0] =	vst v7  }
0x5ec: {  	v7 =	vld [tilespmem:s18+$0xFFFFFF60];
	v6 =	vmul.f32 v3, v9;
	[tilespmem:s18+$0xFFFFFEE0] =	vst v5  }
0x5ed: {  	v9 =	vld [tilespmem:s18+$0xFFFFFF50];
	v5 =	vmul.f32 v10, v3;
	[tilespmem:s18+$0xFFFFFEF0] =	vst v4  }
0x5ee: {  	v60 =	vld [tilespmem:s18+$0x40];
	v4 =	vmul.f32 v11, v3;
	[tilespmem:s18+$0xFFFFFF00] =	vst v6  }
0x5ef: {  	v14 =	vmul.f32 v54, v3;
	v6 =	vld.msk [tilespmem:s23+$0xFFFFFFFF ss:$0x0], $0xffff;
	[tilespmem:s18+$0xFFFFFF10] =	vst v5  }
0x5f0: {  	v8 =	vld [tilespmem:s18+$0xFFFFFF90];
	v5 =	vmul.f32 v53, v3;
	[tilespmem:s18+$0xFFFFFF20] =	vst v4  }
0x5f1: {  	v10 =	vld [tilespmem:s18+$0xFFFFFFA0];
	[tilespmem:s18+$0xFFFFFF40] =	vst v14;
	v7 =	vmul.f32 v7, v3  }
0x5f2: {  	v61 =	vld.msk [tilespmem:s23+$0x1 ss:$0x0], $0xffff;
	[tilespmem:s18+$0xFFFFFF30] =	vst v5;
	v9 =	vmul.f32 v9, v3  }
0x5f3: {  	v11 =	vld [tilespmem:s18+$0xFFFFFFB0];
	v3 =	vmul.f32 v55, v3;
	[tilespmem:s18+$0xFFFFFF60] =	vst v7  }
0x5f4: {  	v62 =	vld [tilespmem:s18+$0xB0];
	v4 =	vmul.f32 v6, v56;
	[tilespmem:s18+$0xFFFFFF50] =	vst v9  }
0x5f5: {  	v5 =	vld [tilespmem:s18+$0xFFFFFFE0];
	v7 =	vmul.f32 v8, v6;
	[tilespmem:s18+$0xFFFFFF70] =	vst v3  }
0x5f6: {  	v9 =	vld [tilespmem:s18+$0x0];
	v3 =	vmul.f32 v10, v6;
	[tilespmem:s18+$0xFFFFFF80] =	vst v4  }
0x5f7: {  	v13 =	vmul.f32 v58, v6;
	v4 =	vld.msk [tilespmem:s23+$0x0 ss:$0x0], $0xffff;
	[tilespmem:s18+$0xFFFFFF90] =	vst v7  }
0x5f8: {  	v8 =	vld [tilespmem:s18+$0x10];
	v7 =	vmul.f32 v11, v6;
	[tilespmem:s18+$0xFFFFFFA0] =	vst v3  }
0x5f9: {  	v10 =	vld [tilespmem:s18+$0x20];
	v3 =	vmul.f32 v57, v6;
	[tilespmem:s18+$0xFFFFFFD0] =	vst v13  }
0x5fa: {  	v11 =	vld [tilespmem:s18+$0x30];
	v5 =	vmul.f32 v5, v6;
	[tilespmem:s18+$0xFFFFFFB0] =	vst v7  }
0x5fb: {  	v6 =	vmul.f32 v59, v6;
	[tilespmem:s18+$0xFFFFFFC0] =	vst v3;
	v3 =	vld [tilespmem:s18+$0x60]  }
0x5fc: {  	[tilespmem:s18+$0xFFFFFFE0] =	vst v5;
	v7 =	vmul.f32 v4, v9;
	v9 =	vld [tilespmem:s18+$0x50]  }
0x5fd: {  	[tilespmem:s18+$0xFFFFFFF0] =	vst v6;
	v5 =	vmul.f32 v8, v4;
	v8 =	vld [tilespmem:s18+$0x80]  }
0x5fe: {  	v63 =	vld.msk [tilespmem:s23+$0x2 ss:$0x0], $0xffff;
	v6 =	vmul.f32 v10, v4;
	[tilespmem:s18+$0x0] =	vst v7  }
0x5ff: {  	v10 =	vld [tilespmem:s18+$0x90];
	[tilespmem:s18+$0x10] =	vst v5;
	v5 =	vmul.f32 v11, v4  }
0x600: {  	v7 =	vld [tilespmem:s18+$0x70];
	[tilespmem:s18+$0x20] =	vst v6;
	v6 =	vmul.f32 v60, v4  }
0x601: {  	v11 =	vld [tilespmem:s18+$0xA0];
	v3 =	vmul.f32 v3, v4;
	[tilespmem:s18+$0x30] =	vst v5  }
0x602: {  	[tilespmem:s18+$0x40] =	vst v6;
	v5 =	vmul.f32 v9, v4;
	v9 =	vld [tilespmem:s18+$0xC0];
	v6 =	vmul.f32 v61, v8  }
0x603: {  	[tilespmem:s18+$0x60] =	vst v3;
	v8 =	vld [tilespmem:s18+$0xD0]  }
0x604: {  	v3 =	vmul.f32 v10, v61;
	[tilespmem:s18+$0x80] =	vst v6;
	v6 =	vld [tilespmem:s18+$0xF0]  }
0x605: {  	[tilespmem:s18+$0x50] =	vst v5;
	v4 =	vmul.f32 v7, v4;
	v7 =	vld [tilespmem:s18+$0x100]  }
0x606: {  	v5 =	vld [tilespmem:s18+$0xE0];
	[tilespmem:s18+$0x90] =	vst v3;
	v3 =	vmul.f32 v62, v61  }
0x607: {  	v10 =	vld [tilespmem:s18+$0x110];
	[tilespmem:s18+$0x70] =	vst v4;
	v4 =	vmul.f32 v11, v61  }
0x608: {  	[tilespmem:s18+$0xB0] =	vst v3;
	v3 =	vmul.f32 v8, v61;
	v8 =	vld [tilespmem:s18+$0x130]  }
0x609: {  	[tilespmem:s18+$0xA0] =	vst v4;
	v4 =	vmul.f32 v9, v61;
	v9 =	vld [tilespmem:s18+$0x120]  }
0x60a: {  	[tilespmem:s18+$0xD0] =	vst v3;
	v3 =	vmul.f32 v63, v7;
	v7 =	vld [tilespmem:s18+$0x150];
	v6 =	vmul.f32 v6, v61  }
0x60b: {  	[tilespmem:s18+$0xC0] =	vst v4;
	v4 =	vmul.f32 v5, v61;
	v5 =	vld [tilespmem:s18+$0x140]  }
0x60c: {  	[tilespmem:s18+$0xF0] =	vst v6;
	v6 =	vld [tilespmem:s18+$0x170]  }
0x60d: {  	v10 =	vmul.f32 v10, v63;
	[tilespmem:s18+$0xE0] =	vst v4;
	v4 =	vld [tilespmem:s18+$0x160]  }
0x60e: {  	[tilespmem:s18+$0x100] =	vst v3;
	v3 =	vmul.f32 v9, v63  }
0x60f: {  	[tilespmem:s18+$0x110] =	vst v10;
	v8 =	vmul.f32 v8, v63;
	v9 =	vld [tilespmem:s18+$0x180]  }
0x610: {  	v10 =	vld [tilespmem:s18+$0x190];
	[tilespmem:s18+$0x120] =	vst v3;
	v3 =	vmul.f32 v5, v63  }
0x611: {  	v11 =	vld [tilespmem:s18+$0x1A0];
	[tilespmem:s18+$0x130] =	vst v8;
	v5 =	vmul.f32 v7, v63  }
0x612: {  	v6 =	vmul.f32 v6, v63;
	[tilespmem:s18+$0x140] =	vst v3;
	v7 =	vmul.f32 v4, v63;
	v4 =	vld [tilespmem:s18+$0x1B0]  }
0x613: {  	[tilespmem:s18+$0x150] =	vst v5;
	v3 =	vld [tilespmem:s18+$0x1C0]  }
0x614: {  	v5 =	vld [tilespmem:s18+$0x1D0];
	v9 =	vmul.f32 v1, v9;
	[tilespmem:s18+$0x170] =	vst v6  }
0x615: {  	v8 =	vmul.f32 v10, v1;
	v6 =	vld [tilespmem:s18+$0x1E0];
	[tilespmem:s18+$0x160] =	vst v7  }
0x616: {  	s22 =	simm.s32 $0x8600;
	s19 =	simm.s32 $0x0;
	s20 =	simm.s32 $0x538C;
	v7 =	vld [tilespmem:s18+$0xFFFFFE00];
	[tilespmem:s18+$0x180] =	vst v9;
	v9 =	vmul.f32 v11, v1  }
.LBB2_15:
0x617: {  	v10 =	vld.msk [tilespmem:s20+$0x3 ss:$0x0], $0xffff;
	s19 =	sadd.s32 $0x8, s19;
	[tilespmem:s18+$0x190] =	vst v8;
	v4 =	vmul.f32 v4, v1;
	s22 =	sadd.s32 $0x400, s22  }
0x618: {  	v8 =	vld [tilespmem:s22+$0x1F0];
	p0 =	slt.u32 s19, $0x58;
	[tilespmem:s18+$0x1A0] =	vst v9;
	v3 =	vmul.f32 v3, v1  }
0x619: {  	v9 =	vld.msk [tilespmem:s20+$0xFFFFFFFC ss:$0x0], $0xffff;
	[tilespmem:s18+$0x1B0] =	vst v4;
	v4 =	vmul.f32 v5, v1  }
0x61a: {  	v11 =	vld.msk [tilespmem:s20+$0xFFFFFFFD ss:$0x0], $0xffff;
	[tilespmem:s18+$0x1C0] =	vst v3;
	v3 =	vmul.f32 v6, v1  }
0x61b: {  	v12 =	vld.msk [tilespmem:s20+$0xFFFFFFFE ss:$0x0], $0xffff;
	v2 =	vmul.f32 v2, v7;
	[tilespmem:s18+$0x1D0] =	vst v4  }
0x61c: {  	v6 =	vld.msk [tilespmem:s20+$0xFFFFFFFF ss:$0x0], $0xffff;
	[tilespmem:s18+$0x1E0] =	vst v3  }
0x61d: {  	v1 =	vmov v10;
	v5 =	vld.msk [tilespmem:s20+$0x0 ss:$0x0], $0xffff;
	v7 =	vmul.f32 v8, v10;
	[tilespmem:s18+$0xFFFFFE00] =	vst v2;
	s18 =	smov.u32 s22  }
0x61e: {  	v4 =	vld.msk [tilespmem:s20+$0x1 ss:$0x0], $0xffff  }
0x61f: {  	v3 =	vld.msk [tilespmem:s20+$0x2 ss:$0x0], $0xffff;
	[tilespmem:s22+$0x1F0] =	vst v7;
	v2 =	vmov v9  }
0x620: {  	v7 =	vld [tilespmem:s22+$0xFFFFFE10]  }
0x621: {  	v8 =	vld [tilespmem:s22+$0xFFFFFE20]  }
0x622: {  	v9 =	vld [tilespmem:s22+$0xFFFFFE30]  }
0x623: {  	v10 =	vld [tilespmem:s22+$0xFFFFFE40]  }
0x624: {  	v13 =	vld [tilespmem:s22+$0xFFFFFE50]  }
0x625: {  	v7 =	vmul.f32 v7, v2;
	v14 =	vld [tilespmem:s22+$0xFFFFFE60]  }
0x626: {  	v8 =	vmul.f32 v8, v2;
	v15 =	vld [tilespmem:s22+$0xFFFFFE70]  }
0x627: {  	[tilespmem:s22+$0xFFFFFE10] =	vst v7;
	v7 =	vmul.f32 v9, v2;
	v9 =	vld [tilespmem:s22+$0xFFFFFE80]  }
0x628: {  	[tilespmem:s22+$0xFFFFFE20] =	vst v8;
	v8 =	vmul.f32 v10, v2;
	v10 =	vld [tilespmem:s22+$0xFFFFFE90]  }
0x629: {  	[tilespmem:s22+$0xFFFFFE30] =	vst v7;
	v7 =	vmul.f32 v13, v2;
	v13 =	vld [tilespmem:s22+$0xFFFFFEA0]  }
0x62a: {  	[tilespmem:s22+$0xFFFFFE40] =	vst v8;
	v8 =	vmul.f32 v14, v2;
	v14 =	vld [tilespmem:s22+$0xFFFFFEB0]  }
0x62b: {  	[tilespmem:s22+$0xFFFFFE50] =	vst v7;
	v7 =	vmul.f32 v15, v2;
	v15 =	vld [tilespmem:s22+$0xFFFFFEC0]  }
0x62c: {  	[tilespmem:s22+$0xFFFFFE60] =	vst v8;
	v8 =	vmul.f32 v11, v9;
	v9 =	vld [tilespmem:s22+$0xFFFFFED0]  }
0x62d: {  	[tilespmem:s22+$0xFFFFFE70] =	vst v7;
	v7 =	vmul.f32 v10, v11;
	v10 =	vld [tilespmem:s22+$0xFFFFFEE0]  }
0x62e: {  	[tilespmem:s22+$0xFFFFFE80] =	vst v8;
	v8 =	vmul.f32 v13, v11;
	v13 =	vld [tilespmem:s22+$0xFFFFFEF0]  }
0x62f: {  	[tilespmem:s22+$0xFFFFFE90] =	vst v7;
	v7 =	vmul.f32 v14, v11;
	v14 =	vld [tilespmem:s22+$0xFFFFFF00]  }
0x630: {  	[tilespmem:s22+$0xFFFFFEA0] =	vst v8;
	v8 =	vmul.f32 v15, v11;
	v15 =	vld [tilespmem:s22+$0xFFFFFF10]  }
0x631: {  	[tilespmem:s22+$0xFFFFFEB0] =	vst v7;
	v7 =	vmul.f32 v9, v11;
	v9 =	vld [tilespmem:s22+$0xFFFFFF20]  }
0x632: {  	[tilespmem:s22+$0xFFFFFEC0] =	vst v8;
	v8 =	vmul.f32 v10, v11;
	v10 =	vld [tilespmem:s22+$0xFFFFFF30]  }
0x633: {  	[tilespmem:s22+$0xFFFFFED0] =	vst v7;
	v7 =	vmul.f32 v13, v11;
	v11 =	vld [tilespmem:s22+$0xFFFFFF40]  }
0x634: {  	[tilespmem:s22+$0xFFFFFEE0] =	vst v8;
	v8 =	vmul.f32 v12, v14;
	v13 =	vld [tilespmem:s22+$0xFFFFFF50]  }
0x635: {  	[tilespmem:s22+$0xFFFFFEF0] =	vst v7;
	v7 =	vmul.f32 v15, v12;
	v14 =	vld [tilespmem:s22+$0xFFFFFF60]  }
0x636: {  	[tilespmem:s22+$0xFFFFFF00] =	vst v8;
	v8 =	vmul.f32 v9, v12;
	v9 =	vld [tilespmem:s22+$0xFFFFFF70]  }
0x637: {  	[tilespmem:s22+$0xFFFFFF10] =	vst v7;
	v7 =	vmul.f32 v10, v12;
	v10 =	vld [tilespmem:s22+$0xFFFFFF80]  }
0x638: {  	[tilespmem:s22+$0xFFFFFF20] =	vst v8;
	v8 =	vmul.f32 v11, v12;
	v11 =	vld [tilespmem:s22+$0xFFFFFF90]  }
0x639: {  	[tilespmem:s22+$0xFFFFFF30] =	vst v7;
	v7 =	vmul.f32 v13, v12;
	v13 =	vld [tilespmem:s22+$0xFFFFFFA0]  }
0x63a: {  	[tilespmem:s22+$0xFFFFFF40] =	vst v8;
	v8 =	vmul.f32 v14, v12;
	v14 =	vld [tilespmem:s22+$0xFFFFFFB0]  }
0x63b: {  	[tilespmem:s22+$0xFFFFFF50] =	vst v7;
	v7 =	vmul.f32 v9, v12;
	v9 =	vld [tilespmem:s22+$0xFFFFFFC0]  }
0x63c: {  	[tilespmem:s22+$0xFFFFFF60] =	vst v8;
	v8 =	vmul.f32 v6, v10;
	v10 =	vld [tilespmem:s22+$0xFFFFFFD0]  }
0x63d: {  	[tilespmem:s22+$0xFFFFFF70] =	vst v7;
	v7 =	vmul.f32 v11, v6;
	v11 =	vld [tilespmem:s22+$0xFFFFFFE0]  }
0x63e: {  	[tilespmem:s22+$0xFFFFFF80] =	vst v8;
	v8 =	vmul.f32 v13, v6;
	v12 =	vld [tilespmem:s22+$0xFFFFFFF0]  }
0x63f: {  	[tilespmem:s22+$0xFFFFFF90] =	vst v7;
	v7 =	vmul.f32 v14, v6;
	v13 =	vld [tilespmem:s22+$0x0]  }
0x640: {  	[tilespmem:s22+$0xFFFFFFA0] =	vst v8;
	v8 =	vmul.f32 v9, v6;
	v9 =	vld [tilespmem:s22+$0x10]  }
0x641: {  	[tilespmem:s22+$0xFFFFFFB0] =	vst v7;
	v7 =	vmul.f32 v10, v6;
	v10 =	vld [tilespmem:s22+$0x20]  }
0x642: {  	[tilespmem:s22+$0xFFFFFFC0] =	vst v8;
	v8 =	vmul.f32 v11, v6;
	v11 =	vld [tilespmem:s22+$0x30]  }
0x643: {  	[tilespmem:s22+$0xFFFFFFD0] =	vst v7;
	v6 =	vmul.f32 v12, v6;
	v7 =	vld [tilespmem:s22+$0x40]  }
0x644: {  	[tilespmem:s22+$0xFFFFFFE0] =	vst v8;
	v8 =	vmul.f32 v5, v13;
	v12 =	vld [tilespmem:s22+$0x50]  }
0x645: {  	[tilespmem:s22+$0xFFFFFFF0] =	vst v6;
	v6 =	vmul.f32 v9, v5;
	v9 =	vld [tilespmem:s22+$0x60]  }
0x646: {  	[tilespmem:s22+$0x0] =	vst v8;
	v8 =	vmul.f32 v10, v5;
	v10 =	vld [tilespmem:s22+$0x70]  }
0x647: {  	[tilespmem:s22+$0x10] =	vst v6;
	v6 =	vmul.f32 v11, v5;
	v11 =	vld [tilespmem:s22+$0x80]  }
0x648: {  	[tilespmem:s22+$0x20] =	vst v8;
	v7 =	vmul.f32 v7, v5;
	v8 =	vld [tilespmem:s22+$0x90]  }
0x649: {  	[tilespmem:s22+$0x30] =	vst v6;
	v6 =	vmul.f32 v12, v5;
	v12 =	vld [tilespmem:s22+$0xA0]  }
0x64a: {  	[tilespmem:s22+$0x40] =	vst v7;
	v7 =	vmul.f32 v9, v5;
	v9 =	vld [tilespmem:s22+$0xB0]  }
0x64b: {  	[tilespmem:s22+$0x50] =	vst v6;
	v5 =	vmul.f32 v10, v5;
	v6 =	vld [tilespmem:s22+$0xC0]  }
0x64c: {  	[tilespmem:s22+$0x60] =	vst v7;
	v7 =	vmul.f32 v4, v11;
	v10 =	vld [tilespmem:s22+$0xD0]  }
0x64d: {  	[tilespmem:s22+$0x70] =	vst v5;
	v5 =	vmul.f32 v8, v4;
	v8 =	vld [tilespmem:s22+$0xE0]  }
0x64e: {  	[tilespmem:s22+$0x80] =	vst v7;
	v7 =	vmul.f32 v12, v4;
	v11 =	vld [tilespmem:s22+$0xF0]  }
0x64f: {  	[tilespmem:s22+$0x90] =	vst v5;
	v5 =	vmul.f32 v9, v4;
	v9 =	vld [tilespmem:s22+$0x100]  }
0x650: {  	[tilespmem:s22+$0xA0] =	vst v7;
	v6 =	vmul.f32 v6, v4;
	v7 =	vld [tilespmem:s22+$0x110]  }
0x651: {  	[tilespmem:s22+$0xB0] =	vst v5;
	v5 =	vmul.f32 v10, v4;
	v10 =	vld [tilespmem:s22+$0x120]  }
0x652: {  	[tilespmem:s22+$0xC0] =	vst v6;
	v6 =	vmul.f32 v8, v4;
	v8 =	vld [tilespmem:s22+$0x130]  }
0x653: {  	[tilespmem:s22+$0xD0] =	vst v5;
	v4 =	vmul.f32 v11, v4;
	v5 =	vld [tilespmem:s22+$0x140]  }
0x654: {  	[tilespmem:s22+$0xE0] =	vst v6;
	v6 =	vmul.f32 v3, v9;
	v9 =	vld [tilespmem:s22+$0x150]  }
0x655: {  	[tilespmem:s22+$0xF0] =	vst v4;
	v4 =	vmul.f32 v7, v3;
	v7 =	vld [tilespmem:s22+$0x160]  }
0x656: {  	[tilespmem:s22+$0x100] =	vst v6;
	v6 =	vmul.f32 v10, v3;
	v10 =	vld [tilespmem:s22+$0x170]  }
0x657: {  	[tilespmem:s22+$0x110] =	vst v4;
	v4 =	vmul.f32 v8, v3;
	v8 =	vld [tilespmem:s22+$0x180]  }
0x658: {  	[tilespmem:s22+$0x120] =	vst v6;
	v5 =	vmul.f32 v5, v3;
	v6 =	vld [tilespmem:s22+$0x190]  }
0x659: {  	[tilespmem:s22+$0x130] =	vst v4;
	v9 =	vmul.f32 v9, v3;
	v11 =	vld [tilespmem:s22+$0x1A0]  }
.Ltmp6:
0x65a: {  	[tilespmem:s22+$0x140] =	vst v5;
	v5 =	vmul.f32 v7, v3;
	v4 =	vld [tilespmem:s22+$0x1B0];
	(pc) =	sbr.rel @p0 .LBB2_15-.Ltmp6, $4  }
0x65b: {  	[tilespmem:s22+$0x150] =	vst v9;
	v7 =	vmul.f32 v10, v3;
	v3 =	vld [tilespmem:s22+$0x1C0]  }
0x65c: {  	[tilespmem:s22+$0x160] =	vst v5;
	v9 =	vmul.f32 v1, v8;
	v5 =	vld [tilespmem:s22+$0x1D0]  }
0x65d: {  	[tilespmem:s22+$0x170] =	vst v7;
	v8 =	vmul.f32 v6, v1;
	v6 =	vld [tilespmem:s22+$0x1E0]  }
0x65e: {  	s20 =	sadd.s32 $0x8, s20;
	v7 =	vld [tilespmem:s22+$0xFFFFFE00];
	[tilespmem:s22+$0x180] =	vst v9;
	v9 =	vmul.f32 v11, v1  }
0x65f: {  	[tilespmem:s18+$0x190] =	vst v8;
	v4 =	vmul.f32 v4, v1  }
0x660: {  	[tilespmem:s18+$0x1A0] =	vst v9;
	v3 =	vmul.f32 v3, v1  }
0x661: {  	[tilespmem:s18+$0x1B0] =	vst v4;
	v63 =	vmul.f32 v5, v1  }
0x662: {  	s17 =	sadd.s32 $0x1, s17;
	[tilespmem:s18+$0x1C0] =	vst v3;
	v1 =	vmul.f32 v6, v1  }
0x663: {  	p0 =	sne.s32 s17, $0x12;
	v2 =	vmul.f32 v2, v7;
	[tilespmem:s18+$0x1D0] =	vst v63  }
.Ltmp7:
0x664: {  	[tilespmem:s18+$0x1E0] =	vst v1;
	(pc) =	sbr.rel @p0 .LBB2_4-.Ltmp7, $4  }
0x665: {  	[tilespmem:s18+$0xFFFFFE00] =	vst v2  }
0x666: {  	[spmem:s2] =	stream.indirect.scatter.add.f32 [tilespmem:s26], [sflag:$0x4], $0x80, s24, s16, $0xb8;
	[tilespmem:$0x1F980] =	vst v63  }
0x667: {  	_ = 	snop  }
0x668: {  	[spmem:s3] =	stream.indirect.scatter.add.f32 [tilespmem:s10], [sflag:$0x4], $0x1, s24, s16, $0xb8;
	[tilespmem:$0x1F980] =	vst v63  }
0x669: {  	_ =	swait.ge [sflag:s0], $0x3000  }
0x66a: {  	[sflag:s0] =	ssyncset.done $0x0  }
0x66b: {  	[sflag:s0] =	ssyncadd.s32 $0xFFFFD000  }
0x66c: {  	_ =	swait.ge [sflag:s0], $0x60  }
0x66d: {  	[sflag:s0] =	ssyncset.done $0x0  }
0x66e: {  	[sflag:s0] =	ssyncadd.s32 $0xFFFFFFA0  }
0x66f: {  	s17 =	stileid.u32;
	[bflag:$0x0] =	sbarrier.arrive $0xFFFF  }
0x670: {  	s23 =	simm.s32 $0x8;
	s17 =	sshll.u32 s17, $0x6;
	s19 =	rddreg [dreg:$0x7]  }
0x671: {  	s17 =	sor.u32 $0x1C08, s17;
	s20 =	rddreg [dreg:$0x15];
	s18 =	sshrl.u32 s19, $0x3  }
0x672: {  	[hbm:s20], [sflag:s17] =	dma.local [spmem:s18], $0x2800  }
0x673: {  	_ =	swait.ge [sflag:s23], $0x2800  }
0x674: {  	[sflag:s23] =	ssyncset.done $0x0;
	s20 =	rddreg [dreg:$0x9]  }
0x675: {  	s22 =	rddreg [dreg:$0x12];
	[sflag:s23] =	ssyncadd.s32 $0xFFFFD800;
	s18 =	sshrl.u32 s20, $0x3  }
0x676: {  	[hbm:s22], [sflag:s17] =	dma.local [spmem:s18], $0x50  }
0x677: {  	_ =	swait.ge [sflag:s23], $0x50  }
0x678: {  	s17 =	rddreg [dreg:$0x1c]  }
0x679: {  	s22 =	rddreg [dreg:$0x16];
	s18 =	sadd.s32 $0x1, s17  }
0x67a: {  	p0 =	sne.s32 s18, s22  }
.Ltmp8:
0x67b: {  	_ = 	snop;
	(pc) =	sbr.rel @p0 .LBB2_1-.Ltmp8, $3  }
0x67c: {  	_ =	sdelay $0x1  }
0x67d: {  	[sflag:s23] =	ssyncset.done $0x0  }
0x67e: {  	[sflag:s23] =	ssyncadd.s32 $0xFFFFFFB0  }
0x67f: {  	_ =	sfence.sel $0x180000  }
0x680: {  	[bflag:$0x0] =	sbarrier.arrive $0xFFFF  }
0x681: {  	_ =	strace $0x90000047  }
0x682: {  	s0 =	stileid.u32;
	[bflag:$0x2] =	sbarrier.arrive $0xFFFF  }
0x683: {  	p0 =	sne.s32 s0, $0x0;
	s0 =	rddreg [dreg:$0x4]  }
0x684: {  	s0 =	sadd.s32 @!p0 $0x100000, s0  }
0x685: {  	[sflag:s0] =	ssyncadd.tile.s32 @!p0 $0x1;
	_ =	shalt  }
.Lfunc_end2:
_tile_overlayer_lowered:
.L_overlay_start_2:
0x686: {  	(tag) =	ssettag $0x2  }
0x687: {  	s0 =	rddreg [dreg:$0x0];
	s2 =	stileid.u32  }
0x688: {  	s1 =	rddreg [dreg:$0x1];
	p0 =	sne.s32 s2, $0x0  }
0x689: {  	s3 =	rddreg [dreg:$0x2];
	[bflag:$0x3] =	sbarrier.arrive $0xFFFF;
	s2 =	simm.s32 @!p0 $0x1C08  }
0x68a: {  	[timem:s3], [sflag:s2] =	dma.local @!p0 [hbm:s0], s1  }
0x68b: {  	s0 =	simm.s32 @!p0 $0x8  }
0x68c: {  	_ =	swait.ge @!p0 [sflag:s0], s1  }
0x68d: {  	s1 =	ssub.s32 @!p0 $0x0, s1;
	[sflag:s0] =	ssyncset.done @!p0 $0x0  }
0x68e: {  	[sflag:s0] =	ssyncadd.s32 @!p0 s1  }
0x68f: {  	[bflag:$0x3] =	sbarrier.arrive $0xFFFF  }
0x690: {  	_ =	shalt  }

</sc_bundles>
